<compile_context>
chip_gen: v7x
topology: tpu7x:2x2x1
jax: 0.10.2.dev20260603
libtpu: 0.0.44.dev20260713+nightly
codegen_flags: <defaults>
</compile_context>

<pallas_src>
import jax
import jax.numpy as jnp
import numpy as np
from jax import lax
from jax.experimental import pallas as pl
from jax.experimental.pallas import tpu as pltpu
from jax.experimental.pallas import tpu_sc as plsc

STRIDE = 4
NUM_CLASSES = 80
OUT_H = 128
OUT_W = 128
B = 8
N_BOXES = 32
R_MAX = 15

_DENOMS = [np.float32(2.0 * (r / 3 + 1 / 6) ** 2) for r in range(R_MAX + 1)]
_EPS = np.float32(np.finfo(np.float32).eps)
_NUMEL = float(B * NUM_CLASSES * OUT_H * OUT_W)

N_WORKERS = 32
BOX_PER_W = (B * N_BOXES) // N_WORKERS

_I_SLOT, _I_RS, _I_CX, _I_CY, _I_RX, _I_RY, _I_LAB = range(7)
_F_DENX, _F_DENY = range(2)


def _prep_body(boxes_ref, labels_ref, ints_ref, flts_ref, idxs_ref, mavs_ref):
    x = boxes_ref[:, :, 0]
    y = boxes_ref[:, :, 1]
    w = boxes_ref[:, :, 2]
    h = boxes_ref[:, :, 3]
    xs, ys, ws, hs = x / STRIDE, y / STRIDE, w / STRIDE, h / STRIDE
    cxf = jnp.round(xs + ws / 2)
    cyf = jnp.round(ys + hs / 2)
    cx = cxf.astype(jnp.int32)
    cy = cyf.astype(jnp.int32)
    rx = jnp.minimum(jnp.maximum(0, jnp.round(ws / 4).astype(jnp.int32)), R_MAX)
    ry = jnp.minimum(jnp.maximum(0, jnp.round(hs / 4).astype(jnp.int32)), R_MAX)
    denx = jnp.full(rx.shape, _DENOMS[0], jnp.float32)
    deny = jnp.full(ry.shape, _DENOMS[0], jnp.float32)
    for r in range(1, R_MAX + 1):
        denx = jnp.where(rx == r, _DENOMS[r], denx)
        deny = jnp.where(ry == r, _DENOMS[r], deny)
    lab = labels_ref[...]
    eq = lab[:, :, None] == lab[:, None, :]
    jidx = lax.broadcasted_iota(jnp.int32, (B, N_BOXES, N_BOXES), 2)
    slot = jnp.min(jnp.where(eq, jidx, N_BOXES), axis=-1)
    rs = jnp.clip(8 * ((cy - R_MAX) // 8), 0, OUT_H - 40)

    ints_ref[_I_SLOT] = slot
    ints_ref[_I_RS] = rs
    ints_ref[_I_CX] = cx
    ints_ref[_I_CY] = cy
    ints_ref[_I_RX] = rx
    ints_ref[_I_RY] = ry
    ints_ref[_I_LAB] = lab
    flts_ref[_F_DENX] = denx
    flts_ref[_F_DENY] = deny

    j16 = lax.broadcasted_iota(jnp.int32, (16,), 0)
    dxj = jnp.minimum(j16 // 3, 4) - 1
    dyj = j16 % 3 - 1
    ncx = cx[:, :, None] + dxj
    ncy = cy[:, :, None] + dyj
    inb = (
        (ncx >= 0) & (ncx < OUT_W) & (ncy >= 0) & (ncy < OUT_H) & (j16 < 9)
    )
    rowyc = jnp.clip(ncy, 0, OUT_H - 1)
    colxc = jnp.clip(ncx, 0, OUT_W - 1)
    bcst = lax.broadcasted_iota(jnp.int32, (B, N_BOXES, 4, 16), 0)
    ccst = lax.broadcasted_iota(jnp.int32, (B, N_BOXES, 4, 16), 2)
    idxs_ref[...] = ((bcst * 4 + ccst) * OUT_H + rowyc[:, :, None, :]) * OUT_W + (
        colxc[:, :, None, :]
    )
    ncxf = ncx.astype(jnp.float32) * STRIDE
    ncyf = ncy.astype(jnp.float32) * STRIDE
    mavs_ref[...] = jnp.stack(
        [
            ncxf - x[:, :, None],
            ncyf - y[:, :, None],
            ncxf - (x + w)[:, :, None],
            ncyf - (y + h)[:, :, None],
            inb.astype(jnp.float32),
        ],
        axis=-2,
    )


def _sc_body(b2flat, idxs, mavs, out_hbm, idx_v, gath_v, ma_v, out_v, sem):
    w = lax.axis_index("s") * 2 + lax.axis_index("c")
    pltpu.sync_copy(idxs.at[w], idx_v)
    cps = [
        pltpu.async_copy(b2flat.at[idx_v.at[r]], gath_v.at[r], sem)
        for r in range(4)
    ]
    pltpu.sync_copy(mavs.at[w], ma_v)
    for cp in cps:
        cp.wait()
    four = jnp.full((16,), 4.0, jnp.float32)

    def _box_step(k, carry):
        acc, cnt = carry
        mf = ma_v[k, 4]
        d = jnp.zeros((16,), jnp.float32)
        for c in range(4):
            off = gath_v[k // 2, pl.ds((k % 2) * 64 + c * 16, 16)]
            if c < 2:
                d = d + jnp.abs(ma_v[k, c] - four * off)
            else:
                d = d + jnp.abs(ma_v[k, c] + four * off)
        return acc + d * mf, cnt + mf

    acc, cnt = lax.fori_loop(
        0,
        BOX_PER_W,
        _box_step,
        (jnp.zeros((16,), jnp.float32), jnp.zeros((16,), jnp.float32)),
    )
    out_v[0] = acc
    out_v[1] = cnt
    pltpu.sync_copy(out_v, out_hbm.at[w])


def _tc_body(ints_ref, flts_ref, hm_ref, scv_ref, out_ref, t_ref):
    b = pl.program_id(0)

    def _ssq_step(c, acc):
        xc = hm_ref[0, pl.ds(c * 8, 8)]
        return acc + jnp.sum(xc * xc, axis=0)

    ssq_vec = lax.fori_loop(
        0, NUM_CLASSES // 8, _ssq_step, jnp.zeros((OUT_H, OUT_W), jnp.float32)
    )
    sumsq = jnp.sum(ssq_vec)

    def _zero_step(j, _):
        t_ref[j] = jnp.zeros((OUT_H, OUT_W), jnp.float32)
        return 0

    lax.fori_loop(0, N_BOXES, _zero_step, 0)

    row_iota = lax.broadcasted_iota(jnp.int32, (40, OUT_W), 0)
    col_iota = lax.broadcasted_iota(jnp.int32, (40, OUT_W), 1)
    for i in range(N_BOXES):
        slot = ints_ref[_I_SLOT, b, i]
        rs = ints_ref[_I_RS, b, i]
        cx = ints_ref[_I_CX, b, i]
        cy = ints_ref[_I_CY, b, i]
        rx = ints_ref[_I_RX, b, i]
        ry = ints_ref[_I_RY, b, i]
        denx = flts_ref[_F_DENX, b, i]
        deny = flts_ref[_F_DENY, b, i]
        dy = (rs + row_iota) - cy
        dx = col_iota - cx
        e = dx.astype(jnp.float32) ** 2 / denx + dy.astype(jnp.float32) ** 2 / deny
        g = jnp.exp(-e)
        g = jnp.where(g < _EPS, jnp.float32(0.0), g)
        mask = (jnp.abs(dx) <= rx) & (jnp.abs(dy) <= ry)
        vals = jnp.where(mask, g, jnp.float32(0.0))
        cur = t_ref[slot, pl.ds(rs, 40), :]
        t_ref[slot, pl.ds(rs, 40), :] = jnp.maximum(cur, vals)

    def _corr_step(j, acc):
        lab = ints_ref[_I_LAB, b, j]
        tj = t_ref[j]
        hj = hm_ref[0, lab]
        return acc + tj * (tj - 2.0 * hj)

    corr_vec = lax.fori_loop(
        0, N_BOXES, _corr_step, jnp.zeros((OUT_H, OUT_W), jnp.float32)
    )
    corr = jnp.sum(corr_vec)

    lane = lax.broadcasted_iota(jnp.int32, (1, 2), 1)
    row = jnp.where(lane == 0, sumsq + corr, jnp.float32(0.0))

    @pl.when(b == 0)
    def _():
        out_ref[...] = row

    @pl.when(b > 0)
    def _():
        out_ref[...] = out_ref[...] + row

    @pl.when(b == B - 1)
    def _():
        tot = out_ref[...]
        hm_loss = jnp.sum(jnp.where(lane == 0, tot, 0.0)) / jnp.float32(_NUMEL)
        bl = jnp.float32(0.0)
        for b8 in range(B):
            dsum = jnp.sum(scv_ref[pl.ds(4 * b8, 4), 0])
            csum = jnp.sum(scv_ref[pl.ds(4 * b8, 4), 1])
            bl = bl + dsum / (csum * jnp.float32(4.0))
        box_loss = bl / jnp.float32(B)
        out_ref[...] = jnp.where(lane == 0, hm_loss, box_loss)


def kernel(heatmap, box_2d, boxes, labels):
    ints, flts, idxs4, mavs4 = pl.pallas_call(
        _prep_body,
        out_shape=[
            jax.ShapeDtypeStruct((7, B, N_BOXES), jnp.int32),
            jax.ShapeDtypeStruct((2, B, N_BOXES), jnp.float32),
            jax.ShapeDtypeStruct((B, N_BOXES, 4, 16), jnp.int32),
            jax.ShapeDtypeStruct((B, N_BOXES, 5, 16), jnp.float32),
        ],
    )(boxes, labels)

    idxs = idxs4.reshape(N_WORKERS, 4, 128)
    mavs = mavs4.reshape(N_WORKERS, BOX_PER_W, 5, 16)
    b2flat = box_2d.reshape(B * 4 * OUT_H * OUT_W)

    sc_out = pl.kernel(
        _sc_body,
        out_type=jax.ShapeDtypeStruct((N_WORKERS, 2, 16), jnp.float32),
        mesh=plsc.VectorSubcoreMesh(core_axis_name="c", subcore_axis_name="s"),
        scratch_types=[
            pltpu.VMEM((4, 128), jnp.int32),
            pltpu.VMEM((4, 128), jnp.float32),
            pltpu.VMEM((BOX_PER_W, 5, 16), jnp.float32),
            pltpu.VMEM((2, 16), jnp.float32),
            pltpu.SemaphoreType.DMA,
        ],
    )(b2flat, idxs, mavs)

    tc_out = pl.pallas_call(
        _tc_body,
        grid=(B,),
        in_specs=[
            pl.BlockSpec(memory_space=pltpu.SMEM),
            pl.BlockSpec(memory_space=pltpu.SMEM),
            pl.BlockSpec((1, NUM_CLASSES, OUT_H, OUT_W), lambda b: (b, 0, 0, 0)),
            pl.BlockSpec((N_WORKERS, 2, 16), lambda b: (0, 0, 0)),
        ],
        out_specs=pl.BlockSpec((1, 2), lambda b: (0, 0)),
        out_shape=jax.ShapeDtypeStruct((1, 2), jnp.float32),
        scratch_shapes=[pltpu.VMEM((N_BOXES, OUT_H, OUT_W), jnp.float32)],
        compiler_params=pltpu.CompilerParams(
            dimension_semantics=("arbitrary",),
        ),
    )(ints, flts, heatmap, sc_out)

    return tc_out[0]

# --- scband reference (transcript-rebuilt; emitter-appended) ---
"""Pipeline reference for scband-center-net-loss-58317065945825 (READ-ONLY COPY).

The authoritative reference and input builder live on the scoring server;
editing this copy changes nothing except your own understanding.
"""

import jax, jax.numpy as jnp
import numpy as np

STRIDE = 4
NUM_CLASSES = 80
OUT_H = 128
OUT_W = 128
B = 8
N_BOXES = 32

R_MAX = 15
_DENOM_TABLE = np.asarray(
    [np.float32(2.0 * (r / 3 + 1 / 6) ** 2) for r in range(R_MAX + 1)], np.float32
)


def radius_function(w, h):
    return (w / 2.0 * 0.5, h / 2.0 * 0.5)


def setup_inputs(seed: int = 0) -> dict:
    key = jax.random.key(seed)
    k1, k2, k3, k4, k5 = jax.random.split(key, 5)
    heatmap = jax.random.uniform(k1, (B, NUM_CLASSES, OUT_H, OUT_W), dtype=jnp.float32)
    box_2d = jax.random.normal(k2, (B, 4, OUT_H, OUT_W), dtype=jnp.float32)
    xy = jax.random.uniform(k3, (B, N_BOXES, 2), minval=8.0, maxval=380.0)
    wh = jax.random.uniform(k4, (B, N_BOXES, 2), minval=16.0, maxval=112.0)
    boxes = jnp.concatenate([xy, wh], axis=-1).astype(jnp.float32)
    labels = jax.random.randint(k5, (B, N_BOXES), 0, NUM_CLASSES).astype(jnp.int32)
    return {"heatmap": heatmap, "box_2d": box_2d, "boxes": boxes, "labels": labels}


def _build_targets(boxes, labels):
    x = boxes[..., 0]
    y = boxes[..., 1]
    w = boxes[..., 2]
    h = boxes[..., 3]
    xs, ys, ws, hs = x / STRIDE, y / STRIDE, w / STRIDE, h / STRIDE
    cx = jnp.round(xs + ws / 2).astype(jnp.int32)
    cy = jnp.round(ys + hs / 2).astype(jnp.int32)
    rxf, ryf = radius_function(ws, hs)
    rx = jnp.minimum(jnp.maximum(0, jnp.round(rxf).astype(jnp.int32)), R_MAX)
    ry = jnp.minimum(jnp.maximum(0, jnp.round(ryf).astype(jnp.int32)), R_MAX)
    table = jnp.asarray(_DENOM_TABLE)
    denx = table[rx]
    deny = table[ry]
    d = jnp.arange(-R_MAX, R_MAX + 1, dtype=jnp.int32)
    g2 = d.astype(jnp.float32) ** 2
    a = g2[None, None, None, :] / denx[..., None, None]
    b = g2[None, None, :, None] / deny[..., None, None]
    g = jnp.exp(-(a + b))
    eps = np.float32(np.finfo(np.float32).eps)
    g = jnp.where(g < eps, jnp.float32(0.0), g)
    within = (jnp.abs(d)[None, None, None, :] <= rx[..., None, None]) & (
        jnp.abs(d)[None, None, :, None] <= ry[..., None, None]
    )
    px = cx[..., None, None] + d[None, None, None, :]
    py = cy[..., None, None] + d[None, None, :, None]
    valid = within & (px >= 0) & (px < OUT_W) & (py >= 0) & (py < OUT_H)
    vals = jnp.where(valid, g, jnp.float32(0.0))
    pxc = jnp.clip(px, 0, OUT_W - 1)
    pyc = jnp.clip(py, 0, OUT_H - 1)
    bb = jnp.arange(B, dtype=jnp.int32)[:, None, None, None]
    ll = labels[..., None, None]
    target_hm = jnp.zeros((B, NUM_CLASSES, OUT_H, OUT_W), jnp.float32)
    target_hm = target_hm.at[bb, ll, pyc, pxc].max(vals)
    od = jnp.asarray(
        [[-1, -1], [-1, 0], [-1, 1], [0, -1], [0, 0], [0, 1], [1, -1], [1, 0], [1, 1]],
        jnp.int32,
    )
    ncx = cx[..., None] + od[:, 0]
    ncy = cy[..., None] + od[:, 1]
    nmask = (ncx >= 0) & (ncx <= OUT_W - 1) & (ncy >= 0) & (ncy <= OUT_H - 1)
    idx = jnp.clip(ncy * OUT_W + ncx, 0, OUT_H * OUT_W - 1)
    xyxy = jnp.stack([x, y, x + w, y + h], axis=-1)
    return target_hm, idx, nmask, xyxy


def reference(heatmap, box_2d, boxes, labels):
    target_hm, idx, nmask, xyxy = _build_targets(boxes, labels)
    box_loss = jnp.float32(0.0)
    for i in range(B):
        idx_i = idx[i].reshape(-1)
        m_i = nmask[i].reshape(-1)
        flat = box_2d[i].reshape(4, -1)
        off = jnp.take(flat, idx_i, axis=1)  # gather [4, K]
        cxf = (idx_i % OUT_W).astype(jnp.float32)
        cyf = (idx_i // OUT_W).astype(jnp.float32)
        pred = jnp.stack([cxf - off[0], cyf - off[1], cxf + off[2], cyf + off[3]], axis=1) * STRIDE
        tgt = jnp.repeat(xyxy[i], 9, axis=0)
        diff = jnp.where(m_i[:, None], jnp.abs(pred - tgt), jnp.float32(0.0))
        cnt = jnp.sum(m_i).astype(jnp.float32) * jnp.float32(4.0)
        box_loss = box_loss + jnp.sum(diff) / cnt
    box_loss = box_loss / B
    heatmap_loss = jnp.mean((heatmap - target_hm) ** 2)
    return jnp.stack([heatmap_loss, box_loss])

if __name__ == "__main__":
    import jax
    _d = setup_inputs()
    print(jax.jit(kernel)(*tuple(_d.values())))

</pallas_src>

<mosaic_0001>
#map = affine_map<(d0, d1) -> (0)>
#map1 = affine_map<(d0, d1) -> (0, 0, 0)>
#map2 = affine_map<(d0, d1) -> (0, 0, 0, 0)>
module attributes {stable_mosaic.version = 14 : i64} {
  func.func @_sc_body(%arg0: i32, %arg1: i32, %arg2: memref<524288xf32, #tpu.memory_space<hbm>>, %arg3: memref<32x4x128xi32, #tpu.memory_space<hbm>>, %arg4: memref<32x8x5x16xf32, #tpu.memory_space<hbm>>, %arg5: memref<32x2x16xf32, #tpu.memory_space<hbm>>, %arg6: memref<4x128xi32, #tpu.memory_space<vmem>>, %arg7: memref<4x128xf32, #tpu.memory_space<vmem>>, %arg8: memref<8x5x16xf32, #tpu.memory_space<vmem>>, %arg9: memref<2x16xf32, #tpu.memory_space<vmem>>, %arg10: memref<!tpu.dma_semaphore, #tpu.memory_space<semaphore_mem>>) attributes {dimension_semantics = [#tpu.dimension_semantics<core_parallel>, #tpu.dimension_semantics<subcore_parallel>], iteration_bounds = array<i64: 2, 16>, scalar_prefetch = 0 : i64, scratch_operands = 5 : i64, tpu.core_type = #tpu.core_type<sc_vector_subcore>, window_params = [{transform_indices = #map}, {transform_indices = #map1}, {transform_indices = #map2}, {transform_indices = #map1}]} {
    %mul3A = arith.constant 2 : i32
    %mul3A_0 = arith.muli %arg1, %mul3A : i32
    %add3A = arith.addi %mul3A_0, %arg0 : i32
    "tpu.region"() ({
      %run_scoped3A = tpu.sem_alloc : memref<!tpu.dma_semaphore, #tpu.memory_space<semaphore_mem>>
      %dma_start3A_100 = arith.constant 0 : i32
      %dma_start3A_101 = arith.constant 0 : i32
      %dma_start3A_102 = tpu.memref_slice %arg3[%add3A, %dma_start3A_100, %dma_start3A_101] : memref<32x4x128xi32, #tpu.memory_space<hbm>> -> memref<1x4x128xi32, #tpu.memory_space<hbm>>
      %dma_start3A_103 = tpu.memref_squeeze %dma_start3A_102 : memref<1x4x128xi32, #tpu.memory_space<hbm>> -> memref<4x128xi32, #tpu.memory_space<hbm>>
      %dma_start3A_104 = arith.constant 0 : i32
      %dma_start3A_105 = arith.constant 0 : i32
      %dma_start3A_106 = tpu.memref_slice %arg3[%add3A, %dma_start3A_104, %dma_start3A_105] : memref<32x4x128xi32, #tpu.memory_space<hbm>> -> memref<1x4x128xi32, #tpu.memory_space<hbm>>
      %dma_start3A_107 = tpu.memref_squeeze %dma_start3A_106 : memref<1x4x128xi32, #tpu.memory_space<hbm>> -> memref<4x128xi32, #tpu.memory_space<hbm>>
      tpu.enqueue_dma source(%dma_start3A_107 : memref<4x128xi32, #tpu.memory_space<hbm>>) target(%arg6 : memref<4x128xi32, #tpu.memory_space<vmem>>) target_semaphore(%run_scoped3A : memref<!tpu.dma_semaphore, #tpu.memory_space<semaphore_mem>>)
      %dma_wait3A_108 = arith.constant 0 : i32
      %dma_wait3A_109 = arith.constant 0 : i32
      %dma_wait3A_110 = tpu.memref_slice %arg3[%add3A, %dma_wait3A_108, %dma_wait3A_109] : memref<32x4x128xi32, #tpu.memory_space<hbm>> -> memref<1x4x128xi32, #tpu.memory_space<hbm>>
      %dma_wait3A_111 = tpu.memref_squeeze %dma_wait3A_110 : memref<1x4x128xi32, #tpu.memory_space<hbm>> -> memref<4x128xi32, #tpu.memory_space<hbm>>
      %dma_wait3A_112 = arith.constant 0 : i32
      %dma_wait3A_113 = arith.constant 0 : i32
      %dma_wait3A_114 = tpu.memref_slice %arg3[%add3A, %dma_wait3A_112, %dma_wait3A_113] : memref<32x4x128xi32, #tpu.memory_space<hbm>> -> memref<1x4x128xi32, #tpu.memory_space<hbm>>
      %dma_wait3A_115 = tpu.memref_squeeze %dma_wait3A_114 : memref<1x4x128xi32, #tpu.memory_space<hbm>> -> memref<4x128xi32, #tpu.memory_space<hbm>>
      tpu.wait_dma2 semaphore(%run_scoped3A : memref<!tpu.dma_semaphore, #tpu.memory_space<semaphore_mem>>) src(%dma_wait3A_115 : memref<4x128xi32, #tpu.memory_space<hbm>>) dst(%arg6 : memref<4x128xi32, #tpu.memory_space<vmem>>)
      tpu.yield
    }) : () -> ()
    %dma_start3A = arith.constant 0 : i32
    %dma_start3A_1 = arith.constant 0 : i32
    %dma_start3A_2 = arith.constant 0 : i32
    %dma_start3A_3 = tpu.memref_slice %arg7[%dma_start3A_1, %dma_start3A_2] : memref<4x128xf32, #tpu.memory_space<vmem>> -> memref<1x128xf32, #tpu.memory_space<vmem>>
    %dma_start3A_4 = tpu.memref_squeeze %dma_start3A_3 : memref<1x128xf32, #tpu.memory_space<vmem>> -> memref<128xf32, #tpu.memory_space<vmem>>
    %dma_start3A_5 = arith.constant 0 : i32
    %dma_start3A_6 = tpu.memref_slice %arg6[%dma_start3A, %dma_start3A_5] : memref<4x128xi32, #tpu.memory_space<vmem>> -> memref<1x128xi32, #tpu.memory_space<vmem>>
    %dma_start3A_7 = tpu.memref_squeeze %dma_start3A_6 : memref<1x128xi32, #tpu.memory_space<vmem>> -> memref<128xi32, #tpu.memory_space<vmem>>
    %dma_start3A_8 = arith.constant 0 : i32
    %dma_start3A_9 = tpu.memref_slice %arg2[%dma_start3A_8] : memref<524288xf32, #tpu.memory_space<hbm>> -> memref<524288xf32, #tpu.memory_space<hbm>>
    tpu.enqueue_indirect_dma source(%dma_start3A_9 : memref<524288xf32, #tpu.memory_space<hbm>>) target(%dma_start3A_4 : memref<128xf32, #tpu.memory_space<vmem>>) offsets(%dma_start3A_7 : memref<128xi32, #tpu.memory_space<vmem>>) semaphore(%arg10 : memref<!tpu.dma_semaphore, #tpu.memory_space<semaphore_mem>>)
    %dma_start3A_10 = arith.constant 1 : i32
    %dma_start3A_11 = arith.constant 1 : i32
    %dma_start3A_12 = arith.constant 0 : i32
    %dma_start3A_13 = tpu.memref_slice %arg7[%dma_start3A_11, %dma_start3A_12] : memref<4x128xf32, #tpu.memory_space<vmem>> -> memref<1x128xf32, #tpu.memory_space<vmem>>
    %dma_start3A_14 = tpu.memref_squeeze %dma_start3A_13 : memref<1x128xf32, #tpu.memory_space<vmem>> -> memref<128xf32, #tpu.memory_space<vmem>>
    %dma_start3A_15 = arith.constant 0 : i32
    %dma_start3A_16 = tpu.memref_slice %arg6[%dma_start3A_10, %dma_start3A_15] : memref<4x128xi32, #tpu.memory_space<vmem>> -> memref<1x128xi32, #tpu.memory_space<vmem>>
    %dma_start3A_17 = tpu.memref_squeeze %dma_start3A_16 : memref<1x128xi32, #tpu.memory_space<vmem>> -> memref<128xi32, #tpu.memory_space<vmem>>
    %dma_start3A_18 = arith.constant 0 : i32
    %dma_start3A_19 = tpu.memref_slice %arg2[%dma_start3A_18] : memref<524288xf32, #tpu.memory_space<hbm>> -> memref<524288xf32, #tpu.memory_space<hbm>>
    tpu.enqueue_indirect_dma source(%dma_start3A_19 : memref<524288xf32, #tpu.memory_space<hbm>>) target(%dma_start3A_14 : memref<128xf32, #tpu.memory_space<vmem>>) offsets(%dma_start3A_17 : memref<128xi32, #tpu.memory_space<vmem>>) semaphore(%arg10 : memref<!tpu.dma_semaphore, #tpu.memory_space<semaphore_mem>>)
    %dma_start3A_20 = arith.constant 2 : i32
    %dma_start3A_21 = arith.constant 2 : i32
    %dma_start3A_22 = arith.constant 0 : i32
    %dma_start3A_23 = tpu.memref_slice %arg7[%dma_start3A_21, %dma_start3A_22] : memref<4x128xf32, #tpu.memory_space<vmem>> -> memref<1x128xf32, #tpu.memory_space<vmem>>
    %dma_start3A_24 = tpu.memref_squeeze %dma_start3A_23 : memref<1x128xf32, #tpu.memory_space<vmem>> -> memref<128xf32, #tpu.memory_space<vmem>>
    %dma_start3A_25 = arith.constant 0 : i32
    %dma_start3A_26 = tpu.memref_slice %arg6[%dma_start3A_20, %dma_start3A_25] : memref<4x128xi32, #tpu.memory_space<vmem>> -> memref<1x128xi32, #tpu.memory_space<vmem>>
    %dma_start3A_27 = tpu.memref_squeeze %dma_start3A_26 : memref<1x128xi32, #tpu.memory_space<vmem>> -> memref<128xi32, #tpu.memory_space<vmem>>
    %dma_start3A_28 = arith.constant 0 : i32
    %dma_start3A_29 = tpu.memref_slice %arg2[%dma_start3A_28] : memref<524288xf32, #tpu.memory_space<hbm>> -> memref<524288xf32, #tpu.memory_space<hbm>>
    tpu.enqueue_indirect_dma source(%dma_start3A_29 : memref<524288xf32, #tpu.memory_space<hbm>>) target(%dma_start3A_24 : memref<128xf32, #tpu.memory_space<vmem>>) offsets(%dma_start3A_27 : memref<128xi32, #tpu.memory_space<vmem>>) semaphore(%arg10 : memref<!tpu.dma_semaphore, #tpu.memory_space<semaphore_mem>>)
    %dma_start3A_30 = arith.constant 3 : i32
    %dma_start3A_31 = arith.constant 3 : i32
    %dma_start3A_32 = arith.constant 0 : i32
    %dma_start3A_33 = tpu.memref_slice %arg7[%dma_start3A_31, %dma_start3A_32] : memref<4x128xf32, #tpu.memory_space<vmem>> -> memref<1x128xf32, #tpu.memory_space<vmem>>
    %dma_start3A_34 = tpu.memref_squeeze %dma_start3A_33 : memref<1x128xf32, #tpu.memory_space<vmem>> -> memref<128xf32, #tpu.memory_space<vmem>>
    %dma_start3A_35 = arith.constant 0 : i32
    %dma_start3A_36 = tpu.memref_slice %arg6[%dma_start3A_30, %dma_start3A_35] : memref<4x128xi32, #tpu.memory_space<vmem>> -> memref<1x128xi32, #tpu.memory_space<vmem>>
    %dma_start3A_37 = tpu.memref_squeeze %dma_start3A_36 : memref<1x128xi32, #tpu.memory_space<vmem>> -> memref<128xi32, #tpu.memory_space<vmem>>
    %dma_start3A_38 = arith.constant 0 : i32
    %dma_start3A_39 = tpu.memref_slice %arg2[%dma_start3A_38] : memref<524288xf32, #tpu.memory_space<hbm>> -> memref<524288xf32, #tpu.memory_space<hbm>>
    tpu.enqueue_indirect_dma source(%dma_start3A_39 : memref<524288xf32, #tpu.memory_space<hbm>>) target(%dma_start3A_34 : memref<128xf32, #tpu.memory_space<vmem>>) offsets(%dma_start3A_37 : memref<128xi32, #tpu.memory_space<vmem>>) semaphore(%arg10 : memref<!tpu.dma_semaphore, #tpu.memory_space<semaphore_mem>>)
    "tpu.region"() ({
      %run_scoped3A = tpu.sem_alloc : memref<!tpu.dma_semaphore, #tpu.memory_space<semaphore_mem>>
      %dma_start3A_100 = arith.constant 0 : i32
      %dma_start3A_101 = arith.constant 0 : i32
      %dma_start3A_102 = arith.constant 0 : i32
      %dma_start3A_103 = tpu.memref_slice %arg4[%add3A, %dma_start3A_100, %dma_start3A_101, %dma_start3A_102] : memref<32x8x5x16xf32, #tpu.memory_space<hbm>> -> memref<1x8x5x16xf32, #tpu.memory_space<hbm>>
      %dma_start3A_104 = tpu.memref_squeeze %dma_start3A_103 : memref<1x8x5x16xf32, #tpu.memory_space<hbm>> -> memref<8x5x16xf32, #tpu.memory_space<hbm>>
      %dma_start3A_105 = arith.constant 0 : i32
      %dma_start3A_106 = arith.constant 0 : i32
      %dma_start3A_107 = arith.constant 0 : i32
      %dma_start3A_108 = tpu.memref_slice %arg4[%add3A, %dma_start3A_105, %dma_start3A_106, %dma_start3A_107] : memref<32x8x5x16xf32, #tpu.memory_space<hbm>> -> memref<1x8x5x16xf32, #tpu.memory_space<hbm>>
      %dma_start3A_109 = tpu.memref_squeeze %dma_start3A_108 : memref<1x8x5x16xf32, #tpu.memory_space<hbm>> -> memref<8x5x16xf32, #tpu.memory_space<hbm>>
      tpu.enqueue_dma source(%dma_start3A_109 : memref<8x5x16xf32, #tpu.memory_space<hbm>>) target(%arg8 : memref<8x5x16xf32, #tpu.memory_space<vmem>>) target_semaphore(%run_scoped3A : memref<!tpu.dma_semaphore, #tpu.memory_space<semaphore_mem>>)
      %dma_wait3A_110 = arith.constant 0 : i32
      %dma_wait3A_111 = arith.constant 0 : i32
      %dma_wait3A_112 = arith.constant 0 : i32
      %dma_wait3A_113 = tpu.memref_slice %arg4[%add3A, %dma_wait3A_110, %dma_wait3A_111, %dma_wait3A_112] : memref<32x8x5x16xf32, #tpu.memory_space<hbm>> -> memref<1x8x5x16xf32, #tpu.memory_space<hbm>>
      %dma_wait3A_114 = tpu.memref_squeeze %dma_wait3A_113 : memref<1x8x5x16xf32, #tpu.memory_space<hbm>> -> memref<8x5x16xf32, #tpu.memory_space<hbm>>
      %dma_wait3A_115 = arith.constant 0 : i32
      %dma_wait3A_116 = arith.constant 0 : i32
      %dma_wait3A_117 = arith.constant 0 : i32
      %dma_wait3A_118 = tpu.memref_slice %arg4[%add3A, %dma_wait3A_115, %dma_wait3A_116, %dma_wait3A_117] : memref<32x8x5x16xf32, #tpu.memory_space<hbm>> -> memref<1x8x5x16xf32, #tpu.memory_space<hbm>>
      %dma_wait3A_119 = tpu.memref_squeeze %dma_wait3A_118 : memref<1x8x5x16xf32, #tpu.memory_space<hbm>> -> memref<8x5x16xf32, #tpu.memory_space<hbm>>
      tpu.wait_dma2 semaphore(%run_scoped3A : memref<!tpu.dma_semaphore, #tpu.memory_space<semaphore_mem>>) src(%dma_wait3A_119 : memref<8x5x16xf32, #tpu.memory_space<hbm>>) dst(%arg8 : memref<8x5x16xf32, #tpu.memory_space<vmem>>)
      tpu.yield
    }) : () -> ()
    %dma_wait3A = arith.constant 0 : i32
    %dma_wait3A_40 = arith.constant 0 : i32
    %dma_wait3A_41 = arith.constant 0 : i32
    %dma_wait3A_42 = tpu.memref_slice %arg7[%dma_wait3A_40, %dma_wait3A_41] : memref<4x128xf32, #tpu.memory_space<vmem>> -> memref<1x128xf32, #tpu.memory_space<vmem>>
    %dma_wait3A_43 = tpu.memref_squeeze %dma_wait3A_42 : memref<1x128xf32, #tpu.memory_space<vmem>> -> memref<128xf32, #tpu.memory_space<vmem>>
    %dma_wait3A_44 = arith.constant 0 : i32
    %dma_wait3A_45 = tpu.memref_slice %arg6[%dma_wait3A, %dma_wait3A_44] : memref<4x128xi32, #tpu.memory_space<vmem>> -> memref<1x128xi32, #tpu.memory_space<vmem>>
    %dma_wait3A_46 = tpu.memref_squeeze %dma_wait3A_45 : memref<1x128xi32, #tpu.memory_space<vmem>> -> memref<128xi32, #tpu.memory_space<vmem>>
    %dma_wait3A_47 = arith.constant 0 : i32
    %dma_wait3A_48 = tpu.memref_slice %arg2[%dma_wait3A_47] : memref<524288xf32, #tpu.memory_space<hbm>> -> memref<524288xf32, #tpu.memory_space<hbm>>
    tpu.wait_indirect_dma semaphore(%arg10 : memref<!tpu.dma_semaphore, #tpu.memory_space<semaphore_mem>>) src(%dma_wait3A_48 : memref<524288xf32, #tpu.memory_space<hbm>>) dst(%dma_wait3A_43 : memref<128xf32, #tpu.memory_space<vmem>>)
    %dma_wait3A_49 = arith.constant 1 : i32
    %dma_wait3A_50 = arith.constant 1 : i32
    %dma_wait3A_51 = arith.constant 0 : i32
    %dma_wait3A_52 = tpu.memref_slice %arg7[%dma_wait3A_50, %dma_wait3A_51] : memref<4x128xf32, #tpu.memory_space<vmem>> -> memref<1x128xf32, #tpu.memory_space<vmem>>
    %dma_wait3A_53 = tpu.memref_squeeze %dma_wait3A_52 : memref<1x128xf32, #tpu.memory_space<vmem>> -> memref<128xf32, #tpu.memory_space<vmem>>
    %dma_wait3A_54 = arith.constant 0 : i32
    %dma_wait3A_55 = tpu.memref_slice %arg6[%dma_wait3A_49, %dma_wait3A_54] : memref<4x128xi32, #tpu.memory_space<vmem>> -> memref<1x128xi32, #tpu.memory_space<vmem>>
    %dma_wait3A_56 = tpu.memref_squeeze %dma_wait3A_55 : memref<1x128xi32, #tpu.memory_space<vmem>> -> memref<128xi32, #tpu.memory_space<vmem>>
    %dma_wait3A_57 = arith.constant 0 : i32
    %dma_wait3A_58 = tpu.memref_slice %arg2[%dma_wait3A_57] : memref<524288xf32, #tpu.memory_space<hbm>> -> memref<524288xf32, #tpu.memory_space<hbm>>
    tpu.wait_indirect_dma semaphore(%arg10 : memref<!tpu.dma_semaphore, #tpu.memory_space<semaphore_mem>>) src(%dma_wait3A_58 : memref<524288xf32, #tpu.memory_space<hbm>>) dst(%dma_wait3A_53 : memref<128xf32, #tpu.memory_space<vmem>>)
    %dma_wait3A_59 = arith.constant 2 : i32
    %dma_wait3A_60 = arith.constant 2 : i32
    %dma_wait3A_61 = arith.constant 0 : i32
    %dma_wait3A_62 = tpu.memref_slice %arg7[%dma_wait3A_60, %dma_wait3A_61] : memref<4x128xf32, #tpu.memory_space<vmem>> -> memref<1x128xf32, #tpu.memory_space<vmem>>
    %dma_wait3A_63 = tpu.memref_squeeze %dma_wait3A_62 : memref<1x128xf32, #tpu.memory_space<vmem>> -> memref<128xf32, #tpu.memory_space<vmem>>
    %dma_wait3A_64 = arith.constant 0 : i32
    %dma_wait3A_65 = tpu.memref_slice %arg6[%dma_wait3A_59, %dma_wait3A_64] : memref<4x128xi32, #tpu.memory_space<vmem>> -> memref<1x128xi32, #tpu.memory_space<vmem>>
    %dma_wait3A_66 = tpu.memref_squeeze %dma_wait3A_65 : memref<1x128xi32, #tpu.memory_space<vmem>> -> memref<128xi32, #tpu.memory_space<vmem>>
    %dma_wait3A_67 = arith.constant 0 : i32
    %dma_wait3A_68 = tpu.memref_slice %arg2[%dma_wait3A_67] : memref<524288xf32, #tpu.memory_space<hbm>> -> memref<524288xf32, #tpu.memory_space<hbm>>
    tpu.wait_indirect_dma semaphore(%arg10 : memref<!tpu.dma_semaphore, #tpu.memory_space<semaphore_mem>>) src(%dma_wait3A_68 : memref<524288xf32, #tpu.memory_space<hbm>>) dst(%dma_wait3A_63 : memref<128xf32, #tpu.memory_space<vmem>>)
    %dma_wait3A_69 = arith.constant 3 : i32
    %dma_wait3A_70 = arith.constant 3 : i32
    %dma_wait3A_71 = arith.constant 0 : i32
    %dma_wait3A_72 = tpu.memref_slice %arg7[%dma_wait3A_70, %dma_wait3A_71] : memref<4x128xf32, #tpu.memory_space<vmem>> -> memref<1x128xf32, #tpu.memory_space<vmem>>
    %dma_wait3A_73 = tpu.memref_squeeze %dma_wait3A_72 : memref<1x128xf32, #tpu.memory_space<vmem>> -> memref<128xf32, #tpu.memory_space<vmem>>
    %dma_wait3A_74 = arith.constant 0 : i32
    %dma_wait3A_75 = tpu.memref_slice %arg6[%dma_wait3A_69, %dma_wait3A_74] : memref<4x128xi32, #tpu.memory_space<vmem>> -> memref<1x128xi32, #tpu.memory_space<vmem>>
    %dma_wait3A_76 = tpu.memref_squeeze %dma_wait3A_75 : memref<1x128xi32, #tpu.memory_space<vmem>> -> memref<128xi32, #tpu.memory_space<vmem>>
    %dma_wait3A_77 = arith.constant 0 : i32
    %dma_wait3A_78 = tpu.memref_slice %arg2[%dma_wait3A_77] : memref<524288xf32, #tpu.memory_space<hbm>> -> memref<524288xf32, #tpu.memory_space<hbm>>
    tpu.wait_indirect_dma semaphore(%arg10 : memref<!tpu.dma_semaphore, #tpu.memory_space<semaphore_mem>>) src(%dma_wait3A_78 : memref<524288xf32, #tpu.memory_space<hbm>>) dst(%dma_wait3A_73 : memref<128xf32, #tpu.memory_space<vmem>>)
    %broadcast_in_dim3A = arith.constant 4.000000e+00 : f32
    %broadcast_in_dim3A_79 = vector.broadcast %broadcast_in_dim3A : f32 to vector<16xf32>
    %broadcast_in_dim3A_80 = arith.constant 0.000000e+00 : f32
    %broadcast_in_dim3A_81 = vector.broadcast %broadcast_in_dim3A_80 : f32 to vector<16xf32>
    %broadcast_in_dim3A_82 = arith.constant 0.000000e+00 : f32
    %broadcast_in_dim3A_83 = vector.broadcast %broadcast_in_dim3A_82 : f32 to vector<16xf32>
    %scan3A = arith.constant 0 : i32
    %scan3A_84 = arith.constant 8 : i32
    %scan3A_85 = arith.addi %scan3A, %scan3A_84 : i32
    %scan3A_86 = arith.constant 1 : i32
    %scan3A_87:2 = scf.for %scan3A_100 = %scan3A to %scan3A_85 step %scan3A_86 iter_args(%scan3A_101 = %broadcast_in_dim3A_81, %scan3A_102 = %broadcast_in_dim3A_83) -> (vector<16xf32>, vector<16xf32>)  : i32 {
      %get3A = arith.constant 4 : i32
      %get3A_103 = arith.index_cast %scan3A_100 : i32 to index
      %get3A_104 = arith.index_cast %get3A : i32 to index
      %get3A_105 = arith.constant 0 : index
      %get3A_106 = tpu.vector_load %arg8[%get3A_103, %get3A_104, %get3A_105] {strides = array<i32>} : memref<8x5x16xf32, #tpu.memory_space<vmem>>, vector<1x1x16xf32>,
      %get3A_107 = vector.shape_cast %get3A_106 : vector<1x1x16xf32> to vector<16xf32>
      %broadcast_in_dim3A_108 = arith.constant 0.000000e+00 : f32
      %broadcast_in_dim3A_109 = vector.broadcast %broadcast_in_dim3A_108 : f32 to vector<16xf32>
      %jit3A = arith.constant 2 : i32
      %div3A = arith.divsi %scan3A_100, %jit3A : i32
      %sign3A = arith.constant 0 : i32
      %sign3A_110 = arith.cmpi sgt, %scan3A_100, %sign3A : i32
      %sign3A_111 = arith.extui %sign3A_110 : i1 to i32
      %sign3A_112 = arith.constant 0 : i32
      %sign3A_113 = arith.cmpi slt, %scan3A_100, %sign3A_112 : i32
      %sign3A_114 = arith.extui %sign3A_113 : i1 to i32
      %sign3A_115 = arith.subi %sign3A_111, %sign3A_114 : i32
      %sign3A_116 = arith.constant 0 : i32
      %sign3A_117 = arith.cmpi sgt, %jit3A, %sign3A_116 : i32
      %sign3A_118 = arith.extui %sign3A_117 : i1 to i32
      %sign3A_119 = arith.constant 0 : i32
      %sign3A_120 = arith.cmpi slt, %jit3A, %sign3A_119 : i32
      %sign3A_121 = arith.extui %sign3A_120 : i1 to i32
      %sign3A_122 = arith.subi %sign3A_118, %sign3A_121 : i32
      %ne3A = arith.cmpi ne, %sign3A_115, %sign3A_122 : i32
      %rem3A = arith.remsi %scan3A_100, %jit3A : i32
      %ne3A_123 = arith.constant 0 : i32
      %ne3A_124 = arith.cmpi ne, %rem3A, %ne3A_123 : i32
      %and3A = arith.andi %ne3A, %ne3A_124 : i1
      %sub3A = arith.constant 1 : i32
      %sub3A_125 = arith.subi %div3A, %sub3A : i32
      %select_n3A = arith.select %and3A, %sub3A_125, %div3A : i32
      %jit3A_126 = arith.constant 2 : i32
      %eq3A = arith.constant 0 : i32
      %eq3A_127 = arith.cmpi eq, %jit3A_126, %eq3A : i32
      %jit3A_128 = arith.constant 1 : i32
      %select_n3A_129 = arith.select %eq3A_127, %jit3A_128, %jit3A_126 : i32
      %rem3A_130 = arith.remsi %scan3A_100, %select_n3A_129 : i32
      %ne3A_131 = arith.constant 0 : i32
      %ne3A_132 = arith.cmpi ne, %rem3A_130, %ne3A_131 : i32
      %lt3A = arith.constant 0 : i32
      %lt3A_133 = arith.cmpi slt, %rem3A_130, %lt3A : i32
      %lt3A_134 = arith.constant 0 : i32
      %lt3A_135 = arith.cmpi slt, %select_n3A_129, %lt3A_134 : i32
      %ne3A_136 = arith.xori %lt3A_133, %lt3A_135 : i1
      %and3A_137 = arith.andi %ne3A_136, %ne3A_132 : i1
      %add3A_138 = arith.addi %rem3A_130, %select_n3A_129 : i32
      %select_n3A_139 = arith.select %and3A_137, %add3A_138, %rem3A_130 : i32
      %mul3A_140 = arith.constant 64 : i32
      %mul3A_141 = arith.muli %select_n3A_139, %mul3A_140 : i32
      %add3A_142 = arith.constant 0 : i32
      %add3A_143 = arith.addi %mul3A_141, %add3A_142 : i32
      %get3A_144 = arith.index_cast %select_n3A : i32 to index
      %get3A_145 = arith.index_cast %add3A_143 : i32 to index
      %get3A_146 = tpu.vector_load %arg7[%get3A_144, %get3A_145] {strides = array<i32>} : memref<4x128xf32, #tpu.memory_space<vmem>>, vector<1x16xf32>,
      %get3A_147 = vector.shape_cast %get3A_146 : vector<1x16xf32> to vector<16xf32>
      %get3A_148 = arith.constant 0 : i32
      %get3A_149 = arith.index_cast %scan3A_100 : i32 to index
      %get3A_150 = arith.index_cast %get3A_148 : i32 to index
      %get3A_151 = arith.constant 0 : index
      %get3A_152 = tpu.vector_load %arg8[%get3A_149, %get3A_150, %get3A_151] {strides = array<i32>} : memref<8x5x16xf32, #tpu.memory_space<vmem>>, vector<1x1x16xf32>,
      %get3A_153 = vector.shape_cast %get3A_152 : vector<1x1x16xf32> to vector<16xf32>
      %mul3A_154 = arith.mulf %broadcast_in_dim3A_79, %get3A_147 : vector<16xf32>
      %sub3A_155 = arith.subf %get3A_153, %mul3A_154 : vector<16xf32>
      %abs3A = math.absf %sub3A_155 : vector<16xf32>
      %add3A_156 = arith.addf %broadcast_in_dim3A_109, %abs3A : vector<16xf32>
      %jit3A_157 = arith.constant 2 : i32
      %div3A_158 = arith.divsi %scan3A_100, %jit3A_157 : i32
      %sign3A_159 = arith.constant 0 : i32
      %sign3A_160 = arith.cmpi sgt, %scan3A_100, %sign3A_159 : i32
      %sign3A_161 = arith.extui %sign3A_160 : i1 to i32
      %sign3A_162 = arith.constant 0 : i32
      %sign3A_163 = arith.cmpi slt, %scan3A_100, %sign3A_162 : i32
      %sign3A_164 = arith.extui %sign3A_163 : i1 to i32
      %sign3A_165 = arith.subi %sign3A_161, %sign3A_164 : i32
      %sign3A_166 = arith.constant 0 : i32
      %sign3A_167 = arith.cmpi sgt, %jit3A_157, %sign3A_166 : i32
      %sign3A_168 = arith.extui %sign3A_167 : i1 to i32
      %sign3A_169 = arith.constant 0 : i32
      %sign3A_170 = arith.cmpi slt, %jit3A_157, %sign3A_169 : i32
      %sign3A_171 = arith.extui %sign3A_170 : i1 to i32
      %sign3A_172 = arith.subi %sign3A_168, %sign3A_171 : i32
      %ne3A_173 = arith.cmpi ne, %sign3A_165, %sign3A_172 : i32
      %rem3A_174 = arith.remsi %scan3A_100, %jit3A_157 : i32
      %ne3A_175 = arith.constant 0 : i32
      %ne3A_176 = arith.cmpi ne, %rem3A_174, %ne3A_175 : i32
      %and3A_177 = arith.andi %ne3A_173, %ne3A_176 : i1
      %sub3A_178 = arith.constant 1 : i32
      %sub3A_179 = arith.subi %div3A_158, %sub3A_178 : i32
      %select_n3A_180 = arith.select %and3A_177, %sub3A_179, %div3A_158 : i32
      %jit3A_181 = arith.constant 2 : i32
      %eq3A_182 = arith.constant 0 : i32
      %eq3A_183 = arith.cmpi eq, %jit3A_181, %eq3A_182 : i32
      %jit3A_184 = arith.constant 1 : i32
      %select_n3A_185 = arith.select %eq3A_183, %jit3A_184, %jit3A_181 : i32
      %rem3A_186 = arith.remsi %scan3A_100, %select_n3A_185 : i32
      %ne3A_187 = arith.constant 0 : i32
      %ne3A_188 = arith.cmpi ne, %rem3A_186, %ne3A_187 : i32
      %lt3A_189 = arith.constant 0 : i32
      %lt3A_190 = arith.cmpi slt, %rem3A_186, %lt3A_189 : i32
      %lt3A_191 = arith.constant 0 : i32
      %lt3A_192 = arith.cmpi slt, %select_n3A_185, %lt3A_191 : i32
      %ne3A_193 = arith.xori %lt3A_190, %lt3A_192 : i1
      %and3A_194 = arith.andi %ne3A_193, %ne3A_188 : i1
      %add3A_195 = arith.addi %rem3A_186, %select_n3A_185 : i32
      %select_n3A_196 = arith.select %and3A_194, %add3A_195, %rem3A_186 : i32
      %mul3A_197 = arith.constant 64 : i32
      %mul3A_198 = arith.muli %select_n3A_196, %mul3A_197 : i32
      %add3A_199 = arith.constant 16 : i32
      %add3A_200 = arith.addi %mul3A_198, %add3A_199 : i32
      %get3A_201 = arith.index_cast %select_n3A_180 : i32 to index
      %get3A_202 = arith.index_cast %add3A_200 : i32 to index
      %get3A_203 = tpu.vector_load %arg7[%get3A_201, %get3A_202] {strides = array<i32>} : memref<4x128xf32, #tpu.memory_space<vmem>>, vector<1x16xf32>,
      %get3A_204 = vector.shape_cast %get3A_203 : vector<1x16xf32> to vector<16xf32>
      %get3A_205 = arith.constant 1 : i32
      %get3A_206 = arith.index_cast %scan3A_100 : i32 to index
      %get3A_207 = arith.index_cast %get3A_205 : i32 to index
      %get3A_208 = arith.constant 0 : index
      %get3A_209 = tpu.vector_load %arg8[%get3A_206, %get3A_207, %get3A_208] {strides = array<i32>} : memref<8x5x16xf32, #tpu.memory_space<vmem>>, vector<1x1x16xf32>,
      %get3A_210 = vector.shape_cast %get3A_209 : vector<1x1x16xf32> to vector<16xf32>
      %mul3A_211 = arith.mulf %broadcast_in_dim3A_79, %get3A_204 : vector<16xf32>
      %sub3A_212 = arith.subf %get3A_210, %mul3A_211 : vector<16xf32>
      %abs3A_213 = math.absf %sub3A_212 : vector<16xf32>
      %add3A_214 = arith.addf %add3A_156, %abs3A_213 : vector<16xf32>
      %jit3A_215 = arith.constant 2 : i32
      %div3A_216 = arith.divsi %scan3A_100, %jit3A_215 : i32
      %sign3A_217 = arith.constant 0 : i32
      %sign3A_218 = arith.cmpi sgt, %scan3A_100, %sign3A_217 : i32
      %sign3A_219 = arith.extui %sign3A_218 : i1 to i32
      %sign3A_220 = arith.constant 0 : i32
      %sign3A_221 = arith.cmpi slt, %scan3A_100, %sign3A_220 : i32
      %sign3A_222 = arith.extui %sign3A_221 : i1 to i32
      %sign3A_223 = arith.subi %sign3A_219, %sign3A_222 : i32
      %sign3A_224 = arith.constant 0 : i32
      %sign3A_225 = arith.cmpi sgt, %jit3A_215, %sign3A_224 : i32
      %sign3A_226 = arith.extui %sign3A_225 : i1 to i32
      %sign3A_227 = arith.constant 0 : i32
      %sign3A_228 = arith.cmpi slt, %jit3A_215, %sign3A_227 : i32
      %sign3A_229 = arith.extui %sign3A_228 : i1 to i32
      %sign3A_230 = arith.subi %sign3A_226, %sign3A_229 : i32
      %ne3A_231 = arith.cmpi ne, %sign3A_223, %sign3A_230 : i32
      %rem3A_232 = arith.remsi %scan3A_100, %jit3A_215 : i32
      %ne3A_233 = arith.constant 0 : i32
      %ne3A_234 = arith.cmpi ne, %rem3A_232, %ne3A_233 : i32
      %and3A_235 = arith.andi %ne3A_231, %ne3A_234 : i1
      %sub3A_236 = arith.constant 1 : i32
      %sub3A_237 = arith.subi %div3A_216, %sub3A_236 : i32
      %select_n3A_238 = arith.select %and3A_235, %sub3A_237, %div3A_216 : i32
      %jit3A_239 = arith.constant 2 : i32
      %eq3A_240 = arith.constant 0 : i32
      %eq3A_241 = arith.cmpi eq, %jit3A_239, %eq3A_240 : i32
      %jit3A_242 = arith.constant 1 : i32
      %select_n3A_243 = arith.select %eq3A_241, %jit3A_242, %jit3A_239 : i32
      %rem3A_244 = arith.remsi %scan3A_100, %select_n3A_243 : i32
      %ne3A_245 = arith.constant 0 : i32
      %ne3A_246 = arith.cmpi ne, %rem3A_244, %ne3A_245 : i32
      %lt3A_247 = arith.constant 0 : i32
      %lt3A_248 = arith.cmpi slt, %rem3A_244, %lt3A_247 : i32
      %lt3A_249 = arith.constant 0 : i32
      %lt3A_250 = arith.cmpi slt, %select_n3A_243, %lt3A_249 : i32
      %ne3A_251 = arith.xori %lt3A_248, %lt3A_250 : i1
      %and3A_252 = arith.andi %ne3A_251, %ne3A_246 : i1
      %add3A_253 = arith.addi %rem3A_244, %select_n3A_243 : i32
      %select_n3A_254 = arith.select %and3A_252, %add3A_253, %rem3A_244 : i32
      %mul3A_255 = arith.constant 64 : i32
      %mul3A_256 = arith.muli %select_n3A_254, %mul3A_255 : i32
      %add3A_257 = arith.constant 32 : i32
      %add3A_258 = arith.addi %mul3A_256, %add3A_257 : i32
      %get3A_259 = arith.index_cast %select_n3A_238 : i32 to index
      %get3A_260 = arith.index_cast %add3A_258 : i32 to index
      %get3A_261 = tpu.vector_load %arg7[%get3A_259, %get3A_260] {strides = array<i32>} : memref<4x128xf32, #tpu.memory_space<vmem>>, vector<1x16xf32>,
      %get3A_262 = vector.shape_cast %get3A_261 : vector<1x16xf32> to vector<16xf32>
      %get3A_263 = arith.constant 2 : i32
      %get3A_264 = arith.index_cast %scan3A_100 : i32 to index
      %get3A_265 = arith.index_cast %get3A_263 : i32 to index
      %get3A_266 = arith.constant 0 : index
      %get3A_267 = tpu.vector_load %arg8[%get3A_264, %get3A_265, %get3A_266] {strides = array<i32>} : memref<8x5x16xf32, #tpu.memory_space<vmem>>, vector<1x1x16xf32>,
      %get3A_268 = vector.shape_cast %get3A_267 : vector<1x1x16xf32> to vector<16xf32>
      %mul3A_269 = arith.mulf %broadcast_in_dim3A_79, %get3A_262 : vector<16xf32>
      %add3A_270 = arith.addf %get3A_268, %mul3A_269 : vector<16xf32>
      %abs3A_271 = math.absf %add3A_270 : vector<16xf32>
      %add3A_272 = arith.addf %add3A_214, %abs3A_271 : vector<16xf32>
      %jit3A_273 = arith.constant 2 : i32
      %div3A_274 = arith.divsi %scan3A_100, %jit3A_273 : i32
      %sign3A_275 = arith.constant 0 : i32
      %sign3A_276 = arith.cmpi sgt, %scan3A_100, %sign3A_275 : i32
      %sign3A_277 = arith.extui %sign3A_276 : i1 to i32
      %sign3A_278 = arith.constant 0 : i32
      %sign3A_279 = arith.cmpi slt, %scan3A_100, %sign3A_278 : i32
      %sign3A_280 = arith.extui %sign3A_279 : i1 to i32
      %sign3A_281 = arith.subi %sign3A_277, %sign3A_280 : i32
      %sign3A_282 = arith.constant 0 : i32
      %sign3A_283 = arith.cmpi sgt, %jit3A_273, %sign3A_282 : i32
      %sign3A_284 = arith.extui %sign3A_283 : i1 to i32
      %sign3A_285 = arith.constant 0 : i32
      %sign3A_286 = arith.cmpi slt, %jit3A_273, %sign3A_285 : i32
      %sign3A_287 = arith.extui %sign3A_286 : i1 to i32
      %sign3A_288 = arith.subi %sign3A_284, %sign3A_287 : i32
      %ne3A_289 = arith.cmpi ne, %sign3A_281, %sign3A_288 : i32
      %rem3A_290 = arith.remsi %scan3A_100, %jit3A_273 : i32
      %ne3A_291 = arith.constant 0 : i32
      %ne3A_292 = arith.cmpi ne, %rem3A_290, %ne3A_291 : i32
      %and3A_293 = arith.andi %ne3A_289, %ne3A_292 : i1
      %sub3A_294 = arith.constant 1 : i32
      %sub3A_295 = arith.subi %div3A_274, %sub3A_294 : i32
      %select_n3A_296 = arith.select %and3A_293, %sub3A_295, %div3A_274 : i32
      %jit3A_297 = arith.constant 2 : i32
      %eq3A_298 = arith.constant 0 : i32
      %eq3A_299 = arith.cmpi eq, %jit3A_297, %eq3A_298 : i32
      %jit3A_300 = arith.constant 1 : i32
      %select_n3A_301 = arith.select %eq3A_299, %jit3A_300, %jit3A_297 : i32
      %rem3A_302 = arith.remsi %scan3A_100, %select_n3A_301 : i32
      %ne3A_303 = arith.constant 0 : i32
      %ne3A_304 = arith.cmpi ne, %rem3A_302, %ne3A_303 : i32
      %lt3A_305 = arith.constant 0 : i32
      %lt3A_306 = arith.cmpi slt, %rem3A_302, %lt3A_305 : i32
      %lt3A_307 = arith.constant 0 : i32
      %lt3A_308 = arith.cmpi slt, %select_n3A_301, %lt3A_307 : i32
      %ne3A_309 = arith.xori %lt3A_306, %lt3A_308 : i1
      %and3A_310 = arith.andi %ne3A_309, %ne3A_304 : i1
      %add3A_311 = arith.addi %rem3A_302, %select_n3A_301 : i32
      %select_n3A_312 = arith.select %and3A_310, %add3A_311, %rem3A_302 : i32
      %mul3A_313 = arith.constant 64 : i32
      %mul3A_314 = arith.muli %select_n3A_312, %mul3A_313 : i32
      %add3A_315 = arith.constant 48 : i32
      %add3A_316 = arith.addi %mul3A_314, %add3A_315 : i32
      %get3A_317 = arith.index_cast %select_n3A_296 : i32 to index
      %get3A_318 = arith.index_cast %add3A_316 : i32 to index
      %get3A_319 = tpu.vector_load %arg7[%get3A_317, %get3A_318] {strides = array<i32>} : memref<4x128xf32, #tpu.memory_space<vmem>>, vector<1x16xf32>,
      %get3A_320 = vector.shape_cast %get3A_319 : vector<1x16xf32> to vector<16xf32>
      %get3A_321 = arith.constant 3 : i32
      %get3A_322 = arith.index_cast %scan3A_100 : i32 to index
      %get3A_323 = arith.index_cast %get3A_321 : i32 to index
      %get3A_324 = arith.constant 0 : index
      %get3A_325 = tpu.vector_load %arg8[%get3A_322, %get3A_323, %get3A_324] {strides = array<i32>} : memref<8x5x16xf32, #tpu.memory_space<vmem>>, vector<1x1x16xf32>,
      %get3A_326 = vector.shape_cast %get3A_325 : vector<1x1x16xf32> to vector<16xf32>
      %mul3A_327 = arith.mulf %broadcast_in_dim3A_79, %get3A_320 : vector<16xf32>
      %add3A_328 = arith.addf %get3A_326, %mul3A_327 : vector<16xf32>
      %abs3A_329 = math.absf %add3A_328 : vector<16xf32>
      %add3A_330 = arith.addf %add3A_272, %abs3A_329 : vector<16xf32>
      %mul3A_331 = arith.mulf %add3A_330, %get3A_107 : vector<16xf32>
      %add3A_332 = arith.addf %scan3A_101, %mul3A_331 : vector<16xf32>
      %add3A_333 = arith.addf %scan3A_102, %get3A_107 : vector<16xf32>
      scf.yield %add3A_332, %add3A_333 : vector<16xf32>, vector<16xf32>
    }
    %scan3A_88 = arith.constant 8 : i32
    %swap3A = arith.constant 0 : i32
    %swap3A_89 = arith.index_cast %swap3A : i32 to index
    %swap3A_90 = arith.constant 0 : index
    %swap3A_91 = tpu.vector_load %arg9[%swap3A_89, %swap3A_90] {strides = array<i32>} : memref<2x16xf32, #tpu.memory_space<vmem>>, vector<1x16xf32>,
    %swap3A_92 = vector.shape_cast %swap3A_91 : vector<1x16xf32> to vector<16xf32>
    %swap3A_93 = vector.shape_cast %scan3A_87#0 : vector<16xf32> to vector<1x16xf32>
    tpu.vector_store %arg9[%swap3A_89, %swap3A_90], %swap3A_93 {strides = array<i32>} : memref<2x16xf32, #tpu.memory_space<vmem>>, vector<1x16xf32>,
    %swap3A_94 = arith.constant 1 : i32
    %swap3A_95 = arith.index_cast %swap3A_94 : i32 to index
    %swap3A_96 = arith.constant 0 : index
    %swap3A_97 = tpu.vector_load %arg9[%swap3A_95, %swap3A_96] {strides = array<i32>} : memref<2x16xf32, #tpu.memory_space<vmem>>, vector<1x16xf32>,
    %swap3A_98 = vector.shape_cast %swap3A_97 : vector<1x16xf32> to vector<16xf32>
    %swap3A_99 = vector.shape_cast %scan3A_87#1 : vector<16xf32> to vector<1x16xf32>
    tpu.vector_store %arg9[%swap3A_95, %swap3A_96], %swap3A_99 {strides = array<i32>} : memref<2x16xf32, #tpu.memory_space<vmem>>, vector<1x16xf32>,
    "tpu.region"() ({
      %run_scoped3A = tpu.sem_alloc : memref<!tpu.dma_semaphore, #tpu.memory_space<semaphore_mem>>
      %dma_start3A_100 = arith.constant 0 : i32
      %dma_start3A_101 = arith.constant 0 : i32
      %dma_start3A_102 = tpu.memref_slice %arg5[%add3A, %dma_start3A_100, %dma_start3A_101] : memref<32x2x16xf32, #tpu.memory_space<hbm>> -> memref<1x2x16xf32, #tpu.memory_space<hbm>>
      %dma_start3A_103 = tpu.memref_squeeze %dma_start3A_102 : memref<1x2x16xf32, #tpu.memory_space<hbm>> -> memref<2x16xf32, #tpu.memory_space<hbm>>
      %dma_start3A_104 = arith.constant 0 : i32
      %dma_start3A_105 = arith.constant 0 : i32
      %dma_start3A_106 = tpu.memref_slice %arg5[%add3A, %dma_start3A_104, %dma_start3A_105] : memref<32x2x16xf32, #tpu.memory_space<hbm>> -> memref<1x2x16xf32, #tpu.memory_space<hbm>>
      %dma_start3A_107 = tpu.memref_squeeze %dma_start3A_106 : memref<1x2x16xf32, #tpu.memory_space<hbm>> -> memref<2x16xf32, #tpu.memory_space<hbm>>
      tpu.enqueue_dma source(%arg9 : memref<2x16xf32, #tpu.memory_space<vmem>>) target(%dma_start3A_107 : memref<2x16xf32, #tpu.memory_space<hbm>>) target_semaphore(%run_scoped3A : memref<!tpu.dma_semaphore, #tpu.memory_space<semaphore_mem>>)
      %dma_wait3A_108 = arith.constant 0 : i32
      %dma_wait3A_109 = arith.constant 0 : i32
      %dma_wait3A_110 = tpu.memref_slice %arg5[%add3A, %dma_wait3A_108, %dma_wait3A_109] : memref<32x2x16xf32, #tpu.memory_space<hbm>> -> memref<1x2x16xf32, #tpu.memory_space<hbm>>
      %dma_wait3A_111 = tpu.memref_squeeze %dma_wait3A_110 : memref<1x2x16xf32, #tpu.memory_space<hbm>> -> memref<2x16xf32, #tpu.memory_space<hbm>>
      %dma_wait3A_112 = arith.constant 0 : i32
      %dma_wait3A_113 = arith.constant 0 : i32
      %dma_wait3A_114 = tpu.memref_slice %arg5[%add3A, %dma_wait3A_112, %dma_wait3A_113] : memref<32x2x16xf32, #tpu.memory_space<hbm>> -> memref<1x2x16xf32, #tpu.memory_space<hbm>>
      %dma_wait3A_115 = tpu.memref_squeeze %dma_wait3A_114 : memref<1x2x16xf32, #tpu.memory_space<hbm>> -> memref<2x16xf32, #tpu.memory_space<hbm>>
      tpu.wait_dma2 semaphore(%run_scoped3A : memref<!tpu.dma_semaphore, #tpu.memory_space<semaphore_mem>>) src(%arg9 : memref<2x16xf32, #tpu.memory_space<vmem>>) dst(%dma_wait3A_115 : memref<2x16xf32, #tpu.memory_space<hbm>>)
      tpu.yield
    }) : () -> ()
    return
  }
}

module attributes {stable_mosaic.version = 14 : i64} {
  func.func @_prep_body(%arg0: memref<8x32x4xf32, #tpu.memory_space<vmem>>, %arg1: memref<8x32xi32, #tpu.memory_space<vmem>>, %arg2: memref<7x8x32xi32, #tpu.memory_space<vmem>>, %arg3: memref<2x8x32xf32, #tpu.memory_space<vmem>>, %arg4: memref<8x32x4x16xi32, #tpu.memory_space<vmem>>, %arg5: memref<8x32x5x16xf32, #tpu.memory_space<vmem>>) attributes {dimension_semantics = [], scalar_prefetch = 0 : i64, scratch_operands = 0 : i64, tpu.core_type = #tpu.core_type<tc>} {
    %get3A = arith.constant 0 : index
    %get3A_0 = arith.constant 0 : index
    %get3A_1 = arith.constant 0 : index
    %get3A_2 = vector.load %arg0[%get3A, %get3A_0, %get3A_1] : memref<8x32x4xf32, #tpu.memory_space<vmem>>, vector<8x32x1xf32>
    %get3A_3 = vector.shape_cast %get3A_2 : vector<8x32x1xf32> to vector<8x32xf32>
    %get3A_4 = arith.constant 0 : index
    %get3A_5 = arith.constant 0 : index
    %get3A_6 = arith.constant 1 : index
    %get3A_7 = vector.load %arg0[%get3A_4, %get3A_5, %get3A_6] : memref<8x32x4xf32, #tpu.memory_space<vmem>>, vector<8x32x1xf32>
    %get3A_8 = vector.shape_cast %get3A_7 : vector<8x32x1xf32> to vector<8x32xf32>
    %get3A_9 = arith.constant 0 : index
    %get3A_10 = arith.constant 0 : index
    %get3A_11 = arith.constant 2 : index
    %get3A_12 = vector.load %arg0[%get3A_9, %get3A_10, %get3A_11] : memref<8x32x4xf32, #tpu.memory_space<vmem>>, vector<8x32x1xf32>
    %get3A_13 = vector.shape_cast %get3A_12 : vector<8x32x1xf32> to vector<8x32xf32>
    %get3A_14 = arith.constant 0 : index
    %get3A_15 = arith.constant 0 : index
    %get3A_16 = arith.constant 3 : index
    %get3A_17 = vector.load %arg0[%get3A_14, %get3A_15, %get3A_16] : memref<8x32x4xf32, #tpu.memory_space<vmem>>, vector<8x32x1xf32>
    %get3A_18 = vector.shape_cast %get3A_17 : vector<8x32x1xf32> to vector<8x32xf32>
    %div3A = arith.constant 4.000000e+00 : f32
    %div3A_19 = vector.broadcast %div3A : f32 to vector<8x32xf32>
    %div3A_20 = arith.divf %get3A_3, %div3A_19 : vector<8x32xf32>
    %div3A_21 = arith.constant 4.000000e+00 : f32
    %div3A_22 = vector.broadcast %div3A_21 : f32 to vector<8x32xf32>
    %div3A_23 = arith.divf %get3A_8, %div3A_22 : vector<8x32xf32>
    %div3A_24 = arith.constant 4.000000e+00 : f32
    %div3A_25 = vector.broadcast %div3A_24 : f32 to vector<8x32xf32>
    %div3A_26 = arith.divf %get3A_13, %div3A_25 : vector<8x32xf32>
    %div3A_27 = arith.constant 4.000000e+00 : f32
    %div3A_28 = vector.broadcast %div3A_27 : f32 to vector<8x32xf32>
    %div3A_29 = arith.divf %get3A_18, %div3A_28 : vector<8x32xf32>
    %div3A_30 = arith.constant 2.000000e+00 : f32
    %div3A_31 = vector.broadcast %div3A_30 : f32 to vector<8x32xf32>
    %div3A_32 = arith.divf %div3A_26, %div3A_31 : vector<8x32xf32>
    %add3A = arith.addf %div3A_20, %div3A_32 : vector<8x32xf32>
    %round3A = math.roundeven %add3A : vector<8x32xf32>
    %div3A_33 = arith.constant 2.000000e+00 : f32
    %div3A_34 = vector.broadcast %div3A_33 : f32 to vector<8x32xf32>
    %div3A_35 = arith.divf %div3A_29, %div3A_34 : vector<8x32xf32>
    %add3A_36 = arith.addf %div3A_23, %div3A_35 : vector<8x32xf32>
    %round3A_37 = math.roundeven %add3A_36 : vector<8x32xf32>
    %convert_element_type3A = arith.fptosi %round3A : vector<8x32xf32> to vector<8x32xi32>
    %convert_element_type3A_38 = arith.fptosi %round3A_37 : vector<8x32xf32> to vector<8x32xi32>
    %div3A_39 = arith.constant 4.000000e+00 : f32
    %div3A_40 = vector.broadcast %div3A_39 : f32 to vector<8x32xf32>
    %div3A_41 = arith.divf %div3A_26, %div3A_40 : vector<8x32xf32>
    %round3A_42 = math.roundeven %div3A_41 : vector<8x32xf32>
    %convert_element_type3A_43 = arith.fptosi %round3A_42 : vector<8x32xf32> to vector<8x32xi32>
    %max3A = arith.constant 0 : i32
    %max3A_44 = vector.broadcast %max3A : i32 to vector<8x32xi32>
    %max3A_45 = arith.maxsi %max3A_44, %convert_element_type3A_43 : vector<8x32xi32>
    %min3A = arith.constant 15 : i32
    %min3A_46 = vector.broadcast %min3A : i32 to vector<8x32xi32>
    %min3A_47 = arith.minsi %max3A_45, %min3A_46 : vector<8x32xi32>
    %div3A_48 = arith.constant 4.000000e+00 : f32
    %div3A_49 = vector.broadcast %div3A_48 : f32 to vector<8x32xf32>
    %div3A_50 = arith.divf %div3A_29, %div3A_49 : vector<8x32xf32>
    %round3A_51 = math.roundeven %div3A_50 : vector<8x32xf32>
    %convert_element_type3A_52 = arith.fptosi %round3A_51 : vector<8x32xf32> to vector<8x32xi32>
    %max3A_53 = arith.constant 0 : i32
    %max3A_54 = vector.broadcast %max3A_53 : i32 to vector<8x32xi32>
    %max3A_55 = arith.maxsi %max3A_54, %convert_element_type3A_52 : vector<8x32xi32>
    %min3A_56 = arith.constant 15 : i32
    %min3A_57 = vector.broadcast %min3A_56 : i32 to vector<8x32xi32>
    %min3A_58 = arith.minsi %max3A_55, %min3A_57 : vector<8x32xi32>
    %broadcast_in_dim3A = arith.constant 0.055555556 : f32
    %broadcast_in_dim3A_59 = vector.broadcast %broadcast_in_dim3A : f32 to vector<8x32xf32>
    %broadcast_in_dim3A_60 = arith.constant 0.055555556 : f32
    %broadcast_in_dim3A_61 = vector.broadcast %broadcast_in_dim3A_60 : f32 to vector<8x32xf32>
    %eq3A = arith.constant 1 : i32
    %eq3A_62 = vector.broadcast %eq3A : i32 to vector<8x32xi32>
    %eq3A_63 = arith.cmpi eq, %min3A_47, %eq3A_62 : vector<8x32xi32>
    %jit3A = arith.constant 5.000000e-01 : f32
    %broadcast_in_dim3A_64 = vector.broadcast %jit3A : f32 to vector<8x32xf32>
    %select_n3A = arith.select %eq3A_63, %broadcast_in_dim3A_64, %broadcast_in_dim3A_59 : vector<8x32xi1>, vector<8x32xf32>
    %eq3A_65 = arith.constant 1 : i32
    %eq3A_66 = vector.broadcast %eq3A_65 : i32 to vector<8x32xi32>
    %eq3A_67 = arith.cmpi eq, %min3A_58, %eq3A_66 : vector<8x32xi32>
    %jit3A_68 = arith.constant 5.000000e-01 : f32
    %broadcast_in_dim3A_69 = vector.broadcast %jit3A_68 : f32 to vector<8x32xf32>
    %select_n3A_70 = arith.select %eq3A_67, %broadcast_in_dim3A_69, %broadcast_in_dim3A_61 : vector<8x32xi1>, vector<8x32xf32>
    %eq3A_71 = arith.constant 2 : i32
    %eq3A_72 = vector.broadcast %eq3A_71 : i32 to vector<8x32xi32>
    %eq3A_73 = arith.cmpi eq, %min3A_47, %eq3A_72 : vector<8x32xi32>
    %jit3A_74 = arith.constant 1.38888884 : f32
    %broadcast_in_dim3A_75 = vector.broadcast %jit3A_74 : f32 to vector<8x32xf32>
    %select_n3A_76 = arith.select %eq3A_73, %broadcast_in_dim3A_75, %select_n3A : vector<8x32xi1>, vector<8x32xf32>
    %eq3A_77 = arith.constant 2 : i32
    %eq3A_78 = vector.broadcast %eq3A_77 : i32 to vector<8x32xi32>
    %eq3A_79 = arith.cmpi eq, %min3A_58, %eq3A_78 : vector<8x32xi32>
    %jit3A_80 = arith.constant 1.38888884 : f32
    %broadcast_in_dim3A_81 = vector.broadcast %jit3A_80 : f32 to vector<8x32xf32>
    %select_n3A_82 = arith.select %eq3A_79, %broadcast_in_dim3A_81, %select_n3A_70 : vector<8x32xi1>, vector<8x32xf32>
    %eq3A_83 = arith.constant 3 : i32
    %eq3A_84 = vector.broadcast %eq3A_83 : i32 to vector<8x32xi32>
    %eq3A_85 = arith.cmpi eq, %min3A_47, %eq3A_84 : vector<8x32xi32>
    %jit3A_86 = arith.constant 2.72222233 : f32
    %broadcast_in_dim3A_87 = vector.broadcast %jit3A_86 : f32 to vector<8x32xf32>
    %select_n3A_88 = arith.select %eq3A_85, %broadcast_in_dim3A_87, %select_n3A_76 : vector<8x32xi1>, vector<8x32xf32>
    %eq3A_89 = arith.constant 3 : i32
    %eq3A_90 = vector.broadcast %eq3A_89 : i32 to vector<8x32xi32>
    %eq3A_91 = arith.cmpi eq, %min3A_58, %eq3A_90 : vector<8x32xi32>
    %jit3A_92 = arith.constant 2.72222233 : f32
    %broadcast_in_dim3A_93 = vector.broadcast %jit3A_92 : f32 to vector<8x32xf32>
    %select_n3A_94 = arith.select %eq3A_91, %broadcast_in_dim3A_93, %select_n3A_82 : vector<8x32xi1>, vector<8x32xf32>
    %eq3A_95 = arith.constant 4 : i32
    %eq3A_96 = vector.broadcast %eq3A_95 : i32 to vector<8x32xi32>
    %eq3A_97 = arith.cmpi eq, %min3A_47, %eq3A_96 : vector<8x32xi32>
    %jit3A_98 = arith.constant 4.500000e+00 : f32
    %broadcast_in_dim3A_99 = vector.broadcast %jit3A_98 : f32 to vector<8x32xf32>
    %select_n3A_100 = arith.select %eq3A_97, %broadcast_in_dim3A_99, %select_n3A_88 : vector<8x32xi1>, vector<8x32xf32>
    %eq3A_101 = arith.constant 4 : i32
    %eq3A_102 = vector.broadcast %eq3A_101 : i32 to vector<8x32xi32>
    %eq3A_103 = arith.cmpi eq, %min3A_58, %eq3A_102 : vector<8x32xi32>
    %jit3A_104 = arith.constant 4.500000e+00 : f32
    %broadcast_in_dim3A_105 = vector.broadcast %jit3A_104 : f32 to vector<8x32xf32>
    %select_n3A_106 = arith.select %eq3A_103, %broadcast_in_dim3A_105, %select_n3A_94 : vector<8x32xi1>, vector<8x32xf32>
    %eq3A_107 = arith.constant 5 : i32
    %eq3A_108 = vector.broadcast %eq3A_107 : i32 to vector<8x32xi32>
    %eq3A_109 = arith.cmpi eq, %min3A_47, %eq3A_108 : vector<8x32xi32>
    %jit3A_110 = arith.constant 6.72222232 : f32
    %broadcast_in_dim3A_111 = vector.broadcast %jit3A_110 : f32 to vector<8x32xf32>
    %select_n3A_112 = arith.select %eq3A_109, %broadcast_in_dim3A_111, %select_n3A_100 : vector<8x32xi1>, vector<8x32xf32>
    %eq3A_113 = arith.constant 5 : i32
    %eq3A_114 = vector.broadcast %eq3A_113 : i32 to vector<8x32xi32>
    %eq3A_115 = arith.cmpi eq, %min3A_58, %eq3A_114 : vector<8x32xi32>
    %jit3A_116 = arith.constant 6.72222232 : f32
    %broadcast_in_dim3A_117 = vector.broadcast %jit3A_116 : f32 to vector<8x32xf32>
    %select_n3A_118 = arith.select %eq3A_115, %broadcast_in_dim3A_117, %select_n3A_106 : vector<8x32xi1>, vector<8x32xf32>
    %eq3A_119 = arith.constant 6 : i32
    %eq3A_120 = vector.broadcast %eq3A_119 : i32 to vector<8x32xi32>
    %eq3A_121 = arith.cmpi eq, %min3A_47, %eq3A_120 : vector<8x32xi32>
    %jit3A_122 = arith.constant 9.38888931 : f32
    %broadcast_in_dim3A_123 = vector.broadcast %jit3A_122 : f32 to vector<8x32xf32>
    %select_n3A_124 = arith.select %eq3A_121, %broadcast_in_dim3A_123, %select_n3A_112 : vector<8x32xi1>, vector<8x32xf32>
    %eq3A_125 = arith.constant 6 : i32
    %eq3A_126 = vector.broadcast %eq3A_125 : i32 to vector<8x32xi32>
    %eq3A_127 = arith.cmpi eq, %min3A_58, %eq3A_126 : vector<8x32xi32>
    %jit3A_128 = arith.constant 9.38888931 : f32
    %broadcast_in_dim3A_129 = vector.broadcast %jit3A_128 : f32 to vector<8x32xf32>
    %select_n3A_130 = arith.select %eq3A_127, %broadcast_in_dim3A_129, %select_n3A_118 : vector<8x32xi1>, vector<8x32xf32>
    %eq3A_131 = arith.constant 7 : i32
    %eq3A_132 = vector.broadcast %eq3A_131 : i32 to vector<8x32xi32>
    %eq3A_133 = arith.cmpi eq, %min3A_47, %eq3A_132 : vector<8x32xi32>
    %jit3A_134 = arith.constant 1.250000e+01 : f32
    %broadcast_in_dim3A_135 = vector.broadcast %jit3A_134 : f32 to vector<8x32xf32>
    %select_n3A_136 = arith.select %eq3A_133, %broadcast_in_dim3A_135, %select_n3A_124 : vector<8x32xi1>, vector<8x32xf32>
    %eq3A_137 = arith.constant 7 : i32
    %eq3A_138 = vector.broadcast %eq3A_137 : i32 to vector<8x32xi32>
    %eq3A_139 = arith.cmpi eq, %min3A_58, %eq3A_138 : vector<8x32xi32>
    %jit3A_140 = arith.constant 1.250000e+01 : f32
    %broadcast_in_dim3A_141 = vector.broadcast %jit3A_140 : f32 to vector<8x32xf32>
    %select_n3A_142 = arith.select %eq3A_139, %broadcast_in_dim3A_141, %select_n3A_130 : vector<8x32xi1>, vector<8x32xf32>
    %eq3A_143 = arith.constant 8 : i32
    %eq3A_144 = vector.broadcast %eq3A_143 : i32 to vector<8x32xi32>
    %eq3A_145 = arith.cmpi eq, %min3A_47, %eq3A_144 : vector<8x32xi32>
    %jit3A_146 = arith.constant 16.0555553 : f32
    %broadcast_in_dim3A_147 = vector.broadcast %jit3A_146 : f32 to vector<8x32xf32>
    %select_n3A_148 = arith.select %eq3A_145, %broadcast_in_dim3A_147, %select_n3A_136 : vector<8x32xi1>, vector<8x32xf32>
    %eq3A_149 = arith.constant 8 : i32
    %eq3A_150 = vector.broadcast %eq3A_149 : i32 to vector<8x32xi32>
    %eq3A_151 = arith.cmpi eq, %min3A_58, %eq3A_150 : vector<8x32xi32>
    %jit3A_152 = arith.constant 16.0555553 : f32
    %broadcast_in_dim3A_153 = vector.broadcast %jit3A_152 : f32 to vector<8x32xf32>
    %select_n3A_154 = arith.select %eq3A_151, %broadcast_in_dim3A_153, %select_n3A_142 : vector<8x32xi1>, vector<8x32xf32>
    %eq3A_155 = arith.constant 9 : i32
    %eq3A_156 = vector.broadcast %eq3A_155 : i32 to vector<8x32xi32>
    %eq3A_157 = arith.cmpi eq, %min3A_47, %eq3A_156 : vector<8x32xi32>
    %jit3A_158 = arith.constant 20.0555553 : f32
    %broadcast_in_dim3A_159 = vector.broadcast %jit3A_158 : f32 to vector<8x32xf32>
    %select_n3A_160 = arith.select %eq3A_157, %broadcast_in_dim3A_159, %select_n3A_148 : vector<8x32xi1>, vector<8x32xf32>
    %eq3A_161 = arith.constant 9 : i32
    %eq3A_162 = vector.broadcast %eq3A_161 : i32 to vector<8x32xi32>
    %eq3A_163 = arith.cmpi eq, %min3A_58, %eq3A_162 : vector<8x32xi32>
    %jit3A_164 = arith.constant 20.0555553 : f32
    %broadcast_in_dim3A_165 = vector.broadcast %jit3A_164 : f32 to vector<8x32xf32>
    %select_n3A_166 = arith.select %eq3A_163, %broadcast_in_dim3A_165, %select_n3A_154 : vector<8x32xi1>, vector<8x32xf32>
    %eq3A_167 = arith.constant 10 : i32
    %eq3A_168 = vector.broadcast %eq3A_167 : i32 to vector<8x32xi32>
    %eq3A_169 = arith.cmpi eq, %min3A_47, %eq3A_168 : vector<8x32xi32>
    %jit3A_170 = arith.constant 2.450000e+01 : f32
    %broadcast_in_dim3A_171 = vector.broadcast %jit3A_170 : f32 to vector<8x32xf32>
    %select_n3A_172 = arith.select %eq3A_169, %broadcast_in_dim3A_171, %select_n3A_160 : vector<8x32xi1>, vector<8x32xf32>
    %eq3A_173 = arith.constant 10 : i32
    %eq3A_174 = vector.broadcast %eq3A_173 : i32 to vector<8x32xi32>
    %eq3A_175 = arith.cmpi eq, %min3A_58, %eq3A_174 : vector<8x32xi32>
    %jit3A_176 = arith.constant 2.450000e+01 : f32
    %broadcast_in_dim3A_177 = vector.broadcast %jit3A_176 : f32 to vector<8x32xf32>
    %select_n3A_178 = arith.select %eq3A_175, %broadcast_in_dim3A_177, %select_n3A_166 : vector<8x32xi1>, vector<8x32xf32>
    %eq3A_179 = arith.constant 11 : i32
    %eq3A_180 = vector.broadcast %eq3A_179 : i32 to vector<8x32xi32>
    %eq3A_181 = arith.cmpi eq, %min3A_47, %eq3A_180 : vector<8x32xi32>
    %jit3A_182 = arith.constant 29.3888893 : f32
    %broadcast_in_dim3A_183 = vector.broadcast %jit3A_182 : f32 to vector<8x32xf32>
    %select_n3A_184 = arith.select %eq3A_181, %broadcast_in_dim3A_183, %select_n3A_172 : vector<8x32xi1>, vector<8x32xf32>
    %eq3A_185 = arith.constant 11 : i32
    %eq3A_186 = vector.broadcast %eq3A_185 : i32 to vector<8x32xi32>
    %eq3A_187 = arith.cmpi eq, %min3A_58, %eq3A_186 : vector<8x32xi32>
    %jit3A_188 = arith.constant 29.3888893 : f32
    %broadcast_in_dim3A_189 = vector.broadcast %jit3A_188 : f32 to vector<8x32xf32>
    %select_n3A_190 = arith.select %eq3A_187, %broadcast_in_dim3A_189, %select_n3A_178 : vector<8x32xi1>, vector<8x32xf32>
    %eq3A_191 = arith.constant 12 : i32
    %eq3A_192 = vector.broadcast %eq3A_191 : i32 to vector<8x32xi32>
    %eq3A_193 = arith.cmpi eq, %min3A_47, %eq3A_192 : vector<8x32xi32>
    %jit3A_194 = arith.constant 34.7222214 : f32
    %broadcast_in_dim3A_195 = vector.broadcast %jit3A_194 : f32 to vector<8x32xf32>
    %select_n3A_196 = arith.select %eq3A_193, %broadcast_in_dim3A_195, %select_n3A_184 : vector<8x32xi1>, vector<8x32xf32>
    %eq3A_197 = arith.constant 12 : i32
    %eq3A_198 = vector.broadcast %eq3A_197 : i32 to vector<8x32xi32>
    %eq3A_199 = arith.cmpi eq, %min3A_58, %eq3A_198 : vector<8x32xi32>
    %jit3A_200 = arith.constant 34.7222214 : f32
    %broadcast_in_dim3A_201 = vector.broadcast %jit3A_200 : f32 to vector<8x32xf32>
    %select_n3A_202 = arith.select %eq3A_199, %broadcast_in_dim3A_201, %select_n3A_190 : vector<8x32xi1>, vector<8x32xf32>
    %eq3A_203 = arith.constant 13 : i32
    %eq3A_204 = vector.broadcast %eq3A_203 : i32 to vector<8x32xi32>
    %eq3A_205 = arith.cmpi eq, %min3A_47, %eq3A_204 : vector<8x32xi32>
    %jit3A_206 = arith.constant 4.050000e+01 : f32
    %broadcast_in_dim3A_207 = vector.broadcast %jit3A_206 : f32 to vector<8x32xf32>
    %select_n3A_208 = arith.select %eq3A_205, %broadcast_in_dim3A_207, %select_n3A_196 : vector<8x32xi1>, vector<8x32xf32>
    %eq3A_209 = arith.constant 13 : i32
    %eq3A_210 = vector.broadcast %eq3A_209 : i32 to vector<8x32xi32>
    %eq3A_211 = arith.cmpi eq, %min3A_58, %eq3A_210 : vector<8x32xi32>
    %jit3A_212 = arith.constant 4.050000e+01 : f32
    %broadcast_in_dim3A_213 = vector.broadcast %jit3A_212 : f32 to vector<8x32xf32>
    %select_n3A_214 = arith.select %eq3A_211, %broadcast_in_dim3A_213, %select_n3A_202 : vector<8x32xi1>, vector<8x32xf32>
    %eq3A_215 = arith.constant 14 : i32
    %eq3A_216 = vector.broadcast %eq3A_215 : i32 to vector<8x32xi32>
    %eq3A_217 = arith.cmpi eq, %min3A_47, %eq3A_216 : vector<8x32xi32>
    %jit3A_218 = arith.constant 46.7222214 : f32
    %broadcast_in_dim3A_219 = vector.broadcast %jit3A_218 : f32 to vector<8x32xf32>
    %select_n3A_220 = arith.select %eq3A_217, %broadcast_in_dim3A_219, %select_n3A_208 : vector<8x32xi1>, vector<8x32xf32>
    %eq3A_221 = arith.constant 14 : i32
    %eq3A_222 = vector.broadcast %eq3A_221 : i32 to vector<8x32xi32>
    %eq3A_223 = arith.cmpi eq, %min3A_58, %eq3A_222 : vector<8x32xi32>
    %jit3A_224 = arith.constant 46.7222214 : f32
    %broadcast_in_dim3A_225 = vector.broadcast %jit3A_224 : f32 to vector<8x32xf32>
    %select_n3A_226 = arith.select %eq3A_223, %broadcast_in_dim3A_225, %select_n3A_214 : vector<8x32xi1>, vector<8x32xf32>
    %eq3A_227 = arith.constant 15 : i32
    %eq3A_228 = vector.broadcast %eq3A_227 : i32 to vector<8x32xi32>
    %eq3A_229 = arith.cmpi eq, %min3A_47, %eq3A_228 : vector<8x32xi32>
    %jit3A_230 = arith.constant 53.3888893 : f32
    %broadcast_in_dim3A_231 = vector.broadcast %jit3A_230 : f32 to vector<8x32xf32>
    %select_n3A_232 = arith.select %eq3A_229, %broadcast_in_dim3A_231, %select_n3A_220 : vector<8x32xi1>, vector<8x32xf32>
    %eq3A_233 = arith.constant 15 : i32
    %eq3A_234 = vector.broadcast %eq3A_233 : i32 to vector<8x32xi32>
    %eq3A_235 = arith.cmpi eq, %min3A_58, %eq3A_234 : vector<8x32xi32>
    %jit3A_236 = arith.constant 53.3888893 : f32
    %broadcast_in_dim3A_237 = vector.broadcast %jit3A_236 : f32 to vector<8x32xf32>
    %select_n3A_238 = arith.select %eq3A_235, %broadcast_in_dim3A_237, %select_n3A_226 : vector<8x32xi1>, vector<8x32xf32>
    %get3A_239 = arith.constant 0 : index
    %get3A_240 = arith.constant 0 : index
    %get3A_241 = vector.load %arg1[%get3A_239, %get3A_240] : memref<8x32xi32, #tpu.memory_space<vmem>>, vector<8x32xi32>
    %broadcast_in_dim3A_242 = vector.shape_cast %get3A_241 : vector<8x32xi32> to vector<8x32x1xi32>
    %broadcast_in_dim3A_243 = vector.shape_cast %get3A_241 : vector<8x32xi32> to vector<8x1x32xi32>
    %eq3A_244 = vector.broadcast %broadcast_in_dim3A_242 : vector<8x32x1xi32> to vector<8x32x32xi32>
    %eq3A_245 = vector.broadcast %broadcast_in_dim3A_243 : vector<8x1x32xi32> to vector<8x32x32xi32>
    %eq3A_246 = arith.cmpi eq, %eq3A_244, %eq3A_245 : vector<8x32x32xi32>
    %iota3A = tpu.iota {dimensions = array<i32: 2>} : vector<8x32x32xi32>
    %jit3A_247 = arith.constant 32 : i32
    %broadcast_in_dim3A_248 = vector.broadcast %jit3A_247 : i32 to vector<8x32x32xi32>
    %select_n3A_249 = arith.select %eq3A_246, %iota3A, %broadcast_in_dim3A_248 : vector<8x32x32xi1>, vector<8x32x32xi32>
    %reduce_min3A = arith.constant dense<2147483647> : vector<8x32xi32>
    %reduce_min3A_250 = vector.multi_reduction <minsi>, %select_n3A_249, %reduce_min3A [2] : vector<8x32x32xi32> to vector<8x32xi32>
    %sub3A = arith.constant 15 : i32
    %sub3A_251 = vector.broadcast %sub3A : i32 to vector<8x32xi32>
    %sub3A_252 = arith.subi %convert_element_type3A_38, %sub3A_251 : vector<8x32xi32>
    %jit3A_253 = arith.constant 8 : i32
    %div3A_254 = vector.broadcast %jit3A_253 : i32 to vector<8x32xi32>
    %div3A_255 = arith.divsi %sub3A_252, %div3A_254 : vector<8x32xi32>
    %sign3A = arith.constant 0 : i32
    %sign3A_256 = vector.broadcast %sign3A : i32 to vector<8x32xi32>
    %sign3A_257 = arith.cmpi sgt, %sub3A_252, %sign3A_256 : vector<8x32xi32>
    %sign3A_258 = arith.extui %sign3A_257 : vector<8x32xi1> to vector<8x32xi32>
    %sign3A_259 = arith.constant 0 : i32
    %sign3A_260 = vector.broadcast %sign3A_259 : i32 to vector<8x32xi32>
    %sign3A_261 = arith.cmpi slt, %sub3A_252, %sign3A_260 : vector<8x32xi32>
    %sign3A_262 = arith.extui %sign3A_261 : vector<8x32xi1> to vector<8x32xi32>
    %sign3A_263 = arith.subi %sign3A_258, %sign3A_262 : vector<8x32xi32>
    %sign3A_264 = arith.constant 0 : i32
    %sign3A_265 = arith.cmpi sgt, %jit3A_253, %sign3A_264 : i32
    %sign3A_266 = arith.extui %sign3A_265 : i1 to i32
    %sign3A_267 = arith.constant 0 : i32
    %sign3A_268 = arith.cmpi slt, %jit3A_253, %sign3A_267 : i32
    %sign3A_269 = arith.extui %sign3A_268 : i1 to i32
    %sign3A_270 = arith.subi %sign3A_266, %sign3A_269 : i32
    %ne3A = vector.broadcast %sign3A_270 : i32 to vector<8x32xi32>
    %ne3A_271 = arith.cmpi ne, %sign3A_263, %ne3A : vector<8x32xi32>
    %rem3A = vector.broadcast %jit3A_253 : i32 to vector<8x32xi32>
    %rem3A_272 = arith.remsi %sub3A_252, %rem3A : vector<8x32xi32>
    %ne3A_273 = arith.constant 0 : i32
    %ne3A_274 = vector.broadcast %ne3A_273 : i32 to vector<8x32xi32>
    %ne3A_275 = arith.cmpi ne, %rem3A_272, %ne3A_274 : vector<8x32xi32>
    %and3A = arith.andi %ne3A_271, %ne3A_275 : vector<8x32xi1>
    %sub3A_276 = arith.constant 1 : i32
    %sub3A_277 = vector.broadcast %sub3A_276 : i32 to vector<8x32xi32>
    %sub3A_278 = arith.subi %div3A_255, %sub3A_277 : vector<8x32xi32>
    %select_n3A_279 = arith.select %and3A, %sub3A_278, %div3A_255 : vector<8x32xi1>, vector<8x32xi32>
    %mul3A = arith.constant 8 : i32
    %mul3A_280 = vector.broadcast %mul3A : i32 to vector<8x32xi32>
    %mul3A_281 = arith.muli %mul3A_280, %select_n3A_279 : vector<8x32xi32>
    %jit3A_282 = arith.constant 0 : i32
    %jit3A_283 = arith.constant 88 : i32
    %max3A_284 = vector.broadcast %jit3A_282 : i32 to vector<8x32xi32>
    %max3A_285 = arith.maxsi %max3A_284, %mul3A_281 : vector<8x32xi32>
    %min3A_286 = vector.broadcast %jit3A_283 : i32 to vector<8x32xi32>
    %min3A_287 = arith.minsi %min3A_286, %max3A_285 : vector<8x32xi32>
    %swap3A = arith.constant 0 : index
    %swap3A_288 = arith.constant 0 : index
    %swap3A_289 = arith.constant 0 : index
    %swap3A_290 = vector.load %arg2[%swap3A, %swap3A_288, %swap3A_289] : memref<7x8x32xi32, #tpu.memory_space<vmem>>, vector<1x8x32xi32>
    %swap3A_291 = vector.shape_cast %swap3A_290 : vector<1x8x32xi32> to vector<8x32xi32>
    %swap3A_292 = vector.shape_cast %reduce_min3A_250 : vector<8x32xi32> to vector<1x8x32xi32>
    tpu.vector_store %arg2[%swap3A, %swap3A_288, %swap3A_289], %swap3A_292 {strides = array<i32>} : memref<7x8x32xi32, #tpu.memory_space<vmem>>, vector<1x8x32xi32>,
    %swap3A_293 = arith.constant 1 : index
    %swap3A_294 = arith.constant 0 : index
    %swap3A_295 = arith.constant 0 : index
    %swap3A_296 = vector.load %arg2[%swap3A_293, %swap3A_294, %swap3A_295] : memref<7x8x32xi32, #tpu.memory_space<vmem>>, vector<1x8x32xi32>
    %swap3A_297 = vector.shape_cast %swap3A_296 : vector<1x8x32xi32> to vector<8x32xi32>
    %swap3A_298 = vector.shape_cast %min3A_287 : vector<8x32xi32> to vector<1x8x32xi32>
    tpu.vector_store %arg2[%swap3A_293, %swap3A_294, %swap3A_295], %swap3A_298 {strides = array<i32>} : memref<7x8x32xi32, #tpu.memory_space<vmem>>, vector<1x8x32xi32>,
    %swap3A_299 = arith.constant 2 : index
    %swap3A_300 = arith.constant 0 : index
    %swap3A_301 = arith.constant 0 : index
    %swap3A_302 = vector.load %arg2[%swap3A_299, %swap3A_300, %swap3A_301] : memref<7x8x32xi32, #tpu.memory_space<vmem>>, vector<1x8x32xi32>
    %swap3A_303 = vector.shape_cast %swap3A_302 : vector<1x8x32xi32> to vector<8x32xi32>
    %swap3A_304 = vector.shape_cast %convert_element_type3A : vector<8x32xi32> to vector<1x8x32xi32>
    tpu.vector_store %arg2[%swap3A_299, %swap3A_300, %swap3A_301], %swap3A_304 {strides = array<i32>} : memref<7x8x32xi32, #tpu.memory_space<vmem>>, vector<1x8x32xi32>,
    %swap3A_305 = arith.constant 3 : index
    %swap3A_306 = arith.constant 0 : index
    %swap3A_307 = arith.constant 0 : index
    %swap3A_308 = vector.load %arg2[%swap3A_305, %swap3A_306, %swap3A_307] : memref<7x8x32xi32, #tpu.memory_space<vmem>>, vector<1x8x32xi32>
    %swap3A_309 = vector.shape_cast %swap3A_308 : vector<1x8x32xi32> to vector<8x32xi32>
    %swap3A_310 = vector.shape_cast %convert_element_type3A_38 : vector<8x32xi32> to vector<1x8x32xi32>
    tpu.vector_store %arg2[%swap3A_305, %swap3A_306, %swap3A_307], %swap3A_310 {strides = array<i32>} : memref<7x8x32xi32, #tpu.memory_space<vmem>>, vector<1x8x32xi32>,
    %swap3A_311 = arith.constant 4 : index
    %swap3A_312 = arith.constant 0 : index
    %swap3A_313 = arith.constant 0 : index
    %swap3A_314 = vector.load %arg2[%swap3A_311, %swap3A_312, %swap3A_313] : memref<7x8x32xi32, #tpu.memory_space<vmem>>, vector<1x8x32xi32>
    %swap3A_315 = vector.shape_cast %swap3A_314 : vector<1x8x32xi32> to vector<8x32xi32>
    %swap3A_316 = vector.shape_cast %min3A_47 : vector<8x32xi32> to vector<1x8x32xi32>
    tpu.vector_store %arg2[%swap3A_311, %swap3A_312, %swap3A_313], %swap3A_316 {strides = array<i32>} : memref<7x8x32xi32, #tpu.memory_space<vmem>>, vector<1x8x32xi32>,
    %swap3A_317 = arith.constant 5 : index
    %swap3A_318 = arith.constant 0 : index
    %swap3A_319 = arith.constant 0 : index
    %swap3A_320 = vector.load %arg2[%swap3A_317, %swap3A_318, %swap3A_319] : memref<7x8x32xi32, #tpu.memory_space<vmem>>, vector<1x8x32xi32>
    %swap3A_321 = vector.shape_cast %swap3A_320 : vector<1x8x32xi32> to vector<8x32xi32>
    %swap3A_322 = vector.shape_cast %min3A_58 : vector<8x32xi32> to vector<1x8x32xi32>
    tpu.vector_store %arg2[%swap3A_317, %swap3A_318, %swap3A_319], %swap3A_322 {strides = array<i32>} : memref<7x8x32xi32, #tpu.memory_space<vmem>>, vector<1x8x32xi32>,
    %swap3A_323 = arith.constant 6 : index
    %swap3A_324 = arith.constant 0 : index
    %swap3A_325 = arith.constant 0 : index
    %swap3A_326 = vector.load %arg2[%swap3A_323, %swap3A_324, %swap3A_325] : memref<7x8x32xi32, #tpu.memory_space<vmem>>, vector<1x8x32xi32>
    %swap3A_327 = vector.shape_cast %swap3A_326 : vector<1x8x32xi32> to vector<8x32xi32>
    %swap3A_328 = vector.shape_cast %get3A_241 : vector<8x32xi32> to vector<1x8x32xi32>
    tpu.vector_store %arg2[%swap3A_323, %swap3A_324, %swap3A_325], %swap3A_328 {strides = array<i32>} : memref<7x8x32xi32, #tpu.memory_space<vmem>>, vector<1x8x32xi32>,
    %swap3A_329 = arith.constant 0 : index
    %swap3A_330 = arith.constant 0 : index
    %swap3A_331 = arith.constant 0 : index
    %swap3A_332 = vector.load %arg3[%swap3A_329, %swap3A_330, %swap3A_331] : memref<2x8x32xf32, #tpu.memory_space<vmem>>, vector<1x8x32xf32>
    %swap3A_333 = vector.shape_cast %swap3A_332 : vector<1x8x32xf32> to vector<8x32xf32>
    %swap3A_334 = vector.shape_cast %select_n3A_232 : vector<8x32xf32> to vector<1x8x32xf32>
    tpu.vector_store %arg3[%swap3A_329, %swap3A_330, %swap3A_331], %swap3A_334 {strides = array<i32>} : memref<2x8x32xf32, #tpu.memory_space<vmem>>, vector<1x8x32xf32>,
    %swap3A_335 = arith.constant 1 : index
    %swap3A_336 = arith.constant 0 : index
    %swap3A_337 = arith.constant 0 : index
    %swap3A_338 = vector.load %arg3[%swap3A_335, %swap3A_336, %swap3A_337] : memref<2x8x32xf32, #tpu.memory_space<vmem>>, vector<1x8x32xf32>
    %swap3A_339 = vector.shape_cast %swap3A_338 : vector<1x8x32xf32> to vector<8x32xf32>
    %swap3A_340 = vector.shape_cast %select_n3A_238 : vector<8x32xf32> to vector<1x8x32xf32>
    tpu.vector_store %arg3[%swap3A_335, %swap3A_336, %swap3A_337], %swap3A_340 {strides = array<i32>} : memref<2x8x32xf32, #tpu.memory_space<vmem>>, vector<1x8x32xf32>,
    %iota3A_341 = tpu.iota {dimensions = array<i32: 1>} : vector<1x16xi32>
    %iota3A_342 = vector.shape_cast %iota3A_341 : vector<1x16xi32> to vector<16xi32>
    %jit3A_343 = arith.constant 3 : i32
    %div3A_344 = vector.broadcast %jit3A_343 : i32 to vector<16xi32>
    %div3A_345 = arith.divsi %iota3A_342, %div3A_344 : vector<16xi32>
    %sign3A_346 = arith.constant 0 : i32
    %sign3A_347 = vector.broadcast %sign3A_346 : i32 to vector<16xi32>
    %sign3A_348 = arith.cmpi sgt, %iota3A_342, %sign3A_347 : vector<16xi32>
    %sign3A_349 = arith.extui %sign3A_348 : vector<16xi1> to vector<16xi32>
    %sign3A_350 = arith.constant 0 : i32
    %sign3A_351 = vector.broadcast %sign3A_350 : i32 to vector<16xi32>
    %sign3A_352 = arith.cmpi slt, %iota3A_342, %sign3A_351 : vector<16xi32>
    %sign3A_353 = arith.extui %sign3A_352 : vector<16xi1> to vector<16xi32>
    %sign3A_354 = arith.subi %sign3A_349, %sign3A_353 : vector<16xi32>
    %sign3A_355 = arith.constant 0 : i32
    %sign3A_356 = arith.cmpi sgt, %jit3A_343, %sign3A_355 : i32
    %sign3A_357 = arith.extui %sign3A_356 : i1 to i32
    %sign3A_358 = arith.constant 0 : i32
    %sign3A_359 = arith.cmpi slt, %jit3A_343, %sign3A_358 : i32
    %sign3A_360 = arith.extui %sign3A_359 : i1 to i32
    %sign3A_361 = arith.subi %sign3A_357, %sign3A_360 : i32
    %ne3A_362 = vector.broadcast %sign3A_361 : i32 to vector<16xi32>
    %ne3A_363 = arith.cmpi ne, %sign3A_354, %ne3A_362 : vector<16xi32>
    %rem3A_364 = vector.broadcast %jit3A_343 : i32 to vector<16xi32>
    %rem3A_365 = arith.remsi %iota3A_342, %rem3A_364 : vector<16xi32>
    %ne3A_366 = arith.constant 0 : i32
    %ne3A_367 = vector.broadcast %ne3A_366 : i32 to vector<16xi32>
    %ne3A_368 = arith.cmpi ne, %rem3A_365, %ne3A_367 : vector<16xi32>
    %and3A_369 = arith.andi %ne3A_363, %ne3A_368 : vector<16xi1>
    %sub3A_370 = arith.constant 1 : i32
    %sub3A_371 = vector.broadcast %sub3A_370 : i32 to vector<16xi32>
    %sub3A_372 = arith.subi %div3A_345, %sub3A_371 : vector<16xi32>
    %select_n3A_373 = arith.select %and3A_369, %sub3A_372, %div3A_345 : vector<16xi1>, vector<16xi32>
    %min3A_374 = arith.constant 4 : i32
    %min3A_375 = vector.broadcast %min3A_374 : i32 to vector<16xi32>
    %min3A_376 = arith.minsi %select_n3A_373, %min3A_375 : vector<16xi32>
    %sub3A_377 = arith.constant 1 : i32
    %sub3A_378 = vector.broadcast %sub3A_377 : i32 to vector<16xi32>
    %sub3A_379 = arith.subi %min3A_376, %sub3A_378 : vector<16xi32>
    %jit3A_380 = arith.constant 3 : i32
    %eq3A_381 = arith.constant 0 : i32
    %eq3A_382 = arith.cmpi eq, %jit3A_380, %eq3A_381 : i32
    %jit3A_383 = arith.constant 1 : i32
    %select_n3A_384 = arith.select %eq3A_382, %jit3A_383, %jit3A_380 : i32
    %rem3A_385 = vector.broadcast %select_n3A_384 : i32 to vector<16xi32>
    %rem3A_386 = arith.remsi %iota3A_342, %rem3A_385 : vector<16xi32>
    %ne3A_387 = arith.constant 0 : i32
    %ne3A_388 = vector.broadcast %ne3A_387 : i32 to vector<16xi32>
    %ne3A_389 = arith.cmpi ne, %rem3A_386, %ne3A_388 : vector<16xi32>
    %lt3A = arith.constant 0 : i32
    %lt3A_390 = vector.broadcast %lt3A : i32 to vector<16xi32>
    %lt3A_391 = arith.cmpi slt, %rem3A_386, %lt3A_390 : vector<16xi32>
    %lt3A_392 = arith.constant 0 : i32
    %lt3A_393 = arith.cmpi slt, %select_n3A_384, %lt3A_392 : i32
    %ne3A_394 = vector.broadcast %lt3A_393 : i1 to vector<16xi1>
    %ne3A_395 = vector.broadcast %ne3A_394 : vector<16xi1> to vector<16xi1>
    %ne3A_396 = arith.xori %lt3A_391, %ne3A_395 : vector<16xi1>
    %and3A_397 = arith.andi %ne3A_396, %ne3A_389 : vector<16xi1>
    %add3A_398 = vector.broadcast %select_n3A_384 : i32 to vector<16xi32>
    %add3A_399 = arith.addi %rem3A_386, %add3A_398 : vector<16xi32>
    %select_n3A_400 = arith.select %and3A_397, %add3A_399, %rem3A_386 : vector<16xi1>, vector<16xi32>
    %sub3A_401 = arith.constant 1 : i32
    %sub3A_402 = vector.broadcast %sub3A_401 : i32 to vector<16xi32>
    %sub3A_403 = arith.subi %select_n3A_400, %sub3A_402 : vector<16xi32>
    %broadcast_in_dim3A_404 = vector.shape_cast %convert_element_type3A : vector<8x32xi32> to vector<8x32x1xi32>
    %broadcast_in_dim3A_405 = vector.shape_cast %sub3A_379 : vector<16xi32> to vector<1x1x16xi32>
    %add3A_406 = vector.broadcast %broadcast_in_dim3A_404 : vector<8x32x1xi32> to vector<8x32x16xi32>
    %add3A_407 = vector.broadcast %broadcast_in_dim3A_405 : vector<1x1x16xi32> to vector<8x32x16xi32>
    %add3A_408 = arith.addi %add3A_406, %add3A_407 : vector<8x32x16xi32>
    %broadcast_in_dim3A_409 = vector.shape_cast %convert_element_type3A_38 : vector<8x32xi32> to vector<8x32x1xi32>
    %broadcast_in_dim3A_410 = vector.shape_cast %sub3A_403 : vector<16xi32> to vector<1x1x16xi32>
    %add3A_411 = vector.broadcast %broadcast_in_dim3A_409 : vector<8x32x1xi32> to vector<8x32x16xi32>
    %add3A_412 = vector.broadcast %broadcast_in_dim3A_410 : vector<1x1x16xi32> to vector<8x32x16xi32>
    %add3A_413 = arith.addi %add3A_411, %add3A_412 : vector<8x32x16xi32>
    %ge3A = arith.constant 0 : i32
    %ge3A_414 = vector.broadcast %ge3A : i32 to vector<8x32x16xi32>
    %ge3A_415 = arith.cmpi sge, %add3A_408, %ge3A_414 : vector<8x32x16xi32>
    %lt3A_416 = arith.constant 128 : i32
    %lt3A_417 = vector.broadcast %lt3A_416 : i32 to vector<8x32x16xi32>
    %lt3A_418 = arith.cmpi slt, %add3A_408, %lt3A_417 : vector<8x32x16xi32>
    %and3A_419 = arith.andi %ge3A_415, %lt3A_418 : vector<8x32x16xi1>
    %ge3A_420 = arith.constant 0 : i32
    %ge3A_421 = vector.broadcast %ge3A_420 : i32 to vector<8x32x16xi32>
    %ge3A_422 = arith.cmpi sge, %add3A_413, %ge3A_421 : vector<8x32x16xi32>
    %and3A_423 = arith.andi %and3A_419, %ge3A_422 : vector<8x32x16xi1>
    %lt3A_424 = arith.constant 128 : i32
    %lt3A_425 = vector.broadcast %lt3A_424 : i32 to vector<8x32x16xi32>
    %lt3A_426 = arith.cmpi slt, %add3A_413, %lt3A_425 : vector<8x32x16xi32>
    %and3A_427 = arith.andi %and3A_423, %lt3A_426 : vector<8x32x16xi1>
    %lt3A_428 = arith.constant 9 : i32
    %lt3A_429 = vector.broadcast %lt3A_428 : i32 to vector<16xi32>
    %lt3A_430 = arith.cmpi slt, %iota3A_342, %lt3A_429 : vector<16xi32>
    %broadcast_in_dim3A_431 = vector.shape_cast %lt3A_430 : vector<16xi1> to vector<1x1x16xi1>
    %and3A_432 = vector.broadcast %broadcast_in_dim3A_431 : vector<1x1x16xi1> to vector<8x32x16xi1>
    %and3A_433 = arith.andi %and3A_427, %and3A_432 : vector<8x32x16xi1>
    %jit3A_434 = arith.constant 0 : i32
    %jit3A_435 = arith.constant 127 : i32
    %max3A_436 = vector.broadcast %jit3A_434 : i32 to vector<8x32x16xi32>
    %max3A_437 = arith.maxsi %max3A_436, %add3A_413 : vector<8x32x16xi32>
    %min3A_438 = vector.broadcast %jit3A_435 : i32 to vector<8x32x16xi32>
    %min3A_439 = arith.minsi %min3A_438, %max3A_437 : vector<8x32x16xi32>
    %jit3A_440 = arith.constant 0 : i32
    %jit3A_441 = arith.constant 127 : i32
    %max3A_442 = vector.broadcast %jit3A_440 : i32 to vector<8x32x16xi32>
    %max3A_443 = arith.maxsi %max3A_442, %add3A_408 : vector<8x32x16xi32>
    %min3A_444 = vector.broadcast %jit3A_441 : i32 to vector<8x32x16xi32>
    %min3A_445 = arith.minsi %min3A_444, %max3A_443 : vector<8x32x16xi32>
    %iota3A_446 = tpu.iota {dimensions = array<i32: 0>} : vector<8x32x4x16xi32>
    %iota3A_447 = tpu.iota {dimensions = array<i32: 2>} : vector<8x32x4x16xi32>
    %mul3A_448 = arith.constant 4 : i32
    %mul3A_449 = vector.broadcast %mul3A_448 : i32 to vector<8x32x4x16xi32>
    %mul3A_450 = arith.muli %iota3A_446, %mul3A_449 : vector<8x32x4x16xi32>
    %add3A_451 = arith.addi %mul3A_450, %iota3A_447 : vector<8x32x4x16xi32>
    %mul3A_452 = arith.constant 128 : i32
    %mul3A_453 = vector.broadcast %mul3A_452 : i32 to vector<8x32x4x16xi32>
    %mul3A_454 = arith.muli %add3A_451, %mul3A_453 : vector<8x32x4x16xi32>
    %broadcast_in_dim3A_455 = vector.shape_cast %min3A_439 : vector<8x32x16xi32> to vector<8x32x1x16xi32>
    %add3A_456 = vector.broadcast %broadcast_in_dim3A_455 : vector<8x32x1x16xi32> to vector<8x32x4x16xi32>
    %add3A_457 = arith.addi %mul3A_454, %add3A_456 : vector<8x32x4x16xi32>
    %mul3A_458 = arith.constant 128 : i32
    %mul3A_459 = vector.broadcast %mul3A_458 : i32 to vector<8x32x4x16xi32>
    %mul3A_460 = arith.muli %add3A_457, %mul3A_459 : vector<8x32x4x16xi32>
    %broadcast_in_dim3A_461 = vector.shape_cast %min3A_445 : vector<8x32x16xi32> to vector<8x32x1x16xi32>
    %add3A_462 = vector.broadcast %broadcast_in_dim3A_461 : vector<8x32x1x16xi32> to vector<8x32x4x16xi32>
    %add3A_463 = arith.addi %mul3A_460, %add3A_462 : vector<8x32x4x16xi32>
    %swap3A_464 = arith.constant 0 : index
    %swap3A_465 = arith.constant 0 : index
    %swap3A_466 = arith.constant 0 : index
    %swap3A_467 = arith.constant 0 : index
    %swap3A_468 = vector.load %arg4[%swap3A_464, %swap3A_465, %swap3A_466, %swap3A_467] : memref<8x32x4x16xi32, #tpu.memory_space<vmem>>, vector<8x32x4x16xi32>
    tpu.vector_store %arg4[%swap3A_464, %swap3A_465, %swap3A_466, %swap3A_467], %add3A_463 {strides = array<i32>} : memref<8x32x4x16xi32, #tpu.memory_space<vmem>>, vector<8x32x4x16xi32>,
    %convert_element_type3A_469 = arith.sitofp %add3A_408 : vector<8x32x16xi32> to vector<8x32x16xf32>
    %mul3A_470 = arith.constant 4.000000e+00 : f32
    %mul3A_471 = vector.broadcast %mul3A_470 : f32 to vector<8x32x16xf32>
    %mul3A_472 = arith.mulf %convert_element_type3A_469, %mul3A_471 : vector<8x32x16xf32>
    %convert_element_type3A_473 = arith.sitofp %add3A_413 : vector<8x32x16xi32> to vector<8x32x16xf32>
    %mul3A_474 = arith.constant 4.000000e+00 : f32
    %mul3A_475 = vector.broadcast %mul3A_474 : f32 to vector<8x32x16xf32>
    %mul3A_476 = arith.mulf %convert_element_type3A_473, %mul3A_475 : vector<8x32x16xf32>
    %broadcast_in_dim3A_477 = vector.shape_cast %get3A_3 : vector<8x32xf32> to vector<8x32x1xf32>
    %sub3A_478 = vector.broadcast %broadcast_in_dim3A_477 : vector<8x32x1xf32> to vector<8x32x16xf32>
    %sub3A_479 = arith.subf %mul3A_472, %sub3A_478 : vector<8x32x16xf32>
    %broadcast_in_dim3A_480 = vector.shape_cast %get3A_8 : vector<8x32xf32> to vector<8x32x1xf32>
    %sub3A_481 = vector.broadcast %broadcast_in_dim3A_480 : vector<8x32x1xf32> to vector<8x32x16xf32>
    %sub3A_482 = arith.subf %mul3A_476, %sub3A_481 : vector<8x32x16xf32>
    %add3A_483 = arith.addf %get3A_3, %get3A_13 : vector<8x32xf32>
    %broadcast_in_dim3A_484 = vector.shape_cast %add3A_483 : vector<8x32xf32> to vector<8x32x1xf32>
    %sub3A_485 = vector.broadcast %broadcast_in_dim3A_484 : vector<8x32x1xf32> to vector<8x32x16xf32>
    %sub3A_486 = arith.subf %mul3A_472, %sub3A_485 : vector<8x32x16xf32>
    %add3A_487 = arith.addf %get3A_8, %get3A_18 : vector<8x32xf32>
    %broadcast_in_dim3A_488 = vector.shape_cast %add3A_487 : vector<8x32xf32> to vector<8x32x1xf32>
    %sub3A_489 = vector.broadcast %broadcast_in_dim3A_488 : vector<8x32x1xf32> to vector<8x32x16xf32>
    %sub3A_490 = arith.subf %mul3A_476, %sub3A_489 : vector<8x32x16xf32>
    %convert_element_type3A_491 = arith.extui %and3A_433 : vector<8x32x16xi1> to vector<8x32x16xi32>
    %convert_element_type3A_492 = arith.sitofp %convert_element_type3A_491 : vector<8x32x16xi32> to vector<8x32x16xf32>
    %stack3A = vector.shape_cast %sub3A_479 : vector<8x32x16xf32> to vector<8x32x1x16xf32>
    %stack3A_493 = vector.shape_cast %sub3A_482 : vector<8x32x16xf32> to vector<8x32x1x16xf32>
    %stack3A_494 = vector.shape_cast %sub3A_486 : vector<8x32x16xf32> to vector<8x32x1x16xf32>
    %stack3A_495 = vector.shape_cast %sub3A_490 : vector<8x32x16xf32> to vector<8x32x1x16xf32>
    %stack3A_496 = vector.shape_cast %convert_element_type3A_492 : vector<8x32x16xf32> to vector<8x32x1x16xf32>
    %stack3A_497 = tpu.concatenate %stack3A, %stack3A_493, %stack3A_494, %stack3A_495, %stack3A_496 in 2 : vector<8x32x1x16xf32>, vector<8x32x1x16xf32>, vector<8x32x1x16xf32>, vector<8x32x1x16xf32>, vector<8x32x1x16xf32> -> vector<8x32x5x16xf32>
    %swap3A_498 = arith.constant 0 : index
    %swap3A_499 = arith.constant 0 : index
    %swap3A_500 = arith.constant 0 : index
    %swap3A_501 = arith.constant 0 : index
    %swap3A_502 = vector.load %arg5[%swap3A_498, %swap3A_499, %swap3A_500, %swap3A_501] : memref<8x32x5x16xf32, #tpu.memory_space<vmem>>, vector<8x32x5x16xf32>
    tpu.vector_store %arg5[%swap3A_498, %swap3A_499, %swap3A_500, %swap3A_501], %stack3A_497 {strides = array<i32>} : memref<8x32x5x16xf32, #tpu.memory_space<vmem>>, vector<8x32x5x16xf32>,
    return
  }
}

module attributes {stable_mosaic.version = 14 : i64} {
  func.func @_tc_body(%arg0: i32, %arg1: memref<7x8x32xi32, #tpu.memory_space<smem>>, %arg2: memref<2x8x32xf32, #tpu.memory_space<smem>>, %arg3: memref<1x80x128x128xf32, #tpu.memory_space<vmem>>, %arg4: memref<32x2x16xf32, #tpu.memory_space<vmem>>, %arg5: memref<1x2xf32, #tpu.memory_space<vmem>>, %arg6: memref<32x128x128xf32, #tpu.memory_space<vmem>>) attributes {dimension_semantics = [#tpu.dimension_semantics<arbitrary>], iteration_bounds = array<i64: 8>, scalar_prefetch = 0 : i64, scratch_operands = 1 : i64, tpu.core_type = #tpu.core_type<tc>, window_params = [{transform_indices = @transform_0, window_bounds = array<i64: 7, 8, 32>}, {transform_indices = @transform_1, window_bounds = array<i64: 2, 8, 32>}, {transform_indices = @transform_2, window_bounds = array<i64: 1, 80, 128, 128>}, {pipeline_mode = #tpu.pipeline_mode<synchronous>, transform_indices = @transform_3, window_bounds = array<i64: 32, 2, 16>}, {pipeline_mode = #tpu.pipeline_mode<synchronous>, transform_indices = @transform_4, window_bounds = array<i64: 1, 2>}]} {
    %broadcast_in_dim3A = arith.constant 0.000000e+00 : f32
    %broadcast_in_dim3A_0 = vector.broadcast %broadcast_in_dim3A : f32 to vector<128x128xf32>
    %scan3A = arith.constant 0 : i32
    %scan3A_1 = arith.constant 10 : i32
    %scan3A_2 = arith.addi %scan3A, %scan3A_1 : i32
    %scan3A_3 = arith.constant 1 : i32
    %scan3A_4 = scf.for %scan3A_2562 = %scan3A to %scan3A_2 step %scan3A_3 iter_args(%scan3A_2563 = %broadcast_in_dim3A_0) -> (vector<128x128xf32>)  : i32 {
      %mul3A = arith.constant 8 : i32
      %mul3A_2564 = arith.muli %scan3A_2562, %mul3A : i32
      %get3A_2565 = arith.constant 0 : index
      %get3A_2566 = arith.index_cast %mul3A_2564 : i32 to index
      %get3A_2567 = arith.constant 0 : index
      %get3A_2568 = arith.constant 0 : index
      %get3A_2569 = vector.load %arg3[%get3A_2565, %get3A_2566, %get3A_2567, %get3A_2568] : memref<1x80x128x128xf32, #tpu.memory_space<vmem>>, vector<1x8x128x128xf32>
      %get3A_2570 = vector.shape_cast %get3A_2569 : vector<1x8x128x128xf32> to vector<8x128x128xf32>
      %mul3A_2571 = arith.mulf %get3A_2570, %get3A_2570 : vector<8x128x128xf32>
      %reduce_sum3A_2572 = arith.constant dense<0.000000e+00> : vector<128x128xf32>
      %reduce_sum3A_2573 = vector.multi_reduction <add>, %mul3A_2571, %reduce_sum3A_2572 [0] : vector<8x128x128xf32> to vector<128x128xf32>
      %add3A_2574 = arith.addf %scan3A_2563, %reduce_sum3A_2573 : vector<128x128xf32>
      scf.yield %add3A_2574 : vector<128x128xf32>
    }
    %scan3A_5 = arith.constant 10 : i32
    %reduce_sum3A = vector.shape_cast %scan3A_4 : vector<128x128xf32> to vector<1x128x128xf32>
    %reduce_sum3A_6 = arith.constant dense<0.000000e+00> : vector<1xf32>
    %reduce_sum3A_7 = vector.multi_reduction <add>, %reduce_sum3A, %reduce_sum3A_6 [1, 2] : vector<1x128x128xf32> to vector<1xf32>
    %reduce_sum3A_8 = vector.shape_cast %reduce_sum3A_7 : vector<1xf32> to vector<1x1x1xf32>
    %reduce_sum3A_9 = vector.extract %reduce_sum3A_8[0, 0, 0] : f32 from vector<1x1x1xf32>
    %scan3A_10 = arith.constant 0 : i32
    %scan3A_11 = arith.constant 32 : i32
    %scan3A_12 = arith.addi %scan3A_10, %scan3A_11 : i32
    %scan3A_13 = arith.constant 1 : i32
    scf.for %scan3A_2562 = %scan3A_10 to %scan3A_12 step %scan3A_13  : i32 {
      %broadcast_in_dim3A_2563 = arith.constant 0.000000e+00 : f32
      %broadcast_in_dim3A_2564 = vector.broadcast %broadcast_in_dim3A_2563 : f32 to vector<128x128xf32>
      %swap3A_2565 = arith.index_cast %scan3A_2562 : i32 to index
      %swap3A_2566 = arith.constant 0 : index
      %swap3A_2567 = arith.constant 0 : index
      %swap3A_2568 = vector.load %arg6[%swap3A_2565, %swap3A_2566, %swap3A_2567] : memref<32x128x128xf32, #tpu.memory_space<vmem>>, vector<1x128x128xf32>
      %swap3A_2569 = vector.shape_cast %swap3A_2568 : vector<1x128x128xf32> to vector<128x128xf32>
      %swap3A_2570 = vector.shape_cast %broadcast_in_dim3A_2564 : vector<128x128xf32> to vector<1x128x128xf32>
      tpu.vector_store %arg6[%swap3A_2565, %swap3A_2566, %swap3A_2567], %swap3A_2570 {strides = array<i32>} : memref<32x128x128xf32, #tpu.memory_space<vmem>>, vector<1x128x128xf32>,
    }
    %scan3A_14 = arith.constant 32 : i32
    %iota3A = tpu.iota {dimensions = array<i32: 0>} : vector<40x128xi32>
    %iota3A_15 = tpu.iota {dimensions = array<i32: 1>} : vector<40x128xi32>
    %get3A = arith.constant 0 : index
    %get3A_16 = arith.index_cast %arg0 : i32 to index
    %get3A_17 = arith.constant 0 : index
    %get3A_18 = memref.load %arg1[%get3A, %get3A_16, %get3A_17] : memref<7x8x32xi32, #tpu.memory_space<smem>>
    %get3A_19 = arith.constant 1 : index
    %get3A_20 = arith.index_cast %arg0 : i32 to index
    %get3A_21 = arith.constant 0 : index
    %get3A_22 = memref.load %arg1[%get3A_19, %get3A_20, %get3A_21] : memref<7x8x32xi32, #tpu.memory_space<smem>>
    %get3A_23 = arith.constant 2 : index
    %get3A_24 = arith.index_cast %arg0 : i32 to index
    %get3A_25 = arith.constant 0 : index
    %get3A_26 = memref.load %arg1[%get3A_23, %get3A_24, %get3A_25] : memref<7x8x32xi32, #tpu.memory_space<smem>>
    %get3A_27 = arith.constant 3 : index
    %get3A_28 = arith.index_cast %arg0 : i32 to index
    %get3A_29 = arith.constant 0 : index
    %get3A_30 = memref.load %arg1[%get3A_27, %get3A_28, %get3A_29] : memref<7x8x32xi32, #tpu.memory_space<smem>>
    %get3A_31 = arith.constant 4 : index
    %get3A_32 = arith.index_cast %arg0 : i32 to index
    %get3A_33 = arith.constant 0 : index
    %get3A_34 = memref.load %arg1[%get3A_31, %get3A_32, %get3A_33] : memref<7x8x32xi32, #tpu.memory_space<smem>>
    %get3A_35 = arith.constant 5 : index
    %get3A_36 = arith.index_cast %arg0 : i32 to index
    %get3A_37 = arith.constant 0 : index
    %get3A_38 = memref.load %arg1[%get3A_35, %get3A_36, %get3A_37] : memref<7x8x32xi32, #tpu.memory_space<smem>>
    %get3A_39 = arith.constant 0 : index
    %get3A_40 = arith.index_cast %arg0 : i32 to index
    %get3A_41 = arith.constant 0 : index
    %get3A_42 = memref.load %arg2[%get3A_39, %get3A_40, %get3A_41] : memref<2x8x32xf32, #tpu.memory_space<smem>>
    %get3A_43 = arith.constant 1 : index
    %get3A_44 = arith.index_cast %arg0 : i32 to index
    %get3A_45 = arith.constant 0 : index
    %get3A_46 = memref.load %arg2[%get3A_43, %get3A_44, %get3A_45] : memref<2x8x32xf32, #tpu.memory_space<smem>>
    %add3A = vector.broadcast %get3A_22 : i32 to vector<40x128xi32>
    %add3A_47 = arith.addi %add3A, %iota3A : vector<40x128xi32>
    %sub3A = vector.broadcast %get3A_30 : i32 to vector<40x128xi32>
    %sub3A_48 = arith.subi %add3A_47, %sub3A : vector<40x128xi32>
    %sub3A_49 = vector.broadcast %get3A_26 : i32 to vector<40x128xi32>
    %sub3A_50 = arith.subi %iota3A_15, %sub3A_49 : vector<40x128xi32>
    %convert_element_type3A = arith.sitofp %sub3A_50 : vector<40x128xi32> to vector<40x128xf32>
    %integer_pow3A = arith.mulf %convert_element_type3A, %convert_element_type3A : vector<40x128xf32>
    %div3A = vector.broadcast %get3A_42 : f32 to vector<40x128xf32>
    %div3A_51 = arith.divf %integer_pow3A, %div3A : vector<40x128xf32>
    %convert_element_type3A_52 = arith.sitofp %sub3A_48 : vector<40x128xi32> to vector<40x128xf32>
    %integer_pow3A_53 = arith.mulf %convert_element_type3A_52, %convert_element_type3A_52 : vector<40x128xf32>
    %div3A_54 = vector.broadcast %get3A_46 : f32 to vector<40x128xf32>
    %div3A_55 = arith.divf %integer_pow3A_53, %div3A_54 : vector<40x128xf32>
    %add3A_56 = arith.addf %div3A_51, %div3A_55 : vector<40x128xf32>
    %neg3A = arith.constant 0.000000e+00 : f32
    %neg3A_57 = vector.broadcast %neg3A : f32 to vector<40x128xf32>
    %neg3A_58 = arith.subf %neg3A_57, %add3A_56 : vector<40x128xf32>
    %exp3A = math.exp %neg3A_58 : vector<40x128xf32>
    %lt3A = arith.constant 1.1920929E-7 : f32
    %lt3A_59 = vector.broadcast %lt3A : f32 to vector<40x128xf32>
    %lt3A_60 = arith.cmpf olt, %exp3A, %lt3A_59 : vector<40x128xf32>
    %jit3A = arith.constant 0.000000e+00 : f32
    %broadcast_in_dim3A_61 = vector.broadcast %jit3A : f32 to vector<40x128xf32>
    %select_n3A = arith.select %lt3A_60, %broadcast_in_dim3A_61, %exp3A : vector<40x128xi1>, vector<40x128xf32>
    %abs3A = math.absi %sub3A_50 : vector<40x128xi32>
    %le3A = vector.broadcast %get3A_34 : i32 to vector<40x128xi32>
    %le3A_62 = arith.cmpi sle, %abs3A, %le3A : vector<40x128xi32>
    %abs3A_63 = math.absi %sub3A_48 : vector<40x128xi32>
    %le3A_64 = vector.broadcast %get3A_38 : i32 to vector<40x128xi32>
    %le3A_65 = arith.cmpi sle, %abs3A_63, %le3A_64 : vector<40x128xi32>
    %and3A = arith.andi %le3A_62, %le3A_65 : vector<40x128xi1>
    %jit3A_66 = arith.constant 0.000000e+00 : f32
    %broadcast_in_dim3A_67 = vector.broadcast %jit3A_66 : f32 to vector<40x128xf32>
    %select_n3A_68 = arith.select %and3A, %select_n3A, %broadcast_in_dim3A_67 : vector<40x128xi1>, vector<40x128xf32>
    %get3A_69 = arith.index_cast %get3A_18 : i32 to index
    %get3A_70 = arith.index_cast %get3A_22 : i32 to index
    %get3A_71 = arith.constant 0 : index
    %get3A_72 = vector.load %arg6[%get3A_69, %get3A_70, %get3A_71] : memref<32x128x128xf32, #tpu.memory_space<vmem>>, vector<1x40x128xf32>
    %get3A_73 = vector.shape_cast %get3A_72 : vector<1x40x128xf32> to vector<40x128xf32>
    %max3A = arith.maximumf %get3A_73, %select_n3A_68 : vector<40x128xf32>
    %swap3A = arith.index_cast %get3A_18 : i32 to index
    %swap3A_74 = arith.index_cast %get3A_22 : i32 to index
    %swap3A_75 = arith.constant 0 : index
    %swap3A_76 = vector.load %arg6[%swap3A, %swap3A_74, %swap3A_75] : memref<32x128x128xf32, #tpu.memory_space<vmem>>, vector<1x40x128xf32>
    %swap3A_77 = vector.shape_cast %swap3A_76 : vector<1x40x128xf32> to vector<40x128xf32>
    %swap3A_78 = vector.shape_cast %max3A : vector<40x128xf32> to vector<1x40x128xf32>
    tpu.vector_store %arg6[%swap3A, %swap3A_74, %swap3A_75], %swap3A_78 {strides = array<i32>} : memref<32x128x128xf32, #tpu.memory_space<vmem>>, vector<1x40x128xf32>,
    %get3A_79 = arith.constant 0 : index
    %get3A_80 = arith.index_cast %arg0 : i32 to index
    %get3A_81 = arith.constant 1 : index
    %get3A_82 = memref.load %arg1[%get3A_79, %get3A_80, %get3A_81] : memref<7x8x32xi32, #tpu.memory_space<smem>>
    %get3A_83 = arith.constant 1 : index
    %get3A_84 = arith.index_cast %arg0 : i32 to index
    %get3A_85 = arith.constant 1 : index
    %get3A_86 = memref.load %arg1[%get3A_83, %get3A_84, %get3A_85] : memref<7x8x32xi32, #tpu.memory_space<smem>>
    %get3A_87 = arith.constant 2 : index
    %get3A_88 = arith.index_cast %arg0 : i32 to index
    %get3A_89 = arith.constant 1 : index
    %get3A_90 = memref.load %arg1[%get3A_87, %get3A_88, %get3A_89] : memref<7x8x32xi32, #tpu.memory_space<smem>>
    %get3A_91 = arith.constant 3 : index
    %get3A_92 = arith.index_cast %arg0 : i32 to index
    %get3A_93 = arith.constant 1 : index
    %get3A_94 = memref.load %arg1[%get3A_91, %get3A_92, %get3A_93] : memref<7x8x32xi32, #tpu.memory_space<smem>>
    %get3A_95 = arith.constant 4 : index
    %get3A_96 = arith.index_cast %arg0 : i32 to index
    %get3A_97 = arith.constant 1 : index
    %get3A_98 = memref.load %arg1[%get3A_95, %get3A_96, %get3A_97] : memref<7x8x32xi32, #tpu.memory_space<smem>>
    %get3A_99 = arith.constant 5 : index
    %get3A_100 = arith.index_cast %arg0 : i32 to index
    %get3A_101 = arith.constant 1 : index
    %get3A_102 = memref.load %arg1[%get3A_99, %get3A_100, %get3A_101] : memref<7x8x32xi32, #tpu.memory_space<smem>>
    %get3A_103 = arith.constant 0 : index
    %get3A_104 = arith.index_cast %arg0 : i32 to index
    %get3A_105 = arith.constant 1 : index
    %get3A_106 = memref.load %arg2[%get3A_103, %get3A_104, %get3A_105] : memref<2x8x32xf32, #tpu.memory_space<smem>>
    %get3A_107 = arith.constant 1 : index
    %get3A_108 = arith.index_cast %arg0 : i32 to index
    %get3A_109 = arith.constant 1 : index
    %get3A_110 = memref.load %arg2[%get3A_107, %get3A_108, %get3A_109] : memref<2x8x32xf32, #tpu.memory_space<smem>>
    %add3A_111 = vector.broadcast %get3A_86 : i32 to vector<40x128xi32>
    %add3A_112 = arith.addi %add3A_111, %iota3A : vector<40x128xi32>
    %sub3A_113 = vector.broadcast %get3A_94 : i32 to vector<40x128xi32>
    %sub3A_114 = arith.subi %add3A_112, %sub3A_113 : vector<40x128xi32>
    %sub3A_115 = vector.broadcast %get3A_90 : i32 to vector<40x128xi32>
    %sub3A_116 = arith.subi %iota3A_15, %sub3A_115 : vector<40x128xi32>
    %convert_element_type3A_117 = arith.sitofp %sub3A_116 : vector<40x128xi32> to vector<40x128xf32>
    %integer_pow3A_118 = arith.mulf %convert_element_type3A_117, %convert_element_type3A_117 : vector<40x128xf32>
    %div3A_119 = vector.broadcast %get3A_106 : f32 to vector<40x128xf32>
    %div3A_120 = arith.divf %integer_pow3A_118, %div3A_119 : vector<40x128xf32>
    %convert_element_type3A_121 = arith.sitofp %sub3A_114 : vector<40x128xi32> to vector<40x128xf32>
    %integer_pow3A_122 = arith.mulf %convert_element_type3A_121, %convert_element_type3A_121 : vector<40x128xf32>
    %div3A_123 = vector.broadcast %get3A_110 : f32 to vector<40x128xf32>
    %div3A_124 = arith.divf %integer_pow3A_122, %div3A_123 : vector<40x128xf32>
    %add3A_125 = arith.addf %div3A_120, %div3A_124 : vector<40x128xf32>
    %neg3A_126 = arith.constant 0.000000e+00 : f32
    %neg3A_127 = vector.broadcast %neg3A_126 : f32 to vector<40x128xf32>
    %neg3A_128 = arith.subf %neg3A_127, %add3A_125 : vector<40x128xf32>
    %exp3A_129 = math.exp %neg3A_128 : vector<40x128xf32>
    %lt3A_130 = arith.constant 1.1920929E-7 : f32
    %lt3A_131 = vector.broadcast %lt3A_130 : f32 to vector<40x128xf32>
    %lt3A_132 = arith.cmpf olt, %exp3A_129, %lt3A_131 : vector<40x128xf32>
    %jit3A_133 = arith.constant 0.000000e+00 : f32
    %broadcast_in_dim3A_134 = vector.broadcast %jit3A_133 : f32 to vector<40x128xf32>
    %select_n3A_135 = arith.select %lt3A_132, %broadcast_in_dim3A_134, %exp3A_129 : vector<40x128xi1>, vector<40x128xf32>
    %abs3A_136 = math.absi %sub3A_116 : vector<40x128xi32>
    %le3A_137 = vector.broadcast %get3A_98 : i32 to vector<40x128xi32>
    %le3A_138 = arith.cmpi sle, %abs3A_136, %le3A_137 : vector<40x128xi32>
    %abs3A_139 = math.absi %sub3A_114 : vector<40x128xi32>
    %le3A_140 = vector.broadcast %get3A_102 : i32 to vector<40x128xi32>
    %le3A_141 = arith.cmpi sle, %abs3A_139, %le3A_140 : vector<40x128xi32>
    %and3A_142 = arith.andi %le3A_138, %le3A_141 : vector<40x128xi1>
    %jit3A_143 = arith.constant 0.000000e+00 : f32
    %broadcast_in_dim3A_144 = vector.broadcast %jit3A_143 : f32 to vector<40x128xf32>
    %select_n3A_145 = arith.select %and3A_142, %select_n3A_135, %broadcast_in_dim3A_144 : vector<40x128xi1>, vector<40x128xf32>
    %get3A_146 = arith.index_cast %get3A_82 : i32 to index
    %get3A_147 = arith.index_cast %get3A_86 : i32 to index
    %get3A_148 = arith.constant 0 : index
    %get3A_149 = vector.load %arg6[%get3A_146, %get3A_147, %get3A_148] : memref<32x128x128xf32, #tpu.memory_space<vmem>>, vector<1x40x128xf32>
    %get3A_150 = vector.shape_cast %get3A_149 : vector<1x40x128xf32> to vector<40x128xf32>
    %max3A_151 = arith.maximumf %get3A_150, %select_n3A_145 : vector<40x128xf32>
    %swap3A_152 = arith.index_cast %get3A_82 : i32 to index
    %swap3A_153 = arith.index_cast %get3A_86 : i32 to index
    %swap3A_154 = arith.constant 0 : index
    %swap3A_155 = vector.load %arg6[%swap3A_152, %swap3A_153, %swap3A_154] : memref<32x128x128xf32, #tpu.memory_space<vmem>>, vector<1x40x128xf32>
    %swap3A_156 = vector.shape_cast %swap3A_155 : vector<1x40x128xf32> to vector<40x128xf32>
    %swap3A_157 = vector.shape_cast %max3A_151 : vector<40x128xf32> to vector<1x40x128xf32>
    tpu.vector_store %arg6[%swap3A_152, %swap3A_153, %swap3A_154], %swap3A_157 {strides = array<i32>} : memref<32x128x128xf32, #tpu.memory_space<vmem>>, vector<1x40x128xf32>,
    %get3A_158 = arith.constant 0 : index
    %get3A_159 = arith.index_cast %arg0 : i32 to index
    %get3A_160 = arith.constant 2 : index
    %get3A_161 = memref.load %arg1[%get3A_158, %get3A_159, %get3A_160] : memref<7x8x32xi32, #tpu.memory_space<smem>>
    %get3A_162 = arith.constant 1 : index
    %get3A_163 = arith.index_cast %arg0 : i32 to index
    %get3A_164 = arith.constant 2 : index
    %get3A_165 = memref.load %arg1[%get3A_162, %get3A_163, %get3A_164] : memref<7x8x32xi32, #tpu.memory_space<smem>>
    %get3A_166 = arith.constant 2 : index
    %get3A_167 = arith.index_cast %arg0 : i32 to index
    %get3A_168 = arith.constant 2 : index
    %get3A_169 = memref.load %arg1[%get3A_166, %get3A_167, %get3A_168] : memref<7x8x32xi32, #tpu.memory_space<smem>>
    %get3A_170 = arith.constant 3 : index
    %get3A_171 = arith.index_cast %arg0 : i32 to index
    %get3A_172 = arith.constant 2 : index
    %get3A_173 = memref.load %arg1[%get3A_170, %get3A_171, %get3A_172] : memref<7x8x32xi32, #tpu.memory_space<smem>>
    %get3A_174 = arith.constant 4 : index
    %get3A_175 = arith.index_cast %arg0 : i32 to index
    %get3A_176 = arith.constant 2 : index
    %get3A_177 = memref.load %arg1[%get3A_174, %get3A_175, %get3A_176] : memref<7x8x32xi32, #tpu.memory_space<smem>>
    %get3A_178 = arith.constant 5 : index
    %get3A_179 = arith.index_cast %arg0 : i32 to index
    %get3A_180 = arith.constant 2 : index
    %get3A_181 = memref.load %arg1[%get3A_178, %get3A_179, %get3A_180] : memref<7x8x32xi32, #tpu.memory_space<smem>>
    %get3A_182 = arith.constant 0 : index
    %get3A_183 = arith.index_cast %arg0 : i32 to index
    %get3A_184 = arith.constant 2 : index
    %get3A_185 = memref.load %arg2[%get3A_182, %get3A_183, %get3A_184] : memref<2x8x32xf32, #tpu.memory_space<smem>>
    %get3A_186 = arith.constant 1 : index
    %get3A_187 = arith.index_cast %arg0 : i32 to index
    %get3A_188 = arith.constant 2 : index
    %get3A_189 = memref.load %arg2[%get3A_186, %get3A_187, %get3A_188] : memref<2x8x32xf32, #tpu.memory_space<smem>>
    %add3A_190 = vector.broadcast %get3A_165 : i32 to vector<40x128xi32>
    %add3A_191 = arith.addi %add3A_190, %iota3A : vector<40x128xi32>
    %sub3A_192 = vector.broadcast %get3A_173 : i32 to vector<40x128xi32>
    %sub3A_193 = arith.subi %add3A_191, %sub3A_192 : vector<40x128xi32>
    %sub3A_194 = vector.broadcast %get3A_169 : i32 to vector<40x128xi32>
    %sub3A_195 = arith.subi %iota3A_15, %sub3A_194 : vector<40x128xi32>
    %convert_element_type3A_196 = arith.sitofp %sub3A_195 : vector<40x128xi32> to vector<40x128xf32>
    %integer_pow3A_197 = arith.mulf %convert_element_type3A_196, %convert_element_type3A_196 : vector<40x128xf32>
    %div3A_198 = vector.broadcast %get3A_185 : f32 to vector<40x128xf32>
    %div3A_199 = arith.divf %integer_pow3A_197, %div3A_198 : vector<40x128xf32>
    %convert_element_type3A_200 = arith.sitofp %sub3A_193 : vector<40x128xi32> to vector<40x128xf32>
    %integer_pow3A_201 = arith.mulf %convert_element_type3A_200, %convert_element_type3A_200 : vector<40x128xf32>
    %div3A_202 = vector.broadcast %get3A_189 : f32 to vector<40x128xf32>
    %div3A_203 = arith.divf %integer_pow3A_201, %div3A_202 : vector<40x128xf32>
    %add3A_204 = arith.addf %div3A_199, %div3A_203 : vector<40x128xf32>
    %neg3A_205 = arith.constant 0.000000e+00 : f32
    %neg3A_206 = vector.broadcast %neg3A_205 : f32 to vector<40x128xf32>
    %neg3A_207 = arith.subf %neg3A_206, %add3A_204 : vector<40x128xf32>
    %exp3A_208 = math.exp %neg3A_207 : vector<40x128xf32>
    %lt3A_209 = arith.constant 1.1920929E-7 : f32
    %lt3A_210 = vector.broadcast %lt3A_209 : f32 to vector<40x128xf32>
    %lt3A_211 = arith.cmpf olt, %exp3A_208, %lt3A_210 : vector<40x128xf32>
    %jit3A_212 = arith.constant 0.000000e+00 : f32
    %broadcast_in_dim3A_213 = vector.broadcast %jit3A_212 : f32 to vector<40x128xf32>
    %select_n3A_214 = arith.select %lt3A_211, %broadcast_in_dim3A_213, %exp3A_208 : vector<40x128xi1>, vector<40x128xf32>
    %abs3A_215 = math.absi %sub3A_195 : vector<40x128xi32>
    %le3A_216 = vector.broadcast %get3A_177 : i32 to vector<40x128xi32>
    %le3A_217 = arith.cmpi sle, %abs3A_215, %le3A_216 : vector<40x128xi32>
    %abs3A_218 = math.absi %sub3A_193 : vector<40x128xi32>
    %le3A_219 = vector.broadcast %get3A_181 : i32 to vector<40x128xi32>
    %le3A_220 = arith.cmpi sle, %abs3A_218, %le3A_219 : vector<40x128xi32>
    %and3A_221 = arith.andi %le3A_217, %le3A_220 : vector<40x128xi1>
    %jit3A_222 = arith.constant 0.000000e+00 : f32
    %broadcast_in_dim3A_223 = vector.broadcast %jit3A_222 : f32 to vector<40x128xf32>
    %select_n3A_224 = arith.select %and3A_221, %select_n3A_214, %broadcast_in_dim3A_223 : vector<40x128xi1>, vector<40x128xf32>
    %get3A_225 = arith.index_cast %get3A_161 : i32 to index
    %get3A_226 = arith.index_cast %get3A_165 : i32 to index
    %get3A_227 = arith.constant 0 : index
    %get3A_228 = vector.load %arg6[%get3A_225, %get3A_226, %get3A_227] : memref<32x128x128xf32, #tpu.memory_space<vmem>>, vector<1x40x128xf32>
    %get3A_229 = vector.shape_cast %get3A_228 : vector<1x40x128xf32> to vector<40x128xf32>
    %max3A_230 = arith.maximumf %get3A_229, %select_n3A_224 : vector<40x128xf32>
    %swap3A_231 = arith.index_cast %get3A_161 : i32 to index
    %swap3A_232 = arith.index_cast %get3A_165 : i32 to index
    %swap3A_233 = arith.constant 0 : index
    %swap3A_234 = vector.load %arg6[%swap3A_231, %swap3A_232, %swap3A_233] : memref<32x128x128xf32, #tpu.memory_space<vmem>>, vector<1x40x128xf32>
    %swap3A_235 = vector.shape_cast %swap3A_234 : vector<1x40x128xf32> to vector<40x128xf32>
    %swap3A_236 = vector.shape_cast %max3A_230 : vector<40x128xf32> to vector<1x40x128xf32>
    tpu.vector_store %arg6[%swap3A_231, %swap3A_232, %swap3A_233], %swap3A_236 {strides = array<i32>} : memref<32x128x128xf32, #tpu.memory_space<vmem>>, vector<1x40x128xf32>,
    %get3A_237 = arith.constant 0 : index
    %get3A_238 = arith.index_cast %arg0 : i32 to index
    %get3A_239 = arith.constant 3 : index
    %get3A_240 = memref.load %arg1[%get3A_237, %get3A_238, %get3A_239] : memref<7x8x32xi32, #tpu.memory_space<smem>>
    %get3A_241 = arith.constant 1 : index
    %get3A_242 = arith.index_cast %arg0 : i32 to index
    %get3A_243 = arith.constant 3 : index
    %get3A_244 = memref.load %arg1[%get3A_241, %get3A_242, %get3A_243] : memref<7x8x32xi32, #tpu.memory_space<smem>>
    %get3A_245 = arith.constant 2 : index
    %get3A_246 = arith.index_cast %arg0 : i32 to index
    %get3A_247 = arith.constant 3 : index
    %get3A_248 = memref.load %arg1[%get3A_245, %get3A_246, %get3A_247] : memref<7x8x32xi32, #tpu.memory_space<smem>>
    %get3A_249 = arith.constant 3 : index
    %get3A_250 = arith.index_cast %arg0 : i32 to index
    %get3A_251 = arith.constant 3 : index
    %get3A_252 = memref.load %arg1[%get3A_249, %get3A_250, %get3A_251] : memref<7x8x32xi32, #tpu.memory_space<smem>>
    %get3A_253 = arith.constant 4 : index
    %get3A_254 = arith.index_cast %arg0 : i32 to index
    %get3A_255 = arith.constant 3 : index
    %get3A_256 = memref.load %arg1[%get3A_253, %get3A_254, %get3A_255] : memref<7x8x32xi32, #tpu.memory_space<smem>>
    %get3A_257 = arith.constant 5 : index
    %get3A_258 = arith.index_cast %arg0 : i32 to index
    %get3A_259 = arith.constant 3 : index
    %get3A_260 = memref.load %arg1[%get3A_257, %get3A_258, %get3A_259] : memref<7x8x32xi32, #tpu.memory_space<smem>>
    %get3A_261 = arith.constant 0 : index
    %get3A_262 = arith.index_cast %arg0 : i32 to index
    %get3A_263 = arith.constant 3 : index
    %get3A_264 = memref.load %arg2[%get3A_261, %get3A_262, %get3A_263] : memref<2x8x32xf32, #tpu.memory_space<smem>>
    %get3A_265 = arith.constant 1 : index
    %get3A_266 = arith.index_cast %arg0 : i32 to index
    %get3A_267 = arith.constant 3 : index
    %get3A_268 = memref.load %arg2[%get3A_265, %get3A_266, %get3A_267] : memref<2x8x32xf32, #tpu.memory_space<smem>>
    %add3A_269 = vector.broadcast %get3A_244 : i32 to vector<40x128xi32>
    %add3A_270 = arith.addi %add3A_269, %iota3A : vector<40x128xi32>
    %sub3A_271 = vector.broadcast %get3A_252 : i32 to vector<40x128xi32>
    %sub3A_272 = arith.subi %add3A_270, %sub3A_271 : vector<40x128xi32>
    %sub3A_273 = vector.broadcast %get3A_248 : i32 to vector<40x128xi32>
    %sub3A_274 = arith.subi %iota3A_15, %sub3A_273 : vector<40x128xi32>
    %convert_element_type3A_275 = arith.sitofp %sub3A_274 : vector<40x128xi32> to vector<40x128xf32>
    %integer_pow3A_276 = arith.mulf %convert_element_type3A_275, %convert_element_type3A_275 : vector<40x128xf32>
    %div3A_277 = vector.broadcast %get3A_264 : f32 to vector<40x128xf32>
    %div3A_278 = arith.divf %integer_pow3A_276, %div3A_277 : vector<40x128xf32>
    %convert_element_type3A_279 = arith.sitofp %sub3A_272 : vector<40x128xi32> to vector<40x128xf32>
    %integer_pow3A_280 = arith.mulf %convert_element_type3A_279, %convert_element_type3A_279 : vector<40x128xf32>
    %div3A_281 = vector.broadcast %get3A_268 : f32 to vector<40x128xf32>
    %div3A_282 = arith.divf %integer_pow3A_280, %div3A_281 : vector<40x128xf32>
    %add3A_283 = arith.addf %div3A_278, %div3A_282 : vector<40x128xf32>
    %neg3A_284 = arith.constant 0.000000e+00 : f32
    %neg3A_285 = vector.broadcast %neg3A_284 : f32 to vector<40x128xf32>
    %neg3A_286 = arith.subf %neg3A_285, %add3A_283 : vector<40x128xf32>
    %exp3A_287 = math.exp %neg3A_286 : vector<40x128xf32>
    %lt3A_288 = arith.constant 1.1920929E-7 : f32
    %lt3A_289 = vector.broadcast %lt3A_288 : f32 to vector<40x128xf32>
    %lt3A_290 = arith.cmpf olt, %exp3A_287, %lt3A_289 : vector<40x128xf32>
    %jit3A_291 = arith.constant 0.000000e+00 : f32
    %broadcast_in_dim3A_292 = vector.broadcast %jit3A_291 : f32 to vector<40x128xf32>
    %select_n3A_293 = arith.select %lt3A_290, %broadcast_in_dim3A_292, %exp3A_287 : vector<40x128xi1>, vector<40x128xf32>
    %abs3A_294 = math.absi %sub3A_274 : vector<40x128xi32>
    %le3A_295 = vector.broadcast %get3A_256 : i32 to vector<40x128xi32>
    %le3A_296 = arith.cmpi sle, %abs3A_294, %le3A_295 : vector<40x128xi32>
    %abs3A_297 = math.absi %sub3A_272 : vector<40x128xi32>
    %le3A_298 = vector.broadcast %get3A_260 : i32 to vector<40x128xi32>
    %le3A_299 = arith.cmpi sle, %abs3A_297, %le3A_298 : vector<40x128xi32>
    %and3A_300 = arith.andi %le3A_296, %le3A_299 : vector<40x128xi1>
    %jit3A_301 = arith.constant 0.000000e+00 : f32
    %broadcast_in_dim3A_302 = vector.broadcast %jit3A_301 : f32 to vector<40x128xf32>
    %select_n3A_303 = arith.select %and3A_300, %select_n3A_293, %broadcast_in_dim3A_302 : vector<40x128xi1>, vector<40x128xf32>
    %get3A_304 = arith.index_cast %get3A_240 : i32 to index
    %get3A_305 = arith.index_cast %get3A_244 : i32 to index
    %get3A_306 = arith.constant 0 : index
    %get3A_307 = vector.load %arg6[%get3A_304, %get3A_305, %get3A_306] : memref<32x128x128xf32, #tpu.memory_space<vmem>>, vector<1x40x128xf32>
    %get3A_308 = vector.shape_cast %get3A_307 : vector<1x40x128xf32> to vector<40x128xf32>
    %max3A_309 = arith.maximumf %get3A_308, %select_n3A_303 : vector<40x128xf32>
    %swap3A_310 = arith.index_cast %get3A_240 : i32 to index
    %swap3A_311 = arith.index_cast %get3A_244 : i32 to index
    %swap3A_312 = arith.constant 0 : index
    %swap3A_313 = vector.load %arg6[%swap3A_310, %swap3A_311, %swap3A_312] : memref<32x128x128xf32, #tpu.memory_space<vmem>>, vector<1x40x128xf32>
    %swap3A_314 = vector.shape_cast %swap3A_313 : vector<1x40x128xf32> to vector<40x128xf32>
    %swap3A_315 = vector.shape_cast %max3A_309 : vector<40x128xf32> to vector<1x40x128xf32>
    tpu.vector_store %arg6[%swap3A_310, %swap3A_311, %swap3A_312], %swap3A_315 {strides = array<i32>} : memref<32x128x128xf32, #tpu.memory_space<vmem>>, vector<1x40x128xf32>,
    %get3A_316 = arith.constant 0 : index
    %get3A_317 = arith.index_cast %arg0 : i32 to index
    %get3A_318 = arith.constant 4 : index
    %get3A_319 = memref.load %arg1[%get3A_316, %get3A_317, %get3A_318] : memref<7x8x32xi32, #tpu.memory_space<smem>>
    %get3A_320 = arith.constant 1 : index
    %get3A_321 = arith.index_cast %arg0 : i32 to index
    %get3A_322 = arith.constant 4 : index
    %get3A_323 = memref.load %arg1[%get3A_320, %get3A_321, %get3A_322] : memref<7x8x32xi32, #tpu.memory_space<smem>>
    %get3A_324 = arith.constant 2 : index
    %get3A_325 = arith.index_cast %arg0 : i32 to index
    %get3A_326 = arith.constant 4 : index
    %get3A_327 = memref.load %arg1[%get3A_324, %get3A_325, %get3A_326] : memref<7x8x32xi32, #tpu.memory_space<smem>>
    %get3A_328 = arith.constant 3 : index
    %get3A_329 = arith.index_cast %arg0 : i32 to index
    %get3A_330 = arith.constant 4 : index
    %get3A_331 = memref.load %arg1[%get3A_328, %get3A_329, %get3A_330] : memref<7x8x32xi32, #tpu.memory_space<smem>>
    %get3A_332 = arith.constant 4 : index
    %get3A_333 = arith.index_cast %arg0 : i32 to index
    %get3A_334 = arith.constant 4 : index
    %get3A_335 = memref.load %arg1[%get3A_332, %get3A_333, %get3A_334] : memref<7x8x32xi32, #tpu.memory_space<smem>>
    %get3A_336 = arith.constant 5 : index
    %get3A_337 = arith.index_cast %arg0 : i32 to index
    %get3A_338 = arith.constant 4 : index
    %get3A_339 = memref.load %arg1[%get3A_336, %get3A_337, %get3A_338] : memref<7x8x32xi32, #tpu.memory_space<smem>>
    %get3A_340 = arith.constant 0 : index
    %get3A_341 = arith.index_cast %arg0 : i32 to index
    %get3A_342 = arith.constant 4 : index
    %get3A_343 = memref.load %arg2[%get3A_340, %get3A_341, %get3A_342] : memref<2x8x32xf32, #tpu.memory_space<smem>>
    %get3A_344 = arith.constant 1 : index
    %get3A_345 = arith.index_cast %arg0 : i32 to index
    %get3A_346 = arith.constant 4 : index
    %get3A_347 = memref.load %arg2[%get3A_344, %get3A_345, %get3A_346] : memref<2x8x32xf32, #tpu.memory_space<smem>>
    %add3A_348 = vector.broadcast %get3A_323 : i32 to vector<40x128xi32>
    %add3A_349 = arith.addi %add3A_348, %iota3A : vector<40x128xi32>
    %sub3A_350 = vector.broadcast %get3A_331 : i32 to vector<40x128xi32>
    %sub3A_351 = arith.subi %add3A_349, %sub3A_350 : vector<40x128xi32>
    %sub3A_352 = vector.broadcast %get3A_327 : i32 to vector<40x128xi32>
    %sub3A_353 = arith.subi %iota3A_15, %sub3A_352 : vector<40x128xi32>
    %convert_element_type3A_354 = arith.sitofp %sub3A_353 : vector<40x128xi32> to vector<40x128xf32>
    %integer_pow3A_355 = arith.mulf %convert_element_type3A_354, %convert_element_type3A_354 : vector<40x128xf32>
    %div3A_356 = vector.broadcast %get3A_343 : f32 to vector<40x128xf32>
    %div3A_357 = arith.divf %integer_pow3A_355, %div3A_356 : vector<40x128xf32>
    %convert_element_type3A_358 = arith.sitofp %sub3A_351 : vector<40x128xi32> to vector<40x128xf32>
    %integer_pow3A_359 = arith.mulf %convert_element_type3A_358, %convert_element_type3A_358 : vector<40x128xf32>
    %div3A_360 = vector.broadcast %get3A_347 : f32 to vector<40x128xf32>
    %div3A_361 = arith.divf %integer_pow3A_359, %div3A_360 : vector<40x128xf32>
    %add3A_362 = arith.addf %div3A_357, %div3A_361 : vector<40x128xf32>
    %neg3A_363 = arith.constant 0.000000e+00 : f32
    %neg3A_364 = vector.broadcast %neg3A_363 : f32 to vector<40x128xf32>
    %neg3A_365 = arith.subf %neg3A_364, %add3A_362 : vector<40x128xf32>
    %exp3A_366 = math.exp %neg3A_365 : vector<40x128xf32>
    %lt3A_367 = arith.constant 1.1920929E-7 : f32
    %lt3A_368 = vector.broadcast %lt3A_367 : f32 to vector<40x128xf32>
    %lt3A_369 = arith.cmpf olt, %exp3A_366, %lt3A_368 : vector<40x128xf32>
    %jit3A_370 = arith.constant 0.000000e+00 : f32
    %broadcast_in_dim3A_371 = vector.broadcast %jit3A_370 : f32 to vector<40x128xf32>
    %select_n3A_372 = arith.select %lt3A_369, %broadcast_in_dim3A_371, %exp3A_366 : vector<40x128xi1>, vector<40x128xf32>
    %abs3A_373 = math.absi %sub3A_353 : vector<40x128xi32>
    %le3A_374 = vector.broadcast %get3A_335 : i32 to vector<40x128xi32>
    %le3A_375 = arith.cmpi sle, %abs3A_373, %le3A_374 : vector<40x128xi32>
    %abs3A_376 = math.absi %sub3A_351 : vector<40x128xi32>
    %le3A_377 = vector.broadcast %get3A_339 : i32 to vector<40x128xi32>
    %le3A_378 = arith.cmpi sle, %abs3A_376, %le3A_377 : vector<40x128xi32>
    %and3A_379 = arith.andi %le3A_375, %le3A_378 : vector<40x128xi1>
    %jit3A_380 = arith.constant 0.000000e+00 : f32
    %broadcast_in_dim3A_381 = vector.broadcast %jit3A_380 : f32 to vector<40x128xf32>
    %select_n3A_382 = arith.select %and3A_379, %select_n3A_372, %broadcast_in_dim3A_381 : vector<40x128xi1>, vector<40x128xf32>
    %get3A_383 = arith.index_cast %get3A_319 : i32 to index
    %get3A_384 = arith.index_cast %get3A_323 : i32 to index
    %get3A_385 = arith.constant 0 : index
    %get3A_386 = vector.load %arg6[%get3A_383, %get3A_384, %get3A_385] : memref<32x128x128xf32, #tpu.memory_space<vmem>>, vector<1x40x128xf32>
    %get3A_387 = vector.shape_cast %get3A_386 : vector<1x40x128xf32> to vector<40x128xf32>
    %max3A_388 = arith.maximumf %get3A_387, %select_n3A_382 : vector<40x128xf32>
    %swap3A_389 = arith.index_cast %get3A_319 : i32 to index
    %swap3A_390 = arith.index_cast %get3A_323 : i32 to index
    %swap3A_391 = arith.constant 0 : index
    %swap3A_392 = vector.load %arg6[%swap3A_389, %swap3A_390, %swap3A_391] : memref<32x128x128xf32, #tpu.memory_space<vmem>>, vector<1x40x128xf32>
    %swap3A_393 = vector.shape_cast %swap3A_392 : vector<1x40x128xf32> to vector<40x128xf32>
    %swap3A_394 = vector.shape_cast %max3A_388 : vector<40x128xf32> to vector<1x40x128xf32>
    tpu.vector_store %arg6[%swap3A_389, %swap3A_390, %swap3A_391], %swap3A_394 {strides = array<i32>} : memref<32x128x128xf32, #tpu.memory_space<vmem>>, vector<1x40x128xf32>,
    %get3A_395 = arith.constant 0 : index
    %get3A_396 = arith.index_cast %arg0 : i32 to index
    %get3A_397 = arith.constant 5 : index
    %get3A_398 = memref.load %arg1[%get3A_395, %get3A_396, %get3A_397] : memref<7x8x32xi32, #tpu.memory_space<smem>>
    %get3A_399 = arith.constant 1 : index
    %get3A_400 = arith.index_cast %arg0 : i32 to index
    %get3A_401 = arith.constant 5 : index
    %get3A_402 = memref.load %arg1[%get3A_399, %get3A_400, %get3A_401] : memref<7x8x32xi32, #tpu.memory_space<smem>>
    %get3A_403 = arith.constant 2 : index
    %get3A_404 = arith.index_cast %arg0 : i32 to index
    %get3A_405 = arith.constant 5 : index
    %get3A_406 = memref.load %arg1[%get3A_403, %get3A_404, %get3A_405] : memref<7x8x32xi32, #tpu.memory_space<smem>>
    %get3A_407 = arith.constant 3 : index
    %get3A_408 = arith.index_cast %arg0 : i32 to index
    %get3A_409 = arith.constant 5 : index
    %get3A_410 = memref.load %arg1[%get3A_407, %get3A_408, %get3A_409] : memref<7x8x32xi32, #tpu.memory_space<smem>>
    %get3A_411 = arith.constant 4 : index
    %get3A_412 = arith.index_cast %arg0 : i32 to index
    %get3A_413 = arith.constant 5 : index
    %get3A_414 = memref.load %arg1[%get3A_411, %get3A_412, %get3A_413] : memref<7x8x32xi32, #tpu.memory_space<smem>>
    %get3A_415 = arith.constant 5 : index
    %get3A_416 = arith.index_cast %arg0 : i32 to index
    %get3A_417 = arith.constant 5 : index
    %get3A_418 = memref.load %arg1[%get3A_415, %get3A_416, %get3A_417] : memref<7x8x32xi32, #tpu.memory_space<smem>>
    %get3A_419 = arith.constant 0 : index
    %get3A_420 = arith.index_cast %arg0 : i32 to index
    %get3A_421 = arith.constant 5 : index
    %get3A_422 = memref.load %arg2[%get3A_419, %get3A_420, %get3A_421] : memref<2x8x32xf32, #tpu.memory_space<smem>>
    %get3A_423 = arith.constant 1 : index
    %get3A_424 = arith.index_cast %arg0 : i32 to index
    %get3A_425 = arith.constant 5 : index
    %get3A_426 = memref.load %arg2[%get3A_423, %get3A_424, %get3A_425] : memref<2x8x32xf32, #tpu.memory_space<smem>>
    %add3A_427 = vector.broadcast %get3A_402 : i32 to vector<40x128xi32>
    %add3A_428 = arith.addi %add3A_427, %iota3A : vector<40x128xi32>
    %sub3A_429 = vector.broadcast %get3A_410 : i32 to vector<40x128xi32>
    %sub3A_430 = arith.subi %add3A_428, %sub3A_429 : vector<40x128xi32>
    %sub3A_431 = vector.broadcast %get3A_406 : i32 to vector<40x128xi32>
    %sub3A_432 = arith.subi %iota3A_15, %sub3A_431 : vector<40x128xi32>
    %convert_element_type3A_433 = arith.sitofp %sub3A_432 : vector<40x128xi32> to vector<40x128xf32>
    %integer_pow3A_434 = arith.mulf %convert_element_type3A_433, %convert_element_type3A_433 : vector<40x128xf32>
    %div3A_435 = vector.broadcast %get3A_422 : f32 to vector<40x128xf32>
    %div3A_436 = arith.divf %integer_pow3A_434, %div3A_435 : vector<40x128xf32>
    %convert_element_type3A_437 = arith.sitofp %sub3A_430 : vector<40x128xi32> to vector<40x128xf32>
    %integer_pow3A_438 = arith.mulf %convert_element_type3A_437, %convert_element_type3A_437 : vector<40x128xf32>
    %div3A_439 = vector.broadcast %get3A_426 : f32 to vector<40x128xf32>
    %div3A_440 = arith.divf %integer_pow3A_438, %div3A_439 : vector<40x128xf32>
    %add3A_441 = arith.addf %div3A_436, %div3A_440 : vector<40x128xf32>
    %neg3A_442 = arith.constant 0.000000e+00 : f32
    %neg3A_443 = vector.broadcast %neg3A_442 : f32 to vector<40x128xf32>
    %neg3A_444 = arith.subf %neg3A_443, %add3A_441 : vector<40x128xf32>
    %exp3A_445 = math.exp %neg3A_444 : vector<40x128xf32>
    %lt3A_446 = arith.constant 1.1920929E-7 : f32
    %lt3A_447 = vector.broadcast %lt3A_446 : f32 to vector<40x128xf32>
    %lt3A_448 = arith.cmpf olt, %exp3A_445, %lt3A_447 : vector<40x128xf32>
    %jit3A_449 = arith.constant 0.000000e+00 : f32
    %broadcast_in_dim3A_450 = vector.broadcast %jit3A_449 : f32 to vector<40x128xf32>
    %select_n3A_451 = arith.select %lt3A_448, %broadcast_in_dim3A_450, %exp3A_445 : vector<40x128xi1>, vector<40x128xf32>
    %abs3A_452 = math.absi %sub3A_432 : vector<40x128xi32>
    %le3A_453 = vector.broadcast %get3A_414 : i32 to vector<40x128xi32>
    %le3A_454 = arith.cmpi sle, %abs3A_452, %le3A_453 : vector<40x128xi32>
    %abs3A_455 = math.absi %sub3A_430 : vector<40x128xi32>
    %le3A_456 = vector.broadcast %get3A_418 : i32 to vector<40x128xi32>
    %le3A_457 = arith.cmpi sle, %abs3A_455, %le3A_456 : vector<40x128xi32>
    %and3A_458 = arith.andi %le3A_454, %le3A_457 : vector<40x128xi1>
    %jit3A_459 = arith.constant 0.000000e+00 : f32
    %broadcast_in_dim3A_460 = vector.broadcast %jit3A_459 : f32 to vector<40x128xf32>
    %select_n3A_461 = arith.select %and3A_458, %select_n3A_451, %broadcast_in_dim3A_460 : vector<40x128xi1>, vector<40x128xf32>
    %get3A_462 = arith.index_cast %get3A_398 : i32 to index
    %get3A_463 = arith.index_cast %get3A_402 : i32 to index
    %get3A_464 = arith.constant 0 : index
    %get3A_465 = vector.load %arg6[%get3A_462, %get3A_463, %get3A_464] : memref<32x128x128xf32, #tpu.memory_space<vmem>>, vector<1x40x128xf32>
    %get3A_466 = vector.shape_cast %get3A_465 : vector<1x40x128xf32> to vector<40x128xf32>
    %max3A_467 = arith.maximumf %get3A_466, %select_n3A_461 : vector<40x128xf32>
    %swap3A_468 = arith.index_cast %get3A_398 : i32 to index
    %swap3A_469 = arith.index_cast %get3A_402 : i32 to index
    %swap3A_470 = arith.constant 0 : index
    %swap3A_471 = vector.load %arg6[%swap3A_468, %swap3A_469, %swap3A_470] : memref<32x128x128xf32, #tpu.memory_space<vmem>>, vector<1x40x128xf32>
    %swap3A_472 = vector.shape_cast %swap3A_471 : vector<1x40x128xf32> to vector<40x128xf32>
    %swap3A_473 = vector.shape_cast %max3A_467 : vector<40x128xf32> to vector<1x40x128xf32>
    tpu.vector_store %arg6[%swap3A_468, %swap3A_469, %swap3A_470], %swap3A_473 {strides = array<i32>} : memref<32x128x128xf32, #tpu.memory_space<vmem>>, vector<1x40x128xf32>,
    %get3A_474 = arith.constant 0 : index
    %get3A_475 = arith.index_cast %arg0 : i32 to index
    %get3A_476 = arith.constant 6 : index
    %get3A_477 = memref.load %arg1[%get3A_474, %get3A_475, %get3A_476] : memref<7x8x32xi32, #tpu.memory_space<smem>>
    %get3A_478 = arith.constant 1 : index
    %get3A_479 = arith.index_cast %arg0 : i32 to index
    %get3A_480 = arith.constant 6 : index
    %get3A_481 = memref.load %arg1[%get3A_478, %get3A_479, %get3A_480] : memref<7x8x32xi32, #tpu.memory_space<smem>>
    %get3A_482 = arith.constant 2 : index
    %get3A_483 = arith.index_cast %arg0 : i32 to index
    %get3A_484 = arith.constant 6 : index
    %get3A_485 = memref.load %arg1[%get3A_482, %get3A_483, %get3A_484] : memref<7x8x32xi32, #tpu.memory_space<smem>>
    %get3A_486 = arith.constant 3 : index
    %get3A_487 = arith.index_cast %arg0 : i32 to index
    %get3A_488 = arith.constant 6 : index
    %get3A_489 = memref.load %arg1[%get3A_486, %get3A_487, %get3A_488] : memref<7x8x32xi32, #tpu.memory_space<smem>>
    %get3A_490 = arith.constant 4 : index
    %get3A_491 = arith.index_cast %arg0 : i32 to index
    %get3A_492 = arith.constant 6 : index
    %get3A_493 = memref.load %arg1[%get3A_490, %get3A_491, %get3A_492] : memref<7x8x32xi32, #tpu.memory_space<smem>>
    %get3A_494 = arith.constant 5 : index
    %get3A_495 = arith.index_cast %arg0 : i32 to index
    %get3A_496 = arith.constant 6 : index
    %get3A_497 = memref.load %arg1[%get3A_494, %get3A_495, %get3A_496] : memref<7x8x32xi32, #tpu.memory_space<smem>>
    %get3A_498 = arith.constant 0 : index
    %get3A_499 = arith.index_cast %arg0 : i32 to index
    %get3A_500 = arith.constant 6 : index
    %get3A_501 = memref.load %arg2[%get3A_498, %get3A_499, %get3A_500] : memref<2x8x32xf32, #tpu.memory_space<smem>>
    %get3A_502 = arith.constant 1 : index
    %get3A_503 = arith.index_cast %arg0 : i32 to index
    %get3A_504 = arith.constant 6 : index
    %get3A_505 = memref.load %arg2[%get3A_502, %get3A_503, %get3A_504] : memref<2x8x32xf32, #tpu.memory_space<smem>>
    %add3A_506 = vector.broadcast %get3A_481 : i32 to vector<40x128xi32>
    %add3A_507 = arith.addi %add3A_506, %iota3A : vector<40x128xi32>
    %sub3A_508 = vector.broadcast %get3A_489 : i32 to vector<40x128xi32>
    %sub3A_509 = arith.subi %add3A_507, %sub3A_508 : vector<40x128xi32>
    %sub3A_510 = vector.broadcast %get3A_485 : i32 to vector<40x128xi32>
    %sub3A_511 = arith.subi %iota3A_15, %sub3A_510 : vector<40x128xi32>
    %convert_element_type3A_512 = arith.sitofp %sub3A_511 : vector<40x128xi32> to vector<40x128xf32>
    %integer_pow3A_513 = arith.mulf %convert_element_type3A_512, %convert_element_type3A_512 : vector<40x128xf32>
    %div3A_514 = vector.broadcast %get3A_501 : f32 to vector<40x128xf32>
    %div3A_515 = arith.divf %integer_pow3A_513, %div3A_514 : vector<40x128xf32>
    %convert_element_type3A_516 = arith.sitofp %sub3A_509 : vector<40x128xi32> to vector<40x128xf32>
    %integer_pow3A_517 = arith.mulf %convert_element_type3A_516, %convert_element_type3A_516 : vector<40x128xf32>
    %div3A_518 = vector.broadcast %get3A_505 : f32 to vector<40x128xf32>
    %div3A_519 = arith.divf %integer_pow3A_517, %div3A_518 : vector<40x128xf32>
    %add3A_520 = arith.addf %div3A_515, %div3A_519 : vector<40x128xf32>
    %neg3A_521 = arith.constant 0.000000e+00 : f32
    %neg3A_522 = vector.broadcast %neg3A_521 : f32 to vector<40x128xf32>
    %neg3A_523 = arith.subf %neg3A_522, %add3A_520 : vector<40x128xf32>
    %exp3A_524 = math.exp %neg3A_523 : vector<40x128xf32>
    %lt3A_525 = arith.constant 1.1920929E-7 : f32
    %lt3A_526 = vector.broadcast %lt3A_525 : f32 to vector<40x128xf32>
    %lt3A_527 = arith.cmpf olt, %exp3A_524, %lt3A_526 : vector<40x128xf32>
    %jit3A_528 = arith.constant 0.000000e+00 : f32
    %broadcast_in_dim3A_529 = vector.broadcast %jit3A_528 : f32 to vector<40x128xf32>
    %select_n3A_530 = arith.select %lt3A_527, %broadcast_in_dim3A_529, %exp3A_524 : vector<40x128xi1>, vector<40x128xf32>
    %abs3A_531 = math.absi %sub3A_511 : vector<40x128xi32>
    %le3A_532 = vector.broadcast %get3A_493 : i32 to vector<40x128xi32>
    %le3A_533 = arith.cmpi sle, %abs3A_531, %le3A_532 : vector<40x128xi32>
    %abs3A_534 = math.absi %sub3A_509 : vector<40x128xi32>
    %le3A_535 = vector.broadcast %get3A_497 : i32 to vector<40x128xi32>
    %le3A_536 = arith.cmpi sle, %abs3A_534, %le3A_535 : vector<40x128xi32>
    %and3A_537 = arith.andi %le3A_533, %le3A_536 : vector<40x128xi1>
    %jit3A_538 = arith.constant 0.000000e+00 : f32
    %broadcast_in_dim3A_539 = vector.broadcast %jit3A_538 : f32 to vector<40x128xf32>
    %select_n3A_540 = arith.select %and3A_537, %select_n3A_530, %broadcast_in_dim3A_539 : vector<40x128xi1>, vector<40x128xf32>
    %get3A_541 = arith.index_cast %get3A_477 : i32 to index
    %get3A_542 = arith.index_cast %get3A_481 : i32 to index
    %get3A_543 = arith.constant 0 : index
    %get3A_544 = vector.load %arg6[%get3A_541, %get3A_542, %get3A_543] : memref<32x128x128xf32, #tpu.memory_space<vmem>>, vector<1x40x128xf32>
    %get3A_545 = vector.shape_cast %get3A_544 : vector<1x40x128xf32> to vector<40x128xf32>
    %max3A_546 = arith.maximumf %get3A_545, %select_n3A_540 : vector<40x128xf32>
    %swap3A_547 = arith.index_cast %get3A_477 : i32 to index
    %swap3A_548 = arith.index_cast %get3A_481 : i32 to index
    %swap3A_549 = arith.constant 0 : index
    %swap3A_550 = vector.load %arg6[%swap3A_547, %swap3A_548, %swap3A_549] : memref<32x128x128xf32, #tpu.memory_space<vmem>>, vector<1x40x128xf32>
    %swap3A_551 = vector.shape_cast %swap3A_550 : vector<1x40x128xf32> to vector<40x128xf32>
    %swap3A_552 = vector.shape_cast %max3A_546 : vector<40x128xf32> to vector<1x40x128xf32>
    tpu.vector_store %arg6[%swap3A_547, %swap3A_548, %swap3A_549], %swap3A_552 {strides = array<i32>} : memref<32x128x128xf32, #tpu.memory_space<vmem>>, vector<1x40x128xf32>,
    %get3A_553 = arith.constant 0 : index
    %get3A_554 = arith.index_cast %arg0 : i32 to index
    %get3A_555 = arith.constant 7 : index
    %get3A_556 = memref.load %arg1[%get3A_553, %get3A_554, %get3A_555] : memref<7x8x32xi32, #tpu.memory_space<smem>>
    %get3A_557 = arith.constant 1 : index
    %get3A_558 = arith.index_cast %arg0 : i32 to index
    %get3A_559 = arith.constant 7 : index
    %get3A_560 = memref.load %arg1[%get3A_557, %get3A_558, %get3A_559] : memref<7x8x32xi32, #tpu.memory_space<smem>>
    %get3A_561 = arith.constant 2 : index
    %get3A_562 = arith.index_cast %arg0 : i32 to index
    %get3A_563 = arith.constant 7 : index
    %get3A_564 = memref.load %arg1[%get3A_561, %get3A_562, %get3A_563] : memref<7x8x32xi32, #tpu.memory_space<smem>>
    %get3A_565 = arith.constant 3 : index
    %get3A_566 = arith.index_cast %arg0 : i32 to index
    %get3A_567 = arith.constant 7 : index
    %get3A_568 = memref.load %arg1[%get3A_565, %get3A_566, %get3A_567] : memref<7x8x32xi32, #tpu.memory_space<smem>>
    %get3A_569 = arith.constant 4 : index
    %get3A_570 = arith.index_cast %arg0 : i32 to index
    %get3A_571 = arith.constant 7 : index
    %get3A_572 = memref.load %arg1[%get3A_569, %get3A_570, %get3A_571] : memref<7x8x32xi32, #tpu.memory_space<smem>>
    %get3A_573 = arith.constant 5 : index
    %get3A_574 = arith.index_cast %arg0 : i32 to index
    %get3A_575 = arith.constant 7 : index
    %get3A_576 = memref.load %arg1[%get3A_573, %get3A_574, %get3A_575] : memref<7x8x32xi32, #tpu.memory_space<smem>>
    %get3A_577 = arith.constant 0 : index
    %get3A_578 = arith.index_cast %arg0 : i32 to index
    %get3A_579 = arith.constant 7 : index
    %get3A_580 = memref.load %arg2[%get3A_577, %get3A_578, %get3A_579] : memref<2x8x32xf32, #tpu.memory_space<smem>>
    %get3A_581 = arith.constant 1 : index
    %get3A_582 = arith.index_cast %arg0 : i32 to index
    %get3A_583 = arith.constant 7 : index
    %get3A_584 = memref.load %arg2[%get3A_581, %get3A_582, %get3A_583] : memref<2x8x32xf32, #tpu.memory_space<smem>>
    %add3A_585 = vector.broadcast %get3A_560 : i32 to vector<40x128xi32>
    %add3A_586 = arith.addi %add3A_585, %iota3A : vector<40x128xi32>
    %sub3A_587 = vector.broadcast %get3A_568 : i32 to vector<40x128xi32>
    %sub3A_588 = arith.subi %add3A_586, %sub3A_587 : vector<40x128xi32>
    %sub3A_589 = vector.broadcast %get3A_564 : i32 to vector<40x128xi32>
    %sub3A_590 = arith.subi %iota3A_15, %sub3A_589 : vector<40x128xi32>
    %convert_element_type3A_591 = arith.sitofp %sub3A_590 : vector<40x128xi32> to vector<40x128xf32>
    %integer_pow3A_592 = arith.mulf %convert_element_type3A_591, %convert_element_type3A_591 : vector<40x128xf32>
    %div3A_593 = vector.broadcast %get3A_580 : f32 to vector<40x128xf32>
    %div3A_594 = arith.divf %integer_pow3A_592, %div3A_593 : vector<40x128xf32>
    %convert_element_type3A_595 = arith.sitofp %sub3A_588 : vector<40x128xi32> to vector<40x128xf32>
    %integer_pow3A_596 = arith.mulf %convert_element_type3A_595, %convert_element_type3A_595 : vector<40x128xf32>
    %div3A_597 = vector.broadcast %get3A_584 : f32 to vector<40x128xf32>
    %div3A_598 = arith.divf %integer_pow3A_596, %div3A_597 : vector<40x128xf32>
    %add3A_599 = arith.addf %div3A_594, %div3A_598 : vector<40x128xf32>
    %neg3A_600 = arith.constant 0.000000e+00 : f32
    %neg3A_601 = vector.broadcast %neg3A_600 : f32 to vector<40x128xf32>
    %neg3A_602 = arith.subf %neg3A_601, %add3A_599 : vector<40x128xf32>
    %exp3A_603 = math.exp %neg3A_602 : vector<40x128xf32>
    %lt3A_604 = arith.constant 1.1920929E-7 : f32
    %lt3A_605 = vector.broadcast %lt3A_604 : f32 to vector<40x128xf32>
    %lt3A_606 = arith.cmpf olt, %exp3A_603, %lt3A_605 : vector<40x128xf32>
    %jit3A_607 = arith.constant 0.000000e+00 : f32
    %broadcast_in_dim3A_608 = vector.broadcast %jit3A_607 : f32 to vector<40x128xf32>
    %select_n3A_609 = arith.select %lt3A_606, %broadcast_in_dim3A_608, %exp3A_603 : vector<40x128xi1>, vector<40x128xf32>
    %abs3A_610 = math.absi %sub3A_590 : vector<40x128xi32>
    %le3A_611 = vector.broadcast %get3A_572 : i32 to vector<40x128xi32>
    %le3A_612 = arith.cmpi sle, %abs3A_610, %le3A_611 : vector<40x128xi32>
    %abs3A_613 = math.absi %sub3A_588 : vector<40x128xi32>
    %le3A_614 = vector.broadcast %get3A_576 : i32 to vector<40x128xi32>
    %le3A_615 = arith.cmpi sle, %abs3A_613, %le3A_614 : vector<40x128xi32>
    %and3A_616 = arith.andi %le3A_612, %le3A_615 : vector<40x128xi1>
    %jit3A_617 = arith.constant 0.000000e+00 : f32
    %broadcast_in_dim3A_618 = vector.broadcast %jit3A_617 : f32 to vector<40x128xf32>
    %select_n3A_619 = arith.select %and3A_616, %select_n3A_609, %broadcast_in_dim3A_618 : vector<40x128xi1>, vector<40x128xf32>
    %get3A_620 = arith.index_cast %get3A_556 : i32 to index
    %get3A_621 = arith.index_cast %get3A_560 : i32 to index
    %get3A_622 = arith.constant 0 : index
    %get3A_623 = vector.load %arg6[%get3A_620, %get3A_621, %get3A_622] : memref<32x128x128xf32, #tpu.memory_space<vmem>>, vector<1x40x128xf32>
    %get3A_624 = vector.shape_cast %get3A_623 : vector<1x40x128xf32> to vector<40x128xf32>
    %max3A_625 = arith.maximumf %get3A_624, %select_n3A_619 : vector<40x128xf32>
    %swap3A_626 = arith.index_cast %get3A_556 : i32 to index
    %swap3A_627 = arith.index_cast %get3A_560 : i32 to index
    %swap3A_628 = arith.constant 0 : index
    %swap3A_629 = vector.load %arg6[%swap3A_626, %swap3A_627, %swap3A_628] : memref<32x128x128xf32, #tpu.memory_space<vmem>>, vector<1x40x128xf32>
    %swap3A_630 = vector.shape_cast %swap3A_629 : vector<1x40x128xf32> to vector<40x128xf32>
    %swap3A_631 = vector.shape_cast %max3A_625 : vector<40x128xf32> to vector<1x40x128xf32>
    tpu.vector_store %arg6[%swap3A_626, %swap3A_627, %swap3A_628], %swap3A_631 {strides = array<i32>} : memref<32x128x128xf32, #tpu.memory_space<vmem>>, vector<1x40x128xf32>,
    %get3A_632 = arith.constant 0 : index
    %get3A_633 = arith.index_cast %arg0 : i32 to index
    %get3A_634 = arith.constant 8 : index
    %get3A_635 = memref.load %arg1[%get3A_632, %get3A_633, %get3A_634] : memref<7x8x32xi32, #tpu.memory_space<smem>>
    %get3A_636 = arith.constant 1 : index
    %get3A_637 = arith.index_cast %arg0 : i32 to index
    %get3A_638 = arith.constant 8 : index
    %get3A_639 = memref.load %arg1[%get3A_636, %get3A_637, %get3A_638] : memref<7x8x32xi32, #tpu.memory_space<smem>>
    %get3A_640 = arith.constant 2 : index
    %get3A_641 = arith.index_cast %arg0 : i32 to index
    %get3A_642 = arith.constant 8 : index
    %get3A_643 = memref.load %arg1[%get3A_640, %get3A_641, %get3A_642] : memref<7x8x32xi32, #tpu.memory_space<smem>>
    %get3A_644 = arith.constant 3 : index
    %get3A_645 = arith.index_cast %arg0 : i32 to index
    %get3A_646 = arith.constant 8 : index
    %get3A_647 = memref.load %arg1[%get3A_644, %get3A_645, %get3A_646] : memref<7x8x32xi32, #tpu.memory_space<smem>>
    %get3A_648 = arith.constant 4 : index
    %get3A_649 = arith.index_cast %arg0 : i32 to index
    %get3A_650 = arith.constant 8 : index
    %get3A_651 = memref.load %arg1[%get3A_648, %get3A_649, %get3A_650] : memref<7x8x32xi32, #tpu.memory_space<smem>>
    %get3A_652 = arith.constant 5 : index
    %get3A_653 = arith.index_cast %arg0 : i32 to index
    %get3A_654 = arith.constant 8 : index
    %get3A_655 = memref.load %arg1[%get3A_652, %get3A_653, %get3A_654] : memref<7x8x32xi32, #tpu.memory_space<smem>>
    %get3A_656 = arith.constant 0 : index
    %get3A_657 = arith.index_cast %arg0 : i32 to index
    %get3A_658 = arith.constant 8 : index
    %get3A_659 = memref.load %arg2[%get3A_656, %get3A_657, %get3A_658] : memref<2x8x32xf32, #tpu.memory_space<smem>>
    %get3A_660 = arith.constant 1 : index
    %get3A_661 = arith.index_cast %arg0 : i32 to index
    %get3A_662 = arith.constant 8 : index
    %get3A_663 = memref.load %arg2[%get3A_660, %get3A_661, %get3A_662] : memref<2x8x32xf32, #tpu.memory_space<smem>>
    %add3A_664 = vector.broadcast %get3A_639 : i32 to vector<40x128xi32>
    %add3A_665 = arith.addi %add3A_664, %iota3A : vector<40x128xi32>
    %sub3A_666 = vector.broadcast %get3A_647 : i32 to vector<40x128xi32>
    %sub3A_667 = arith.subi %add3A_665, %sub3A_666 : vector<40x128xi32>
    %sub3A_668 = vector.broadcast %get3A_643 : i32 to vector<40x128xi32>
    %sub3A_669 = arith.subi %iota3A_15, %sub3A_668 : vector<40x128xi32>
    %convert_element_type3A_670 = arith.sitofp %sub3A_669 : vector<40x128xi32> to vector<40x128xf32>
    %integer_pow3A_671 = arith.mulf %convert_element_type3A_670, %convert_element_type3A_670 : vector<40x128xf32>
    %div3A_672 = vector.broadcast %get3A_659 : f32 to vector<40x128xf32>
    %div3A_673 = arith.divf %integer_pow3A_671, %div3A_672 : vector<40x128xf32>
    %convert_element_type3A_674 = arith.sitofp %sub3A_667 : vector<40x128xi32> to vector<40x128xf32>
    %integer_pow3A_675 = arith.mulf %convert_element_type3A_674, %convert_element_type3A_674 : vector<40x128xf32>
    %div3A_676 = vector.broadcast %get3A_663 : f32 to vector<40x128xf32>
    %div3A_677 = arith.divf %integer_pow3A_675, %div3A_676 : vector<40x128xf32>
    %add3A_678 = arith.addf %div3A_673, %div3A_677 : vector<40x128xf32>
    %neg3A_679 = arith.constant 0.000000e+00 : f32
    %neg3A_680 = vector.broadcast %neg3A_679 : f32 to vector<40x128xf32>
    %neg3A_681 = arith.subf %neg3A_680, %add3A_678 : vector<40x128xf32>
    %exp3A_682 = math.exp %neg3A_681 : vector<40x128xf32>
    %lt3A_683 = arith.constant 1.1920929E-7 : f32
    %lt3A_684 = vector.broadcast %lt3A_683 : f32 to vector<40x128xf32>
    %lt3A_685 = arith.cmpf olt, %exp3A_682, %lt3A_684 : vector<40x128xf32>
    %jit3A_686 = arith.constant 0.000000e+00 : f32
    %broadcast_in_dim3A_687 = vector.broadcast %jit3A_686 : f32 to vector<40x128xf32>
    %select_n3A_688 = arith.select %lt3A_685, %broadcast_in_dim3A_687, %exp3A_682 : vector<40x128xi1>, vector<40x128xf32>
    %abs3A_689 = math.absi %sub3A_669 : vector<40x128xi32>
    %le3A_690 = vector.broadcast %get3A_651 : i32 to vector<40x128xi32>
    %le3A_691 = arith.cmpi sle, %abs3A_689, %le3A_690 : vector<40x128xi32>
    %abs3A_692 = math.absi %sub3A_667 : vector<40x128xi32>
    %le3A_693 = vector.broadcast %get3A_655 : i32 to vector<40x128xi32>
    %le3A_694 = arith.cmpi sle, %abs3A_692, %le3A_693 : vector<40x128xi32>
    %and3A_695 = arith.andi %le3A_691, %le3A_694 : vector<40x128xi1>
    %jit3A_696 = arith.constant 0.000000e+00 : f32
    %broadcast_in_dim3A_697 = vector.broadcast %jit3A_696 : f32 to vector<40x128xf32>
    %select_n3A_698 = arith.select %and3A_695, %select_n3A_688, %broadcast_in_dim3A_697 : vector<40x128xi1>, vector<40x128xf32>
    %get3A_699 = arith.index_cast %get3A_635 : i32 to index
    %get3A_700 = arith.index_cast %get3A_639 : i32 to index
    %get3A_701 = arith.constant 0 : index
    %get3A_702 = vector.load %arg6[%get3A_699, %get3A_700, %get3A_701] : memref<32x128x128xf32, #tpu.memory_space<vmem>>, vector<1x40x128xf32>
    %get3A_703 = vector.shape_cast %get3A_702 : vector<1x40x128xf32> to vector<40x128xf32>
    %max3A_704 = arith.maximumf %get3A_703, %select_n3A_698 : vector<40x128xf32>
    %swap3A_705 = arith.index_cast %get3A_635 : i32 to index
    %swap3A_706 = arith.index_cast %get3A_639 : i32 to index
    %swap3A_707 = arith.constant 0 : index
    %swap3A_708 = vector.load %arg6[%swap3A_705, %swap3A_706, %swap3A_707] : memref<32x128x128xf32, #tpu.memory_space<vmem>>, vector<1x40x128xf32>
    %swap3A_709 = vector.shape_cast %swap3A_708 : vector<1x40x128xf32> to vector<40x128xf32>
    %swap3A_710 = vector.shape_cast %max3A_704 : vector<40x128xf32> to vector<1x40x128xf32>
    tpu.vector_store %arg6[%swap3A_705, %swap3A_706, %swap3A_707], %swap3A_710 {strides = array<i32>} : memref<32x128x128xf32, #tpu.memory_space<vmem>>, vector<1x40x128xf32>,
    %get3A_711 = arith.constant 0 : index
    %get3A_712 = arith.index_cast %arg0 : i32 to index
    %get3A_713 = arith.constant 9 : index
    %get3A_714 = memref.load %arg1[%get3A_711, %get3A_712, %get3A_713] : memref<7x8x32xi32, #tpu.memory_space<smem>>
    %get3A_715 = arith.constant 1 : index
    %get3A_716 = arith.index_cast %arg0 : i32 to index
    %get3A_717 = arith.constant 9 : index
    %get3A_718 = memref.load %arg1[%get3A_715, %get3A_716, %get3A_717] : memref<7x8x32xi32, #tpu.memory_space<smem>>
    %get3A_719 = arith.constant 2 : index
    %get3A_720 = arith.index_cast %arg0 : i32 to index
    %get3A_721 = arith.constant 9 : index
    %get3A_722 = memref.load %arg1[%get3A_719, %get3A_720, %get3A_721] : memref<7x8x32xi32, #tpu.memory_space<smem>>
    %get3A_723 = arith.constant 3 : index
    %get3A_724 = arith.index_cast %arg0 : i32 to index
    %get3A_725 = arith.constant 9 : index
    %get3A_726 = memref.load %arg1[%get3A_723, %get3A_724, %get3A_725] : memref<7x8x32xi32, #tpu.memory_space<smem>>
    %get3A_727 = arith.constant 4 : index
    %get3A_728 = arith.index_cast %arg0 : i32 to index
    %get3A_729 = arith.constant 9 : index
    %get3A_730 = memref.load %arg1[%get3A_727, %get3A_728, %get3A_729] : memref<7x8x32xi32, #tpu.memory_space<smem>>
    %get3A_731 = arith.constant 5 : index
    %get3A_732 = arith.index_cast %arg0 : i32 to index
    %get3A_733 = arith.constant 9 : index
    %get3A_734 = memref.load %arg1[%get3A_731, %get3A_732, %get3A_733] : memref<7x8x32xi32, #tpu.memory_space<smem>>
    %get3A_735 = arith.constant 0 : index
    %get3A_736 = arith.index_cast %arg0 : i32 to index
    %get3A_737 = arith.constant 9 : index
    %get3A_738 = memref.load %arg2[%get3A_735, %get3A_736, %get3A_737] : memref<2x8x32xf32, #tpu.memory_space<smem>>
    %get3A_739 = arith.constant 1 : index
    %get3A_740 = arith.index_cast %arg0 : i32 to index
    %get3A_741 = arith.constant 9 : index
    %get3A_742 = memref.load %arg2[%get3A_739, %get3A_740, %get3A_741] : memref<2x8x32xf32, #tpu.memory_space<smem>>
    %add3A_743 = vector.broadcast %get3A_718 : i32 to vector<40x128xi32>
    %add3A_744 = arith.addi %add3A_743, %iota3A : vector<40x128xi32>
    %sub3A_745 = vector.broadcast %get3A_726 : i32 to vector<40x128xi32>
    %sub3A_746 = arith.subi %add3A_744, %sub3A_745 : vector<40x128xi32>
    %sub3A_747 = vector.broadcast %get3A_722 : i32 to vector<40x128xi32>
    %sub3A_748 = arith.subi %iota3A_15, %sub3A_747 : vector<40x128xi32>
    %convert_element_type3A_749 = arith.sitofp %sub3A_748 : vector<40x128xi32> to vector<40x128xf32>
    %integer_pow3A_750 = arith.mulf %convert_element_type3A_749, %convert_element_type3A_749 : vector<40x128xf32>
    %div3A_751 = vector.broadcast %get3A_738 : f32 to vector<40x128xf32>
    %div3A_752 = arith.divf %integer_pow3A_750, %div3A_751 : vector<40x128xf32>
    %convert_element_type3A_753 = arith.sitofp %sub3A_746 : vector<40x128xi32> to vector<40x128xf32>
    %integer_pow3A_754 = arith.mulf %convert_element_type3A_753, %convert_element_type3A_753 : vector<40x128xf32>
    %div3A_755 = vector.broadcast %get3A_742 : f32 to vector<40x128xf32>
    %div3A_756 = arith.divf %integer_pow3A_754, %div3A_755 : vector<40x128xf32>
    %add3A_757 = arith.addf %div3A_752, %div3A_756 : vector<40x128xf32>
    %neg3A_758 = arith.constant 0.000000e+00 : f32
    %neg3A_759 = vector.broadcast %neg3A_758 : f32 to vector<40x128xf32>
    %neg3A_760 = arith.subf %neg3A_759, %add3A_757 : vector<40x128xf32>
    %exp3A_761 = math.exp %neg3A_760 : vector<40x128xf32>
    %lt3A_762 = arith.constant 1.1920929E-7 : f32
    %lt3A_763 = vector.broadcast %lt3A_762 : f32 to vector<40x128xf32>
    %lt3A_764 = arith.cmpf olt, %exp3A_761, %lt3A_763 : vector<40x128xf32>
    %jit3A_765 = arith.constant 0.000000e+00 : f32
    %broadcast_in_dim3A_766 = vector.broadcast %jit3A_765 : f32 to vector<40x128xf32>
    %select_n3A_767 = arith.select %lt3A_764, %broadcast_in_dim3A_766, %exp3A_761 : vector<40x128xi1>, vector<40x128xf32>
    %abs3A_768 = math.absi %sub3A_748 : vector<40x128xi32>
    %le3A_769 = vector.broadcast %get3A_730 : i32 to vector<40x128xi32>
    %le3A_770 = arith.cmpi sle, %abs3A_768, %le3A_769 : vector<40x128xi32>
    %abs3A_771 = math.absi %sub3A_746 : vector<40x128xi32>
    %le3A_772 = vector.broadcast %get3A_734 : i32 to vector<40x128xi32>
    %le3A_773 = arith.cmpi sle, %abs3A_771, %le3A_772 : vector<40x128xi32>
    %and3A_774 = arith.andi %le3A_770, %le3A_773 : vector<40x128xi1>
    %jit3A_775 = arith.constant 0.000000e+00 : f32
    %broadcast_in_dim3A_776 = vector.broadcast %jit3A_775 : f32 to vector<40x128xf32>
    %select_n3A_777 = arith.select %and3A_774, %select_n3A_767, %broadcast_in_dim3A_776 : vector<40x128xi1>, vector<40x128xf32>
    %get3A_778 = arith.index_cast %get3A_714 : i32 to index
    %get3A_779 = arith.index_cast %get3A_718 : i32 to index
    %get3A_780 = arith.constant 0 : index
    %get3A_781 = vector.load %arg6[%get3A_778, %get3A_779, %get3A_780] : memref<32x128x128xf32, #tpu.memory_space<vmem>>, vector<1x40x128xf32>
    %get3A_782 = vector.shape_cast %get3A_781 : vector<1x40x128xf32> to vector<40x128xf32>
    %max3A_783 = arith.maximumf %get3A_782, %select_n3A_777 : vector<40x128xf32>
    %swap3A_784 = arith.index_cast %get3A_714 : i32 to index
    %swap3A_785 = arith.index_cast %get3A_718 : i32 to index
    %swap3A_786 = arith.constant 0 : index
    %swap3A_787 = vector.load %arg6[%swap3A_784, %swap3A_785, %swap3A_786] : memref<32x128x128xf32, #tpu.memory_space<vmem>>, vector<1x40x128xf32>
    %swap3A_788 = vector.shape_cast %swap3A_787 : vector<1x40x128xf32> to vector<40x128xf32>
    %swap3A_789 = vector.shape_cast %max3A_783 : vector<40x128xf32> to vector<1x40x128xf32>
    tpu.vector_store %arg6[%swap3A_784, %swap3A_785, %swap3A_786], %swap3A_789 {strides = array<i32>} : memref<32x128x128xf32, #tpu.memory_space<vmem>>, vector<1x40x128xf32>,
    %get3A_790 = arith.constant 0 : index
    %get3A_791 = arith.index_cast %arg0 : i32 to index
    %get3A_792 = arith.constant 10 : index
    %get3A_793 = memref.load %arg1[%get3A_790, %get3A_791, %get3A_792] : memref<7x8x32xi32, #tpu.memory_space<smem>>
    %get3A_794 = arith.constant 1 : index
    %get3A_795 = arith.index_cast %arg0 : i32 to index
    %get3A_796 = arith.constant 10 : index
    %get3A_797 = memref.load %arg1[%get3A_794, %get3A_795, %get3A_796] : memref<7x8x32xi32, #tpu.memory_space<smem>>
    %get3A_798 = arith.constant 2 : index
    %get3A_799 = arith.index_cast %arg0 : i32 to index
    %get3A_800 = arith.constant 10 : index
    %get3A_801 = memref.load %arg1[%get3A_798, %get3A_799, %get3A_800] : memref<7x8x32xi32, #tpu.memory_space<smem>>
    %get3A_802 = arith.constant 3 : index
    %get3A_803 = arith.index_cast %arg0 : i32 to index
    %get3A_804 = arith.constant 10 : index
    %get3A_805 = memref.load %arg1[%get3A_802, %get3A_803, %get3A_804] : memref<7x8x32xi32, #tpu.memory_space<smem>>
    %get3A_806 = arith.constant 4 : index
    %get3A_807 = arith.index_cast %arg0 : i32 to index
    %get3A_808 = arith.constant 10 : index
    %get3A_809 = memref.load %arg1[%get3A_806, %get3A_807, %get3A_808] : memref<7x8x32xi32, #tpu.memory_space<smem>>
    %get3A_810 = arith.constant 5 : index
    %get3A_811 = arith.index_cast %arg0 : i32 to index
    %get3A_812 = arith.constant 10 : index
    %get3A_813 = memref.load %arg1[%get3A_810, %get3A_811, %get3A_812] : memref<7x8x32xi32, #tpu.memory_space<smem>>
    %get3A_814 = arith.constant 0 : index
    %get3A_815 = arith.index_cast %arg0 : i32 to index
    %get3A_816 = arith.constant 10 : index
    %get3A_817 = memref.load %arg2[%get3A_814, %get3A_815, %get3A_816] : memref<2x8x32xf32, #tpu.memory_space<smem>>
    %get3A_818 = arith.constant 1 : index
    %get3A_819 = arith.index_cast %arg0 : i32 to index
    %get3A_820 = arith.constant 10 : index
    %get3A_821 = memref.load %arg2[%get3A_818, %get3A_819, %get3A_820] : memref<2x8x32xf32, #tpu.memory_space<smem>>
    %add3A_822 = vector.broadcast %get3A_797 : i32 to vector<40x128xi32>
    %add3A_823 = arith.addi %add3A_822, %iota3A : vector<40x128xi32>
    %sub3A_824 = vector.broadcast %get3A_805 : i32 to vector<40x128xi32>
    %sub3A_825 = arith.subi %add3A_823, %sub3A_824 : vector<40x128xi32>
    %sub3A_826 = vector.broadcast %get3A_801 : i32 to vector<40x128xi32>
    %sub3A_827 = arith.subi %iota3A_15, %sub3A_826 : vector<40x128xi32>
    %convert_element_type3A_828 = arith.sitofp %sub3A_827 : vector<40x128xi32> to vector<40x128xf32>
    %integer_pow3A_829 = arith.mulf %convert_element_type3A_828, %convert_element_type3A_828 : vector<40x128xf32>
    %div3A_830 = vector.broadcast %get3A_817 : f32 to vector<40x128xf32>
    %div3A_831 = arith.divf %integer_pow3A_829, %div3A_830 : vector<40x128xf32>
    %convert_element_type3A_832 = arith.sitofp %sub3A_825 : vector<40x128xi32> to vector<40x128xf32>
    %integer_pow3A_833 = arith.mulf %convert_element_type3A_832, %convert_element_type3A_832 : vector<40x128xf32>
    %div3A_834 = vector.broadcast %get3A_821 : f32 to vector<40x128xf32>
    %div3A_835 = arith.divf %integer_pow3A_833, %div3A_834 : vector<40x128xf32>
    %add3A_836 = arith.addf %div3A_831, %div3A_835 : vector<40x128xf32>
    %neg3A_837 = arith.constant 0.000000e+00 : f32
    %neg3A_838 = vector.broadcast %neg3A_837 : f32 to vector<40x128xf32>
    %neg3A_839 = arith.subf %neg3A_838, %add3A_836 : vector<40x128xf32>
    %exp3A_840 = math.exp %neg3A_839 : vector<40x128xf32>
    %lt3A_841 = arith.constant 1.1920929E-7 : f32
    %lt3A_842 = vector.broadcast %lt3A_841 : f32 to vector<40x128xf32>
    %lt3A_843 = arith.cmpf olt, %exp3A_840, %lt3A_842 : vector<40x128xf32>
    %jit3A_844 = arith.constant 0.000000e+00 : f32
    %broadcast_in_dim3A_845 = vector.broadcast %jit3A_844 : f32 to vector<40x128xf32>
    %select_n3A_846 = arith.select %lt3A_843, %broadcast_in_dim3A_845, %exp3A_840 : vector<40x128xi1>, vector<40x128xf32>
    %abs3A_847 = math.absi %sub3A_827 : vector<40x128xi32>
    %le3A_848 = vector.broadcast %get3A_809 : i32 to vector<40x128xi32>
    %le3A_849 = arith.cmpi sle, %abs3A_847, %le3A_848 : vector<40x128xi32>
    %abs3A_850 = math.absi %sub3A_825 : vector<40x128xi32>
    %le3A_851 = vector.broadcast %get3A_813 : i32 to vector<40x128xi32>
    %le3A_852 = arith.cmpi sle, %abs3A_850, %le3A_851 : vector<40x128xi32>
    %and3A_853 = arith.andi %le3A_849, %le3A_852 : vector<40x128xi1>
    %jit3A_854 = arith.constant 0.000000e+00 : f32
    %broadcast_in_dim3A_855 = vector.broadcast %jit3A_854 : f32 to vector<40x128xf32>
    %select_n3A_856 = arith.select %and3A_853, %select_n3A_846, %broadcast_in_dim3A_855 : vector<40x128xi1>, vector<40x128xf32>
    %get3A_857 = arith.index_cast %get3A_793 : i32 to index
    %get3A_858 = arith.index_cast %get3A_797 : i32 to index
    %get3A_859 = arith.constant 0 : index
    %get3A_860 = vector.load %arg6[%get3A_857, %get3A_858, %get3A_859] : memref<32x128x128xf32, #tpu.memory_space<vmem>>, vector<1x40x128xf32>
    %get3A_861 = vector.shape_cast %get3A_860 : vector<1x40x128xf32> to vector<40x128xf32>
    %max3A_862 = arith.maximumf %get3A_861, %select_n3A_856 : vector<40x128xf32>
    %swap3A_863 = arith.index_cast %get3A_793 : i32 to index
    %swap3A_864 = arith.index_cast %get3A_797 : i32 to index
    %swap3A_865 = arith.constant 0 : index
    %swap3A_866 = vector.load %arg6[%swap3A_863, %swap3A_864, %swap3A_865] : memref<32x128x128xf32, #tpu.memory_space<vmem>>, vector<1x40x128xf32>
    %swap3A_867 = vector.shape_cast %swap3A_866 : vector<1x40x128xf32> to vector<40x128xf32>
    %swap3A_868 = vector.shape_cast %max3A_862 : vector<40x128xf32> to vector<1x40x128xf32>
    tpu.vector_store %arg6[%swap3A_863, %swap3A_864, %swap3A_865], %swap3A_868 {strides = array<i32>} : memref<32x128x128xf32, #tpu.memory_space<vmem>>, vector<1x40x128xf32>,
    %get3A_869 = arith.constant 0 : index
    %get3A_870 = arith.index_cast %arg0 : i32 to index
    %get3A_871 = arith.constant 11 : index
    %get3A_872 = memref.load %arg1[%get3A_869, %get3A_870, %get3A_871] : memref<7x8x32xi32, #tpu.memory_space<smem>>
    %get3A_873 = arith.constant 1 : index
    %get3A_874 = arith.index_cast %arg0 : i32 to index
    %get3A_875 = arith.constant 11 : index
    %get3A_876 = memref.load %arg1[%get3A_873, %get3A_874, %get3A_875] : memref<7x8x32xi32, #tpu.memory_space<smem>>
    %get3A_877 = arith.constant 2 : index
    %get3A_878 = arith.index_cast %arg0 : i32 to index
    %get3A_879 = arith.constant 11 : index
    %get3A_880 = memref.load %arg1[%get3A_877, %get3A_878, %get3A_879] : memref<7x8x32xi32, #tpu.memory_space<smem>>
    %get3A_881 = arith.constant 3 : index
    %get3A_882 = arith.index_cast %arg0 : i32 to index
    %get3A_883 = arith.constant 11 : index
    %get3A_884 = memref.load %arg1[%get3A_881, %get3A_882, %get3A_883] : memref<7x8x32xi32, #tpu.memory_space<smem>>
    %get3A_885 = arith.constant 4 : index
    %get3A_886 = arith.index_cast %arg0 : i32 to index
    %get3A_887 = arith.constant 11 : index
    %get3A_888 = memref.load %arg1[%get3A_885, %get3A_886, %get3A_887] : memref<7x8x32xi32, #tpu.memory_space<smem>>
    %get3A_889 = arith.constant 5 : index
    %get3A_890 = arith.index_cast %arg0 : i32 to index
    %get3A_891 = arith.constant 11 : index
    %get3A_892 = memref.load %arg1[%get3A_889, %get3A_890, %get3A_891] : memref<7x8x32xi32, #tpu.memory_space<smem>>
    %get3A_893 = arith.constant 0 : index
    %get3A_894 = arith.index_cast %arg0 : i32 to index
    %get3A_895 = arith.constant 11 : index
    %get3A_896 = memref.load %arg2[%get3A_893, %get3A_894, %get3A_895] : memref<2x8x32xf32, #tpu.memory_space<smem>>
    %get3A_897 = arith.constant 1 : index
    %get3A_898 = arith.index_cast %arg0 : i32 to index
    %get3A_899 = arith.constant 11 : index
    %get3A_900 = memref.load %arg2[%get3A_897, %get3A_898, %get3A_899] : memref<2x8x32xf32, #tpu.memory_space<smem>>
    %add3A_901 = vector.broadcast %get3A_876 : i32 to vector<40x128xi32>
    %add3A_902 = arith.addi %add3A_901, %iota3A : vector<40x128xi32>
    %sub3A_903 = vector.broadcast %get3A_884 : i32 to vector<40x128xi32>
    %sub3A_904 = arith.subi %add3A_902, %sub3A_903 : vector<40x128xi32>
    %sub3A_905 = vector.broadcast %get3A_880 : i32 to vector<40x128xi32>
    %sub3A_906 = arith.subi %iota3A_15, %sub3A_905 : vector<40x128xi32>
    %convert_element_type3A_907 = arith.sitofp %sub3A_906 : vector<40x128xi32> to vector<40x128xf32>
    %integer_pow3A_908 = arith.mulf %convert_element_type3A_907, %convert_element_type3A_907 : vector<40x128xf32>
    %div3A_909 = vector.broadcast %get3A_896 : f32 to vector<40x128xf32>
    %div3A_910 = arith.divf %integer_pow3A_908, %div3A_909 : vector<40x128xf32>
    %convert_element_type3A_911 = arith.sitofp %sub3A_904 : vector<40x128xi32> to vector<40x128xf32>
    %integer_pow3A_912 = arith.mulf %convert_element_type3A_911, %convert_element_type3A_911 : vector<40x128xf32>
    %div3A_913 = vector.broadcast %get3A_900 : f32 to vector<40x128xf32>
    %div3A_914 = arith.divf %integer_pow3A_912, %div3A_913 : vector<40x128xf32>
    %add3A_915 = arith.addf %div3A_910, %div3A_914 : vector<40x128xf32>
    %neg3A_916 = arith.constant 0.000000e+00 : f32
    %neg3A_917 = vector.broadcast %neg3A_916 : f32 to vector<40x128xf32>
    %neg3A_918 = arith.subf %neg3A_917, %add3A_915 : vector<40x128xf32>
    %exp3A_919 = math.exp %neg3A_918 : vector<40x128xf32>
    %lt3A_920 = arith.constant 1.1920929E-7 : f32
    %lt3A_921 = vector.broadcast %lt3A_920 : f32 to vector<40x128xf32>
    %lt3A_922 = arith.cmpf olt, %exp3A_919, %lt3A_921 : vector<40x128xf32>
    %jit3A_923 = arith.constant 0.000000e+00 : f32
    %broadcast_in_dim3A_924 = vector.broadcast %jit3A_923 : f32 to vector<40x128xf32>
    %select_n3A_925 = arith.select %lt3A_922, %broadcast_in_dim3A_924, %exp3A_919 : vector<40x128xi1>, vector<40x128xf32>
    %abs3A_926 = math.absi %sub3A_906 : vector<40x128xi32>
    %le3A_927 = vector.broadcast %get3A_888 : i32 to vector<40x128xi32>
    %le3A_928 = arith.cmpi sle, %abs3A_926, %le3A_927 : vector<40x128xi32>
    %abs3A_929 = math.absi %sub3A_904 : vector<40x128xi32>
    %le3A_930 = vector.broadcast %get3A_892 : i32 to vector<40x128xi32>
    %le3A_931 = arith.cmpi sle, %abs3A_929, %le3A_930 : vector<40x128xi32>
    %and3A_932 = arith.andi %le3A_928, %le3A_931 : vector<40x128xi1>
    %jit3A_933 = arith.constant 0.000000e+00 : f32
    %broadcast_in_dim3A_934 = vector.broadcast %jit3A_933 : f32 to vector<40x128xf32>
    %select_n3A_935 = arith.select %and3A_932, %select_n3A_925, %broadcast_in_dim3A_934 : vector<40x128xi1>, vector<40x128xf32>
    %get3A_936 = arith.index_cast %get3A_872 : i32 to index
    %get3A_937 = arith.index_cast %get3A_876 : i32 to index
    %get3A_938 = arith.constant 0 : index
    %get3A_939 = vector.load %arg6[%get3A_936, %get3A_937, %get3A_938] : memref<32x128x128xf32, #tpu.memory_space<vmem>>, vector<1x40x128xf32>
    %get3A_940 = vector.shape_cast %get3A_939 : vector<1x40x128xf32> to vector<40x128xf32>
    %max3A_941 = arith.maximumf %get3A_940, %select_n3A_935 : vector<40x128xf32>
    %swap3A_942 = arith.index_cast %get3A_872 : i32 to index
    %swap3A_943 = arith.index_cast %get3A_876 : i32 to index
    %swap3A_944 = arith.constant 0 : index
    %swap3A_945 = vector.load %arg6[%swap3A_942, %swap3A_943, %swap3A_944] : memref<32x128x128xf32, #tpu.memory_space<vmem>>, vector<1x40x128xf32>
    %swap3A_946 = vector.shape_cast %swap3A_945 : vector<1x40x128xf32> to vector<40x128xf32>
    %swap3A_947 = vector.shape_cast %max3A_941 : vector<40x128xf32> to vector<1x40x128xf32>
    tpu.vector_store %arg6[%swap3A_942, %swap3A_943, %swap3A_944], %swap3A_947 {strides = array<i32>} : memref<32x128x128xf32, #tpu.memory_space<vmem>>, vector<1x40x128xf32>,
    %get3A_948 = arith.constant 0 : index
    %get3A_949 = arith.index_cast %arg0 : i32 to index
    %get3A_950 = arith.constant 12 : index
    %get3A_951 = memref.load %arg1[%get3A_948, %get3A_949, %get3A_950] : memref<7x8x32xi32, #tpu.memory_space<smem>>
    %get3A_952 = arith.constant 1 : index
    %get3A_953 = arith.index_cast %arg0 : i32 to index
    %get3A_954 = arith.constant 12 : index
    %get3A_955 = memref.load %arg1[%get3A_952, %get3A_953, %get3A_954] : memref<7x8x32xi32, #tpu.memory_space<smem>>
    %get3A_956 = arith.constant 2 : index
    %get3A_957 = arith.index_cast %arg0 : i32 to index
    %get3A_958 = arith.constant 12 : index
    %get3A_959 = memref.load %arg1[%get3A_956, %get3A_957, %get3A_958] : memref<7x8x32xi32, #tpu.memory_space<smem>>
    %get3A_960 = arith.constant 3 : index
    %get3A_961 = arith.index_cast %arg0 : i32 to index
    %get3A_962 = arith.constant 12 : index
    %get3A_963 = memref.load %arg1[%get3A_960, %get3A_961, %get3A_962] : memref<7x8x32xi32, #tpu.memory_space<smem>>
    %get3A_964 = arith.constant 4 : index
    %get3A_965 = arith.index_cast %arg0 : i32 to index
    %get3A_966 = arith.constant 12 : index
    %get3A_967 = memref.load %arg1[%get3A_964, %get3A_965, %get3A_966] : memref<7x8x32xi32, #tpu.memory_space<smem>>
    %get3A_968 = arith.constant 5 : index
    %get3A_969 = arith.index_cast %arg0 : i32 to index
    %get3A_970 = arith.constant 12 : index
    %get3A_971 = memref.load %arg1[%get3A_968, %get3A_969, %get3A_970] : memref<7x8x32xi32, #tpu.memory_space<smem>>
    %get3A_972 = arith.constant 0 : index
    %get3A_973 = arith.index_cast %arg0 : i32 to index
    %get3A_974 = arith.constant 12 : index
    %get3A_975 = memref.load %arg2[%get3A_972, %get3A_973, %get3A_974] : memref<2x8x32xf32, #tpu.memory_space<smem>>
    %get3A_976 = arith.constant 1 : index
    %get3A_977 = arith.index_cast %arg0 : i32 to index
    %get3A_978 = arith.constant 12 : index
    %get3A_979 = memref.load %arg2[%get3A_976, %get3A_977, %get3A_978] : memref<2x8x32xf32, #tpu.memory_space<smem>>
    %add3A_980 = vector.broadcast %get3A_955 : i32 to vector<40x128xi32>
    %add3A_981 = arith.addi %add3A_980, %iota3A : vector<40x128xi32>
    %sub3A_982 = vector.broadcast %get3A_963 : i32 to vector<40x128xi32>
    %sub3A_983 = arith.subi %add3A_981, %sub3A_982 : vector<40x128xi32>
    %sub3A_984 = vector.broadcast %get3A_959 : i32 to vector<40x128xi32>
    %sub3A_985 = arith.subi %iota3A_15, %sub3A_984 : vector<40x128xi32>
    %convert_element_type3A_986 = arith.sitofp %sub3A_985 : vector<40x128xi32> to vector<40x128xf32>
    %integer_pow3A_987 = arith.mulf %convert_element_type3A_986, %convert_element_type3A_986 : vector<40x128xf32>
    %div3A_988 = vector.broadcast %get3A_975 : f32 to vector<40x128xf32>
    %div3A_989 = arith.divf %integer_pow3A_987, %div3A_988 : vector<40x128xf32>
    %convert_element_type3A_990 = arith.sitofp %sub3A_983 : vector<40x128xi32> to vector<40x128xf32>
    %integer_pow3A_991 = arith.mulf %convert_element_type3A_990, %convert_element_type3A_990 : vector<40x128xf32>
    %div3A_992 = vector.broadcast %get3A_979 : f32 to vector<40x128xf32>
    %div3A_993 = arith.divf %integer_pow3A_991, %div3A_992 : vector<40x128xf32>
    %add3A_994 = arith.addf %div3A_989, %div3A_993 : vector<40x128xf32>
    %neg3A_995 = arith.constant 0.000000e+00 : f32
    %neg3A_996 = vector.broadcast %neg3A_995 : f32 to vector<40x128xf32>
    %neg3A_997 = arith.subf %neg3A_996, %add3A_994 : vector<40x128xf32>
    %exp3A_998 = math.exp %neg3A_997 : vector<40x128xf32>
    %lt3A_999 = arith.constant 1.1920929E-7 : f32
    %lt3A_1000 = vector.broadcast %lt3A_999 : f32 to vector<40x128xf32>
    %lt3A_1001 = arith.cmpf olt, %exp3A_998, %lt3A_1000 : vector<40x128xf32>
    %jit3A_1002 = arith.constant 0.000000e+00 : f32
    %broadcast_in_dim3A_1003 = vector.broadcast %jit3A_1002 : f32 to vector<40x128xf32>
    %select_n3A_1004 = arith.select %lt3A_1001, %broadcast_in_dim3A_1003, %exp3A_998 : vector<40x128xi1>, vector<40x128xf32>
    %abs3A_1005 = math.absi %sub3A_985 : vector<40x128xi32>
    %le3A_1006 = vector.broadcast %get3A_967 : i32 to vector<40x128xi32>
    %le3A_1007 = arith.cmpi sle, %abs3A_1005, %le3A_1006 : vector<40x128xi32>
    %abs3A_1008 = math.absi %sub3A_983 : vector<40x128xi32>
    %le3A_1009 = vector.broadcast %get3A_971 : i32 to vector<40x128xi32>
    %le3A_1010 = arith.cmpi sle, %abs3A_1008, %le3A_1009 : vector<40x128xi32>
    %and3A_1011 = arith.andi %le3A_1007, %le3A_1010 : vector<40x128xi1>
    %jit3A_1012 = arith.constant 0.000000e+00 : f32
    %broadcast_in_dim3A_1013 = vector.broadcast %jit3A_1012 : f32 to vector<40x128xf32>
    %select_n3A_1014 = arith.select %and3A_1011, %select_n3A_1004, %broadcast_in_dim3A_1013 : vector<40x128xi1>, vector<40x128xf32>
    %get3A_1015 = arith.index_cast %get3A_951 : i32 to index
    %get3A_1016 = arith.index_cast %get3A_955 : i32 to index
    %get3A_1017 = arith.constant 0 : index
    %get3A_1018 = vector.load %arg6[%get3A_1015, %get3A_1016, %get3A_1017] : memref<32x128x128xf32, #tpu.memory_space<vmem>>, vector<1x40x128xf32>
    %get3A_1019 = vector.shape_cast %get3A_1018 : vector<1x40x128xf32> to vector<40x128xf32>
    %max3A_1020 = arith.maximumf %get3A_1019, %select_n3A_1014 : vector<40x128xf32>
    %swap3A_1021 = arith.index_cast %get3A_951 : i32 to index
    %swap3A_1022 = arith.index_cast %get3A_955 : i32 to index
    %swap3A_1023 = arith.constant 0 : index
    %swap3A_1024 = vector.load %arg6[%swap3A_1021, %swap3A_1022, %swap3A_1023] : memref<32x128x128xf32, #tpu.memory_space<vmem>>, vector<1x40x128xf32>
    %swap3A_1025 = vector.shape_cast %swap3A_1024 : vector<1x40x128xf32> to vector<40x128xf32>
    %swap3A_1026 = vector.shape_cast %max3A_1020 : vector<40x128xf32> to vector<1x40x128xf32>
    tpu.vector_store %arg6[%swap3A_1021, %swap3A_1022, %swap3A_1023], %swap3A_1026 {strides = array<i32>} : memref<32x128x128xf32, #tpu.memory_space<vmem>>, vector<1x40x128xf32>,
    %get3A_1027 = arith.constant 0 : index
    %get3A_1028 = arith.index_cast %arg0 : i32 to index
    %get3A_1029 = arith.constant 13 : index
    %get3A_1030 = memref.load %arg1[%get3A_1027, %get3A_1028, %get3A_1029] : memref<7x8x32xi32, #tpu.memory_space<smem>>
    %get3A_1031 = arith.constant 1 : index
    %get3A_1032 = arith.index_cast %arg0 : i32 to index
    %get3A_1033 = arith.constant 13 : index
    %get3A_1034 = memref.load %arg1[%get3A_1031, %get3A_1032, %get3A_1033] : memref<7x8x32xi32, #tpu.memory_space<smem>>
    %get3A_1035 = arith.constant 2 : index
    %get3A_1036 = arith.index_cast %arg0 : i32 to index
    %get3A_1037 = arith.constant 13 : index
    %get3A_1038 = memref.load %arg1[%get3A_1035, %get3A_1036, %get3A_1037] : memref<7x8x32xi32, #tpu.memory_space<smem>>
    %get3A_1039 = arith.constant 3 : index
    %get3A_1040 = arith.index_cast %arg0 : i32 to index
    %get3A_1041 = arith.constant 13 : index
    %get3A_1042 = memref.load %arg1[%get3A_1039, %get3A_1040, %get3A_1041] : memref<7x8x32xi32, #tpu.memory_space<smem>>
    %get3A_1043 = arith.constant 4 : index
    %get3A_1044 = arith.index_cast %arg0 : i32 to index
    %get3A_1045 = arith.constant 13 : index
    %get3A_1046 = memref.load %arg1[%get3A_1043, %get3A_1044, %get3A_1045] : memref<7x8x32xi32, #tpu.memory_space<smem>>
    %get3A_1047 = arith.constant 5 : index
    %get3A_1048 = arith.index_cast %arg0 : i32 to index
    %get3A_1049 = arith.constant 13 : index
    %get3A_1050 = memref.load %arg1[%get3A_1047, %get3A_1048, %get3A_1049] : memref<7x8x32xi32, #tpu.memory_space<smem>>
    %get3A_1051 = arith.constant 0 : index
    %get3A_1052 = arith.index_cast %arg0 : i32 to index
    %get3A_1053 = arith.constant 13 : index
    %get3A_1054 = memref.load %arg2[%get3A_1051, %get3A_1052, %get3A_1053] : memref<2x8x32xf32, #tpu.memory_space<smem>>
    %get3A_1055 = arith.constant 1 : index
    %get3A_1056 = arith.index_cast %arg0 : i32 to index
    %get3A_1057 = arith.constant 13 : index
    %get3A_1058 = memref.load %arg2[%get3A_1055, %get3A_1056, %get3A_1057] : memref<2x8x32xf32, #tpu.memory_space<smem>>
    %add3A_1059 = vector.broadcast %get3A_1034 : i32 to vector<40x128xi32>
    %add3A_1060 = arith.addi %add3A_1059, %iota3A : vector<40x128xi32>
    %sub3A_1061 = vector.broadcast %get3A_1042 : i32 to vector<40x128xi32>
    %sub3A_1062 = arith.subi %add3A_1060, %sub3A_1061 : vector<40x128xi32>
    %sub3A_1063 = vector.broadcast %get3A_1038 : i32 to vector<40x128xi32>
    %sub3A_1064 = arith.subi %iota3A_15, %sub3A_1063 : vector<40x128xi32>
    %convert_element_type3A_1065 = arith.sitofp %sub3A_1064 : vector<40x128xi32> to vector<40x128xf32>
    %integer_pow3A_1066 = arith.mulf %convert_element_type3A_1065, %convert_element_type3A_1065 : vector<40x128xf32>
    %div3A_1067 = vector.broadcast %get3A_1054 : f32 to vector<40x128xf32>
    %div3A_1068 = arith.divf %integer_pow3A_1066, %div3A_1067 : vector<40x128xf32>
    %convert_element_type3A_1069 = arith.sitofp %sub3A_1062 : vector<40x128xi32> to vector<40x128xf32>
    %integer_pow3A_1070 = arith.mulf %convert_element_type3A_1069, %convert_element_type3A_1069 : vector<40x128xf32>
    %div3A_1071 = vector.broadcast %get3A_1058 : f32 to vector<40x128xf32>
    %div3A_1072 = arith.divf %integer_pow3A_1070, %div3A_1071 : vector<40x128xf32>
    %add3A_1073 = arith.addf %div3A_1068, %div3A_1072 : vector<40x128xf32>
    %neg3A_1074 = arith.constant 0.000000e+00 : f32
    %neg3A_1075 = vector.broadcast %neg3A_1074 : f32 to vector<40x128xf32>
    %neg3A_1076 = arith.subf %neg3A_1075, %add3A_1073 : vector<40x128xf32>
    %exp3A_1077 = math.exp %neg3A_1076 : vector<40x128xf32>
    %lt3A_1078 = arith.constant 1.1920929E-7 : f32
    %lt3A_1079 = vector.broadcast %lt3A_1078 : f32 to vector<40x128xf32>
    %lt3A_1080 = arith.cmpf olt, %exp3A_1077, %lt3A_1079 : vector<40x128xf32>
    %jit3A_1081 = arith.constant 0.000000e+00 : f32
    %broadcast_in_dim3A_1082 = vector.broadcast %jit3A_1081 : f32 to vector<40x128xf32>
    %select_n3A_1083 = arith.select %lt3A_1080, %broadcast_in_dim3A_1082, %exp3A_1077 : vector<40x128xi1>, vector<40x128xf32>
    %abs3A_1084 = math.absi %sub3A_1064 : vector<40x128xi32>
    %le3A_1085 = vector.broadcast %get3A_1046 : i32 to vector<40x128xi32>
    %le3A_1086 = arith.cmpi sle, %abs3A_1084, %le3A_1085 : vector<40x128xi32>
    %abs3A_1087 = math.absi %sub3A_1062 : vector<40x128xi32>
    %le3A_1088 = vector.broadcast %get3A_1050 : i32 to vector<40x128xi32>
    %le3A_1089 = arith.cmpi sle, %abs3A_1087, %le3A_1088 : vector<40x128xi32>
    %and3A_1090 = arith.andi %le3A_1086, %le3A_1089 : vector<40x128xi1>
    %jit3A_1091 = arith.constant 0.000000e+00 : f32
    %broadcast_in_dim3A_1092 = vector.broadcast %jit3A_1091 : f32 to vector<40x128xf32>
    %select_n3A_1093 = arith.select %and3A_1090, %select_n3A_1083, %broadcast_in_dim3A_1092 : vector<40x128xi1>, vector<40x128xf32>
    %get3A_1094 = arith.index_cast %get3A_1030 : i32 to index
    %get3A_1095 = arith.index_cast %get3A_1034 : i32 to index
    %get3A_1096 = arith.constant 0 : index
    %get3A_1097 = vector.load %arg6[%get3A_1094, %get3A_1095, %get3A_1096] : memref<32x128x128xf32, #tpu.memory_space<vmem>>, vector<1x40x128xf32>
    %get3A_1098 = vector.shape_cast %get3A_1097 : vector<1x40x128xf32> to vector<40x128xf32>
    %max3A_1099 = arith.maximumf %get3A_1098, %select_n3A_1093 : vector<40x128xf32>
    %swap3A_1100 = arith.index_cast %get3A_1030 : i32 to index
    %swap3A_1101 = arith.index_cast %get3A_1034 : i32 to index
    %swap3A_1102 = arith.constant 0 : index
    %swap3A_1103 = vector.load %arg6[%swap3A_1100, %swap3A_1101, %swap3A_1102] : memref<32x128x128xf32, #tpu.memory_space<vmem>>, vector<1x40x128xf32>
    %swap3A_1104 = vector.shape_cast %swap3A_1103 : vector<1x40x128xf32> to vector<40x128xf32>
    %swap3A_1105 = vector.shape_cast %max3A_1099 : vector<40x128xf32> to vector<1x40x128xf32>
    tpu.vector_store %arg6[%swap3A_1100, %swap3A_1101, %swap3A_1102], %swap3A_1105 {strides = array<i32>} : memref<32x128x128xf32, #tpu.memory_space<vmem>>, vector<1x40x128xf32>,
    %get3A_1106 = arith.constant 0 : index
    %get3A_1107 = arith.index_cast %arg0 : i32 to index
    %get3A_1108 = arith.constant 14 : index
    %get3A_1109 = memref.load %arg1[%get3A_1106, %get3A_1107, %get3A_1108] : memref<7x8x32xi32, #tpu.memory_space<smem>>
    %get3A_1110 = arith.constant 1 : index
    %get3A_1111 = arith.index_cast %arg0 : i32 to index
    %get3A_1112 = arith.constant 14 : index
    %get3A_1113 = memref.load %arg1[%get3A_1110, %get3A_1111, %get3A_1112] : memref<7x8x32xi32, #tpu.memory_space<smem>>
    %get3A_1114 = arith.constant 2 : index
    %get3A_1115 = arith.index_cast %arg0 : i32 to index
    %get3A_1116 = arith.constant 14 : index
    %get3A_1117 = memref.load %arg1[%get3A_1114, %get3A_1115, %get3A_1116] : memref<7x8x32xi32, #tpu.memory_space<smem>>
    %get3A_1118 = arith.constant 3 : index
    %get3A_1119 = arith.index_cast %arg0 : i32 to index
    %get3A_1120 = arith.constant 14 : index
    %get3A_1121 = memref.load %arg1[%get3A_1118, %get3A_1119, %get3A_1120] : memref<7x8x32xi32, #tpu.memory_space<smem>>
    %get3A_1122 = arith.constant 4 : index
    %get3A_1123 = arith.index_cast %arg0 : i32 to index
    %get3A_1124 = arith.constant 14 : index
    %get3A_1125 = memref.load %arg1[%get3A_1122, %get3A_1123, %get3A_1124] : memref<7x8x32xi32, #tpu.memory_space<smem>>
    %get3A_1126 = arith.constant 5 : index
    %get3A_1127 = arith.index_cast %arg0 : i32 to index
    %get3A_1128 = arith.constant 14 : index
    %get3A_1129 = memref.load %arg1[%get3A_1126, %get3A_1127, %get3A_1128] : memref<7x8x32xi32, #tpu.memory_space<smem>>
    %get3A_1130 = arith.constant 0 : index
    %get3A_1131 = arith.index_cast %arg0 : i32 to index
    %get3A_1132 = arith.constant 14 : index
    %get3A_1133 = memref.load %arg2[%get3A_1130, %get3A_1131, %get3A_1132] : memref<2x8x32xf32, #tpu.memory_space<smem>>
    %get3A_1134 = arith.constant 1 : index
    %get3A_1135 = arith.index_cast %arg0 : i32 to index
    %get3A_1136 = arith.constant 14 : index
    %get3A_1137 = memref.load %arg2[%get3A_1134, %get3A_1135, %get3A_1136] : memref<2x8x32xf32, #tpu.memory_space<smem>>
    %add3A_1138 = vector.broadcast %get3A_1113 : i32 to vector<40x128xi32>
    %add3A_1139 = arith.addi %add3A_1138, %iota3A : vector<40x128xi32>
    %sub3A_1140 = vector.broadcast %get3A_1121 : i32 to vector<40x128xi32>
    %sub3A_1141 = arith.subi %add3A_1139, %sub3A_1140 : vector<40x128xi32>
    %sub3A_1142 = vector.broadcast %get3A_1117 : i32 to vector<40x128xi32>
    %sub3A_1143 = arith.subi %iota3A_15, %sub3A_1142 : vector<40x128xi32>
    %convert_element_type3A_1144 = arith.sitofp %sub3A_1143 : vector<40x128xi32> to vector<40x128xf32>
    %integer_pow3A_1145 = arith.mulf %convert_element_type3A_1144, %convert_element_type3A_1144 : vector<40x128xf32>
    %div3A_1146 = vector.broadcast %get3A_1133 : f32 to vector<40x128xf32>
    %div3A_1147 = arith.divf %integer_pow3A_1145, %div3A_1146 : vector<40x128xf32>
    %convert_element_type3A_1148 = arith.sitofp %sub3A_1141 : vector<40x128xi32> to vector<40x128xf32>
    %integer_pow3A_1149 = arith.mulf %convert_element_type3A_1148, %convert_element_type3A_1148 : vector<40x128xf32>
    %div3A_1150 = vector.broadcast %get3A_1137 : f32 to vector<40x128xf32>
    %div3A_1151 = arith.divf %integer_pow3A_1149, %div3A_1150 : vector<40x128xf32>
    %add3A_1152 = arith.addf %div3A_1147, %div3A_1151 : vector<40x128xf32>
    %neg3A_1153 = arith.constant 0.000000e+00 : f32
    %neg3A_1154 = vector.broadcast %neg3A_1153 : f32 to vector<40x128xf32>
    %neg3A_1155 = arith.subf %neg3A_1154, %add3A_1152 : vector<40x128xf32>
    %exp3A_1156 = math.exp %neg3A_1155 : vector<40x128xf32>
    %lt3A_1157 = arith.constant 1.1920929E-7 : f32
    %lt3A_1158 = vector.broadcast %lt3A_1157 : f32 to vector<40x128xf32>
    %lt3A_1159 = arith.cmpf olt, %exp3A_1156, %lt3A_1158 : vector<40x128xf32>
    %jit3A_1160 = arith.constant 0.000000e+00 : f32
    %broadcast_in_dim3A_1161 = vector.broadcast %jit3A_1160 : f32 to vector<40x128xf32>
    %select_n3A_1162 = arith.select %lt3A_1159, %broadcast_in_dim3A_1161, %exp3A_1156 : vector<40x128xi1>, vector<40x128xf32>
    %abs3A_1163 = math.absi %sub3A_1143 : vector<40x128xi32>
    %le3A_1164 = vector.broadcast %get3A_1125 : i32 to vector<40x128xi32>
    %le3A_1165 = arith.cmpi sle, %abs3A_1163, %le3A_1164 : vector<40x128xi32>
    %abs3A_1166 = math.absi %sub3A_1141 : vector<40x128xi32>
    %le3A_1167 = vector.broadcast %get3A_1129 : i32 to vector<40x128xi32>
    %le3A_1168 = arith.cmpi sle, %abs3A_1166, %le3A_1167 : vector<40x128xi32>
    %and3A_1169 = arith.andi %le3A_1165, %le3A_1168 : vector<40x128xi1>
    %jit3A_1170 = arith.constant 0.000000e+00 : f32
    %broadcast_in_dim3A_1171 = vector.broadcast %jit3A_1170 : f32 to vector<40x128xf32>
    %select_n3A_1172 = arith.select %and3A_1169, %select_n3A_1162, %broadcast_in_dim3A_1171 : vector<40x128xi1>, vector<40x128xf32>
    %get3A_1173 = arith.index_cast %get3A_1109 : i32 to index
    %get3A_1174 = arith.index_cast %get3A_1113 : i32 to index
    %get3A_1175 = arith.constant 0 : index
    %get3A_1176 = vector.load %arg6[%get3A_1173, %get3A_1174, %get3A_1175] : memref<32x128x128xf32, #tpu.memory_space<vmem>>, vector<1x40x128xf32>
    %get3A_1177 = vector.shape_cast %get3A_1176 : vector<1x40x128xf32> to vector<40x128xf32>
    %max3A_1178 = arith.maximumf %get3A_1177, %select_n3A_1172 : vector<40x128xf32>
    %swap3A_1179 = arith.index_cast %get3A_1109 : i32 to index
    %swap3A_1180 = arith.index_cast %get3A_1113 : i32 to index
    %swap3A_1181 = arith.constant 0 : index
    %swap3A_1182 = vector.load %arg6[%swap3A_1179, %swap3A_1180, %swap3A_1181] : memref<32x128x128xf32, #tpu.memory_space<vmem>>, vector<1x40x128xf32>
    %swap3A_1183 = vector.shape_cast %swap3A_1182 : vector<1x40x128xf32> to vector<40x128xf32>
    %swap3A_1184 = vector.shape_cast %max3A_1178 : vector<40x128xf32> to vector<1x40x128xf32>
    tpu.vector_store %arg6[%swap3A_1179, %swap3A_1180, %swap3A_1181], %swap3A_1184 {strides = array<i32>} : memref<32x128x128xf32, #tpu.memory_space<vmem>>, vector<1x40x128xf32>,
    %get3A_1185 = arith.constant 0 : index
    %get3A_1186 = arith.index_cast %arg0 : i32 to index
    %get3A_1187 = arith.constant 15 : index
    %get3A_1188 = memref.load %arg1[%get3A_1185, %get3A_1186, %get3A_1187] : memref<7x8x32xi32, #tpu.memory_space<smem>>
    %get3A_1189 = arith.constant 1 : index
    %get3A_1190 = arith.index_cast %arg0 : i32 to index
    %get3A_1191 = arith.constant 15 : index
    %get3A_1192 = memref.load %arg1[%get3A_1189, %get3A_1190, %get3A_1191] : memref<7x8x32xi32, #tpu.memory_space<smem>>
    %get3A_1193 = arith.constant 2 : index
    %get3A_1194 = arith.index_cast %arg0 : i32 to index
    %get3A_1195 = arith.constant 15 : index
    %get3A_1196 = memref.load %arg1[%get3A_1193, %get3A_1194, %get3A_1195] : memref<7x8x32xi32, #tpu.memory_space<smem>>
    %get3A_1197 = arith.constant 3 : index
    %get3A_1198 = arith.index_cast %arg0 : i32 to index
    %get3A_1199 = arith.constant 15 : index
    %get3A_1200 = memref.load %arg1[%get3A_1197, %get3A_1198, %get3A_1199] : memref<7x8x32xi32, #tpu.memory_space<smem>>
    %get3A_1201 = arith.constant 4 : index
    %get3A_1202 = arith.index_cast %arg0 : i32 to index
    %get3A_1203 = arith.constant 15 : index
    %get3A_1204 = memref.load %arg1[%get3A_1201, %get3A_1202, %get3A_1203] : memref<7x8x32xi32, #tpu.memory_space<smem>>
    %get3A_1205 = arith.constant 5 : index
    %get3A_1206 = arith.index_cast %arg0 : i32 to index
    %get3A_1207 = arith.constant 15 : index
    %get3A_1208 = memref.load %arg1[%get3A_1205, %get3A_1206, %get3A_1207] : memref<7x8x32xi32, #tpu.memory_space<smem>>
    %get3A_1209 = arith.constant 0 : index
    %get3A_1210 = arith.index_cast %arg0 : i32 to index
    %get3A_1211 = arith.constant 15 : index
    %get3A_1212 = memref.load %arg2[%get3A_1209, %get3A_1210, %get3A_1211] : memref<2x8x32xf32, #tpu.memory_space<smem>>
    %get3A_1213 = arith.constant 1 : index
    %get3A_1214 = arith.index_cast %arg0 : i32 to index
    %get3A_1215 = arith.constant 15 : index
    %get3A_1216 = memref.load %arg2[%get3A_1213, %get3A_1214, %get3A_1215] : memref<2x8x32xf32, #tpu.memory_space<smem>>
    %add3A_1217 = vector.broadcast %get3A_1192 : i32 to vector<40x128xi32>
    %add3A_1218 = arith.addi %add3A_1217, %iota3A : vector<40x128xi32>
    %sub3A_1219 = vector.broadcast %get3A_1200 : i32 to vector<40x128xi32>
    %sub3A_1220 = arith.subi %add3A_1218, %sub3A_1219 : vector<40x128xi32>
    %sub3A_1221 = vector.broadcast %get3A_1196 : i32 to vector<40x128xi32>
    %sub3A_1222 = arith.subi %iota3A_15, %sub3A_1221 : vector<40x128xi32>
    %convert_element_type3A_1223 = arith.sitofp %sub3A_1222 : vector<40x128xi32> to vector<40x128xf32>
    %integer_pow3A_1224 = arith.mulf %convert_element_type3A_1223, %convert_element_type3A_1223 : vector<40x128xf32>
    %div3A_1225 = vector.broadcast %get3A_1212 : f32 to vector<40x128xf32>
    %div3A_1226 = arith.divf %integer_pow3A_1224, %div3A_1225 : vector<40x128xf32>
    %convert_element_type3A_1227 = arith.sitofp %sub3A_1220 : vector<40x128xi32> to vector<40x128xf32>
    %integer_pow3A_1228 = arith.mulf %convert_element_type3A_1227, %convert_element_type3A_1227 : vector<40x128xf32>
    %div3A_1229 = vector.broadcast %get3A_1216 : f32 to vector<40x128xf32>
    %div3A_1230 = arith.divf %integer_pow3A_1228, %div3A_1229 : vector<40x128xf32>
    %add3A_1231 = arith.addf %div3A_1226, %div3A_1230 : vector<40x128xf32>
    %neg3A_1232 = arith.constant 0.000000e+00 : f32
    %neg3A_1233 = vector.broadcast %neg3A_1232 : f32 to vector<40x128xf32>
    %neg3A_1234 = arith.subf %neg3A_1233, %add3A_1231 : vector<40x128xf32>
    %exp3A_1235 = math.exp %neg3A_1234 : vector<40x128xf32>
    %lt3A_1236 = arith.constant 1.1920929E-7 : f32
    %lt3A_1237 = vector.broadcast %lt3A_1236 : f32 to vector<40x128xf32>
    %lt3A_1238 = arith.cmpf olt, %exp3A_1235, %lt3A_1237 : vector<40x128xf32>
    %jit3A_1239 = arith.constant 0.000000e+00 : f32
    %broadcast_in_dim3A_1240 = vector.broadcast %jit3A_1239 : f32 to vector<40x128xf32>
    %select_n3A_1241 = arith.select %lt3A_1238, %broadcast_in_dim3A_1240, %exp3A_1235 : vector<40x128xi1>, vector<40x128xf32>
    %abs3A_1242 = math.absi %sub3A_1222 : vector<40x128xi32>
    %le3A_1243 = vector.broadcast %get3A_1204 : i32 to vector<40x128xi32>
    %le3A_1244 = arith.cmpi sle, %abs3A_1242, %le3A_1243 : vector<40x128xi32>
    %abs3A_1245 = math.absi %sub3A_1220 : vector<40x128xi32>
    %le3A_1246 = vector.broadcast %get3A_1208 : i32 to vector<40x128xi32>
    %le3A_1247 = arith.cmpi sle, %abs3A_1245, %le3A_1246 : vector<40x128xi32>
    %and3A_1248 = arith.andi %le3A_1244, %le3A_1247 : vector<40x128xi1>
    %jit3A_1249 = arith.constant 0.000000e+00 : f32
    %broadcast_in_dim3A_1250 = vector.broadcast %jit3A_1249 : f32 to vector<40x128xf32>
    %select_n3A_1251 = arith.select %and3A_1248, %select_n3A_1241, %broadcast_in_dim3A_1250 : vector<40x128xi1>, vector<40x128xf32>
    %get3A_1252 = arith.index_cast %get3A_1188 : i32 to index
    %get3A_1253 = arith.index_cast %get3A_1192 : i32 to index
    %get3A_1254 = arith.constant 0 : index
    %get3A_1255 = vector.load %arg6[%get3A_1252, %get3A_1253, %get3A_1254] : memref<32x128x128xf32, #tpu.memory_space<vmem>>, vector<1x40x128xf32>
    %get3A_1256 = vector.shape_cast %get3A_1255 : vector<1x40x128xf32> to vector<40x128xf32>
    %max3A_1257 = arith.maximumf %get3A_1256, %select_n3A_1251 : vector<40x128xf32>
    %swap3A_1258 = arith.index_cast %get3A_1188 : i32 to index
    %swap3A_1259 = arith.index_cast %get3A_1192 : i32 to index
    %swap3A_1260 = arith.constant 0 : index
    %swap3A_1261 = vector.load %arg6[%swap3A_1258, %swap3A_1259, %swap3A_1260] : memref<32x128x128xf32, #tpu.memory_space<vmem>>, vector<1x40x128xf32>
    %swap3A_1262 = vector.shape_cast %swap3A_1261 : vector<1x40x128xf32> to vector<40x128xf32>
    %swap3A_1263 = vector.shape_cast %max3A_1257 : vector<40x128xf32> to vector<1x40x128xf32>
    tpu.vector_store %arg6[%swap3A_1258, %swap3A_1259, %swap3A_1260], %swap3A_1263 {strides = array<i32>} : memref<32x128x128xf32, #tpu.memory_space<vmem>>, vector<1x40x128xf32>,
    %get3A_1264 = arith.constant 0 : index
    %get3A_1265 = arith.index_cast %arg0 : i32 to index
    %get3A_1266 = arith.constant 16 : index
    %get3A_1267 = memref.load %arg1[%get3A_1264, %get3A_1265, %get3A_1266] : memref<7x8x32xi32, #tpu.memory_space<smem>>
    %get3A_1268 = arith.constant 1 : index
    %get3A_1269 = arith.index_cast %arg0 : i32 to index
    %get3A_1270 = arith.constant 16 : index
    %get3A_1271 = memref.load %arg1[%get3A_1268, %get3A_1269, %get3A_1270] : memref<7x8x32xi32, #tpu.memory_space<smem>>
    %get3A_1272 = arith.constant 2 : index
    %get3A_1273 = arith.index_cast %arg0 : i32 to index
    %get3A_1274 = arith.constant 16 : index
    %get3A_1275 = memref.load %arg1[%get3A_1272, %get3A_1273, %get3A_1274] : memref<7x8x32xi32, #tpu.memory_space<smem>>
    %get3A_1276 = arith.constant 3 : index
    %get3A_1277 = arith.index_cast %arg0 : i32 to index
    %get3A_1278 = arith.constant 16 : index
    %get3A_1279 = memref.load %arg1[%get3A_1276, %get3A_1277, %get3A_1278] : memref<7x8x32xi32, #tpu.memory_space<smem>>
    %get3A_1280 = arith.constant 4 : index
    %get3A_1281 = arith.index_cast %arg0 : i32 to index
    %get3A_1282 = arith.constant 16 : index
    %get3A_1283 = memref.load %arg1[%get3A_1280, %get3A_1281, %get3A_1282] : memref<7x8x32xi32, #tpu.memory_space<smem>>
    %get3A_1284 = arith.constant 5 : index
    %get3A_1285 = arith.index_cast %arg0 : i32 to index
    %get3A_1286 = arith.constant 16 : index
    %get3A_1287 = memref.load %arg1[%get3A_1284, %get3A_1285, %get3A_1286] : memref<7x8x32xi32, #tpu.memory_space<smem>>
    %get3A_1288 = arith.constant 0 : index
    %get3A_1289 = arith.index_cast %arg0 : i32 to index
    %get3A_1290 = arith.constant 16 : index
    %get3A_1291 = memref.load %arg2[%get3A_1288, %get3A_1289, %get3A_1290] : memref<2x8x32xf32, #tpu.memory_space<smem>>
    %get3A_1292 = arith.constant 1 : index
    %get3A_1293 = arith.index_cast %arg0 : i32 to index
    %get3A_1294 = arith.constant 16 : index
    %get3A_1295 = memref.load %arg2[%get3A_1292, %get3A_1293, %get3A_1294] : memref<2x8x32xf32, #tpu.memory_space<smem>>
    %add3A_1296 = vector.broadcast %get3A_1271 : i32 to vector<40x128xi32>
    %add3A_1297 = arith.addi %add3A_1296, %iota3A : vector<40x128xi32>
    %sub3A_1298 = vector.broadcast %get3A_1279 : i32 to vector<40x128xi32>
    %sub3A_1299 = arith.subi %add3A_1297, %sub3A_1298 : vector<40x128xi32>
    %sub3A_1300 = vector.broadcast %get3A_1275 : i32 to vector<40x128xi32>
    %sub3A_1301 = arith.subi %iota3A_15, %sub3A_1300 : vector<40x128xi32>
    %convert_element_type3A_1302 = arith.sitofp %sub3A_1301 : vector<40x128xi32> to vector<40x128xf32>
    %integer_pow3A_1303 = arith.mulf %convert_element_type3A_1302, %convert_element_type3A_1302 : vector<40x128xf32>
    %div3A_1304 = vector.broadcast %get3A_1291 : f32 to vector<40x128xf32>
    %div3A_1305 = arith.divf %integer_pow3A_1303, %div3A_1304 : vector<40x128xf32>
    %convert_element_type3A_1306 = arith.sitofp %sub3A_1299 : vector<40x128xi32> to vector<40x128xf32>
    %integer_pow3A_1307 = arith.mulf %convert_element_type3A_1306, %convert_element_type3A_1306 : vector<40x128xf32>
    %div3A_1308 = vector.broadcast %get3A_1295 : f32 to vector<40x128xf32>
    %div3A_1309 = arith.divf %integer_pow3A_1307, %div3A_1308 : vector<40x128xf32>
    %add3A_1310 = arith.addf %div3A_1305, %div3A_1309 : vector<40x128xf32>
    %neg3A_1311 = arith.constant 0.000000e+00 : f32
    %neg3A_1312 = vector.broadcast %neg3A_1311 : f32 to vector<40x128xf32>
    %neg3A_1313 = arith.subf %neg3A_1312, %add3A_1310 : vector<40x128xf32>
    %exp3A_1314 = math.exp %neg3A_1313 : vector<40x128xf32>
    %lt3A_1315 = arith.constant 1.1920929E-7 : f32
    %lt3A_1316 = vector.broadcast %lt3A_1315 : f32 to vector<40x128xf32>
    %lt3A_1317 = arith.cmpf olt, %exp3A_1314, %lt3A_1316 : vector<40x128xf32>
    %jit3A_1318 = arith.constant 0.000000e+00 : f32
    %broadcast_in_dim3A_1319 = vector.broadcast %jit3A_1318 : f32 to vector<40x128xf32>
    %select_n3A_1320 = arith.select %lt3A_1317, %broadcast_in_dim3A_1319, %exp3A_1314 : vector<40x128xi1>, vector<40x128xf32>
    %abs3A_1321 = math.absi %sub3A_1301 : vector<40x128xi32>
    %le3A_1322 = vector.broadcast %get3A_1283 : i32 to vector<40x128xi32>
    %le3A_1323 = arith.cmpi sle, %abs3A_1321, %le3A_1322 : vector<40x128xi32>
    %abs3A_1324 = math.absi %sub3A_1299 : vector<40x128xi32>
    %le3A_1325 = vector.broadcast %get3A_1287 : i32 to vector<40x128xi32>
    %le3A_1326 = arith.cmpi sle, %abs3A_1324, %le3A_1325 : vector<40x128xi32>
    %and3A_1327 = arith.andi %le3A_1323, %le3A_1326 : vector<40x128xi1>
    %jit3A_1328 = arith.constant 0.000000e+00 : f32
    %broadcast_in_dim3A_1329 = vector.broadcast %jit3A_1328 : f32 to vector<40x128xf32>
    %select_n3A_1330 = arith.select %and3A_1327, %select_n3A_1320, %broadcast_in_dim3A_1329 : vector<40x128xi1>, vector<40x128xf32>
    %get3A_1331 = arith.index_cast %get3A_1267 : i32 to index
    %get3A_1332 = arith.index_cast %get3A_1271 : i32 to index
    %get3A_1333 = arith.constant 0 : index
    %get3A_1334 = vector.load %arg6[%get3A_1331, %get3A_1332, %get3A_1333] : memref<32x128x128xf32, #tpu.memory_space<vmem>>, vector<1x40x128xf32>
    %get3A_1335 = vector.shape_cast %get3A_1334 : vector<1x40x128xf32> to vector<40x128xf32>
    %max3A_1336 = arith.maximumf %get3A_1335, %select_n3A_1330 : vector<40x128xf32>
    %swap3A_1337 = arith.index_cast %get3A_1267 : i32 to index
    %swap3A_1338 = arith.index_cast %get3A_1271 : i32 to index
    %swap3A_1339 = arith.constant 0 : index
    %swap3A_1340 = vector.load %arg6[%swap3A_1337, %swap3A_1338, %swap3A_1339] : memref<32x128x128xf32, #tpu.memory_space<vmem>>, vector<1x40x128xf32>
    %swap3A_1341 = vector.shape_cast %swap3A_1340 : vector<1x40x128xf32> to vector<40x128xf32>
    %swap3A_1342 = vector.shape_cast %max3A_1336 : vector<40x128xf32> to vector<1x40x128xf32>
    tpu.vector_store %arg6[%swap3A_1337, %swap3A_1338, %swap3A_1339], %swap3A_1342 {strides = array<i32>} : memref<32x128x128xf32, #tpu.memory_space<vmem>>, vector<1x40x128xf32>,
    %get3A_1343 = arith.constant 0 : index
    %get3A_1344 = arith.index_cast %arg0 : i32 to index
    %get3A_1345 = arith.constant 17 : index
    %get3A_1346 = memref.load %arg1[%get3A_1343, %get3A_1344, %get3A_1345] : memref<7x8x32xi32, #tpu.memory_space<smem>>
    %get3A_1347 = arith.constant 1 : index
    %get3A_1348 = arith.index_cast %arg0 : i32 to index
    %get3A_1349 = arith.constant 17 : index
    %get3A_1350 = memref.load %arg1[%get3A_1347, %get3A_1348, %get3A_1349] : memref<7x8x32xi32, #tpu.memory_space<smem>>
    %get3A_1351 = arith.constant 2 : index
    %get3A_1352 = arith.index_cast %arg0 : i32 to index
    %get3A_1353 = arith.constant 17 : index
    %get3A_1354 = memref.load %arg1[%get3A_1351, %get3A_1352, %get3A_1353] : memref<7x8x32xi32, #tpu.memory_space<smem>>
    %get3A_1355 = arith.constant 3 : index
    %get3A_1356 = arith.index_cast %arg0 : i32 to index
    %get3A_1357 = arith.constant 17 : index
    %get3A_1358 = memref.load %arg1[%get3A_1355, %get3A_1356, %get3A_1357] : memref<7x8x32xi32, #tpu.memory_space<smem>>
    %get3A_1359 = arith.constant 4 : index
    %get3A_1360 = arith.index_cast %arg0 : i32 to index
    %get3A_1361 = arith.constant 17 : index
    %get3A_1362 = memref.load %arg1[%get3A_1359, %get3A_1360, %get3A_1361] : memref<7x8x32xi32, #tpu.memory_space<smem>>
    %get3A_1363 = arith.constant 5 : index
    %get3A_1364 = arith.index_cast %arg0 : i32 to index
    %get3A_1365 = arith.constant 17 : index
    %get3A_1366 = memref.load %arg1[%get3A_1363, %get3A_1364, %get3A_1365] : memref<7x8x32xi32, #tpu.memory_space<smem>>
    %get3A_1367 = arith.constant 0 : index
    %get3A_1368 = arith.index_cast %arg0 : i32 to index
    %get3A_1369 = arith.constant 17 : index
    %get3A_1370 = memref.load %arg2[%get3A_1367, %get3A_1368, %get3A_1369] : memref<2x8x32xf32, #tpu.memory_space<smem>>
    %get3A_1371 = arith.constant 1 : index
    %get3A_1372 = arith.index_cast %arg0 : i32 to index
    %get3A_1373 = arith.constant 17 : index
    %get3A_1374 = memref.load %arg2[%get3A_1371, %get3A_1372, %get3A_1373] : memref<2x8x32xf32, #tpu.memory_space<smem>>
    %add3A_1375 = vector.broadcast %get3A_1350 : i32 to vector<40x128xi32>
    %add3A_1376 = arith.addi %add3A_1375, %iota3A : vector<40x128xi32>
    %sub3A_1377 = vector.broadcast %get3A_1358 : i32 to vector<40x128xi32>
    %sub3A_1378 = arith.subi %add3A_1376, %sub3A_1377 : vector<40x128xi32>
    %sub3A_1379 = vector.broadcast %get3A_1354 : i32 to vector<40x128xi32>
    %sub3A_1380 = arith.subi %iota3A_15, %sub3A_1379 : vector<40x128xi32>
    %convert_element_type3A_1381 = arith.sitofp %sub3A_1380 : vector<40x128xi32> to vector<40x128xf32>
    %integer_pow3A_1382 = arith.mulf %convert_element_type3A_1381, %convert_element_type3A_1381 : vector<40x128xf32>
    %div3A_1383 = vector.broadcast %get3A_1370 : f32 to vector<40x128xf32>
    %div3A_1384 = arith.divf %integer_pow3A_1382, %div3A_1383 : vector<40x128xf32>
    %convert_element_type3A_1385 = arith.sitofp %sub3A_1378 : vector<40x128xi32> to vector<40x128xf32>
    %integer_pow3A_1386 = arith.mulf %convert_element_type3A_1385, %convert_element_type3A_1385 : vector<40x128xf32>
    %div3A_1387 = vector.broadcast %get3A_1374 : f32 to vector<40x128xf32>
    %div3A_1388 = arith.divf %integer_pow3A_1386, %div3A_1387 : vector<40x128xf32>
    %add3A_1389 = arith.addf %div3A_1384, %div3A_1388 : vector<40x128xf32>
    %neg3A_1390 = arith.constant 0.000000e+00 : f32
    %neg3A_1391 = vector.broadcast %neg3A_1390 : f32 to vector<40x128xf32>
    %neg3A_1392 = arith.subf %neg3A_1391, %add3A_1389 : vector<40x128xf32>
    %exp3A_1393 = math.exp %neg3A_1392 : vector<40x128xf32>
    %lt3A_1394 = arith.constant 1.1920929E-7 : f32
    %lt3A_1395 = vector.broadcast %lt3A_1394 : f32 to vector<40x128xf32>
    %lt3A_1396 = arith.cmpf olt, %exp3A_1393, %lt3A_1395 : vector<40x128xf32>
    %jit3A_1397 = arith.constant 0.000000e+00 : f32
    %broadcast_in_dim3A_1398 = vector.broadcast %jit3A_1397 : f32 to vector<40x128xf32>
    %select_n3A_1399 = arith.select %lt3A_1396, %broadcast_in_dim3A_1398, %exp3A_1393 : vector<40x128xi1>, vector<40x128xf32>
    %abs3A_1400 = math.absi %sub3A_1380 : vector<40x128xi32>
    %le3A_1401 = vector.broadcast %get3A_1362 : i32 to vector<40x128xi32>
    %le3A_1402 = arith.cmpi sle, %abs3A_1400, %le3A_1401 : vector<40x128xi32>
    %abs3A_1403 = math.absi %sub3A_1378 : vector<40x128xi32>
    %le3A_1404 = vector.broadcast %get3A_1366 : i32 to vector<40x128xi32>
    %le3A_1405 = arith.cmpi sle, %abs3A_1403, %le3A_1404 : vector<40x128xi32>
    %and3A_1406 = arith.andi %le3A_1402, %le3A_1405 : vector<40x128xi1>
    %jit3A_1407 = arith.constant 0.000000e+00 : f32
    %broadcast_in_dim3A_1408 = vector.broadcast %jit3A_1407 : f32 to vector<40x128xf32>
    %select_n3A_1409 = arith.select %and3A_1406, %select_n3A_1399, %broadcast_in_dim3A_1408 : vector<40x128xi1>, vector<40x128xf32>
    %get3A_1410 = arith.index_cast %get3A_1346 : i32 to index
    %get3A_1411 = arith.index_cast %get3A_1350 : i32 to index
    %get3A_1412 = arith.constant 0 : index
    %get3A_1413 = vector.load %arg6[%get3A_1410, %get3A_1411, %get3A_1412] : memref<32x128x128xf32, #tpu.memory_space<vmem>>, vector<1x40x128xf32>
    %get3A_1414 = vector.shape_cast %get3A_1413 : vector<1x40x128xf32> to vector<40x128xf32>
    %max3A_1415 = arith.maximumf %get3A_1414, %select_n3A_1409 : vector<40x128xf32>
    %swap3A_1416 = arith.index_cast %get3A_1346 : i32 to index
    %swap3A_1417 = arith.index_cast %get3A_1350 : i32 to index
    %swap3A_1418 = arith.constant 0 : index
    %swap3A_1419 = vector.load %arg6[%swap3A_1416, %swap3A_1417, %swap3A_1418] : memref<32x128x128xf32, #tpu.memory_space<vmem>>, vector<1x40x128xf32>
    %swap3A_1420 = vector.shape_cast %swap3A_1419 : vector<1x40x128xf32> to vector<40x128xf32>
    %swap3A_1421 = vector.shape_cast %max3A_1415 : vector<40x128xf32> to vector<1x40x128xf32>
    tpu.vector_store %arg6[%swap3A_1416, %swap3A_1417, %swap3A_1418], %swap3A_1421 {strides = array<i32>} : memref<32x128x128xf32, #tpu.memory_space<vmem>>, vector<1x40x128xf32>,
    %get3A_1422 = arith.constant 0 : index
    %get3A_1423 = arith.index_cast %arg0 : i32 to index
    %get3A_1424 = arith.constant 18 : index
    %get3A_1425 = memref.load %arg1[%get3A_1422, %get3A_1423, %get3A_1424] : memref<7x8x32xi32, #tpu.memory_space<smem>>
    %get3A_1426 = arith.constant 1 : index
    %get3A_1427 = arith.index_cast %arg0 : i32 to index
    %get3A_1428 = arith.constant 18 : index
    %get3A_1429 = memref.load %arg1[%get3A_1426, %get3A_1427, %get3A_1428] : memref<7x8x32xi32, #tpu.memory_space<smem>>
    %get3A_1430 = arith.constant 2 : index
    %get3A_1431 = arith.index_cast %arg0 : i32 to index
    %get3A_1432 = arith.constant 18 : index
    %get3A_1433 = memref.load %arg1[%get3A_1430, %get3A_1431, %get3A_1432] : memref<7x8x32xi32, #tpu.memory_space<smem>>
    %get3A_1434 = arith.constant 3 : index
    %get3A_1435 = arith.index_cast %arg0 : i32 to index
    %get3A_1436 = arith.constant 18 : index
    %get3A_1437 = memref.load %arg1[%get3A_1434, %get3A_1435, %get3A_1436] : memref<7x8x32xi32, #tpu.memory_space<smem>>
    %get3A_1438 = arith.constant 4 : index
    %get3A_1439 = arith.index_cast %arg0 : i32 to index
    %get3A_1440 = arith.constant 18 : index
    %get3A_1441 = memref.load %arg1[%get3A_1438, %get3A_1439, %get3A_1440] : memref<7x8x32xi32, #tpu.memory_space<smem>>
    %get3A_1442 = arith.constant 5 : index
    %get3A_1443 = arith.index_cast %arg0 : i32 to index
    %get3A_1444 = arith.constant 18 : index
    %get3A_1445 = memref.load %arg1[%get3A_1442, %get3A_1443, %get3A_1444] : memref<7x8x32xi32, #tpu.memory_space<smem>>
    %get3A_1446 = arith.constant 0 : index
    %get3A_1447 = arith.index_cast %arg0 : i32 to index
    %get3A_1448 = arith.constant 18 : index
    %get3A_1449 = memref.load %arg2[%get3A_1446, %get3A_1447, %get3A_1448] : memref<2x8x32xf32, #tpu.memory_space<smem>>
    %get3A_1450 = arith.constant 1 : index
    %get3A_1451 = arith.index_cast %arg0 : i32 to index
    %get3A_1452 = arith.constant 18 : index
    %get3A_1453 = memref.load %arg2[%get3A_1450, %get3A_1451, %get3A_1452] : memref<2x8x32xf32, #tpu.memory_space<smem>>
    %add3A_1454 = vector.broadcast %get3A_1429 : i32 to vector<40x128xi32>
    %add3A_1455 = arith.addi %add3A_1454, %iota3A : vector<40x128xi32>
    %sub3A_1456 = vector.broadcast %get3A_1437 : i32 to vector<40x128xi32>
    %sub3A_1457 = arith.subi %add3A_1455, %sub3A_1456 : vector<40x128xi32>
    %sub3A_1458 = vector.broadcast %get3A_1433 : i32 to vector<40x128xi32>
    %sub3A_1459 = arith.subi %iota3A_15, %sub3A_1458 : vector<40x128xi32>
    %convert_element_type3A_1460 = arith.sitofp %sub3A_1459 : vector<40x128xi32> to vector<40x128xf32>
    %integer_pow3A_1461 = arith.mulf %convert_element_type3A_1460, %convert_element_type3A_1460 : vector<40x128xf32>
    %div3A_1462 = vector.broadcast %get3A_1449 : f32 to vector<40x128xf32>
    %div3A_1463 = arith.divf %integer_pow3A_1461, %div3A_1462 : vector<40x128xf32>
    %convert_element_type3A_1464 = arith.sitofp %sub3A_1457 : vector<40x128xi32> to vector<40x128xf32>
    %integer_pow3A_1465 = arith.mulf %convert_element_type3A_1464, %convert_element_type3A_1464 : vector<40x128xf32>
    %div3A_1466 = vector.broadcast %get3A_1453 : f32 to vector<40x128xf32>
    %div3A_1467 = arith.divf %integer_pow3A_1465, %div3A_1466 : vector<40x128xf32>
    %add3A_1468 = arith.addf %div3A_1463, %div3A_1467 : vector<40x128xf32>
    %neg3A_1469 = arith.constant 0.000000e+00 : f32
    %neg3A_1470 = vector.broadcast %neg3A_1469 : f32 to vector<40x128xf32>
    %neg3A_1471 = arith.subf %neg3A_1470, %add3A_1468 : vector<40x128xf32>
    %exp3A_1472 = math.exp %neg3A_1471 : vector<40x128xf32>
    %lt3A_1473 = arith.constant 1.1920929E-7 : f32
    %lt3A_1474 = vector.broadcast %lt3A_1473 : f32 to vector<40x128xf32>
    %lt3A_1475 = arith.cmpf olt, %exp3A_1472, %lt3A_1474 : vector<40x128xf32>
    %jit3A_1476 = arith.constant 0.000000e+00 : f32
    %broadcast_in_dim3A_1477 = vector.broadcast %jit3A_1476 : f32 to vector<40x128xf32>
    %select_n3A_1478 = arith.select %lt3A_1475, %broadcast_in_dim3A_1477, %exp3A_1472 : vector<40x128xi1>, vector<40x128xf32>
    %abs3A_1479 = math.absi %sub3A_1459 : vector<40x128xi32>
    %le3A_1480 = vector.broadcast %get3A_1441 : i32 to vector<40x128xi32>
    %le3A_1481 = arith.cmpi sle, %abs3A_1479, %le3A_1480 : vector<40x128xi32>
    %abs3A_1482 = math.absi %sub3A_1457 : vector<40x128xi32>
    %le3A_1483 = vector.broadcast %get3A_1445 : i32 to vector<40x128xi32>
    %le3A_1484 = arith.cmpi sle, %abs3A_1482, %le3A_1483 : vector<40x128xi32>
    %and3A_1485 = arith.andi %le3A_1481, %le3A_1484 : vector<40x128xi1>
    %jit3A_1486 = arith.constant 0.000000e+00 : f32
    %broadcast_in_dim3A_1487 = vector.broadcast %jit3A_1486 : f32 to vector<40x128xf32>
    %select_n3A_1488 = arith.select %and3A_1485, %select_n3A_1478, %broadcast_in_dim3A_1487 : vector<40x128xi1>, vector<40x128xf32>
    %get3A_1489 = arith.index_cast %get3A_1425 : i32 to index
    %get3A_1490 = arith.index_cast %get3A_1429 : i32 to index
    %get3A_1491 = arith.constant 0 : index
    %get3A_1492 = vector.load %arg6[%get3A_1489, %get3A_1490, %get3A_1491] : memref<32x128x128xf32, #tpu.memory_space<vmem>>, vector<1x40x128xf32>
    %get3A_1493 = vector.shape_cast %get3A_1492 : vector<1x40x128xf32> to vector<40x128xf32>
    %max3A_1494 = arith.maximumf %get3A_1493, %select_n3A_1488 : vector<40x128xf32>
    %swap3A_1495 = arith.index_cast %get3A_1425 : i32 to index
    %swap3A_1496 = arith.index_cast %get3A_1429 : i32 to index
    %swap3A_1497 = arith.constant 0 : index
    %swap3A_1498 = vector.load %arg6[%swap3A_1495, %swap3A_1496, %swap3A_1497] : memref<32x128x128xf32, #tpu.memory_space<vmem>>, vector<1x40x128xf32>
    %swap3A_1499 = vector.shape_cast %swap3A_1498 : vector<1x40x128xf32> to vector<40x128xf32>
    %swap3A_1500 = vector.shape_cast %max3A_1494 : vector<40x128xf32> to vector<1x40x128xf32>
    tpu.vector_store %arg6[%swap3A_1495, %swap3A_1496, %swap3A_1497], %swap3A_1500 {strides = array<i32>} : memref<32x128x128xf32, #tpu.memory_space<vmem>>, vector<1x40x128xf32>,
    %get3A_1501 = arith.constant 0 : index
    %get3A_1502 = arith.index_cast %arg0 : i32 to index
    %get3A_1503 = arith.constant 19 : index
    %get3A_1504 = memref.load %arg1[%get3A_1501, %get3A_1502, %get3A_1503] : memref<7x8x32xi32, #tpu.memory_space<smem>>
    %get3A_1505 = arith.constant 1 : index
    %get3A_1506 = arith.index_cast %arg0 : i32 to index
    %get3A_1507 = arith.constant 19 : index
    %get3A_1508 = memref.load %arg1[%get3A_1505, %get3A_1506, %get3A_1507] : memref<7x8x32xi32, #tpu.memory_space<smem>>
    %get3A_1509 = arith.constant 2 : index
    %get3A_1510 = arith.index_cast %arg0 : i32 to index
    %get3A_1511 = arith.constant 19 : index
    %get3A_1512 = memref.load %arg1[%get3A_1509, %get3A_1510, %get3A_1511] : memref<7x8x32xi32, #tpu.memory_space<smem>>
    %get3A_1513 = arith.constant 3 : index
    %get3A_1514 = arith.index_cast %arg0 : i32 to index
    %get3A_1515 = arith.constant 19 : index
    %get3A_1516 = memref.load %arg1[%get3A_1513, %get3A_1514, %get3A_1515] : memref<7x8x32xi32, #tpu.memory_space<smem>>
    %get3A_1517 = arith.constant 4 : index
    %get3A_1518 = arith.index_cast %arg0 : i32 to index
    %get3A_1519 = arith.constant 19 : index
    %get3A_1520 = memref.load %arg1[%get3A_1517, %get3A_1518, %get3A_1519] : memref<7x8x32xi32, #tpu.memory_space<smem>>
    %get3A_1521 = arith.constant 5 : index
    %get3A_1522 = arith.index_cast %arg0 : i32 to index
    %get3A_1523 = arith.constant 19 : index
    %get3A_1524 = memref.load %arg1[%get3A_1521, %get3A_1522, %get3A_1523] : memref<7x8x32xi32, #tpu.memory_space<smem>>
    %get3A_1525 = arith.constant 0 : index
    %get3A_1526 = arith.index_cast %arg0 : i32 to index
    %get3A_1527 = arith.constant 19 : index
    %get3A_1528 = memref.load %arg2[%get3A_1525, %get3A_1526, %get3A_1527] : memref<2x8x32xf32, #tpu.memory_space<smem>>
    %get3A_1529 = arith.constant 1 : index
    %get3A_1530 = arith.index_cast %arg0 : i32 to index
    %get3A_1531 = arith.constant 19 : index
    %get3A_1532 = memref.load %arg2[%get3A_1529, %get3A_1530, %get3A_1531] : memref<2x8x32xf32, #tpu.memory_space<smem>>
    %add3A_1533 = vector.broadcast %get3A_1508 : i32 to vector<40x128xi32>
    %add3A_1534 = arith.addi %add3A_1533, %iota3A : vector<40x128xi32>
    %sub3A_1535 = vector.broadcast %get3A_1516 : i32 to vector<40x128xi32>
    %sub3A_1536 = arith.subi %add3A_1534, %sub3A_1535 : vector<40x128xi32>
    %sub3A_1537 = vector.broadcast %get3A_1512 : i32 to vector<40x128xi32>
    %sub3A_1538 = arith.subi %iota3A_15, %sub3A_1537 : vector<40x128xi32>
    %convert_element_type3A_1539 = arith.sitofp %sub3A_1538 : vector<40x128xi32> to vector<40x128xf32>
    %integer_pow3A_1540 = arith.mulf %convert_element_type3A_1539, %convert_element_type3A_1539 : vector<40x128xf32>
    %div3A_1541 = vector.broadcast %get3A_1528 : f32 to vector<40x128xf32>
    %div3A_1542 = arith.divf %integer_pow3A_1540, %div3A_1541 : vector<40x128xf32>
    %convert_element_type3A_1543 = arith.sitofp %sub3A_1536 : vector<40x128xi32> to vector<40x128xf32>
    %integer_pow3A_1544 = arith.mulf %convert_element_type3A_1543, %convert_element_type3A_1543 : vector<40x128xf32>
    %div3A_1545 = vector.broadcast %get3A_1532 : f32 to vector<40x128xf32>
    %div3A_1546 = arith.divf %integer_pow3A_1544, %div3A_1545 : vector<40x128xf32>
    %add3A_1547 = arith.addf %div3A_1542, %div3A_1546 : vector<40x128xf32>
    %neg3A_1548 = arith.constant 0.000000e+00 : f32
    %neg3A_1549 = vector.broadcast %neg3A_1548 : f32 to vector<40x128xf32>
    %neg3A_1550 = arith.subf %neg3A_1549, %add3A_1547 : vector<40x128xf32>
    %exp3A_1551 = math.exp %neg3A_1550 : vector<40x128xf32>
    %lt3A_1552 = arith.constant 1.1920929E-7 : f32
    %lt3A_1553 = vector.broadcast %lt3A_1552 : f32 to vector<40x128xf32>
    %lt3A_1554 = arith.cmpf olt, %exp3A_1551, %lt3A_1553 : vector<40x128xf32>
    %jit3A_1555 = arith.constant 0.000000e+00 : f32
    %broadcast_in_dim3A_1556 = vector.broadcast %jit3A_1555 : f32 to vector<40x128xf32>
    %select_n3A_1557 = arith.select %lt3A_1554, %broadcast_in_dim3A_1556, %exp3A_1551 : vector<40x128xi1>, vector<40x128xf32>
    %abs3A_1558 = math.absi %sub3A_1538 : vector<40x128xi32>
    %le3A_1559 = vector.broadcast %get3A_1520 : i32 to vector<40x128xi32>
    %le3A_1560 = arith.cmpi sle, %abs3A_1558, %le3A_1559 : vector<40x128xi32>
    %abs3A_1561 = math.absi %sub3A_1536 : vector<40x128xi32>
    %le3A_1562 = vector.broadcast %get3A_1524 : i32 to vector<40x128xi32>
    %le3A_1563 = arith.cmpi sle, %abs3A_1561, %le3A_1562 : vector<40x128xi32>
    %and3A_1564 = arith.andi %le3A_1560, %le3A_1563 : vector<40x128xi1>
    %jit3A_1565 = arith.constant 0.000000e+00 : f32
    %broadcast_in_dim3A_1566 = vector.broadcast %jit3A_1565 : f32 to vector<40x128xf32>
    %select_n3A_1567 = arith.select %and3A_1564, %select_n3A_1557, %broadcast_in_dim3A_1566 : vector<40x128xi1>, vector<40x128xf32>
    %get3A_1568 = arith.index_cast %get3A_1504 : i32 to index
    %get3A_1569 = arith.index_cast %get3A_1508 : i32 to index
    %get3A_1570 = arith.constant 0 : index
    %get3A_1571 = vector.load %arg6[%get3A_1568, %get3A_1569, %get3A_1570] : memref<32x128x128xf32, #tpu.memory_space<vmem>>, vector<1x40x128xf32>
    %get3A_1572 = vector.shape_cast %get3A_1571 : vector<1x40x128xf32> to vector<40x128xf32>
    %max3A_1573 = arith.maximumf %get3A_1572, %select_n3A_1567 : vector<40x128xf32>
    %swap3A_1574 = arith.index_cast %get3A_1504 : i32 to index
    %swap3A_1575 = arith.index_cast %get3A_1508 : i32 to index
    %swap3A_1576 = arith.constant 0 : index
    %swap3A_1577 = vector.load %arg6[%swap3A_1574, %swap3A_1575, %swap3A_1576] : memref<32x128x128xf32, #tpu.memory_space<vmem>>, vector<1x40x128xf32>
    %swap3A_1578 = vector.shape_cast %swap3A_1577 : vector<1x40x128xf32> to vector<40x128xf32>
    %swap3A_1579 = vector.shape_cast %max3A_1573 : vector<40x128xf32> to vector<1x40x128xf32>
    tpu.vector_store %arg6[%swap3A_1574, %swap3A_1575, %swap3A_1576], %swap3A_1579 {strides = array<i32>} : memref<32x128x128xf32, #tpu.memory_space<vmem>>, vector<1x40x128xf32>,
    %get3A_1580 = arith.constant 0 : index
    %get3A_1581 = arith.index_cast %arg0 : i32 to index
    %get3A_1582 = arith.constant 20 : index
    %get3A_1583 = memref.load %arg1[%get3A_1580, %get3A_1581, %get3A_1582] : memref<7x8x32xi32, #tpu.memory_space<smem>>
    %get3A_1584 = arith.constant 1 : index
    %get3A_1585 = arith.index_cast %arg0 : i32 to index
    %get3A_1586 = arith.constant 20 : index
    %get3A_1587 = memref.load %arg1[%get3A_1584, %get3A_1585, %get3A_1586] : memref<7x8x32xi32, #tpu.memory_space<smem>>
    %get3A_1588 = arith.constant 2 : index
    %get3A_1589 = arith.index_cast %arg0 : i32 to index
    %get3A_1590 = arith.constant 20 : index
    %get3A_1591 = memref.load %arg1[%get3A_1588, %get3A_1589, %get3A_1590] : memref<7x8x32xi32, #tpu.memory_space<smem>>
    %get3A_1592 = arith.constant 3 : index
    %get3A_1593 = arith.index_cast %arg0 : i32 to index
    %get3A_1594 = arith.constant 20 : index
    %get3A_1595 = memref.load %arg1[%get3A_1592, %get3A_1593, %get3A_1594] : memref<7x8x32xi32, #tpu.memory_space<smem>>
    %get3A_1596 = arith.constant 4 : index
    %get3A_1597 = arith.index_cast %arg0 : i32 to index
    %get3A_1598 = arith.constant 20 : index
    %get3A_1599 = memref.load %arg1[%get3A_1596, %get3A_1597, %get3A_1598] : memref<7x8x32xi32, #tpu.memory_space<smem>>
    %get3A_1600 = arith.constant 5 : index
    %get3A_1601 = arith.index_cast %arg0 : i32 to index
    %get3A_1602 = arith.constant 20 : index
    %get3A_1603 = memref.load %arg1[%get3A_1600, %get3A_1601, %get3A_1602] : memref<7x8x32xi32, #tpu.memory_space<smem>>
    %get3A_1604 = arith.constant 0 : index
    %get3A_1605 = arith.index_cast %arg0 : i32 to index
    %get3A_1606 = arith.constant 20 : index
    %get3A_1607 = memref.load %arg2[%get3A_1604, %get3A_1605, %get3A_1606] : memref<2x8x32xf32, #tpu.memory_space<smem>>
    %get3A_1608 = arith.constant 1 : index
    %get3A_1609 = arith.index_cast %arg0 : i32 to index
    %get3A_1610 = arith.constant 20 : index
    %get3A_1611 = memref.load %arg2[%get3A_1608, %get3A_1609, %get3A_1610] : memref<2x8x32xf32, #tpu.memory_space<smem>>
    %add3A_1612 = vector.broadcast %get3A_1587 : i32 to vector<40x128xi32>
    %add3A_1613 = arith.addi %add3A_1612, %iota3A : vector<40x128xi32>
    %sub3A_1614 = vector.broadcast %get3A_1595 : i32 to vector<40x128xi32>
    %sub3A_1615 = arith.subi %add3A_1613, %sub3A_1614 : vector<40x128xi32>
    %sub3A_1616 = vector.broadcast %get3A_1591 : i32 to vector<40x128xi32>
    %sub3A_1617 = arith.subi %iota3A_15, %sub3A_1616 : vector<40x128xi32>
    %convert_element_type3A_1618 = arith.sitofp %sub3A_1617 : vector<40x128xi32> to vector<40x128xf32>
    %integer_pow3A_1619 = arith.mulf %convert_element_type3A_1618, %convert_element_type3A_1618 : vector<40x128xf32>
    %div3A_1620 = vector.broadcast %get3A_1607 : f32 to vector<40x128xf32>
    %div3A_1621 = arith.divf %integer_pow3A_1619, %div3A_1620 : vector<40x128xf32>
    %convert_element_type3A_1622 = arith.sitofp %sub3A_1615 : vector<40x128xi32> to vector<40x128xf32>
    %integer_pow3A_1623 = arith.mulf %convert_element_type3A_1622, %convert_element_type3A_1622 : vector<40x128xf32>
    %div3A_1624 = vector.broadcast %get3A_1611 : f32 to vector<40x128xf32>
    %div3A_1625 = arith.divf %integer_pow3A_1623, %div3A_1624 : vector<40x128xf32>
    %add3A_1626 = arith.addf %div3A_1621, %div3A_1625 : vector<40x128xf32>
    %neg3A_1627 = arith.constant 0.000000e+00 : f32
    %neg3A_1628 = vector.broadcast %neg3A_1627 : f32 to vector<40x128xf32>
    %neg3A_1629 = arith.subf %neg3A_1628, %add3A_1626 : vector<40x128xf32>
    %exp3A_1630 = math.exp %neg3A_1629 : vector<40x128xf32>
    %lt3A_1631 = arith.constant 1.1920929E-7 : f32
    %lt3A_1632 = vector.broadcast %lt3A_1631 : f32 to vector<40x128xf32>
    %lt3A_1633 = arith.cmpf olt, %exp3A_1630, %lt3A_1632 : vector<40x128xf32>
    %jit3A_1634 = arith.constant 0.000000e+00 : f32
    %broadcast_in_dim3A_1635 = vector.broadcast %jit3A_1634 : f32 to vector<40x128xf32>
    %select_n3A_1636 = arith.select %lt3A_1633, %broadcast_in_dim3A_1635, %exp3A_1630 : vector<40x128xi1>, vector<40x128xf32>
    %abs3A_1637 = math.absi %sub3A_1617 : vector<40x128xi32>
    %le3A_1638 = vector.broadcast %get3A_1599 : i32 to vector<40x128xi32>
    %le3A_1639 = arith.cmpi sle, %abs3A_1637, %le3A_1638 : vector<40x128xi32>
    %abs3A_1640 = math.absi %sub3A_1615 : vector<40x128xi32>
    %le3A_1641 = vector.broadcast %get3A_1603 : i32 to vector<40x128xi32>
    %le3A_1642 = arith.cmpi sle, %abs3A_1640, %le3A_1641 : vector<40x128xi32>
    %and3A_1643 = arith.andi %le3A_1639, %le3A_1642 : vector<40x128xi1>
    %jit3A_1644 = arith.constant 0.000000e+00 : f32
    %broadcast_in_dim3A_1645 = vector.broadcast %jit3A_1644 : f32 to vector<40x128xf32>
    %select_n3A_1646 = arith.select %and3A_1643, %select_n3A_1636, %broadcast_in_dim3A_1645 : vector<40x128xi1>, vector<40x128xf32>
    %get3A_1647 = arith.index_cast %get3A_1583 : i32 to index
    %get3A_1648 = arith.index_cast %get3A_1587 : i32 to index
    %get3A_1649 = arith.constant 0 : index
    %get3A_1650 = vector.load %arg6[%get3A_1647, %get3A_1648, %get3A_1649] : memref<32x128x128xf32, #tpu.memory_space<vmem>>, vector<1x40x128xf32>
    %get3A_1651 = vector.shape_cast %get3A_1650 : vector<1x40x128xf32> to vector<40x128xf32>
    %max3A_1652 = arith.maximumf %get3A_1651, %select_n3A_1646 : vector<40x128xf32>
    %swap3A_1653 = arith.index_cast %get3A_1583 : i32 to index
    %swap3A_1654 = arith.index_cast %get3A_1587 : i32 to index
    %swap3A_1655 = arith.constant 0 : index
    %swap3A_1656 = vector.load %arg6[%swap3A_1653, %swap3A_1654, %swap3A_1655] : memref<32x128x128xf32, #tpu.memory_space<vmem>>, vector<1x40x128xf32>
    %swap3A_1657 = vector.shape_cast %swap3A_1656 : vector<1x40x128xf32> to vector<40x128xf32>
    %swap3A_1658 = vector.shape_cast %max3A_1652 : vector<40x128xf32> to vector<1x40x128xf32>
    tpu.vector_store %arg6[%swap3A_1653, %swap3A_1654, %swap3A_1655], %swap3A_1658 {strides = array<i32>} : memref<32x128x128xf32, #tpu.memory_space<vmem>>, vector<1x40x128xf32>,
    %get3A_1659 = arith.constant 0 : index
    %get3A_1660 = arith.index_cast %arg0 : i32 to index
    %get3A_1661 = arith.constant 21 : index
    %get3A_1662 = memref.load %arg1[%get3A_1659, %get3A_1660, %get3A_1661] : memref<7x8x32xi32, #tpu.memory_space<smem>>
    %get3A_1663 = arith.constant 1 : index
    %get3A_1664 = arith.index_cast %arg0 : i32 to index
    %get3A_1665 = arith.constant 21 : index
    %get3A_1666 = memref.load %arg1[%get3A_1663, %get3A_1664, %get3A_1665] : memref<7x8x32xi32, #tpu.memory_space<smem>>
    %get3A_1667 = arith.constant 2 : index
    %get3A_1668 = arith.index_cast %arg0 : i32 to index
    %get3A_1669 = arith.constant 21 : index
    %get3A_1670 = memref.load %arg1[%get3A_1667, %get3A_1668, %get3A_1669] : memref<7x8x32xi32, #tpu.memory_space<smem>>
    %get3A_1671 = arith.constant 3 : index
    %get3A_1672 = arith.index_cast %arg0 : i32 to index
    %get3A_1673 = arith.constant 21 : index
    %get3A_1674 = memref.load %arg1[%get3A_1671, %get3A_1672, %get3A_1673] : memref<7x8x32xi32, #tpu.memory_space<smem>>
    %get3A_1675 = arith.constant 4 : index
    %get3A_1676 = arith.index_cast %arg0 : i32 to index
    %get3A_1677 = arith.constant 21 : index
    %get3A_1678 = memref.load %arg1[%get3A_1675, %get3A_1676, %get3A_1677] : memref<7x8x32xi32, #tpu.memory_space<smem>>
    %get3A_1679 = arith.constant 5 : index
    %get3A_1680 = arith.index_cast %arg0 : i32 to index
    %get3A_1681 = arith.constant 21 : index
    %get3A_1682 = memref.load %arg1[%get3A_1679, %get3A_1680, %get3A_1681] : memref<7x8x32xi32, #tpu.memory_space<smem>>
    %get3A_1683 = arith.constant 0 : index
    %get3A_1684 = arith.index_cast %arg0 : i32 to index
    %get3A_1685 = arith.constant 21 : index
    %get3A_1686 = memref.load %arg2[%get3A_1683, %get3A_1684, %get3A_1685] : memref<2x8x32xf32, #tpu.memory_space<smem>>
    %get3A_1687 = arith.constant 1 : index
    %get3A_1688 = arith.index_cast %arg0 : i32 to index
    %get3A_1689 = arith.constant 21 : index
    %get3A_1690 = memref.load %arg2[%get3A_1687, %get3A_1688, %get3A_1689] : memref<2x8x32xf32, #tpu.memory_space<smem>>
    %add3A_1691 = vector.broadcast %get3A_1666 : i32 to vector<40x128xi32>
    %add3A_1692 = arith.addi %add3A_1691, %iota3A : vector<40x128xi32>
    %sub3A_1693 = vector.broadcast %get3A_1674 : i32 to vector<40x128xi32>
    %sub3A_1694 = arith.subi %add3A_1692, %sub3A_1693 : vector<40x128xi32>
    %sub3A_1695 = vector.broadcast %get3A_1670 : i32 to vector<40x128xi32>
    %sub3A_1696 = arith.subi %iota3A_15, %sub3A_1695 : vector<40x128xi32>
    %convert_element_type3A_1697 = arith.sitofp %sub3A_1696 : vector<40x128xi32> to vector<40x128xf32>
    %integer_pow3A_1698 = arith.mulf %convert_element_type3A_1697, %convert_element_type3A_1697 : vector<40x128xf32>
    %div3A_1699 = vector.broadcast %get3A_1686 : f32 to vector<40x128xf32>
    %div3A_1700 = arith.divf %integer_pow3A_1698, %div3A_1699 : vector<40x128xf32>
    %convert_element_type3A_1701 = arith.sitofp %sub3A_1694 : vector<40x128xi32> to vector<40x128xf32>
    %integer_pow3A_1702 = arith.mulf %convert_element_type3A_1701, %convert_element_type3A_1701 : vector<40x128xf32>
    %div3A_1703 = vector.broadcast %get3A_1690 : f32 to vector<40x128xf32>
    %div3A_1704 = arith.divf %integer_pow3A_1702, %div3A_1703 : vector<40x128xf32>
    %add3A_1705 = arith.addf %div3A_1700, %div3A_1704 : vector<40x128xf32>
    %neg3A_1706 = arith.constant 0.000000e+00 : f32
    %neg3A_1707 = vector.broadcast %neg3A_1706 : f32 to vector<40x128xf32>
    %neg3A_1708 = arith.subf %neg3A_1707, %add3A_1705 : vector<40x128xf32>
    %exp3A_1709 = math.exp %neg3A_1708 : vector<40x128xf32>
    %lt3A_1710 = arith.constant 1.1920929E-7 : f32
    %lt3A_1711 = vector.broadcast %lt3A_1710 : f32 to vector<40x128xf32>
    %lt3A_1712 = arith.cmpf olt, %exp3A_1709, %lt3A_1711 : vector<40x128xf32>
    %jit3A_1713 = arith.constant 0.000000e+00 : f32
    %broadcast_in_dim3A_1714 = vector.broadcast %jit3A_1713 : f32 to vector<40x128xf32>
    %select_n3A_1715 = arith.select %lt3A_1712, %broadcast_in_dim3A_1714, %exp3A_1709 : vector<40x128xi1>, vector<40x128xf32>
    %abs3A_1716 = math.absi %sub3A_1696 : vector<40x128xi32>
    %le3A_1717 = vector.broadcast %get3A_1678 : i32 to vector<40x128xi32>
    %le3A_1718 = arith.cmpi sle, %abs3A_1716, %le3A_1717 : vector<40x128xi32>
    %abs3A_1719 = math.absi %sub3A_1694 : vector<40x128xi32>
    %le3A_1720 = vector.broadcast %get3A_1682 : i32 to vector<40x128xi32>
    %le3A_1721 = arith.cmpi sle, %abs3A_1719, %le3A_1720 : vector<40x128xi32>
    %and3A_1722 = arith.andi %le3A_1718, %le3A_1721 : vector<40x128xi1>
    %jit3A_1723 = arith.constant 0.000000e+00 : f32
    %broadcast_in_dim3A_1724 = vector.broadcast %jit3A_1723 : f32 to vector<40x128xf32>
    %select_n3A_1725 = arith.select %and3A_1722, %select_n3A_1715, %broadcast_in_dim3A_1724 : vector<40x128xi1>, vector<40x128xf32>
    %get3A_1726 = arith.index_cast %get3A_1662 : i32 to index
    %get3A_1727 = arith.index_cast %get3A_1666 : i32 to index
    %get3A_1728 = arith.constant 0 : index
    %get3A_1729 = vector.load %arg6[%get3A_1726, %get3A_1727, %get3A_1728] : memref<32x128x128xf32, #tpu.memory_space<vmem>>, vector<1x40x128xf32>
    %get3A_1730 = vector.shape_cast %get3A_1729 : vector<1x40x128xf32> to vector<40x128xf32>
    %max3A_1731 = arith.maximumf %get3A_1730, %select_n3A_1725 : vector<40x128xf32>
    %swap3A_1732 = arith.index_cast %get3A_1662 : i32 to index
    %swap3A_1733 = arith.index_cast %get3A_1666 : i32 to index
    %swap3A_1734 = arith.constant 0 : index
    %swap3A_1735 = vector.load %arg6[%swap3A_1732, %swap3A_1733, %swap3A_1734] : memref<32x128x128xf32, #tpu.memory_space<vmem>>, vector<1x40x128xf32>
    %swap3A_1736 = vector.shape_cast %swap3A_1735 : vector<1x40x128xf32> to vector<40x128xf32>
    %swap3A_1737 = vector.shape_cast %max3A_1731 : vector<40x128xf32> to vector<1x40x128xf32>
    tpu.vector_store %arg6[%swap3A_1732, %swap3A_1733, %swap3A_1734], %swap3A_1737 {strides = array<i32>} : memref<32x128x128xf32, #tpu.memory_space<vmem>>, vector<1x40x128xf32>,
    %get3A_1738 = arith.constant 0 : index
    %get3A_1739 = arith.index_cast %arg0 : i32 to index
    %get3A_1740 = arith.constant 22 : index
    %get3A_1741 = memref.load %arg1[%get3A_1738, %get3A_1739, %get3A_1740] : memref<7x8x32xi32, #tpu.memory_space<smem>>
    %get3A_1742 = arith.constant 1 : index
    %get3A_1743 = arith.index_cast %arg0 : i32 to index
    %get3A_1744 = arith.constant 22 : index
    %get3A_1745 = memref.load %arg1[%get3A_1742, %get3A_1743, %get3A_1744] : memref<7x8x32xi32, #tpu.memory_space<smem>>
    %get3A_1746 = arith.constant 2 : index
    %get3A_1747 = arith.index_cast %arg0 : i32 to index
    %get3A_1748 = arith.constant 22 : index
    %get3A_1749 = memref.load %arg1[%get3A_1746, %get3A_1747, %get3A_1748] : memref<7x8x32xi32, #tpu.memory_space<smem>>
    %get3A_1750 = arith.constant 3 : index
    %get3A_1751 = arith.index_cast %arg0 : i32 to index
    %get3A_1752 = arith.constant 22 : index
    %get3A_1753 = memref.load %arg1[%get3A_1750, %get3A_1751, %get3A_1752] : memref<7x8x32xi32, #tpu.memory_space<smem>>
    %get3A_1754 = arith.constant 4 : index
    %get3A_1755 = arith.index_cast %arg0 : i32 to index
    %get3A_1756 = arith.constant 22 : index
    %get3A_1757 = memref.load %arg1[%get3A_1754, %get3A_1755, %get3A_1756] : memref<7x8x32xi32, #tpu.memory_space<smem>>
    %get3A_1758 = arith.constant 5 : index
    %get3A_1759 = arith.index_cast %arg0 : i32 to index
    %get3A_1760 = arith.constant 22 : index
    %get3A_1761 = memref.load %arg1[%get3A_1758, %get3A_1759, %get3A_1760] : memref<7x8x32xi32, #tpu.memory_space<smem>>
    %get3A_1762 = arith.constant 0 : index
    %get3A_1763 = arith.index_cast %arg0 : i32 to index
    %get3A_1764 = arith.constant 22 : index
    %get3A_1765 = memref.load %arg2[%get3A_1762, %get3A_1763, %get3A_1764] : memref<2x8x32xf32, #tpu.memory_space<smem>>
    %get3A_1766 = arith.constant 1 : index
    %get3A_1767 = arith.index_cast %arg0 : i32 to index
    %get3A_1768 = arith.constant 22 : index
    %get3A_1769 = memref.load %arg2[%get3A_1766, %get3A_1767, %get3A_1768] : memref<2x8x32xf32, #tpu.memory_space<smem>>
    %add3A_1770 = vector.broadcast %get3A_1745 : i32 to vector<40x128xi32>
    %add3A_1771 = arith.addi %add3A_1770, %iota3A : vector<40x128xi32>
    %sub3A_1772 = vector.broadcast %get3A_1753 : i32 to vector<40x128xi32>
    %sub3A_1773 = arith.subi %add3A_1771, %sub3A_1772 : vector<40x128xi32>
    %sub3A_1774 = vector.broadcast %get3A_1749 : i32 to vector<40x128xi32>
    %sub3A_1775 = arith.subi %iota3A_15, %sub3A_1774 : vector<40x128xi32>
    %convert_element_type3A_1776 = arith.sitofp %sub3A_1775 : vector<40x128xi32> to vector<40x128xf32>
    %integer_pow3A_1777 = arith.mulf %convert_element_type3A_1776, %convert_element_type3A_1776 : vector<40x128xf32>
    %div3A_1778 = vector.broadcast %get3A_1765 : f32 to vector<40x128xf32>
    %div3A_1779 = arith.divf %integer_pow3A_1777, %div3A_1778 : vector<40x128xf32>
    %convert_element_type3A_1780 = arith.sitofp %sub3A_1773 : vector<40x128xi32> to vector<40x128xf32>
    %integer_pow3A_1781 = arith.mulf %convert_element_type3A_1780, %convert_element_type3A_1780 : vector<40x128xf32>
    %div3A_1782 = vector.broadcast %get3A_1769 : f32 to vector<40x128xf32>
    %div3A_1783 = arith.divf %integer_pow3A_1781, %div3A_1782 : vector<40x128xf32>
    %add3A_1784 = arith.addf %div3A_1779, %div3A_1783 : vector<40x128xf32>
    %neg3A_1785 = arith.constant 0.000000e+00 : f32
    %neg3A_1786 = vector.broadcast %neg3A_1785 : f32 to vector<40x128xf32>
    %neg3A_1787 = arith.subf %neg3A_1786, %add3A_1784 : vector<40x128xf32>
    %exp3A_1788 = math.exp %neg3A_1787 : vector<40x128xf32>
    %lt3A_1789 = arith.constant 1.1920929E-7 : f32
    %lt3A_1790 = vector.broadcast %lt3A_1789 : f32 to vector<40x128xf32>
    %lt3A_1791 = arith.cmpf olt, %exp3A_1788, %lt3A_1790 : vector<40x128xf32>
    %jit3A_1792 = arith.constant 0.000000e+00 : f32
    %broadcast_in_dim3A_1793 = vector.broadcast %jit3A_1792 : f32 to vector<40x128xf32>
    %select_n3A_1794 = arith.select %lt3A_1791, %broadcast_in_dim3A_1793, %exp3A_1788 : vector<40x128xi1>, vector<40x128xf32>
    %abs3A_1795 = math.absi %sub3A_1775 : vector<40x128xi32>
    %le3A_1796 = vector.broadcast %get3A_1757 : i32 to vector<40x128xi32>
    %le3A_1797 = arith.cmpi sle, %abs3A_1795, %le3A_1796 : vector<40x128xi32>
    %abs3A_1798 = math.absi %sub3A_1773 : vector<40x128xi32>
    %le3A_1799 = vector.broadcast %get3A_1761 : i32 to vector<40x128xi32>
    %le3A_1800 = arith.cmpi sle, %abs3A_1798, %le3A_1799 : vector<40x128xi32>
    %and3A_1801 = arith.andi %le3A_1797, %le3A_1800 : vector<40x128xi1>
    %jit3A_1802 = arith.constant 0.000000e+00 : f32
    %broadcast_in_dim3A_1803 = vector.broadcast %jit3A_1802 : f32 to vector<40x128xf32>
    %select_n3A_1804 = arith.select %and3A_1801, %select_n3A_1794, %broadcast_in_dim3A_1803 : vector<40x128xi1>, vector<40x128xf32>
    %get3A_1805 = arith.index_cast %get3A_1741 : i32 to index
    %get3A_1806 = arith.index_cast %get3A_1745 : i32 to index
    %get3A_1807 = arith.constant 0 : index
    %get3A_1808 = vector.load %arg6[%get3A_1805, %get3A_1806, %get3A_1807] : memref<32x128x128xf32, #tpu.memory_space<vmem>>, vector<1x40x128xf32>
    %get3A_1809 = vector.shape_cast %get3A_1808 : vector<1x40x128xf32> to vector<40x128xf32>
    %max3A_1810 = arith.maximumf %get3A_1809, %select_n3A_1804 : vector<40x128xf32>
    %swap3A_1811 = arith.index_cast %get3A_1741 : i32 to index
    %swap3A_1812 = arith.index_cast %get3A_1745 : i32 to index
    %swap3A_1813 = arith.constant 0 : index
    %swap3A_1814 = vector.load %arg6[%swap3A_1811, %swap3A_1812, %swap3A_1813] : memref<32x128x128xf32, #tpu.memory_space<vmem>>, vector<1x40x128xf32>
    %swap3A_1815 = vector.shape_cast %swap3A_1814 : vector<1x40x128xf32> to vector<40x128xf32>
    %swap3A_1816 = vector.shape_cast %max3A_1810 : vector<40x128xf32> to vector<1x40x128xf32>
    tpu.vector_store %arg6[%swap3A_1811, %swap3A_1812, %swap3A_1813], %swap3A_1816 {strides = array<i32>} : memref<32x128x128xf32, #tpu.memory_space<vmem>>, vector<1x40x128xf32>,
    %get3A_1817 = arith.constant 0 : index
    %get3A_1818 = arith.index_cast %arg0 : i32 to index
    %get3A_1819 = arith.constant 23 : index
    %get3A_1820 = memref.load %arg1[%get3A_1817, %get3A_1818, %get3A_1819] : memref<7x8x32xi32, #tpu.memory_space<smem>>
    %get3A_1821 = arith.constant 1 : index
    %get3A_1822 = arith.index_cast %arg0 : i32 to index
    %get3A_1823 = arith.constant 23 : index
    %get3A_1824 = memref.load %arg1[%get3A_1821, %get3A_1822, %get3A_1823] : memref<7x8x32xi32, #tpu.memory_space<smem>>
    %get3A_1825 = arith.constant 2 : index
    %get3A_1826 = arith.index_cast %arg0 : i32 to index
    %get3A_1827 = arith.constant 23 : index
    %get3A_1828 = memref.load %arg1[%get3A_1825, %get3A_1826, %get3A_1827] : memref<7x8x32xi32, #tpu.memory_space<smem>>
    %get3A_1829 = arith.constant 3 : index
    %get3A_1830 = arith.index_cast %arg0 : i32 to index
    %get3A_1831 = arith.constant 23 : index
    %get3A_1832 = memref.load %arg1[%get3A_1829, %get3A_1830, %get3A_1831] : memref<7x8x32xi32, #tpu.memory_space<smem>>
    %get3A_1833 = arith.constant 4 : index
    %get3A_1834 = arith.index_cast %arg0 : i32 to index
    %get3A_1835 = arith.constant 23 : index
    %get3A_1836 = memref.load %arg1[%get3A_1833, %get3A_1834, %get3A_1835] : memref<7x8x32xi32, #tpu.memory_space<smem>>
    %get3A_1837 = arith.constant 5 : index
    %get3A_1838 = arith.index_cast %arg0 : i32 to index
    %get3A_1839 = arith.constant 23 : index
    %get3A_1840 = memref.load %arg1[%get3A_1837, %get3A_1838, %get3A_1839] : memref<7x8x32xi32, #tpu.memory_space<smem>>
    %get3A_1841 = arith.constant 0 : index
    %get3A_1842 = arith.index_cast %arg0 : i32 to index
    %get3A_1843 = arith.constant 23 : index
    %get3A_1844 = memref.load %arg2[%get3A_1841, %get3A_1842, %get3A_1843] : memref<2x8x32xf32, #tpu.memory_space<smem>>
    %get3A_1845 = arith.constant 1 : index
    %get3A_1846 = arith.index_cast %arg0 : i32 to index
    %get3A_1847 = arith.constant 23 : index
    %get3A_1848 = memref.load %arg2[%get3A_1845, %get3A_1846, %get3A_1847] : memref<2x8x32xf32, #tpu.memory_space<smem>>
    %add3A_1849 = vector.broadcast %get3A_1824 : i32 to vector<40x128xi32>
    %add3A_1850 = arith.addi %add3A_1849, %iota3A : vector<40x128xi32>
    %sub3A_1851 = vector.broadcast %get3A_1832 : i32 to vector<40x128xi32>
    %sub3A_1852 = arith.subi %add3A_1850, %sub3A_1851 : vector<40x128xi32>
    %sub3A_1853 = vector.broadcast %get3A_1828 : i32 to vector<40x128xi32>
    %sub3A_1854 = arith.subi %iota3A_15, %sub3A_1853 : vector<40x128xi32>
    %convert_element_type3A_1855 = arith.sitofp %sub3A_1854 : vector<40x128xi32> to vector<40x128xf32>
    %integer_pow3A_1856 = arith.mulf %convert_element_type3A_1855, %convert_element_type3A_1855 : vector<40x128xf32>
    %div3A_1857 = vector.broadcast %get3A_1844 : f32 to vector<40x128xf32>
    %div3A_1858 = arith.divf %integer_pow3A_1856, %div3A_1857 : vector<40x128xf32>
    %convert_element_type3A_1859 = arith.sitofp %sub3A_1852 : vector<40x128xi32> to vector<40x128xf32>
    %integer_pow3A_1860 = arith.mulf %convert_element_type3A_1859, %convert_element_type3A_1859 : vector<40x128xf32>
    %div3A_1861 = vector.broadcast %get3A_1848 : f32 to vector<40x128xf32>
    %div3A_1862 = arith.divf %integer_pow3A_1860, %div3A_1861 : vector<40x128xf32>
    %add3A_1863 = arith.addf %div3A_1858, %div3A_1862 : vector<40x128xf32>
    %neg3A_1864 = arith.constant 0.000000e+00 : f32
    %neg3A_1865 = vector.broadcast %neg3A_1864 : f32 to vector<40x128xf32>
    %neg3A_1866 = arith.subf %neg3A_1865, %add3A_1863 : vector<40x128xf32>
    %exp3A_1867 = math.exp %neg3A_1866 : vector<40x128xf32>
    %lt3A_1868 = arith.constant 1.1920929E-7 : f32
    %lt3A_1869 = vector.broadcast %lt3A_1868 : f32 to vector<40x128xf32>
    %lt3A_1870 = arith.cmpf olt, %exp3A_1867, %lt3A_1869 : vector<40x128xf32>
    %jit3A_1871 = arith.constant 0.000000e+00 : f32
    %broadcast_in_dim3A_1872 = vector.broadcast %jit3A_1871 : f32 to vector<40x128xf32>
    %select_n3A_1873 = arith.select %lt3A_1870, %broadcast_in_dim3A_1872, %exp3A_1867 : vector<40x128xi1>, vector<40x128xf32>
    %abs3A_1874 = math.absi %sub3A_1854 : vector<40x128xi32>
    %le3A_1875 = vector.broadcast %get3A_1836 : i32 to vector<40x128xi32>
    %le3A_1876 = arith.cmpi sle, %abs3A_1874, %le3A_1875 : vector<40x128xi32>
    %abs3A_1877 = math.absi %sub3A_1852 : vector<40x128xi32>
    %le3A_1878 = vector.broadcast %get3A_1840 : i32 to vector<40x128xi32>
    %le3A_1879 = arith.cmpi sle, %abs3A_1877, %le3A_1878 : vector<40x128xi32>
    %and3A_1880 = arith.andi %le3A_1876, %le3A_1879 : vector<40x128xi1>
    %jit3A_1881 = arith.constant 0.000000e+00 : f32
    %broadcast_in_dim3A_1882 = vector.broadcast %jit3A_1881 : f32 to vector<40x128xf32>
    %select_n3A_1883 = arith.select %and3A_1880, %select_n3A_1873, %broadcast_in_dim3A_1882 : vector<40x128xi1>, vector<40x128xf32>
    %get3A_1884 = arith.index_cast %get3A_1820 : i32 to index
    %get3A_1885 = arith.index_cast %get3A_1824 : i32 to index
    %get3A_1886 = arith.constant 0 : index
    %get3A_1887 = vector.load %arg6[%get3A_1884, %get3A_1885, %get3A_1886] : memref<32x128x128xf32, #tpu.memory_space<vmem>>, vector<1x40x128xf32>
    %get3A_1888 = vector.shape_cast %get3A_1887 : vector<1x40x128xf32> to vector<40x128xf32>
    %max3A_1889 = arith.maximumf %get3A_1888, %select_n3A_1883 : vector<40x128xf32>
    %swap3A_1890 = arith.index_cast %get3A_1820 : i32 to index
    %swap3A_1891 = arith.index_cast %get3A_1824 : i32 to index
    %swap3A_1892 = arith.constant 0 : index
    %swap3A_1893 = vector.load %arg6[%swap3A_1890, %swap3A_1891, %swap3A_1892] : memref<32x128x128xf32, #tpu.memory_space<vmem>>, vector<1x40x128xf32>
    %swap3A_1894 = vector.shape_cast %swap3A_1893 : vector<1x40x128xf32> to vector<40x128xf32>
    %swap3A_1895 = vector.shape_cast %max3A_1889 : vector<40x128xf32> to vector<1x40x128xf32>
    tpu.vector_store %arg6[%swap3A_1890, %swap3A_1891, %swap3A_1892], %swap3A_1895 {strides = array<i32>} : memref<32x128x128xf32, #tpu.memory_space<vmem>>, vector<1x40x128xf32>,
    %get3A_1896 = arith.constant 0 : index
    %get3A_1897 = arith.index_cast %arg0 : i32 to index
    %get3A_1898 = arith.constant 24 : index
    %get3A_1899 = memref.load %arg1[%get3A_1896, %get3A_1897, %get3A_1898] : memref<7x8x32xi32, #tpu.memory_space<smem>>
    %get3A_1900 = arith.constant 1 : index
    %get3A_1901 = arith.index_cast %arg0 : i32 to index
    %get3A_1902 = arith.constant 24 : index
    %get3A_1903 = memref.load %arg1[%get3A_1900, %get3A_1901, %get3A_1902] : memref<7x8x32xi32, #tpu.memory_space<smem>>
    %get3A_1904 = arith.constant 2 : index
    %get3A_1905 = arith.index_cast %arg0 : i32 to index
    %get3A_1906 = arith.constant 24 : index
    %get3A_1907 = memref.load %arg1[%get3A_1904, %get3A_1905, %get3A_1906] : memref<7x8x32xi32, #tpu.memory_space<smem>>
    %get3A_1908 = arith.constant 3 : index
    %get3A_1909 = arith.index_cast %arg0 : i32 to index
    %get3A_1910 = arith.constant 24 : index
    %get3A_1911 = memref.load %arg1[%get3A_1908, %get3A_1909, %get3A_1910] : memref<7x8x32xi32, #tpu.memory_space<smem>>
    %get3A_1912 = arith.constant 4 : index
    %get3A_1913 = arith.index_cast %arg0 : i32 to index
    %get3A_1914 = arith.constant 24 : index
    %get3A_1915 = memref.load %arg1[%get3A_1912, %get3A_1913, %get3A_1914] : memref<7x8x32xi32, #tpu.memory_space<smem>>
    %get3A_1916 = arith.constant 5 : index
    %get3A_1917 = arith.index_cast %arg0 : i32 to index
    %get3A_1918 = arith.constant 24 : index
    %get3A_1919 = memref.load %arg1[%get3A_1916, %get3A_1917, %get3A_1918] : memref<7x8x32xi32, #tpu.memory_space<smem>>
    %get3A_1920 = arith.constant 0 : index
    %get3A_1921 = arith.index_cast %arg0 : i32 to index
    %get3A_1922 = arith.constant 24 : index
    %get3A_1923 = memref.load %arg2[%get3A_1920, %get3A_1921, %get3A_1922] : memref<2x8x32xf32, #tpu.memory_space<smem>>
    %get3A_1924 = arith.constant 1 : index
    %get3A_1925 = arith.index_cast %arg0 : i32 to index
    %get3A_1926 = arith.constant 24 : index
    %get3A_1927 = memref.load %arg2[%get3A_1924, %get3A_1925, %get3A_1926] : memref<2x8x32xf32, #tpu.memory_space<smem>>
    %add3A_1928 = vector.broadcast %get3A_1903 : i32 to vector<40x128xi32>
    %add3A_1929 = arith.addi %add3A_1928, %iota3A : vector<40x128xi32>
    %sub3A_1930 = vector.broadcast %get3A_1911 : i32 to vector<40x128xi32>
    %sub3A_1931 = arith.subi %add3A_1929, %sub3A_1930 : vector<40x128xi32>
    %sub3A_1932 = vector.broadcast %get3A_1907 : i32 to vector<40x128xi32>
    %sub3A_1933 = arith.subi %iota3A_15, %sub3A_1932 : vector<40x128xi32>
    %convert_element_type3A_1934 = arith.sitofp %sub3A_1933 : vector<40x128xi32> to vector<40x128xf32>
    %integer_pow3A_1935 = arith.mulf %convert_element_type3A_1934, %convert_element_type3A_1934 : vector<40x128xf32>
    %div3A_1936 = vector.broadcast %get3A_1923 : f32 to vector<40x128xf32>
    %div3A_1937 = arith.divf %integer_pow3A_1935, %div3A_1936 : vector<40x128xf32>
    %convert_element_type3A_1938 = arith.sitofp %sub3A_1931 : vector<40x128xi32> to vector<40x128xf32>
    %integer_pow3A_1939 = arith.mulf %convert_element_type3A_1938, %convert_element_type3A_1938 : vector<40x128xf32>
    %div3A_1940 = vector.broadcast %get3A_1927 : f32 to vector<40x128xf32>
    %div3A_1941 = arith.divf %integer_pow3A_1939, %div3A_1940 : vector<40x128xf32>
    %add3A_1942 = arith.addf %div3A_1937, %div3A_1941 : vector<40x128xf32>
    %neg3A_1943 = arith.constant 0.000000e+00 : f32
    %neg3A_1944 = vector.broadcast %neg3A_1943 : f32 to vector<40x128xf32>
    %neg3A_1945 = arith.subf %neg3A_1944, %add3A_1942 : vector<40x128xf32>
    %exp3A_1946 = math.exp %neg3A_1945 : vector<40x128xf32>
    %lt3A_1947 = arith.constant 1.1920929E-7 : f32
    %lt3A_1948 = vector.broadcast %lt3A_1947 : f32 to vector<40x128xf32>
    %lt3A_1949 = arith.cmpf olt, %exp3A_1946, %lt3A_1948 : vector<40x128xf32>
    %jit3A_1950 = arith.constant 0.000000e+00 : f32
    %broadcast_in_dim3A_1951 = vector.broadcast %jit3A_1950 : f32 to vector<40x128xf32>
    %select_n3A_1952 = arith.select %lt3A_1949, %broadcast_in_dim3A_1951, %exp3A_1946 : vector<40x128xi1>, vector<40x128xf32>
    %abs3A_1953 = math.absi %sub3A_1933 : vector<40x128xi32>
    %le3A_1954 = vector.broadcast %get3A_1915 : i32 to vector<40x128xi32>
    %le3A_1955 = arith.cmpi sle, %abs3A_1953, %le3A_1954 : vector<40x128xi32>
    %abs3A_1956 = math.absi %sub3A_1931 : vector<40x128xi32>
    %le3A_1957 = vector.broadcast %get3A_1919 : i32 to vector<40x128xi32>
    %le3A_1958 = arith.cmpi sle, %abs3A_1956, %le3A_1957 : vector<40x128xi32>
    %and3A_1959 = arith.andi %le3A_1955, %le3A_1958 : vector<40x128xi1>
    %jit3A_1960 = arith.constant 0.000000e+00 : f32
    %broadcast_in_dim3A_1961 = vector.broadcast %jit3A_1960 : f32 to vector<40x128xf32>
    %select_n3A_1962 = arith.select %and3A_1959, %select_n3A_1952, %broadcast_in_dim3A_1961 : vector<40x128xi1>, vector<40x128xf32>
    %get3A_1963 = arith.index_cast %get3A_1899 : i32 to index
    %get3A_1964 = arith.index_cast %get3A_1903 : i32 to index
    %get3A_1965 = arith.constant 0 : index
    %get3A_1966 = vector.load %arg6[%get3A_1963, %get3A_1964, %get3A_1965] : memref<32x128x128xf32, #tpu.memory_space<vmem>>, vector<1x40x128xf32>
    %get3A_1967 = vector.shape_cast %get3A_1966 : vector<1x40x128xf32> to vector<40x128xf32>
    %max3A_1968 = arith.maximumf %get3A_1967, %select_n3A_1962 : vector<40x128xf32>
    %swap3A_1969 = arith.index_cast %get3A_1899 : i32 to index
    %swap3A_1970 = arith.index_cast %get3A_1903 : i32 to index
    %swap3A_1971 = arith.constant 0 : index
    %swap3A_1972 = vector.load %arg6[%swap3A_1969, %swap3A_1970, %swap3A_1971] : memref<32x128x128xf32, #tpu.memory_space<vmem>>, vector<1x40x128xf32>
    %swap3A_1973 = vector.shape_cast %swap3A_1972 : vector<1x40x128xf32> to vector<40x128xf32>
    %swap3A_1974 = vector.shape_cast %max3A_1968 : vector<40x128xf32> to vector<1x40x128xf32>
    tpu.vector_store %arg6[%swap3A_1969, %swap3A_1970, %swap3A_1971], %swap3A_1974 {strides = array<i32>} : memref<32x128x128xf32, #tpu.memory_space<vmem>>, vector<1x40x128xf32>,
    %get3A_1975 = arith.constant 0 : index
    %get3A_1976 = arith.index_cast %arg0 : i32 to index
    %get3A_1977 = arith.constant 25 : index
    %get3A_1978 = memref.load %arg1[%get3A_1975, %get3A_1976, %get3A_1977] : memref<7x8x32xi32, #tpu.memory_space<smem>>
    %get3A_1979 = arith.constant 1 : index
    %get3A_1980 = arith.index_cast %arg0 : i32 to index
    %get3A_1981 = arith.constant 25 : index
    %get3A_1982 = memref.load %arg1[%get3A_1979, %get3A_1980, %get3A_1981] : memref<7x8x32xi32, #tpu.memory_space<smem>>
    %get3A_1983 = arith.constant 2 : index
    %get3A_1984 = arith.index_cast %arg0 : i32 to index
    %get3A_1985 = arith.constant 25 : index
    %get3A_1986 = memref.load %arg1[%get3A_1983, %get3A_1984, %get3A_1985] : memref<7x8x32xi32, #tpu.memory_space<smem>>
    %get3A_1987 = arith.constant 3 : index
    %get3A_1988 = arith.index_cast %arg0 : i32 to index
    %get3A_1989 = arith.constant 25 : index
    %get3A_1990 = memref.load %arg1[%get3A_1987, %get3A_1988, %get3A_1989] : memref<7x8x32xi32, #tpu.memory_space<smem>>
    %get3A_1991 = arith.constant 4 : index
    %get3A_1992 = arith.index_cast %arg0 : i32 to index
    %get3A_1993 = arith.constant 25 : index
    %get3A_1994 = memref.load %arg1[%get3A_1991, %get3A_1992, %get3A_1993] : memref<7x8x32xi32, #tpu.memory_space<smem>>
    %get3A_1995 = arith.constant 5 : index
    %get3A_1996 = arith.index_cast %arg0 : i32 to index
    %get3A_1997 = arith.constant 25 : index
    %get3A_1998 = memref.load %arg1[%get3A_1995, %get3A_1996, %get3A_1997] : memref<7x8x32xi32, #tpu.memory_space<smem>>
    %get3A_1999 = arith.constant 0 : index
    %get3A_2000 = arith.index_cast %arg0 : i32 to index
    %get3A_2001 = arith.constant 25 : index
    %get3A_2002 = memref.load %arg2[%get3A_1999, %get3A_2000, %get3A_2001] : memref<2x8x32xf32, #tpu.memory_space<smem>>
    %get3A_2003 = arith.constant 1 : index
    %get3A_2004 = arith.index_cast %arg0 : i32 to index
    %get3A_2005 = arith.constant 25 : index
    %get3A_2006 = memref.load %arg2[%get3A_2003, %get3A_2004, %get3A_2005] : memref<2x8x32xf32, #tpu.memory_space<smem>>
    %add3A_2007 = vector.broadcast %get3A_1982 : i32 to vector<40x128xi32>
    %add3A_2008 = arith.addi %add3A_2007, %iota3A : vector<40x128xi32>
    %sub3A_2009 = vector.broadcast %get3A_1990 : i32 to vector<40x128xi32>
    %sub3A_2010 = arith.subi %add3A_2008, %sub3A_2009 : vector<40x128xi32>
    %sub3A_2011 = vector.broadcast %get3A_1986 : i32 to vector<40x128xi32>
    %sub3A_2012 = arith.subi %iota3A_15, %sub3A_2011 : vector<40x128xi32>
    %convert_element_type3A_2013 = arith.sitofp %sub3A_2012 : vector<40x128xi32> to vector<40x128xf32>
    %integer_pow3A_2014 = arith.mulf %convert_element_type3A_2013, %convert_element_type3A_2013 : vector<40x128xf32>
    %div3A_2015 = vector.broadcast %get3A_2002 : f32 to vector<40x128xf32>
    %div3A_2016 = arith.divf %integer_pow3A_2014, %div3A_2015 : vector<40x128xf32>
    %convert_element_type3A_2017 = arith.sitofp %sub3A_2010 : vector<40x128xi32> to vector<40x128xf32>
    %integer_pow3A_2018 = arith.mulf %convert_element_type3A_2017, %convert_element_type3A_2017 : vector<40x128xf32>
    %div3A_2019 = vector.broadcast %get3A_2006 : f32 to vector<40x128xf32>
    %div3A_2020 = arith.divf %integer_pow3A_2018, %div3A_2019 : vector<40x128xf32>
    %add3A_2021 = arith.addf %div3A_2016, %div3A_2020 : vector<40x128xf32>
    %neg3A_2022 = arith.constant 0.000000e+00 : f32
    %neg3A_2023 = vector.broadcast %neg3A_2022 : f32 to vector<40x128xf32>
    %neg3A_2024 = arith.subf %neg3A_2023, %add3A_2021 : vector<40x128xf32>
    %exp3A_2025 = math.exp %neg3A_2024 : vector<40x128xf32>
    %lt3A_2026 = arith.constant 1.1920929E-7 : f32
    %lt3A_2027 = vector.broadcast %lt3A_2026 : f32 to vector<40x128xf32>
    %lt3A_2028 = arith.cmpf olt, %exp3A_2025, %lt3A_2027 : vector<40x128xf32>
    %jit3A_2029 = arith.constant 0.000000e+00 : f32
    %broadcast_in_dim3A_2030 = vector.broadcast %jit3A_2029 : f32 to vector<40x128xf32>
    %select_n3A_2031 = arith.select %lt3A_2028, %broadcast_in_dim3A_2030, %exp3A_2025 : vector<40x128xi1>, vector<40x128xf32>
    %abs3A_2032 = math.absi %sub3A_2012 : vector<40x128xi32>
    %le3A_2033 = vector.broadcast %get3A_1994 : i32 to vector<40x128xi32>
    %le3A_2034 = arith.cmpi sle, %abs3A_2032, %le3A_2033 : vector<40x128xi32>
    %abs3A_2035 = math.absi %sub3A_2010 : vector<40x128xi32>
    %le3A_2036 = vector.broadcast %get3A_1998 : i32 to vector<40x128xi32>
    %le3A_2037 = arith.cmpi sle, %abs3A_2035, %le3A_2036 : vector<40x128xi32>
    %and3A_2038 = arith.andi %le3A_2034, %le3A_2037 : vector<40x128xi1>
    %jit3A_2039 = arith.constant 0.000000e+00 : f32
    %broadcast_in_dim3A_2040 = vector.broadcast %jit3A_2039 : f32 to vector<40x128xf32>
    %select_n3A_2041 = arith.select %and3A_2038, %select_n3A_2031, %broadcast_in_dim3A_2040 : vector<40x128xi1>, vector<40x128xf32>
    %get3A_2042 = arith.index_cast %get3A_1978 : i32 to index
    %get3A_2043 = arith.index_cast %get3A_1982 : i32 to index
    %get3A_2044 = arith.constant 0 : index
    %get3A_2045 = vector.load %arg6[%get3A_2042, %get3A_2043, %get3A_2044] : memref<32x128x128xf32, #tpu.memory_space<vmem>>, vector<1x40x128xf32>
    %get3A_2046 = vector.shape_cast %get3A_2045 : vector<1x40x128xf32> to vector<40x128xf32>
    %max3A_2047 = arith.maximumf %get3A_2046, %select_n3A_2041 : vector<40x128xf32>
    %swap3A_2048 = arith.index_cast %get3A_1978 : i32 to index
    %swap3A_2049 = arith.index_cast %get3A_1982 : i32 to index
    %swap3A_2050 = arith.constant 0 : index
    %swap3A_2051 = vector.load %arg6[%swap3A_2048, %swap3A_2049, %swap3A_2050] : memref<32x128x128xf32, #tpu.memory_space<vmem>>, vector<1x40x128xf32>
    %swap3A_2052 = vector.shape_cast %swap3A_2051 : vector<1x40x128xf32> to vector<40x128xf32>
    %swap3A_2053 = vector.shape_cast %max3A_2047 : vector<40x128xf32> to vector<1x40x128xf32>
    tpu.vector_store %arg6[%swap3A_2048, %swap3A_2049, %swap3A_2050], %swap3A_2053 {strides = array<i32>} : memref<32x128x128xf32, #tpu.memory_space<vmem>>, vector<1x40x128xf32>,
    %get3A_2054 = arith.constant 0 : index
    %get3A_2055 = arith.index_cast %arg0 : i32 to index
    %get3A_2056 = arith.constant 26 : index
    %get3A_2057 = memref.load %arg1[%get3A_2054, %get3A_2055, %get3A_2056] : memref<7x8x32xi32, #tpu.memory_space<smem>>
    %get3A_2058 = arith.constant 1 : index
    %get3A_2059 = arith.index_cast %arg0 : i32 to index
    %get3A_2060 = arith.constant 26 : index
    %get3A_2061 = memref.load %arg1[%get3A_2058, %get3A_2059, %get3A_2060] : memref<7x8x32xi32, #tpu.memory_space<smem>>
    %get3A_2062 = arith.constant 2 : index
    %get3A_2063 = arith.index_cast %arg0 : i32 to index
    %get3A_2064 = arith.constant 26 : index
    %get3A_2065 = memref.load %arg1[%get3A_2062, %get3A_2063, %get3A_2064] : memref<7x8x32xi32, #tpu.memory_space<smem>>
    %get3A_2066 = arith.constant 3 : index
    %get3A_2067 = arith.index_cast %arg0 : i32 to index
    %get3A_2068 = arith.constant 26 : index
    %get3A_2069 = memref.load %arg1[%get3A_2066, %get3A_2067, %get3A_2068] : memref<7x8x32xi32, #tpu.memory_space<smem>>
    %get3A_2070 = arith.constant 4 : index
    %get3A_2071 = arith.index_cast %arg0 : i32 to index
    %get3A_2072 = arith.constant 26 : index
    %get3A_2073 = memref.load %arg1[%get3A_2070, %get3A_2071, %get3A_2072] : memref<7x8x32xi32, #tpu.memory_space<smem>>
    %get3A_2074 = arith.constant 5 : index
    %get3A_2075 = arith.index_cast %arg0 : i32 to index
    %get3A_2076 = arith.constant 26 : index
    %get3A_2077 = memref.load %arg1[%get3A_2074, %get3A_2075, %get3A_2076] : memref<7x8x32xi32, #tpu.memory_space<smem>>
    %get3A_2078 = arith.constant 0 : index
    %get3A_2079 = arith.index_cast %arg0 : i32 to index
    %get3A_2080 = arith.constant 26 : index
    %get3A_2081 = memref.load %arg2[%get3A_2078, %get3A_2079, %get3A_2080] : memref<2x8x32xf32, #tpu.memory_space<smem>>
    %get3A_2082 = arith.constant 1 : index
    %get3A_2083 = arith.index_cast %arg0 : i32 to index
    %get3A_2084 = arith.constant 26 : index
    %get3A_2085 = memref.load %arg2[%get3A_2082, %get3A_2083, %get3A_2084] : memref<2x8x32xf32, #tpu.memory_space<smem>>
    %add3A_2086 = vector.broadcast %get3A_2061 : i32 to vector<40x128xi32>
    %add3A_2087 = arith.addi %add3A_2086, %iota3A : vector<40x128xi32>
    %sub3A_2088 = vector.broadcast %get3A_2069 : i32 to vector<40x128xi32>
    %sub3A_2089 = arith.subi %add3A_2087, %sub3A_2088 : vector<40x128xi32>
    %sub3A_2090 = vector.broadcast %get3A_2065 : i32 to vector<40x128xi32>
    %sub3A_2091 = arith.subi %iota3A_15, %sub3A_2090 : vector<40x128xi32>
    %convert_element_type3A_2092 = arith.sitofp %sub3A_2091 : vector<40x128xi32> to vector<40x128xf32>
    %integer_pow3A_2093 = arith.mulf %convert_element_type3A_2092, %convert_element_type3A_2092 : vector<40x128xf32>
    %div3A_2094 = vector.broadcast %get3A_2081 : f32 to vector<40x128xf32>
    %div3A_2095 = arith.divf %integer_pow3A_2093, %div3A_2094 : vector<40x128xf32>
    %convert_element_type3A_2096 = arith.sitofp %sub3A_2089 : vector<40x128xi32> to vector<40x128xf32>
    %integer_pow3A_2097 = arith.mulf %convert_element_type3A_2096, %convert_element_type3A_2096 : vector<40x128xf32>
    %div3A_2098 = vector.broadcast %get3A_2085 : f32 to vector<40x128xf32>
    %div3A_2099 = arith.divf %integer_pow3A_2097, %div3A_2098 : vector<40x128xf32>
    %add3A_2100 = arith.addf %div3A_2095, %div3A_2099 : vector<40x128xf32>
    %neg3A_2101 = arith.constant 0.000000e+00 : f32
    %neg3A_2102 = vector.broadcast %neg3A_2101 : f32 to vector<40x128xf32>
    %neg3A_2103 = arith.subf %neg3A_2102, %add3A_2100 : vector<40x128xf32>
    %exp3A_2104 = math.exp %neg3A_2103 : vector<40x128xf32>
    %lt3A_2105 = arith.constant 1.1920929E-7 : f32
    %lt3A_2106 = vector.broadcast %lt3A_2105 : f32 to vector<40x128xf32>
    %lt3A_2107 = arith.cmpf olt, %exp3A_2104, %lt3A_2106 : vector<40x128xf32>
    %jit3A_2108 = arith.constant 0.000000e+00 : f32
    %broadcast_in_dim3A_2109 = vector.broadcast %jit3A_2108 : f32 to vector<40x128xf32>
    %select_n3A_2110 = arith.select %lt3A_2107, %broadcast_in_dim3A_2109, %exp3A_2104 : vector<40x128xi1>, vector<40x128xf32>
    %abs3A_2111 = math.absi %sub3A_2091 : vector<40x128xi32>
    %le3A_2112 = vector.broadcast %get3A_2073 : i32 to vector<40x128xi32>
    %le3A_2113 = arith.cmpi sle, %abs3A_2111, %le3A_2112 : vector<40x128xi32>
    %abs3A_2114 = math.absi %sub3A_2089 : vector<40x128xi32>
    %le3A_2115 = vector.broadcast %get3A_2077 : i32 to vector<40x128xi32>
    %le3A_2116 = arith.cmpi sle, %abs3A_2114, %le3A_2115 : vector<40x128xi32>
    %and3A_2117 = arith.andi %le3A_2113, %le3A_2116 : vector<40x128xi1>
    %jit3A_2118 = arith.constant 0.000000e+00 : f32
    %broadcast_in_dim3A_2119 = vector.broadcast %jit3A_2118 : f32 to vector<40x128xf32>
    %select_n3A_2120 = arith.select %and3A_2117, %select_n3A_2110, %broadcast_in_dim3A_2119 : vector<40x128xi1>, vector<40x128xf32>
    %get3A_2121 = arith.index_cast %get3A_2057 : i32 to index
    %get3A_2122 = arith.index_cast %get3A_2061 : i32 to index
    %get3A_2123 = arith.constant 0 : index
    %get3A_2124 = vector.load %arg6[%get3A_2121, %get3A_2122, %get3A_2123] : memref<32x128x128xf32, #tpu.memory_space<vmem>>, vector<1x40x128xf32>
    %get3A_2125 = vector.shape_cast %get3A_2124 : vector<1x40x128xf32> to vector<40x128xf32>
    %max3A_2126 = arith.maximumf %get3A_2125, %select_n3A_2120 : vector<40x128xf32>
    %swap3A_2127 = arith.index_cast %get3A_2057 : i32 to index
    %swap3A_2128 = arith.index_cast %get3A_2061 : i32 to index
    %swap3A_2129 = arith.constant 0 : index
    %swap3A_2130 = vector.load %arg6[%swap3A_2127, %swap3A_2128, %swap3A_2129] : memref<32x128x128xf32, #tpu.memory_space<vmem>>, vector<1x40x128xf32>
    %swap3A_2131 = vector.shape_cast %swap3A_2130 : vector<1x40x128xf32> to vector<40x128xf32>
    %swap3A_2132 = vector.shape_cast %max3A_2126 : vector<40x128xf32> to vector<1x40x128xf32>
    tpu.vector_store %arg6[%swap3A_2127, %swap3A_2128, %swap3A_2129], %swap3A_2132 {strides = array<i32>} : memref<32x128x128xf32, #tpu.memory_space<vmem>>, vector<1x40x128xf32>,
    %get3A_2133 = arith.constant 0 : index
    %get3A_2134 = arith.index_cast %arg0 : i32 to index
    %get3A_2135 = arith.constant 27 : index
    %get3A_2136 = memref.load %arg1[%get3A_2133, %get3A_2134, %get3A_2135] : memref<7x8x32xi32, #tpu.memory_space<smem>>
    %get3A_2137 = arith.constant 1 : index
    %get3A_2138 = arith.index_cast %arg0 : i32 to index
    %get3A_2139 = arith.constant 27 : index
    %get3A_2140 = memref.load %arg1[%get3A_2137, %get3A_2138, %get3A_2139] : memref<7x8x32xi32, #tpu.memory_space<smem>>
    %get3A_2141 = arith.constant 2 : index
    %get3A_2142 = arith.index_cast %arg0 : i32 to index
    %get3A_2143 = arith.constant 27 : index
    %get3A_2144 = memref.load %arg1[%get3A_2141, %get3A_2142, %get3A_2143] : memref<7x8x32xi32, #tpu.memory_space<smem>>
    %get3A_2145 = arith.constant 3 : index
    %get3A_2146 = arith.index_cast %arg0 : i32 to index
    %get3A_2147 = arith.constant 27 : index
    %get3A_2148 = memref.load %arg1[%get3A_2145, %get3A_2146, %get3A_2147] : memref<7x8x32xi32, #tpu.memory_space<smem>>
    %get3A_2149 = arith.constant 4 : index
    %get3A_2150 = arith.index_cast %arg0 : i32 to index
    %get3A_2151 = arith.constant 27 : index
    %get3A_2152 = memref.load %arg1[%get3A_2149, %get3A_2150, %get3A_2151] : memref<7x8x32xi32, #tpu.memory_space<smem>>
    %get3A_2153 = arith.constant 5 : index
    %get3A_2154 = arith.index_cast %arg0 : i32 to index
    %get3A_2155 = arith.constant 27 : index
    %get3A_2156 = memref.load %arg1[%get3A_2153, %get3A_2154, %get3A_2155] : memref<7x8x32xi32, #tpu.memory_space<smem>>
    %get3A_2157 = arith.constant 0 : index
    %get3A_2158 = arith.index_cast %arg0 : i32 to index
    %get3A_2159 = arith.constant 27 : index
    %get3A_2160 = memref.load %arg2[%get3A_2157, %get3A_2158, %get3A_2159] : memref<2x8x32xf32, #tpu.memory_space<smem>>
    %get3A_2161 = arith.constant 1 : index
    %get3A_2162 = arith.index_cast %arg0 : i32 to index
    %get3A_2163 = arith.constant 27 : index
    %get3A_2164 = memref.load %arg2[%get3A_2161, %get3A_2162, %get3A_2163] : memref<2x8x32xf32, #tpu.memory_space<smem>>
    %add3A_2165 = vector.broadcast %get3A_2140 : i32 to vector<40x128xi32>
    %add3A_2166 = arith.addi %add3A_2165, %iota3A : vector<40x128xi32>
    %sub3A_2167 = vector.broadcast %get3A_2148 : i32 to vector<40x128xi32>
    %sub3A_2168 = arith.subi %add3A_2166, %sub3A_2167 : vector<40x128xi32>
    %sub3A_2169 = vector.broadcast %get3A_2144 : i32 to vector<40x128xi32>
    %sub3A_2170 = arith.subi %iota3A_15, %sub3A_2169 : vector<40x128xi32>
    %convert_element_type3A_2171 = arith.sitofp %sub3A_2170 : vector<40x128xi32> to vector<40x128xf32>
    %integer_pow3A_2172 = arith.mulf %convert_element_type3A_2171, %convert_element_type3A_2171 : vector<40x128xf32>
    %div3A_2173 = vector.broadcast %get3A_2160 : f32 to vector<40x128xf32>
    %div3A_2174 = arith.divf %integer_pow3A_2172, %div3A_2173 : vector<40x128xf32>
    %convert_element_type3A_2175 = arith.sitofp %sub3A_2168 : vector<40x128xi32> to vector<40x128xf32>
    %integer_pow3A_2176 = arith.mulf %convert_element_type3A_2175, %convert_element_type3A_2175 : vector<40x128xf32>
    %div3A_2177 = vector.broadcast %get3A_2164 : f32 to vector<40x128xf32>
    %div3A_2178 = arith.divf %integer_pow3A_2176, %div3A_2177 : vector<40x128xf32>
    %add3A_2179 = arith.addf %div3A_2174, %div3A_2178 : vector<40x128xf32>
    %neg3A_2180 = arith.constant 0.000000e+00 : f32
    %neg3A_2181 = vector.broadcast %neg3A_2180 : f32 to vector<40x128xf32>
    %neg3A_2182 = arith.subf %neg3A_2181, %add3A_2179 : vector<40x128xf32>
    %exp3A_2183 = math.exp %neg3A_2182 : vector<40x128xf32>
    %lt3A_2184 = arith.constant 1.1920929E-7 : f32
    %lt3A_2185 = vector.broadcast %lt3A_2184 : f32 to vector<40x128xf32>
    %lt3A_2186 = arith.cmpf olt, %exp3A_2183, %lt3A_2185 : vector<40x128xf32>
    %jit3A_2187 = arith.constant 0.000000e+00 : f32
    %broadcast_in_dim3A_2188 = vector.broadcast %jit3A_2187 : f32 to vector<40x128xf32>
    %select_n3A_2189 = arith.select %lt3A_2186, %broadcast_in_dim3A_2188, %exp3A_2183 : vector<40x128xi1>, vector<40x128xf32>
    %abs3A_2190 = math.absi %sub3A_2170 : vector<40x128xi32>
    %le3A_2191 = vector.broadcast %get3A_2152 : i32 to vector<40x128xi32>
    %le3A_2192 = arith.cmpi sle, %abs3A_2190, %le3A_2191 : vector<40x128xi32>
    %abs3A_2193 = math.absi %sub3A_2168 : vector<40x128xi32>
    %le3A_2194 = vector.broadcast %get3A_2156 : i32 to vector<40x128xi32>
    %le3A_2195 = arith.cmpi sle, %abs3A_2193, %le3A_2194 : vector<40x128xi32>
    %and3A_2196 = arith.andi %le3A_2192, %le3A_2195 : vector<40x128xi1>
    %jit3A_2197 = arith.constant 0.000000e+00 : f32
    %broadcast_in_dim3A_2198 = vector.broadcast %jit3A_2197 : f32 to vector<40x128xf32>
    %select_n3A_2199 = arith.select %and3A_2196, %select_n3A_2189, %broadcast_in_dim3A_2198 : vector<40x128xi1>, vector<40x128xf32>
    %get3A_2200 = arith.index_cast %get3A_2136 : i32 to index
    %get3A_2201 = arith.index_cast %get3A_2140 : i32 to index
    %get3A_2202 = arith.constant 0 : index
    %get3A_2203 = vector.load %arg6[%get3A_2200, %get3A_2201, %get3A_2202] : memref<32x128x128xf32, #tpu.memory_space<vmem>>, vector<1x40x128xf32>
    %get3A_2204 = vector.shape_cast %get3A_2203 : vector<1x40x128xf32> to vector<40x128xf32>
    %max3A_2205 = arith.maximumf %get3A_2204, %select_n3A_2199 : vector<40x128xf32>
    %swap3A_2206 = arith.index_cast %get3A_2136 : i32 to index
    %swap3A_2207 = arith.index_cast %get3A_2140 : i32 to index
    %swap3A_2208 = arith.constant 0 : index
    %swap3A_2209 = vector.load %arg6[%swap3A_2206, %swap3A_2207, %swap3A_2208] : memref<32x128x128xf32, #tpu.memory_space<vmem>>, vector<1x40x128xf32>
    %swap3A_2210 = vector.shape_cast %swap3A_2209 : vector<1x40x128xf32> to vector<40x128xf32>
    %swap3A_2211 = vector.shape_cast %max3A_2205 : vector<40x128xf32> to vector<1x40x128xf32>
    tpu.vector_store %arg6[%swap3A_2206, %swap3A_2207, %swap3A_2208], %swap3A_2211 {strides = array<i32>} : memref<32x128x128xf32, #tpu.memory_space<vmem>>, vector<1x40x128xf32>,
    %get3A_2212 = arith.constant 0 : index
    %get3A_2213 = arith.index_cast %arg0 : i32 to index
    %get3A_2214 = arith.constant 28 : index
    %get3A_2215 = memref.load %arg1[%get3A_2212, %get3A_2213, %get3A_2214] : memref<7x8x32xi32, #tpu.memory_space<smem>>
    %get3A_2216 = arith.constant 1 : index
    %get3A_2217 = arith.index_cast %arg0 : i32 to index
    %get3A_2218 = arith.constant 28 : index
    %get3A_2219 = memref.load %arg1[%get3A_2216, %get3A_2217, %get3A_2218] : memref<7x8x32xi32, #tpu.memory_space<smem>>
    %get3A_2220 = arith.constant 2 : index
    %get3A_2221 = arith.index_cast %arg0 : i32 to index
    %get3A_2222 = arith.constant 28 : index
    %get3A_2223 = memref.load %arg1[%get3A_2220, %get3A_2221, %get3A_2222] : memref<7x8x32xi32, #tpu.memory_space<smem>>
    %get3A_2224 = arith.constant 3 : index
    %get3A_2225 = arith.index_cast %arg0 : i32 to index
    %get3A_2226 = arith.constant 28 : index
    %get3A_2227 = memref.load %arg1[%get3A_2224, %get3A_2225, %get3A_2226] : memref<7x8x32xi32, #tpu.memory_space<smem>>
    %get3A_2228 = arith.constant 4 : index
    %get3A_2229 = arith.index_cast %arg0 : i32 to index
    %get3A_2230 = arith.constant 28 : index
    %get3A_2231 = memref.load %arg1[%get3A_2228, %get3A_2229, %get3A_2230] : memref<7x8x32xi32, #tpu.memory_space<smem>>
    %get3A_2232 = arith.constant 5 : index
    %get3A_2233 = arith.index_cast %arg0 : i32 to index
    %get3A_2234 = arith.constant 28 : index
    %get3A_2235 = memref.load %arg1[%get3A_2232, %get3A_2233, %get3A_2234] : memref<7x8x32xi32, #tpu.memory_space<smem>>
    %get3A_2236 = arith.constant 0 : index
    %get3A_2237 = arith.index_cast %arg0 : i32 to index
    %get3A_2238 = arith.constant 28 : index
    %get3A_2239 = memref.load %arg2[%get3A_2236, %get3A_2237, %get3A_2238] : memref<2x8x32xf32, #tpu.memory_space<smem>>
    %get3A_2240 = arith.constant 1 : index
    %get3A_2241 = arith.index_cast %arg0 : i32 to index
    %get3A_2242 = arith.constant 28 : index
    %get3A_2243 = memref.load %arg2[%get3A_2240, %get3A_2241, %get3A_2242] : memref<2x8x32xf32, #tpu.memory_space<smem>>
    %add3A_2244 = vector.broadcast %get3A_2219 : i32 to vector<40x128xi32>
    %add3A_2245 = arith.addi %add3A_2244, %iota3A : vector<40x128xi32>
    %sub3A_2246 = vector.broadcast %get3A_2227 : i32 to vector<40x128xi32>
    %sub3A_2247 = arith.subi %add3A_2245, %sub3A_2246 : vector<40x128xi32>
    %sub3A_2248 = vector.broadcast %get3A_2223 : i32 to vector<40x128xi32>
    %sub3A_2249 = arith.subi %iota3A_15, %sub3A_2248 : vector<40x128xi32>
    %convert_element_type3A_2250 = arith.sitofp %sub3A_2249 : vector<40x128xi32> to vector<40x128xf32>
    %integer_pow3A_2251 = arith.mulf %convert_element_type3A_2250, %convert_element_type3A_2250 : vector<40x128xf32>
    %div3A_2252 = vector.broadcast %get3A_2239 : f32 to vector<40x128xf32>
    %div3A_2253 = arith.divf %integer_pow3A_2251, %div3A_2252 : vector<40x128xf32>
    %convert_element_type3A_2254 = arith.sitofp %sub3A_2247 : vector<40x128xi32> to vector<40x128xf32>
    %integer_pow3A_2255 = arith.mulf %convert_element_type3A_2254, %convert_element_type3A_2254 : vector<40x128xf32>
    %div3A_2256 = vector.broadcast %get3A_2243 : f32 to vector<40x128xf32>
    %div3A_2257 = arith.divf %integer_pow3A_2255, %div3A_2256 : vector<40x128xf32>
    %add3A_2258 = arith.addf %div3A_2253, %div3A_2257 : vector<40x128xf32>
    %neg3A_2259 = arith.constant 0.000000e+00 : f32
    %neg3A_2260 = vector.broadcast %neg3A_2259 : f32 to vector<40x128xf32>
    %neg3A_2261 = arith.subf %neg3A_2260, %add3A_2258 : vector<40x128xf32>
    %exp3A_2262 = math.exp %neg3A_2261 : vector<40x128xf32>
    %lt3A_2263 = arith.constant 1.1920929E-7 : f32
    %lt3A_2264 = vector.broadcast %lt3A_2263 : f32 to vector<40x128xf32>
    %lt3A_2265 = arith.cmpf olt, %exp3A_2262, %lt3A_2264 : vector<40x128xf32>
    %jit3A_2266 = arith.constant 0.000000e+00 : f32
    %broadcast_in_dim3A_2267 = vector.broadcast %jit3A_2266 : f32 to vector<40x128xf32>
    %select_n3A_2268 = arith.select %lt3A_2265, %broadcast_in_dim3A_2267, %exp3A_2262 : vector<40x128xi1>, vector<40x128xf32>
    %abs3A_2269 = math.absi %sub3A_2249 : vector<40x128xi32>
    %le3A_2270 = vector.broadcast %get3A_2231 : i32 to vector<40x128xi32>
    %le3A_2271 = arith.cmpi sle, %abs3A_2269, %le3A_2270 : vector<40x128xi32>
    %abs3A_2272 = math.absi %sub3A_2247 : vector<40x128xi32>
    %le3A_2273 = vector.broadcast %get3A_2235 : i32 to vector<40x128xi32>
    %le3A_2274 = arith.cmpi sle, %abs3A_2272, %le3A_2273 : vector<40x128xi32>
    %and3A_2275 = arith.andi %le3A_2271, %le3A_2274 : vector<40x128xi1>
    %jit3A_2276 = arith.constant 0.000000e+00 : f32
    %broadcast_in_dim3A_2277 = vector.broadcast %jit3A_2276 : f32 to vector<40x128xf32>
    %select_n3A_2278 = arith.select %and3A_2275, %select_n3A_2268, %broadcast_in_dim3A_2277 : vector<40x128xi1>, vector<40x128xf32>
    %get3A_2279 = arith.index_cast %get3A_2215 : i32 to index
    %get3A_2280 = arith.index_cast %get3A_2219 : i32 to index
    %get3A_2281 = arith.constant 0 : index
    %get3A_2282 = vector.load %arg6[%get3A_2279, %get3A_2280, %get3A_2281] : memref<32x128x128xf32, #tpu.memory_space<vmem>>, vector<1x40x128xf32>
    %get3A_2283 = vector.shape_cast %get3A_2282 : vector<1x40x128xf32> to vector<40x128xf32>
    %max3A_2284 = arith.maximumf %get3A_2283, %select_n3A_2278 : vector<40x128xf32>
    %swap3A_2285 = arith.index_cast %get3A_2215 : i32 to index
    %swap3A_2286 = arith.index_cast %get3A_2219 : i32 to index
    %swap3A_2287 = arith.constant 0 : index
    %swap3A_2288 = vector.load %arg6[%swap3A_2285, %swap3A_2286, %swap3A_2287] : memref<32x128x128xf32, #tpu.memory_space<vmem>>, vector<1x40x128xf32>
    %swap3A_2289 = vector.shape_cast %swap3A_2288 : vector<1x40x128xf32> to vector<40x128xf32>
    %swap3A_2290 = vector.shape_cast %max3A_2284 : vector<40x128xf32> to vector<1x40x128xf32>
    tpu.vector_store %arg6[%swap3A_2285, %swap3A_2286, %swap3A_2287], %swap3A_2290 {strides = array<i32>} : memref<32x128x128xf32, #tpu.memory_space<vmem>>, vector<1x40x128xf32>,
    %get3A_2291 = arith.constant 0 : index
    %get3A_2292 = arith.index_cast %arg0 : i32 to index
    %get3A_2293 = arith.constant 29 : index
    %get3A_2294 = memref.load %arg1[%get3A_2291, %get3A_2292, %get3A_2293] : memref<7x8x32xi32, #tpu.memory_space<smem>>
    %get3A_2295 = arith.constant 1 : index
    %get3A_2296 = arith.index_cast %arg0 : i32 to index
    %get3A_2297 = arith.constant 29 : index
    %get3A_2298 = memref.load %arg1[%get3A_2295, %get3A_2296, %get3A_2297] : memref<7x8x32xi32, #tpu.memory_space<smem>>
    %get3A_2299 = arith.constant 2 : index
    %get3A_2300 = arith.index_cast %arg0 : i32 to index
    %get3A_2301 = arith.constant 29 : index
    %get3A_2302 = memref.load %arg1[%get3A_2299, %get3A_2300, %get3A_2301] : memref<7x8x32xi32, #tpu.memory_space<smem>>
    %get3A_2303 = arith.constant 3 : index
    %get3A_2304 = arith.index_cast %arg0 : i32 to index
    %get3A_2305 = arith.constant 29 : index
    %get3A_2306 = memref.load %arg1[%get3A_2303, %get3A_2304, %get3A_2305] : memref<7x8x32xi32, #tpu.memory_space<smem>>
    %get3A_2307 = arith.constant 4 : index
    %get3A_2308 = arith.index_cast %arg0 : i32 to index
    %get3A_2309 = arith.constant 29 : index
    %get3A_2310 = memref.load %arg1[%get3A_2307, %get3A_2308, %get3A_2309] : memref<7x8x32xi32, #tpu.memory_space<smem>>
    %get3A_2311 = arith.constant 5 : index
    %get3A_2312 = arith.index_cast %arg0 : i32 to index
    %get3A_2313 = arith.constant 29 : index
    %get3A_2314 = memref.load %arg1[%get3A_2311, %get3A_2312, %get3A_2313] : memref<7x8x32xi32, #tpu.memory_space<smem>>
    %get3A_2315 = arith.constant 0 : index
    %get3A_2316 = arith.index_cast %arg0 : i32 to index
    %get3A_2317 = arith.constant 29 : index
    %get3A_2318 = memref.load %arg2[%get3A_2315, %get3A_2316, %get3A_2317] : memref<2x8x32xf32, #tpu.memory_space<smem>>
    %get3A_2319 = arith.constant 1 : index
    %get3A_2320 = arith.index_cast %arg0 : i32 to index
    %get3A_2321 = arith.constant 29 : index
    %get3A_2322 = memref.load %arg2[%get3A_2319, %get3A_2320, %get3A_2321] : memref<2x8x32xf32, #tpu.memory_space<smem>>
    %add3A_2323 = vector.broadcast %get3A_2298 : i32 to vector<40x128xi32>
    %add3A_2324 = arith.addi %add3A_2323, %iota3A : vector<40x128xi32>
    %sub3A_2325 = vector.broadcast %get3A_2306 : i32 to vector<40x128xi32>
    %sub3A_2326 = arith.subi %add3A_2324, %sub3A_2325 : vector<40x128xi32>
    %sub3A_2327 = vector.broadcast %get3A_2302 : i32 to vector<40x128xi32>
    %sub3A_2328 = arith.subi %iota3A_15, %sub3A_2327 : vector<40x128xi32>
    %convert_element_type3A_2329 = arith.sitofp %sub3A_2328 : vector<40x128xi32> to vector<40x128xf32>
    %integer_pow3A_2330 = arith.mulf %convert_element_type3A_2329, %convert_element_type3A_2329 : vector<40x128xf32>
    %div3A_2331 = vector.broadcast %get3A_2318 : f32 to vector<40x128xf32>
    %div3A_2332 = arith.divf %integer_pow3A_2330, %div3A_2331 : vector<40x128xf32>
    %convert_element_type3A_2333 = arith.sitofp %sub3A_2326 : vector<40x128xi32> to vector<40x128xf32>
    %integer_pow3A_2334 = arith.mulf %convert_element_type3A_2333, %convert_element_type3A_2333 : vector<40x128xf32>
    %div3A_2335 = vector.broadcast %get3A_2322 : f32 to vector<40x128xf32>
    %div3A_2336 = arith.divf %integer_pow3A_2334, %div3A_2335 : vector<40x128xf32>
    %add3A_2337 = arith.addf %div3A_2332, %div3A_2336 : vector<40x128xf32>
    %neg3A_2338 = arith.constant 0.000000e+00 : f32
    %neg3A_2339 = vector.broadcast %neg3A_2338 : f32 to vector<40x128xf32>
    %neg3A_2340 = arith.subf %neg3A_2339, %add3A_2337 : vector<40x128xf32>
    %exp3A_2341 = math.exp %neg3A_2340 : vector<40x128xf32>
    %lt3A_2342 = arith.constant 1.1920929E-7 : f32
    %lt3A_2343 = vector.broadcast %lt3A_2342 : f32 to vector<40x128xf32>
    %lt3A_2344 = arith.cmpf olt, %exp3A_2341, %lt3A_2343 : vector<40x128xf32>
    %jit3A_2345 = arith.constant 0.000000e+00 : f32
    %broadcast_in_dim3A_2346 = vector.broadcast %jit3A_2345 : f32 to vector<40x128xf32>
    %select_n3A_2347 = arith.select %lt3A_2344, %broadcast_in_dim3A_2346, %exp3A_2341 : vector<40x128xi1>, vector<40x128xf32>
    %abs3A_2348 = math.absi %sub3A_2328 : vector<40x128xi32>
    %le3A_2349 = vector.broadcast %get3A_2310 : i32 to vector<40x128xi32>
    %le3A_2350 = arith.cmpi sle, %abs3A_2348, %le3A_2349 : vector<40x128xi32>
    %abs3A_2351 = math.absi %sub3A_2326 : vector<40x128xi32>
    %le3A_2352 = vector.broadcast %get3A_2314 : i32 to vector<40x128xi32>
    %le3A_2353 = arith.cmpi sle, %abs3A_2351, %le3A_2352 : vector<40x128xi32>
    %and3A_2354 = arith.andi %le3A_2350, %le3A_2353 : vector<40x128xi1>
    %jit3A_2355 = arith.constant 0.000000e+00 : f32
    %broadcast_in_dim3A_2356 = vector.broadcast %jit3A_2355 : f32 to vector<40x128xf32>
    %select_n3A_2357 = arith.select %and3A_2354, %select_n3A_2347, %broadcast_in_dim3A_2356 : vector<40x128xi1>, vector<40x128xf32>
    %get3A_2358 = arith.index_cast %get3A_2294 : i32 to index
    %get3A_2359 = arith.index_cast %get3A_2298 : i32 to index
    %get3A_2360 = arith.constant 0 : index
    %get3A_2361 = vector.load %arg6[%get3A_2358, %get3A_2359, %get3A_2360] : memref<32x128x128xf32, #tpu.memory_space<vmem>>, vector<1x40x128xf32>
    %get3A_2362 = vector.shape_cast %get3A_2361 : vector<1x40x128xf32> to vector<40x128xf32>
    %max3A_2363 = arith.maximumf %get3A_2362, %select_n3A_2357 : vector<40x128xf32>
    %swap3A_2364 = arith.index_cast %get3A_2294 : i32 to index
    %swap3A_2365 = arith.index_cast %get3A_2298 : i32 to index
    %swap3A_2366 = arith.constant 0 : index
    %swap3A_2367 = vector.load %arg6[%swap3A_2364, %swap3A_2365, %swap3A_2366] : memref<32x128x128xf32, #tpu.memory_space<vmem>>, vector<1x40x128xf32>
    %swap3A_2368 = vector.shape_cast %swap3A_2367 : vector<1x40x128xf32> to vector<40x128xf32>
    %swap3A_2369 = vector.shape_cast %max3A_2363 : vector<40x128xf32> to vector<1x40x128xf32>
    tpu.vector_store %arg6[%swap3A_2364, %swap3A_2365, %swap3A_2366], %swap3A_2369 {strides = array<i32>} : memref<32x128x128xf32, #tpu.memory_space<vmem>>, vector<1x40x128xf32>,
    %get3A_2370 = arith.constant 0 : index
    %get3A_2371 = arith.index_cast %arg0 : i32 to index
    %get3A_2372 = arith.constant 30 : index
    %get3A_2373 = memref.load %arg1[%get3A_2370, %get3A_2371, %get3A_2372] : memref<7x8x32xi32, #tpu.memory_space<smem>>
    %get3A_2374 = arith.constant 1 : index
    %get3A_2375 = arith.index_cast %arg0 : i32 to index
    %get3A_2376 = arith.constant 30 : index
    %get3A_2377 = memref.load %arg1[%get3A_2374, %get3A_2375, %get3A_2376] : memref<7x8x32xi32, #tpu.memory_space<smem>>
    %get3A_2378 = arith.constant 2 : index
    %get3A_2379 = arith.index_cast %arg0 : i32 to index
    %get3A_2380 = arith.constant 30 : index
    %get3A_2381 = memref.load %arg1[%get3A_2378, %get3A_2379, %get3A_2380] : memref<7x8x32xi32, #tpu.memory_space<smem>>
    %get3A_2382 = arith.constant 3 : index
    %get3A_2383 = arith.index_cast %arg0 : i32 to index
    %get3A_2384 = arith.constant 30 : index
    %get3A_2385 = memref.load %arg1[%get3A_2382, %get3A_2383, %get3A_2384] : memref<7x8x32xi32, #tpu.memory_space<smem>>
    %get3A_2386 = arith.constant 4 : index
    %get3A_2387 = arith.index_cast %arg0 : i32 to index
    %get3A_2388 = arith.constant 30 : index
    %get3A_2389 = memref.load %arg1[%get3A_2386, %get3A_2387, %get3A_2388] : memref<7x8x32xi32, #tpu.memory_space<smem>>
    %get3A_2390 = arith.constant 5 : index
    %get3A_2391 = arith.index_cast %arg0 : i32 to index
    %get3A_2392 = arith.constant 30 : index
    %get3A_2393 = memref.load %arg1[%get3A_2390, %get3A_2391, %get3A_2392] : memref<7x8x32xi32, #tpu.memory_space<smem>>
    %get3A_2394 = arith.constant 0 : index
    %get3A_2395 = arith.index_cast %arg0 : i32 to index
    %get3A_2396 = arith.constant 30 : index
    %get3A_2397 = memref.load %arg2[%get3A_2394, %get3A_2395, %get3A_2396] : memref<2x8x32xf32, #tpu.memory_space<smem>>
    %get3A_2398 = arith.constant 1 : index
    %get3A_2399 = arith.index_cast %arg0 : i32 to index
    %get3A_2400 = arith.constant 30 : index
    %get3A_2401 = memref.load %arg2[%get3A_2398, %get3A_2399, %get3A_2400] : memref<2x8x32xf32, #tpu.memory_space<smem>>
    %add3A_2402 = vector.broadcast %get3A_2377 : i32 to vector<40x128xi32>
    %add3A_2403 = arith.addi %add3A_2402, %iota3A : vector<40x128xi32>
    %sub3A_2404 = vector.broadcast %get3A_2385 : i32 to vector<40x128xi32>
    %sub3A_2405 = arith.subi %add3A_2403, %sub3A_2404 : vector<40x128xi32>
    %sub3A_2406 = vector.broadcast %get3A_2381 : i32 to vector<40x128xi32>
    %sub3A_2407 = arith.subi %iota3A_15, %sub3A_2406 : vector<40x128xi32>
    %convert_element_type3A_2408 = arith.sitofp %sub3A_2407 : vector<40x128xi32> to vector<40x128xf32>
    %integer_pow3A_2409 = arith.mulf %convert_element_type3A_2408, %convert_element_type3A_2408 : vector<40x128xf32>
    %div3A_2410 = vector.broadcast %get3A_2397 : f32 to vector<40x128xf32>
    %div3A_2411 = arith.divf %integer_pow3A_2409, %div3A_2410 : vector<40x128xf32>
    %convert_element_type3A_2412 = arith.sitofp %sub3A_2405 : vector<40x128xi32> to vector<40x128xf32>
    %integer_pow3A_2413 = arith.mulf %convert_element_type3A_2412, %convert_element_type3A_2412 : vector<40x128xf32>
    %div3A_2414 = vector.broadcast %get3A_2401 : f32 to vector<40x128xf32>
    %div3A_2415 = arith.divf %integer_pow3A_2413, %div3A_2414 : vector<40x128xf32>
    %add3A_2416 = arith.addf %div3A_2411, %div3A_2415 : vector<40x128xf32>
    %neg3A_2417 = arith.constant 0.000000e+00 : f32
    %neg3A_2418 = vector.broadcast %neg3A_2417 : f32 to vector<40x128xf32>
    %neg3A_2419 = arith.subf %neg3A_2418, %add3A_2416 : vector<40x128xf32>
    %exp3A_2420 = math.exp %neg3A_2419 : vector<40x128xf32>
    %lt3A_2421 = arith.constant 1.1920929E-7 : f32
    %lt3A_2422 = vector.broadcast %lt3A_2421 : f32 to vector<40x128xf32>
    %lt3A_2423 = arith.cmpf olt, %exp3A_2420, %lt3A_2422 : vector<40x128xf32>
    %jit3A_2424 = arith.constant 0.000000e+00 : f32
    %broadcast_in_dim3A_2425 = vector.broadcast %jit3A_2424 : f32 to vector<40x128xf32>
    %select_n3A_2426 = arith.select %lt3A_2423, %broadcast_in_dim3A_2425, %exp3A_2420 : vector<40x128xi1>, vector<40x128xf32>
    %abs3A_2427 = math.absi %sub3A_2407 : vector<40x128xi32>
    %le3A_2428 = vector.broadcast %get3A_2389 : i32 to vector<40x128xi32>
    %le3A_2429 = arith.cmpi sle, %abs3A_2427, %le3A_2428 : vector<40x128xi32>
    %abs3A_2430 = math.absi %sub3A_2405 : vector<40x128xi32>
    %le3A_2431 = vector.broadcast %get3A_2393 : i32 to vector<40x128xi32>
    %le3A_2432 = arith.cmpi sle, %abs3A_2430, %le3A_2431 : vector<40x128xi32>
    %and3A_2433 = arith.andi %le3A_2429, %le3A_2432 : vector<40x128xi1>
    %jit3A_2434 = arith.constant 0.000000e+00 : f32
    %broadcast_in_dim3A_2435 = vector.broadcast %jit3A_2434 : f32 to vector<40x128xf32>
    %select_n3A_2436 = arith.select %and3A_2433, %select_n3A_2426, %broadcast_in_dim3A_2435 : vector<40x128xi1>, vector<40x128xf32>
    %get3A_2437 = arith.index_cast %get3A_2373 : i32 to index
    %get3A_2438 = arith.index_cast %get3A_2377 : i32 to index
    %get3A_2439 = arith.constant 0 : index
    %get3A_2440 = vector.load %arg6[%get3A_2437, %get3A_2438, %get3A_2439] : memref<32x128x128xf32, #tpu.memory_space<vmem>>, vector<1x40x128xf32>
    %get3A_2441 = vector.shape_cast %get3A_2440 : vector<1x40x128xf32> to vector<40x128xf32>
    %max3A_2442 = arith.maximumf %get3A_2441, %select_n3A_2436 : vector<40x128xf32>
    %swap3A_2443 = arith.index_cast %get3A_2373 : i32 to index
    %swap3A_2444 = arith.index_cast %get3A_2377 : i32 to index
    %swap3A_2445 = arith.constant 0 : index
    %swap3A_2446 = vector.load %arg6[%swap3A_2443, %swap3A_2444, %swap3A_2445] : memref<32x128x128xf32, #tpu.memory_space<vmem>>, vector<1x40x128xf32>
    %swap3A_2447 = vector.shape_cast %swap3A_2446 : vector<1x40x128xf32> to vector<40x128xf32>
    %swap3A_2448 = vector.shape_cast %max3A_2442 : vector<40x128xf32> to vector<1x40x128xf32>
    tpu.vector_store %arg6[%swap3A_2443, %swap3A_2444, %swap3A_2445], %swap3A_2448 {strides = array<i32>} : memref<32x128x128xf32, #tpu.memory_space<vmem>>, vector<1x40x128xf32>,
    %get3A_2449 = arith.constant 0 : index
    %get3A_2450 = arith.index_cast %arg0 : i32 to index
    %get3A_2451 = arith.constant 31 : index
    %get3A_2452 = memref.load %arg1[%get3A_2449, %get3A_2450, %get3A_2451] : memref<7x8x32xi32, #tpu.memory_space<smem>>
    %get3A_2453 = arith.constant 1 : index
    %get3A_2454 = arith.index_cast %arg0 : i32 to index
    %get3A_2455 = arith.constant 31 : index
    %get3A_2456 = memref.load %arg1[%get3A_2453, %get3A_2454, %get3A_2455] : memref<7x8x32xi32, #tpu.memory_space<smem>>
    %get3A_2457 = arith.constant 2 : index
    %get3A_2458 = arith.index_cast %arg0 : i32 to index
    %get3A_2459 = arith.constant 31 : index
    %get3A_2460 = memref.load %arg1[%get3A_2457, %get3A_2458, %get3A_2459] : memref<7x8x32xi32, #tpu.memory_space<smem>>
    %get3A_2461 = arith.constant 3 : index
    %get3A_2462 = arith.index_cast %arg0 : i32 to index
    %get3A_2463 = arith.constant 31 : index
    %get3A_2464 = memref.load %arg1[%get3A_2461, %get3A_2462, %get3A_2463] : memref<7x8x32xi32, #tpu.memory_space<smem>>
    %get3A_2465 = arith.constant 4 : index
    %get3A_2466 = arith.index_cast %arg0 : i32 to index
    %get3A_2467 = arith.constant 31 : index
    %get3A_2468 = memref.load %arg1[%get3A_2465, %get3A_2466, %get3A_2467] : memref<7x8x32xi32, #tpu.memory_space<smem>>
    %get3A_2469 = arith.constant 5 : index
    %get3A_2470 = arith.index_cast %arg0 : i32 to index
    %get3A_2471 = arith.constant 31 : index
    %get3A_2472 = memref.load %arg1[%get3A_2469, %get3A_2470, %get3A_2471] : memref<7x8x32xi32, #tpu.memory_space<smem>>
    %get3A_2473 = arith.constant 0 : index
    %get3A_2474 = arith.index_cast %arg0 : i32 to index
    %get3A_2475 = arith.constant 31 : index
    %get3A_2476 = memref.load %arg2[%get3A_2473, %get3A_2474, %get3A_2475] : memref<2x8x32xf32, #tpu.memory_space<smem>>
    %get3A_2477 = arith.constant 1 : index
    %get3A_2478 = arith.index_cast %arg0 : i32 to index
    %get3A_2479 = arith.constant 31 : index
    %get3A_2480 = memref.load %arg2[%get3A_2477, %get3A_2478, %get3A_2479] : memref<2x8x32xf32, #tpu.memory_space<smem>>
    %add3A_2481 = vector.broadcast %get3A_2456 : i32 to vector<40x128xi32>
    %add3A_2482 = arith.addi %add3A_2481, %iota3A : vector<40x128xi32>
    %sub3A_2483 = vector.broadcast %get3A_2464 : i32 to vector<40x128xi32>
    %sub3A_2484 = arith.subi %add3A_2482, %sub3A_2483 : vector<40x128xi32>
    %sub3A_2485 = vector.broadcast %get3A_2460 : i32 to vector<40x128xi32>
    %sub3A_2486 = arith.subi %iota3A_15, %sub3A_2485 : vector<40x128xi32>
    %convert_element_type3A_2487 = arith.sitofp %sub3A_2486 : vector<40x128xi32> to vector<40x128xf32>
    %integer_pow3A_2488 = arith.mulf %convert_element_type3A_2487, %convert_element_type3A_2487 : vector<40x128xf32>
    %div3A_2489 = vector.broadcast %get3A_2476 : f32 to vector<40x128xf32>
    %div3A_2490 = arith.divf %integer_pow3A_2488, %div3A_2489 : vector<40x128xf32>
    %convert_element_type3A_2491 = arith.sitofp %sub3A_2484 : vector<40x128xi32> to vector<40x128xf32>
    %integer_pow3A_2492 = arith.mulf %convert_element_type3A_2491, %convert_element_type3A_2491 : vector<40x128xf32>
    %div3A_2493 = vector.broadcast %get3A_2480 : f32 to vector<40x128xf32>
    %div3A_2494 = arith.divf %integer_pow3A_2492, %div3A_2493 : vector<40x128xf32>
    %add3A_2495 = arith.addf %div3A_2490, %div3A_2494 : vector<40x128xf32>
    %neg3A_2496 = arith.constant 0.000000e+00 : f32
    %neg3A_2497 = vector.broadcast %neg3A_2496 : f32 to vector<40x128xf32>
    %neg3A_2498 = arith.subf %neg3A_2497, %add3A_2495 : vector<40x128xf32>
    %exp3A_2499 = math.exp %neg3A_2498 : vector<40x128xf32>
    %lt3A_2500 = arith.constant 1.1920929E-7 : f32
    %lt3A_2501 = vector.broadcast %lt3A_2500 : f32 to vector<40x128xf32>
    %lt3A_2502 = arith.cmpf olt, %exp3A_2499, %lt3A_2501 : vector<40x128xf32>
    %jit3A_2503 = arith.constant 0.000000e+00 : f32
    %broadcast_in_dim3A_2504 = vector.broadcast %jit3A_2503 : f32 to vector<40x128xf32>
    %select_n3A_2505 = arith.select %lt3A_2502, %broadcast_in_dim3A_2504, %exp3A_2499 : vector<40x128xi1>, vector<40x128xf32>
    %abs3A_2506 = math.absi %sub3A_2486 : vector<40x128xi32>
    %le3A_2507 = vector.broadcast %get3A_2468 : i32 to vector<40x128xi32>
    %le3A_2508 = arith.cmpi sle, %abs3A_2506, %le3A_2507 : vector<40x128xi32>
    %abs3A_2509 = math.absi %sub3A_2484 : vector<40x128xi32>
    %le3A_2510 = vector.broadcast %get3A_2472 : i32 to vector<40x128xi32>
    %le3A_2511 = arith.cmpi sle, %abs3A_2509, %le3A_2510 : vector<40x128xi32>
    %and3A_2512 = arith.andi %le3A_2508, %le3A_2511 : vector<40x128xi1>
    %jit3A_2513 = arith.constant 0.000000e+00 : f32
    %broadcast_in_dim3A_2514 = vector.broadcast %jit3A_2513 : f32 to vector<40x128xf32>
    %select_n3A_2515 = arith.select %and3A_2512, %select_n3A_2505, %broadcast_in_dim3A_2514 : vector<40x128xi1>, vector<40x128xf32>
    %get3A_2516 = arith.index_cast %get3A_2452 : i32 to index
    %get3A_2517 = arith.index_cast %get3A_2456 : i32 to index
    %get3A_2518 = arith.constant 0 : index
    %get3A_2519 = vector.load %arg6[%get3A_2516, %get3A_2517, %get3A_2518] : memref<32x128x128xf32, #tpu.memory_space<vmem>>, vector<1x40x128xf32>
    %get3A_2520 = vector.shape_cast %get3A_2519 : vector<1x40x128xf32> to vector<40x128xf32>
    %max3A_2521 = arith.maximumf %get3A_2520, %select_n3A_2515 : vector<40x128xf32>
    %swap3A_2522 = arith.index_cast %get3A_2452 : i32 to index
    %swap3A_2523 = arith.index_cast %get3A_2456 : i32 to index
    %swap3A_2524 = arith.constant 0 : index
    %swap3A_2525 = vector.load %arg6[%swap3A_2522, %swap3A_2523, %swap3A_2524] : memref<32x128x128xf32, #tpu.memory_space<vmem>>, vector<1x40x128xf32>
    %swap3A_2526 = vector.shape_cast %swap3A_2525 : vector<1x40x128xf32> to vector<40x128xf32>
    %swap3A_2527 = vector.shape_cast %max3A_2521 : vector<40x128xf32> to vector<1x40x128xf32>
    tpu.vector_store %arg6[%swap3A_2522, %swap3A_2523, %swap3A_2524], %swap3A_2527 {strides = array<i32>} : memref<32x128x128xf32, #tpu.memory_space<vmem>>, vector<1x40x128xf32>,
    %broadcast_in_dim3A_2528 = arith.constant 0.000000e+00 : f32
    %broadcast_in_dim3A_2529 = vector.broadcast %broadcast_in_dim3A_2528 : f32 to vector<128x128xf32>
    %scan3A_2530 = arith.constant 0 : i32
    %scan3A_2531 = arith.constant 32 : i32
    %scan3A_2532 = arith.addi %scan3A_2530, %scan3A_2531 : i32
    %scan3A_2533 = arith.constant 1 : i32
    %scan3A_2534 = scf.for %scan3A_2562 = %scan3A_2530 to %scan3A_2532 step %scan3A_2533 iter_args(%scan3A_2563 = %broadcast_in_dim3A_2529) -> (vector<128x128xf32>)  : i32 {
      %get3A_2564 = arith.constant 6 : index
      %get3A_2565 = arith.index_cast %arg0 : i32 to index
      %get3A_2566 = arith.index_cast %scan3A_2562 : i32 to index
      %get3A_2567 = memref.load %arg1[%get3A_2564, %get3A_2565, %get3A_2566] : memref<7x8x32xi32, #tpu.memory_space<smem>>
      %get3A_2568 = arith.index_cast %scan3A_2562 : i32 to index
      %get3A_2569 = arith.constant 0 : index
      %get3A_2570 = arith.constant 0 : index
      %get3A_2571 = vector.load %arg6[%get3A_2568, %get3A_2569, %get3A_2570] : memref<32x128x128xf32, #tpu.memory_space<vmem>>, vector<1x128x128xf32>
      %get3A_2572 = vector.shape_cast %get3A_2571 : vector<1x128x128xf32> to vector<128x128xf32>
      %get3A_2573 = arith.constant 0 : index
      %get3A_2574 = arith.index_cast %get3A_2567 : i32 to index
      %get3A_2575 = arith.constant 0 : index
      %get3A_2576 = arith.constant 0 : index
      %get3A_2577 = vector.load %arg3[%get3A_2573, %get3A_2574, %get3A_2575, %get3A_2576] : memref<1x80x128x128xf32, #tpu.memory_space<vmem>>, vector<1x1x128x128xf32>
      %get3A_2578 = vector.shape_cast %get3A_2577 : vector<1x1x128x128xf32> to vector<128x128xf32>
      %mul3A = arith.constant 2.000000e+00 : f32
      %mul3A_2579 = vector.broadcast %mul3A : f32 to vector<128x128xf32>
      %mul3A_2580 = arith.mulf %mul3A_2579, %get3A_2578 : vector<128x128xf32>
      %sub3A_2581 = arith.subf %get3A_2572, %mul3A_2580 : vector<128x128xf32>
      %mul3A_2582 = arith.mulf %get3A_2572, %sub3A_2581 : vector<128x128xf32>
      %add3A_2583 = arith.addf %scan3A_2563, %mul3A_2582 : vector<128x128xf32>
      scf.yield %add3A_2583 : vector<128x128xf32>
    }
    %scan3A_2535 = arith.constant 32 : i32
    %reduce_sum3A_2536 = vector.shape_cast %scan3A_2534 : vector<128x128xf32> to vector<1x128x128xf32>
    %reduce_sum3A_2537 = arith.constant dense<0.000000e+00> : vector<1xf32>
    %reduce_sum3A_2538 = vector.multi_reduction <add>, %reduce_sum3A_2536, %reduce_sum3A_2537 [1, 2] : vector<1x128x128xf32> to vector<1xf32>
    %reduce_sum3A_2539 = vector.shape_cast %reduce_sum3A_2538 : vector<1xf32> to vector<1x1x1xf32>
    %reduce_sum3A_2540 = vector.extract %reduce_sum3A_2539[0, 0, 0] : f32 from vector<1x1x1xf32>
    %iota3A_2541 = tpu.iota {dimensions = array<i32: 1>} : vector<1x2xi32>
    %eq3A = arith.constant 0 : i32
    %eq3A_2542 = vector.broadcast %eq3A : i32 to vector<1x2xi32>
    %eq3A_2543 = arith.cmpi eq, %iota3A_2541, %eq3A_2542 : vector<1x2xi32>
    %add3A_2544 = arith.addf %reduce_sum3A_9, %reduce_sum3A_2540 : f32
    %jit3A_2545 = arith.constant 0.000000e+00 : f32
    %broadcast_in_dim3A_2546 = vector.broadcast %add3A_2544 : f32 to vector<1x2xf32>
    %broadcast_in_dim3A_2547 = vector.broadcast %jit3A_2545 : f32 to vector<1x2xf32>
    %select_n3A_2548 = arith.select %eq3A_2543, %broadcast_in_dim3A_2546, %broadcast_in_dim3A_2547 : vector<1x2xi1>, vector<1x2xf32>
    %eq3A_2549 = arith.constant 0 : i32
    %eq3A_2550 = arith.cmpi eq, %arg0, %eq3A_2549 : i32
    %convert_element_type3A_2551 = arith.extui %eq3A_2550 : i1 to i32
    %cond3A = arith.constant 0 : i32
    %cond3A_2552 = arith.cmpi ne, %convert_element_type3A_2551, %cond3A : i32
    scf.if %cond3A_2552 {
      %swap3A_2562 = arith.constant 0 : index
      %swap3A_2563 = arith.constant 0 : index
      %swap3A_2564 = vector.load %arg5[%swap3A_2562, %swap3A_2563] : memref<1x2xf32, #tpu.memory_space<vmem>>, vector<1x2xf32>
      tpu.vector_store %arg5[%swap3A_2562, %swap3A_2563], %select_n3A_2548 {strides = array<i32>} : memref<1x2xf32, #tpu.memory_space<vmem>>, vector<1x2xf32>,
    } else {
    }
    %gt3A = arith.constant 0 : i32
    %gt3A_2553 = arith.cmpi sgt, %arg0, %gt3A : i32
    %convert_element_type3A_2554 = arith.extui %gt3A_2553 : i1 to i32
    %cond3A_2555 = arith.constant 0 : i32
    %cond3A_2556 = arith.cmpi ne, %convert_element_type3A_2554, %cond3A_2555 : i32
    scf.if %cond3A_2556 {
      %get3A_2562 = arith.constant 0 : index
      %get3A_2563 = arith.constant 0 : index
      %get3A_2564 = vector.load %arg5[%get3A_2562, %get3A_2563] : memref<1x2xf32, #tpu.memory_space<vmem>>, vector<1x2xf32>
      %add3A_2565 = arith.addf %get3A_2564, %select_n3A_2548 : vector<1x2xf32>
      %swap3A_2566 = arith.constant 0 : index
      %swap3A_2567 = arith.constant 0 : index
      %swap3A_2568 = vector.load %arg5[%swap3A_2566, %swap3A_2567] : memref<1x2xf32, #tpu.memory_space<vmem>>, vector<1x2xf32>
      tpu.vector_store %arg5[%swap3A_2566, %swap3A_2567], %add3A_2565 {strides = array<i32>} : memref<1x2xf32, #tpu.memory_space<vmem>>, vector<1x2xf32>,
    } else {
    }
    %eq3A_2557 = arith.constant 7 : i32
    %eq3A_2558 = arith.cmpi eq, %arg0, %eq3A_2557 : i32
    %convert_element_type3A_2559 = arith.extui %eq3A_2558 : i1 to i32
    %cond3A_2560 = arith.constant 0 : i32
    %cond3A_2561 = arith.cmpi ne, %convert_element_type3A_2559, %cond3A_2560 : i32
    scf.if %cond3A_2561 {
      %get3A_2562 = arith.constant 0 : index
      %get3A_2563 = arith.constant 0 : index
      %get3A_2564 = vector.load %arg5[%get3A_2562, %get3A_2563] : memref<1x2xf32, #tpu.memory_space<vmem>>, vector<1x2xf32>
      %eq3A_2565 = arith.constant 0 : i32
      %eq3A_2566 = vector.broadcast %eq3A_2565 : i32 to vector<1x2xi32>
      %eq3A_2567 = arith.cmpi eq, %iota3A_2541, %eq3A_2566 : vector<1x2xi32>
      %jit3A_2568 = arith.constant 0.000000e+00 : f32
      %broadcast_in_dim3A_2569 = vector.broadcast %jit3A_2568 : f32 to vector<1x2xf32>
      %select_n3A_2570 = arith.select %eq3A_2567, %get3A_2564, %broadcast_in_dim3A_2569 : vector<1x2xi1>, vector<1x2xf32>
      %reduce_sum3A_2571 = vector.shape_cast %select_n3A_2570 : vector<1x2xf32> to vector<1x1x2xf32>
      %reduce_sum3A_2572 = arith.constant dense<0.000000e+00> : vector<1xf32>
      %reduce_sum3A_2573 = vector.multi_reduction <add>, %reduce_sum3A_2571, %reduce_sum3A_2572 [1, 2] : vector<1x1x2xf32> to vector<1xf32>
      %reduce_sum3A_2574 = vector.shape_cast %reduce_sum3A_2573 : vector<1xf32> to vector<1x1x1xf32>
      %reduce_sum3A_2575 = vector.extract %reduce_sum3A_2574[0, 0, 0] : f32 from vector<1x1x1xf32>
      %div3A_2576 = arith.constant 0x4B200000 : f32
      %div3A_2577 = arith.divf %reduce_sum3A_2575, %div3A_2576 : f32
      %get3A_2578 = arith.constant 0 : index
      %get3A_2579 = arith.constant 0 : index
      %get3A_2580 = arith.constant 0 : index
      %get3A_2581 = vector.load %arg4[%get3A_2578, %get3A_2579, %get3A_2580] : memref<32x2x16xf32, #tpu.memory_space<vmem>>, vector<4x1x16xf32>
      %get3A_2582 = vector.shape_cast %get3A_2581 : vector<4x1x16xf32> to vector<4x16xf32>
      %reduce_sum3A_2583 = vector.shape_cast %get3A_2582 : vector<4x16xf32> to vector<1x4x16xf32>
      %reduce_sum3A_2584 = arith.constant dense<0.000000e+00> : vector<1xf32>
      %reduce_sum3A_2585 = vector.multi_reduction <add>, %reduce_sum3A_2583, %reduce_sum3A_2584 [1, 2] : vector<1x4x16xf32> to vector<1xf32>
      %reduce_sum3A_2586 = vector.shape_cast %reduce_sum3A_2585 : vector<1xf32> to vector<1x1x1xf32>
      %reduce_sum3A_2587 = vector.extract %reduce_sum3A_2586[0, 0, 0] : f32 from vector<1x1x1xf32>
      %get3A_2588 = arith.constant 0 : index
      %get3A_2589 = arith.constant 1 : index
      %get3A_2590 = arith.constant 0 : index
      %get3A_2591 = vector.load %arg4[%get3A_2588, %get3A_2589, %get3A_2590] : memref<32x2x16xf32, #tpu.memory_space<vmem>>, vector<4x1x16xf32>
      %get3A_2592 = vector.shape_cast %get3A_2591 : vector<4x1x16xf32> to vector<4x16xf32>
      %reduce_sum3A_2593 = vector.shape_cast %get3A_2592 : vector<4x16xf32> to vector<1x4x16xf32>
      %reduce_sum3A_2594 = arith.constant dense<0.000000e+00> : vector<1xf32>
      %reduce_sum3A_2595 = vector.multi_reduction <add>, %reduce_sum3A_2593, %reduce_sum3A_2594 [1, 2] : vector<1x4x16xf32> to vector<1xf32>
      %reduce_sum3A_2596 = vector.shape_cast %reduce_sum3A_2595 : vector<1xf32> to vector<1x1x1xf32>
      %reduce_sum3A_2597 = vector.extract %reduce_sum3A_2596[0, 0, 0] : f32 from vector<1x1x1xf32>
      %mul3A = arith.constant 4.000000e+00 : f32
      %mul3A_2598 = arith.mulf %reduce_sum3A_2597, %mul3A : f32
      %div3A_2599 = arith.divf %reduce_sum3A_2587, %mul3A_2598 : f32
      %add3A_2600 = arith.constant 0.000000e+00 : f32
      %add3A_2601 = arith.addf %add3A_2600, %div3A_2599 : f32
      %get3A_2602 = arith.constant 4 : index
      %get3A_2603 = arith.constant 0 : index
      %get3A_2604 = arith.constant 0 : index
      %get3A_2605 = vector.load %arg4[%get3A_2602, %get3A_2603, %get3A_2604] : memref<32x2x16xf32, #tpu.memory_space<vmem>>, vector<4x1x16xf32>
      %get3A_2606 = vector.shape_cast %get3A_2605 : vector<4x1x16xf32> to vector<4x16xf32>
      %reduce_sum3A_2607 = vector.shape_cast %get3A_2606 : vector<4x16xf32> to vector<1x4x16xf32>
      %reduce_sum3A_2608 = arith.constant dense<0.000000e+00> : vector<1xf32>
      %reduce_sum3A_2609 = vector.multi_reduction <add>, %reduce_sum3A_2607, %reduce_sum3A_2608 [1, 2] : vector<1x4x16xf32> to vector<1xf32>
      %reduce_sum3A_2610 = vector.shape_cast %reduce_sum3A_2609 : vector<1xf32> to vector<1x1x1xf32>
      %reduce_sum3A_2611 = vector.extract %reduce_sum3A_2610[0, 0, 0] : f32 from vector<1x1x1xf32>
      %get3A_2612 = arith.constant 4 : index
      %get3A_2613 = arith.constant 1 : index
      %get3A_2614 = arith.constant 0 : index
      %get3A_2615 = vector.load %arg4[%get3A_2612, %get3A_2613, %get3A_2614] : memref<32x2x16xf32, #tpu.memory_space<vmem>>, vector<4x1x16xf32>
      %get3A_2616 = vector.shape_cast %get3A_2615 : vector<4x1x16xf32> to vector<4x16xf32>
      %reduce_sum3A_2617 = vector.shape_cast %get3A_2616 : vector<4x16xf32> to vector<1x4x16xf32>
      %reduce_sum3A_2618 = arith.constant dense<0.000000e+00> : vector<1xf32>
      %reduce_sum3A_2619 = vector.multi_reduction <add>, %reduce_sum3A_2617, %reduce_sum3A_2618 [1, 2] : vector<1x4x16xf32> to vector<1xf32>
      %reduce_sum3A_2620 = vector.shape_cast %reduce_sum3A_2619 : vector<1xf32> to vector<1x1x1xf32>
      %reduce_sum3A_2621 = vector.extract %reduce_sum3A_2620[0, 0, 0] : f32 from vector<1x1x1xf32>
      %mul3A_2622 = arith.constant 4.000000e+00 : f32
      %mul3A_2623 = arith.mulf %reduce_sum3A_2621, %mul3A_2622 : f32
      %div3A_2624 = arith.divf %reduce_sum3A_2611, %mul3A_2623 : f32
      %add3A_2625 = arith.addf %add3A_2601, %div3A_2624 : f32
      %get3A_2626 = arith.constant 8 : index
      %get3A_2627 = arith.constant 0 : index
      %get3A_2628 = arith.constant 0 : index
      %get3A_2629 = vector.load %arg4[%get3A_2626, %get3A_2627, %get3A_2628] : memref<32x2x16xf32, #tpu.memory_space<vmem>>, vector<4x1x16xf32>
      %get3A_2630 = vector.shape_cast %get3A_2629 : vector<4x1x16xf32> to vector<4x16xf32>
      %reduce_sum3A_2631 = vector.shape_cast %get3A_2630 : vector<4x16xf32> to vector<1x4x16xf32>
      %reduce_sum3A_2632 = arith.constant dense<0.000000e+00> : vector<1xf32>
      %reduce_sum3A_2633 = vector.multi_reduction <add>, %reduce_sum3A_2631, %reduce_sum3A_2632 [1, 2] : vector<1x4x16xf32> to vector<1xf32>
      %reduce_sum3A_2634 = vector.shape_cast %reduce_sum3A_2633 : vector<1xf32> to vector<1x1x1xf32>
      %reduce_sum3A_2635 = vector.extract %reduce_sum3A_2634[0, 0, 0] : f32 from vector<1x1x1xf32>
      %get3A_2636 = arith.constant 8 : index
      %get3A_2637 = arith.constant 1 : index
      %get3A_2638 = arith.constant 0 : index
      %get3A_2639 = vector.load %arg4[%get3A_2636, %get3A_2637, %get3A_2638] : memref<32x2x16xf32, #tpu.memory_space<vmem>>, vector<4x1x16xf32>
      %get3A_2640 = vector.shape_cast %get3A_2639 : vector<4x1x16xf32> to vector<4x16xf32>
      %reduce_sum3A_2641 = vector.shape_cast %get3A_2640 : vector<4x16xf32> to vector<1x4x16xf32>
      %reduce_sum3A_2642 = arith.constant dense<0.000000e+00> : vector<1xf32>
      %reduce_sum3A_2643 = vector.multi_reduction <add>, %reduce_sum3A_2641, %reduce_sum3A_2642 [1, 2] : vector<1x4x16xf32> to vector<1xf32>
      %reduce_sum3A_2644 = vector.shape_cast %reduce_sum3A_2643 : vector<1xf32> to vector<1x1x1xf32>
      %reduce_sum3A_2645 = vector.extract %reduce_sum3A_2644[0, 0, 0] : f32 from vector<1x1x1xf32>
      %mul3A_2646 = arith.constant 4.000000e+00 : f32
      %mul3A_2647 = arith.mulf %reduce_sum3A_2645, %mul3A_2646 : f32
      %div3A_2648 = arith.divf %reduce_sum3A_2635, %mul3A_2647 : f32
      %add3A_2649 = arith.addf %add3A_2625, %div3A_2648 : f32
      %get3A_2650 = arith.constant 12 : index
      %get3A_2651 = arith.constant 0 : index
      %get3A_2652 = arith.constant 0 : index
      %get3A_2653 = vector.load %arg4[%get3A_2650, %get3A_2651, %get3A_2652] : memref<32x2x16xf32, #tpu.memory_space<vmem>>, vector<4x1x16xf32>
      %get3A_2654 = vector.shape_cast %get3A_2653 : vector<4x1x16xf32> to vector<4x16xf32>
      %reduce_sum3A_2655 = vector.shape_cast %get3A_2654 : vector<4x16xf32> to vector<1x4x16xf32>
      %reduce_sum3A_2656 = arith.constant dense<0.000000e+00> : vector<1xf32>
      %reduce_sum3A_2657 = vector.multi_reduction <add>, %reduce_sum3A_2655, %reduce_sum3A_2656 [1, 2] : vector<1x4x16xf32> to vector<1xf32>
      %reduce_sum3A_2658 = vector.shape_cast %reduce_sum3A_2657 : vector<1xf32> to vector<1x1x1xf32>
      %reduce_sum3A_2659 = vector.extract %reduce_sum3A_2658[0, 0, 0] : f32 from vector<1x1x1xf32>
      %get3A_2660 = arith.constant 12 : index
      %get3A_2661 = arith.constant 1 : index
      %get3A_2662 = arith.constant 0 : index
      %get3A_2663 = vector.load %arg4[%get3A_2660, %get3A_2661, %get3A_2662] : memref<32x2x16xf32, #tpu.memory_space<vmem>>, vector<4x1x16xf32>
      %get3A_2664 = vector.shape_cast %get3A_2663 : vector<4x1x16xf32> to vector<4x16xf32>
      %reduce_sum3A_2665 = vector.shape_cast %get3A_2664 : vector<4x16xf32> to vector<1x4x16xf32>
      %reduce_sum3A_2666 = arith.constant dense<0.000000e+00> : vector<1xf32>
      %reduce_sum3A_2667 = vector.multi_reduction <add>, %reduce_sum3A_2665, %reduce_sum3A_2666 [1, 2] : vector<1x4x16xf32> to vector<1xf32>
      %reduce_sum3A_2668 = vector.shape_cast %reduce_sum3A_2667 : vector<1xf32> to vector<1x1x1xf32>
      %reduce_sum3A_2669 = vector.extract %reduce_sum3A_2668[0, 0, 0] : f32 from vector<1x1x1xf32>
      %mul3A_2670 = arith.constant 4.000000e+00 : f32
      %mul3A_2671 = arith.mulf %reduce_sum3A_2669, %mul3A_2670 : f32
      %div3A_2672 = arith.divf %reduce_sum3A_2659, %mul3A_2671 : f32
      %add3A_2673 = arith.addf %add3A_2649, %div3A_2672 : f32
      %get3A_2674 = arith.constant 16 : index
      %get3A_2675 = arith.constant 0 : index
      %get3A_2676 = arith.constant 0 : index
      %get3A_2677 = vector.load %arg4[%get3A_2674, %get3A_2675, %get3A_2676] : memref<32x2x16xf32, #tpu.memory_space<vmem>>, vector<4x1x16xf32>
      %get3A_2678 = vector.shape_cast %get3A_2677 : vector<4x1x16xf32> to vector<4x16xf32>
      %reduce_sum3A_2679 = vector.shape_cast %get3A_2678 : vector<4x16xf32> to vector<1x4x16xf32>
      %reduce_sum3A_2680 = arith.constant dense<0.000000e+00> : vector<1xf32>
      %reduce_sum3A_2681 = vector.multi_reduction <add>, %reduce_sum3A_2679, %reduce_sum3A_2680 [1, 2] : vector<1x4x16xf32> to vector<1xf32>
      %reduce_sum3A_2682 = vector.shape_cast %reduce_sum3A_2681 : vector<1xf32> to vector<1x1x1xf32>
      %reduce_sum3A_2683 = vector.extract %reduce_sum3A_2682[0, 0, 0] : f32 from vector<1x1x1xf32>
      %get3A_2684 = arith.constant 16 : index
      %get3A_2685 = arith.constant 1 : index
      %get3A_2686 = arith.constant 0 : index
      %get3A_2687 = vector.load %arg4[%get3A_2684, %get3A_2685, %get3A_2686] : memref<32x2x16xf32, #tpu.memory_space<vmem>>, vector<4x1x16xf32>
      %get3A_2688 = vector.shape_cast %get3A_2687 : vector<4x1x16xf32> to vector<4x16xf32>
      %reduce_sum3A_2689 = vector.shape_cast %get3A_2688 : vector<4x16xf32> to vector<1x4x16xf32>
      %reduce_sum3A_2690 = arith.constant dense<0.000000e+00> : vector<1xf32>
      %reduce_sum3A_2691 = vector.multi_reduction <add>, %reduce_sum3A_2689, %reduce_sum3A_2690 [1, 2] : vector<1x4x16xf32> to vector<1xf32>
      %reduce_sum3A_2692 = vector.shape_cast %reduce_sum3A_2691 : vector<1xf32> to vector<1x1x1xf32>
      %reduce_sum3A_2693 = vector.extract %reduce_sum3A_2692[0, 0, 0] : f32 from vector<1x1x1xf32>
      %mul3A_2694 = arith.constant 4.000000e+00 : f32
      %mul3A_2695 = arith.mulf %reduce_sum3A_2693, %mul3A_2694 : f32
      %div3A_2696 = arith.divf %reduce_sum3A_2683, %mul3A_2695 : f32
      %add3A_2697 = arith.addf %add3A_2673, %div3A_2696 : f32
      %get3A_2698 = arith.constant 20 : index
      %get3A_2699 = arith.constant 0 : index
      %get3A_2700 = arith.constant 0 : index
      %get3A_2701 = vector.load %arg4[%get3A_2698, %get3A_2699, %get3A_2700] : memref<32x2x16xf32, #tpu.memory_space<vmem>>, vector<4x1x16xf32>
      %get3A_2702 = vector.shape_cast %get3A_2701 : vector<4x1x16xf32> to vector<4x16xf32>
      %reduce_sum3A_2703 = vector.shape_cast %get3A_2702 : vector<4x16xf32> to vector<1x4x16xf32>
      %reduce_sum3A_2704 = arith.constant dense<0.000000e+00> : vector<1xf32>
      %reduce_sum3A_2705 = vector.multi_reduction <add>, %reduce_sum3A_2703, %reduce_sum3A_2704 [1, 2] : vector<1x4x16xf32> to vector<1xf32>
      %reduce_sum3A_2706 = vector.shape_cast %reduce_sum3A_2705 : vector<1xf32> to vector<1x1x1xf32>
      %reduce_sum3A_2707 = vector.extract %reduce_sum3A_2706[0, 0, 0] : f32 from vector<1x1x1xf32>
      %get3A_2708 = arith.constant 20 : index
      %get3A_2709 = arith.constant 1 : index
      %get3A_2710 = arith.constant 0 : index
      %get3A_2711 = vector.load %arg4[%get3A_2708, %get3A_2709, %get3A_2710] : memref<32x2x16xf32, #tpu.memory_space<vmem>>, vector<4x1x16xf32>
      %get3A_2712 = vector.shape_cast %get3A_2711 : vector<4x1x16xf32> to vector<4x16xf32>
      %reduce_sum3A_2713 = vector.shape_cast %get3A_2712 : vector<4x16xf32> to vector<1x4x16xf32>
      %reduce_sum3A_2714 = arith.constant dense<0.000000e+00> : vector<1xf32>
      %reduce_sum3A_2715 = vector.multi_reduction <add>, %reduce_sum3A_2713, %reduce_sum3A_2714 [1, 2] : vector<1x4x16xf32> to vector<1xf32>
      %reduce_sum3A_2716 = vector.shape_cast %reduce_sum3A_2715 : vector<1xf32> to vector<1x1x1xf32>
      %reduce_sum3A_2717 = vector.extract %reduce_sum3A_2716[0, 0, 0] : f32 from vector<1x1x1xf32>
      %mul3A_2718 = arith.constant 4.000000e+00 : f32
      %mul3A_2719 = arith.mulf %reduce_sum3A_2717, %mul3A_2718 : f32
      %div3A_2720 = arith.divf %reduce_sum3A_2707, %mul3A_2719 : f32
      %add3A_2721 = arith.addf %add3A_2697, %div3A_2720 : f32
      %get3A_2722 = arith.constant 24 : index
      %get3A_2723 = arith.constant 0 : index
      %get3A_2724 = arith.constant 0 : index
      %get3A_2725 = vector.load %arg4[%get3A_2722, %get3A_2723, %get3A_2724] : memref<32x2x16xf32, #tpu.memory_space<vmem>>, vector<4x1x16xf32>
      %get3A_2726 = vector.shape_cast %get3A_2725 : vector<4x1x16xf32> to vector<4x16xf32>
      %reduce_sum3A_2727 = vector.shape_cast %get3A_2726 : vector<4x16xf32> to vector<1x4x16xf32>
      %reduce_sum3A_2728 = arith.constant dense<0.000000e+00> : vector<1xf32>
      %reduce_sum3A_2729 = vector.multi_reduction <add>, %reduce_sum3A_2727, %reduce_sum3A_2728 [1, 2] : vector<1x4x16xf32> to vector<1xf32>
      %reduce_sum3A_2730 = vector.shape_cast %reduce_sum3A_2729 : vector<1xf32> to vector<1x1x1xf32>
      %reduce_sum3A_2731 = vector.extract %reduce_sum3A_2730[0, 0, 0] : f32 from vector<1x1x1xf32>
      %get3A_2732 = arith.constant 24 : index
      %get3A_2733 = arith.constant 1 : index
      %get3A_2734 = arith.constant 0 : index
      %get3A_2735 = vector.load %arg4[%get3A_2732, %get3A_2733, %get3A_2734] : memref<32x2x16xf32, #tpu.memory_space<vmem>>, vector<4x1x16xf32>
      %get3A_2736 = vector.shape_cast %get3A_2735 : vector<4x1x16xf32> to vector<4x16xf32>
      %reduce_sum3A_2737 = vector.shape_cast %get3A_2736 : vector<4x16xf32> to vector<1x4x16xf32>
      %reduce_sum3A_2738 = arith.constant dense<0.000000e+00> : vector<1xf32>
      %reduce_sum3A_2739 = vector.multi_reduction <add>, %reduce_sum3A_2737, %reduce_sum3A_2738 [1, 2] : vector<1x4x16xf32> to vector<1xf32>
      %reduce_sum3A_2740 = vector.shape_cast %reduce_sum3A_2739 : vector<1xf32> to vector<1x1x1xf32>
      %reduce_sum3A_2741 = vector.extract %reduce_sum3A_2740[0, 0, 0] : f32 from vector<1x1x1xf32>
      %mul3A_2742 = arith.constant 4.000000e+00 : f32
      %mul3A_2743 = arith.mulf %reduce_sum3A_2741, %mul3A_2742 : f32
      %div3A_2744 = arith.divf %reduce_sum3A_2731, %mul3A_2743 : f32
      %add3A_2745 = arith.addf %add3A_2721, %div3A_2744 : f32
      %get3A_2746 = arith.constant 28 : index
      %get3A_2747 = arith.constant 0 : index
      %get3A_2748 = arith.constant 0 : index
      %get3A_2749 = vector.load %arg4[%get3A_2746, %get3A_2747, %get3A_2748] : memref<32x2x16xf32, #tpu.memory_space<vmem>>, vector<4x1x16xf32>
      %get3A_2750 = vector.shape_cast %get3A_2749 : vector<4x1x16xf32> to vector<4x16xf32>
      %reduce_sum3A_2751 = vector.shape_cast %get3A_2750 : vector<4x16xf32> to vector<1x4x16xf32>
      %reduce_sum3A_2752 = arith.constant dense<0.000000e+00> : vector<1xf32>
      %reduce_sum3A_2753 = vector.multi_reduction <add>, %reduce_sum3A_2751, %reduce_sum3A_2752 [1, 2] : vector<1x4x16xf32> to vector<1xf32>
      %reduce_sum3A_2754 = vector.shape_cast %reduce_sum3A_2753 : vector<1xf32> to vector<1x1x1xf32>
      %reduce_sum3A_2755 = vector.extract %reduce_sum3A_2754[0, 0, 0] : f32 from vector<1x1x1xf32>
      %get3A_2756 = arith.constant 28 : index
      %get3A_2757 = arith.constant 1 : index
      %get3A_2758 = arith.constant 0 : index
      %get3A_2759 = vector.load %arg4[%get3A_2756, %get3A_2757, %get3A_2758] : memref<32x2x16xf32, #tpu.memory_space<vmem>>, vector<4x1x16xf32>
      %get3A_2760 = vector.shape_cast %get3A_2759 : vector<4x1x16xf32> to vector<4x16xf32>
      %reduce_sum3A_2761 = vector.shape_cast %get3A_2760 : vector<4x16xf32> to vector<1x4x16xf32>
      %reduce_sum3A_2762 = arith.constant dense<0.000000e+00> : vector<1xf32>
      %reduce_sum3A_2763 = vector.multi_reduction <add>, %reduce_sum3A_2761, %reduce_sum3A_2762 [1, 2] : vector<1x4x16xf32> to vector<1xf32>
      %reduce_sum3A_2764 = vector.shape_cast %reduce_sum3A_2763 : vector<1xf32> to vector<1x1x1xf32>
      %reduce_sum3A_2765 = vector.extract %reduce_sum3A_2764[0, 0, 0] : f32 from vector<1x1x1xf32>
      %mul3A_2766 = arith.constant 4.000000e+00 : f32
      %mul3A_2767 = arith.mulf %reduce_sum3A_2765, %mul3A_2766 : f32
      %div3A_2768 = arith.divf %reduce_sum3A_2755, %mul3A_2767 : f32
      %add3A_2769 = arith.addf %add3A_2745, %div3A_2768 : f32
      %div3A_2770 = arith.constant 8.000000e+00 : f32
      %div3A_2771 = arith.divf %add3A_2769, %div3A_2770 : f32
      %eq3A_2772 = arith.constant 0 : i32
      %eq3A_2773 = vector.broadcast %eq3A_2772 : i32 to vector<1x2xi32>
      %eq3A_2774 = arith.cmpi eq, %iota3A_2541, %eq3A_2773 : vector<1x2xi32>
      %broadcast_in_dim3A_2775 = vector.broadcast %div3A_2577 : f32 to vector<1x2xf32>
      %broadcast_in_dim3A_2776 = vector.broadcast %div3A_2771 : f32 to vector<1x2xf32>
      %select_n3A_2777 = arith.select %eq3A_2774, %broadcast_in_dim3A_2775, %broadcast_in_dim3A_2776 : vector<1x2xi1>, vector<1x2xf32>
      %swap3A_2778 = arith.constant 0 : index
      %swap3A_2779 = arith.constant 0 : index
      %swap3A_2780 = vector.load %arg5[%swap3A_2778, %swap3A_2779] : memref<1x2xf32, #tpu.memory_space<vmem>>, vector<1x2xf32>
      tpu.vector_store %arg5[%swap3A_2778, %swap3A_2779], %select_n3A_2777 {strides = array<i32>} : memref<1x2xf32, #tpu.memory_space<vmem>>, vector<1x2xf32>,
    } else {
    }
    return
  }
  func.func @transform_0(%arg0: i32) -> (i32, i32, i32) {
    %c0_i32 = arith.constant 0 : i32
    %c0_i32_0 = arith.constant 0 : i32
    %c0_i32_1 = arith.constant 0 : i32
    %c0_i32_2 = arith.constant 0 : i32
    return %c0_i32, %c0_i32_0, %c0_i32_1 : i32, i32, i32
  }
  func.func @transform_1(%arg0: i32) -> (i32, i32, i32) {
    %c0_i32 = arith.constant 0 : i32
    %c0_i32_0 = arith.constant 0 : i32
    %c0_i32_1 = arith.constant 0 : i32
    %c0_i32_2 = arith.constant 0 : i32
    return %c0_i32, %c0_i32_0, %c0_i32_1 : i32, i32, i32
  }
  func.func @transform_2(%arg0: i32) -> (i32, i32, i32, i32) {
    %c0_i32 = arith.constant 0 : i32
    %c0_i32_0 = arith.constant 0 : i32
    %c0_i32_1 = arith.constant 0 : i32
    %c0_i32_2 = arith.constant 0 : i32
    return %arg0, %c0_i32, %c0_i32_0, %c0_i32_1 : i32, i32, i32, i32
  }
  func.func @transform_3(%arg0: i32) -> (i32, i32, i32) {
    %c0_i32 = arith.constant 0 : i32
    %c0_i32_0 = arith.constant 0 : i32
    %c0_i32_1 = arith.constant 0 : i32
    %c0_i32_2 = arith.constant 0 : i32
    return %c0_i32, %c0_i32_0, %c0_i32_1 : i32, i32, i32
  }
  func.func @transform_4(%arg0: i32) -> (i32, i32) {
    %c0_i32 = arith.constant 0 : i32
    %c0_i32_0 = arith.constant 0 : i32
    %c0_i32_1 = arith.constant 0 : i32
    return %c0_i32, %c0_i32_0 : i32, i32
  }
}

</mosaic_0001>

<sc_bundles>
// kernel: kernel.5.cloned.1.call-start
scs
__scs_entry_jumppad:
0x0: {  	(pc) =	sbr.rel $0x88, $3  }
0x1: {  	(tag) =	ssettag $0x0;
	lr =	simm.s32 $0x1  }
0x2: {  	[smem:$0x3F9D] =	sst lr;
	_ =	strace $0xD0000000  }
0x3: {  	_ = 	snop  }
0x4: {  	_ = 	snop  }
0x5: {  	_ = 	snop  }
0x6: {  	_ = 	snop  }
0x7: {  	_ = 	snop  }
__scs_overlays_trampoline_lowered:
0x8: {  	[smem:$0x3FAC] =	sst s0  }
0x9: {  	[smem:$0x3FAD] =	sst s1  }
0xa: {  	[smem:$0x3FAE] =	sst s2  }
0xb: {  	[smem:$0x3FAF] =	sst s3  }
0xc: {  	[smem:$0x3FB0] =	sst s4  }
0xd: {  	[smem:$0x3FB1] =	sst s5  }
0xe: {  	[smem:$0x3FB2] =	sst s6  }
0xf: {  	[smem:$0x3FB3] =	sst s7  }
0x10: {  	[smem:$0x3FB4] =	sst s8  }
0x11: {  	[smem:$0x3FB5] =	sst s9;
	s0 =	simm.s32 @!p0 $0x0  }
0x12: {  	s1 =	sld [smem:$0x3F9B];
	s0 =	simm.s32 @p0 $0x1  }
0x13: {  	[smem:$0x3FB6] =	sst s0;
	s0 =	simm.s32 @!p1 $0x0  }
0x14: {  	s2 =	sld [smem:$0x3F9A];
	s0 =	simm.s32 @p1 $0x1  }
0x15: {  	[smem:$0x3FB7] =	sst s0;
	s0 =	simm.s32 @!p2 $0x0  }
0x16: {  	s3 =	sld [smem:$0x3FDB];
	s0 =	simm.s32 @p2 $0x1  }
0x17: {  	s4 =	simm.s32 $0x1BF5;
	[smem:$0x3FB9] =	sst s0  }
0x18: {  	s0 =	sld [smem:$0x3F9C];
	_ =	swait.ge [sflag:s4], $0x0  }
0x19: {  	s7 =	sld [smem:$0x3F9D]  }
0x1a: {  	s8 =	sadd.s32 $0xFFFFE003, lr  }
0x1b: {  	s9 =	sadd.s32 $0xFFFFFEF7, lr;
	s5 =	simm.s32 $0xFFFFFFFF;
	p2 =	slt.u32 s8, $0xFFFFF086  }
0x1c: {  	p1 =	slt.u32 s9, $0xF7A;
	s5 =	simm.s32 @!p2 $0x0  }
0x1d: {  	s5 =	simm.s32 @p1 $0x1;
	p0 =	seq.s32 s7, s2  }
0x1e: {  	s7 =	smul.u32 @!p0 $0xF7A, s2;
	p2 =	seq.s32 @!p0 s5, $0x0  }
0x1f: {  	s9 =	smul.u32 $0xF7A, s1;
	s8 =	simm.s32 @!p0 $0x1BF5;
	p2 =	por !p2, p0  }
0x20: {  	[sflag:s8] =	ssyncset.s32 @!p0 $0xFFFFF086;
	s6 =	sadd.s32 @!p0 s3, s7;
	s7 =	simm.s32 @!p0 $0x108  }
0x21: {  	s3 =	sadd.s32 s3, s9;
	s6 =	sadd.s32 @!p0 $0x88, s6;
	s7 =	simm.s32 @p2 $0x1082  }
0x22: {  	[simem:s7], [sflag:s8] =	dma.local @!p0 [hbm:s6], $0xF7A  }
0x23: {  	s9 =	sor.u32 $0xD0000000, s2;
	s6 =	simm.s32 $0x108;
	_ =	swait.ge @!p0 [sflag:s8], $0x0  }
0x24: {  	s3 =	sadd.s32 $0x88, s3;
	s6 =	simm.s32 @!p1 $0x1082;
	[sflag:s4] =	ssyncset.s32 $0xFFFFF086  }
0x25: {  	[simem:s6], [sflag:s4] =	dma.local [hbm:s3], $0xF7A  }
0x26: {  	[smem:$0x3F9D] =	sst s1;
	(tag) =	ssettag s2;
	_ =	strace s9  }
0x27: {  	s1 =	sld [smem:$0x3FAD]  }
0x28: {  	s2 =	sld [smem:$0x3FAE]  }
0x29: {  	s4 =	sld [smem:$0x3FB0]  }
0x2a: {  	p0 =	seq.s32 s5, $0x0;
	s5 =	sld [smem:$0x3FB1]  }
0x2b: {  	s6 =	sld [smem:$0x3FB2]  }
0x2c: {  	s7 =	sld [smem:$0x3FB3]  }
0x2d: {  	s3 =	simm.s32 $0x108;
	s8 =	sld [smem:$0x3FB4]  }
0x2e: {  	s3 =	simm.s32 @!p0 $0x1082;
	s9 =	sld [smem:$0x3FB5]  }
0x2f: {  	lr =	sadd.s32 s0, s3;
	s0 =	sld [smem:$0x3FAC]  }
0x30: {  	s3 =	sld [smem:$0x3FAF]  }
0x31: {  	[smem:$0x3FB8] =	sst s10  }
0x32: {  	s10 =	sld [smem:$0x3FB6];
	_ =	sdelay $0x3  }
0x33: {  	p0 =	seq.s32 s10, $0x1;
	s10 =	sld [smem:$0x3FB8];
	_ =	sdelay $0x3  }
0x34: {  	[smem:$0x3FB8] =	sst s10  }
0x35: {  	s10 =	sld [smem:$0x3FB7];
	_ =	sdelay $0x3  }
0x36: {  	p1 =	seq.s32 s10, $0x1;
	s10 =	sld [smem:$0x3FB8];
	_ =	sdelay $0x3  }
0x37: {  	[smem:$0x3FB8] =	sst s10  }
0x38: {  	s10 =	sld [smem:$0x3FB9]  }
0x39: {  	_ = 	snop;
	(pc) =	sbr.ind lr, $3  }
0x3a: {  	_ = 	snop  }
0x3b: {  	_ = 	snop  }
0x3c: {  	p2 =	seq.s32 s10, $0x1;
	s10 =	sld [smem:$0x3FB8]  }
0x3d: {  	_ =	shalt  }
0x3e: {  	_ =	shalt  }
0x3f: {  	_ =	shalt  }
0x40: {  	_ =	shalt  }
0x41: {  	_ =	shalt  }
0x42: {  	_ =	shalt  }
0x43: {  	_ =	shalt  }
0x44: {  	_ =	shalt  }
0x45: {  	_ =	shalt  }
0x46: {  	_ =	shalt  }
0x47: {  	_ =	shalt  }
0x48: {  	_ =	shalt  }
0x49: {  	_ =	shalt  }
0x4a: {  	_ =	shalt  }
0x4b: {  	_ =	shalt  }
0x4c: {  	_ =	shalt  }
0x4d: {  	_ =	shalt  }
0x4e: {  	_ =	shalt  }
0x4f: {  	_ =	shalt  }
0x50: {  	_ =	shalt  }
0x51: {  	_ =	shalt  }
0x52: {  	_ =	shalt  }
0x53: {  	_ =	shalt  }
0x54: {  	_ =	shalt  }
0x55: {  	_ =	shalt  }
0x56: {  	_ =	shalt  }
0x57: {  	_ =	shalt  }
0x58: {  	_ =	shalt  }
0x59: {  	_ =	shalt  }
0x5a: {  	_ =	shalt  }
0x5b: {  	_ =	shalt  }
0x5c: {  	_ =	shalt  }
0x5d: {  	_ =	shalt  }
0x5e: {  	_ =	shalt  }
0x5f: {  	_ =	shalt  }
0x60: {  	_ =	shalt  }
0x61: {  	_ =	shalt  }
0x62: {  	_ =	shalt  }
0x63: {  	_ =	shalt  }
0x64: {  	_ =	shalt  }
0x65: {  	_ =	shalt  }
0x66: {  	_ =	shalt  }
0x67: {  	_ =	shalt  }
0x68: {  	_ =	shalt  }
0x69: {  	_ =	shalt  }
0x6a: {  	_ =	shalt  }
0x6b: {  	_ =	shalt  }
0x6c: {  	_ =	shalt  }
0x6d: {  	_ =	shalt  }
0x6e: {  	_ =	shalt  }
0x6f: {  	_ =	shalt  }
0x70: {  	_ =	shalt  }
0x71: {  	_ =	shalt  }
0x72: {  	_ =	shalt  }
0x73: {  	_ =	shalt  }
0x74: {  	_ =	shalt  }
0x75: {  	_ =	shalt  }
0x76: {  	_ =	shalt  }
0x77: {  	_ =	shalt  }
0x78: {  	_ =	shalt  }
0x79: {  	_ =	shalt  }
0x7a: {  	_ =	shalt  }
0x7b: {  	_ =	shalt  }
0x7c: {  	_ =	shalt  }
0x7d: {  	_ =	shalt  }
0x7e: {  	_ =	shalt  }
0x7f: {  	_ =	shalt  }
0x80: {  	_ =	shalt  }
0x81: {  	_ =	shalt  }
0x82: {  	_ =	shalt  }
0x83: {  	_ =	shalt  }
0x84: {  	_ =	shalt  }
0x85: {  	_ =	shalt  }
0x86: {  	_ =	shalt  }
0x87: {  	_ =	shalt  }
.Lfunc_end0:
.L_simem_size_0:
called_computation_lowered:
.L_overlay_start_0:
0x88: {  	s2 =	sld [smem:$0x3FD9]  }
0x89: {  	s3 =	sld [smem:$0x3FFE];
	_ =	sdelay $0x1  }
0x8a: {  	s1 =	srdreg.scid  }
0x8b: {  	s0 =	sand.u32 $0x1, s1  }
0x8c: {  	s17 =	sshll.u32 s0, $0xA;
	s2 =	sadd.s32 s3, s2  }
0x8d: {  	s2 =	sadd.s32 s2, s17  }
0x8e: {  	[smem:$0x3FC4] =	sst s2  }
0x8f: {  	_ = 	snop  }
0x90: {  	s2 =	sld [smem:$0x3FC8];
	(tm) =	ssettm $0x1  }
0x91: {  	s18 =	sld [smem:$0x3FFB];
	_ =	sdelay $0x3  }
0x92: {  	_ =	strace s18  }
0x93: {  	s3 =	sld [smem:$0x3FFC];
	_ =	sdelay $0x3  }
0x94: {  	_ =	strace s3  }
0x95: {  	s3 =	sld [smem:$0x3FFD];
	_ =	sdelay $0x3  }
0x96: {  	_ =	strace s3  }
0x97: {  	_ =	strace $0x8FFFFFFF  }
0x98: {  	s19 =	sld [smem:$0x3FDB];
	_ =	sdelay $0x1  }
0x99: {  	s4 =	simm.s32 $_scs_section_size  }
0x9a: {  	s5 =	simm.s32 $_size__tile_overlayer_lowered;
	s6 =	simm.s32 $_tile_overlayer_lowered  }
0x9b: {  	s22 =	simm.s32 $0x1BFF;
	s21 =	sshll.u32 s6, $0x1;
	s3 =	sadd.s32 s4, s19  }
0x9c: {  	s7 =	simm.s32 $0x0;
	s20 =	sshll.u32 s5, $0x1;
	s5 =	sadd.s32 s21, s3  }
0x9d: {  	[timem:s7], [sflag:s22] =	dma.local [hbm:s5], s20  }
0x9e: {  	_ =	swait.ge [sflag:s22], s20  }
0x9f: {  	s4 =	ssub.s32 $0x0, s20;
	[sflag:s22] =	ssyncset.done $0x0  }
0xa0: {  	[sflag:s22] =	ssyncadd.s32 s4;
	_ =	sdelay $0x1  }
0xa1: {  	s23 =	simm.s32 $0x1B8B  }
0xa2: {  	_ =	swait.ge [sflag:s23], $0x1  }
0xa3: {  	[sflag:s23] =	ssyncset.done $0x0  }
0xa4: {  	s25 =	simm.s32 $0x1B8E;
	s24 =	sld [smem:$0x3FFE];
	[sflag:s23] =	ssyncadd.s32 $0xFFFFFFFF  }
0xa5: {  	s26 =	simm.s32 $execute0_lowered;
	[smem:$0x3FD2] =	sst s25  }
0xa6: {  	s5 =	sshll.u32 s26, $0x1;
	_ =	strace $0x80000046;
	[dreg:$0x1] =	wrdreg $0xFFFFFFFF  }
0xa7: {  	s28 =	simm.s32 $_size_execute0_lowered;
	s3 =	sadd.s32 s3, s5;
	[dreg:$0x0] =	wrdreg $0x0  }
0xa8: {  	s5 =	sshll.u32 s28, $0x1;
	[dreg:$0x2] =	wrdreg s3  }
0xa9: {  	[dreg:$0x3] =	wrdreg s5  }
0xaa: {  	[dreg:$0x4] =	wrdreg $0xC0  }
0xab: {  	_ =	task [dreg:s7], $0x5FFFF  }
0xac: {  	[dreg:$0x1] =	wrdreg $0xFFFFFFFF  }
0xad: {  	[dreg:$0x0] =	wrdreg $0x60  }
0xae: {  	[dreg:$0x2] =	wrdreg s2  }
0xaf: {  	[dreg:$0x3] =	wrdreg s24  }
0xb0: {  	[dreg:$0x4] =	wrdreg $0x9  }
0xb1: {  	_ =	task.clear_ibuf [dreg:s7], $0x5FFFF;
	_ =	strace $0x90000046  }
0xb2: {  	s29 =	simm.s32 $0x9;
	_ =	strace $0x80000048  }
0xb3: {  	_ =	swait.ge [sflag:s29], $0x1  }
0xb4: {  	[sflag:s29] =	ssyncadd.s32 $0xFFFFFFFF  }
0xb5: {  	_ =	strace $0x90000048  }
0xb6: {  	_ =	sfence  }
0xb7: {  	s30 =	sld [smem:$0x0];
	_ =	sdelay $0x2  }
0xb8: {  	s31 =	sshll.u32 s1, $0xD;
	s1 =	sshrl.u32 s1, $0x2  }
0xb9: {  	s3 =	sand.u32 $0x4000, s31;
	s1 =	sadd.s32 s1, s30  }
0xba: {  	s0 =	sor.u32 s3, s0;
	s1 =	sshll.u32 s1, $0x11  }
0xbb: {  	s0 =	sor.u32 s1, s0  }
0xbc: {  	s0 =	sadd.s32 $0x8F2B, s0  }
0xbd: {  	[sflag:s0] =	ssyncadd.remote.s32 $0x1  }
0xbe: {  	_ =	sfence.sel $0xFFFF  }
0xbf: {  	[dreg:$0x0] =	wrdreg $0xFFFFFFFF;
	(pc) =	sbr.abs _section_cstart, $3  }
0xc0: {  	[dreg:$0x1] =	wrdreg $0xFFFFFFFF  }
0xc1: {  	_ =	task.clear_ibuf [dreg:s7], $0x2FFFF;
	_ =	strace $0x9FFFFFFF  }
0xc2: {  	(tm) =	ssettm $0x7FFFFFFF  }
0xc3: {  	_ =	shalt  }
tec
execute0_lowered:
.L_overlay_start_1:
0x0: {  	(tag) =	ssettag $0x1  }
0x1: {  	s2 =	rddreg [dreg:$0x0]  }
0x2: {  	s0 =	rddreg [dreg:$0x1];
	s1 =	srdreg.scid  }
0x3: {  	s4 =	stileid.u32;
	s3 =	simm.s32 $0x0;
	s8 =	simm.s32 $0x2  }
0x4: {  	s9 =	simm.s32 $0x80;
	s12 =	simm.s32 $0x100;
	s13 =	simm.s32 $0x300  }
0x5: {  	s14 =	simm.s32 $0x180;
	s15 =	simm.s32 $0x380;
	s16 =	simm.s32 $0x400  }
0x6: {  	s18 =	simm.s32 $0x800;
	s20 =	simm.s32 $0xC00;
	s22 =	simm.s32 $0x1000  }
0x7: {  	s24 =	simm.s32 $0x1400;
	s26 =	simm.s32 $0x1800;
	s28 =	simm.s32 $0x1C00  }
0x8: {  	s29 =	simm.s32 $0x2000;
	s30 =	simm.s32 $0x1;
	s31 =	simm.s32 $0x2400  }
0x9: {  	s1 =	sand.u32 $0x1, s1;
	s4 =	sshll.u32 s4, $0x1;
	[smem:$0x7FF] =	sst s3  }
0xa: {  	s4 =	sor.u32 s1, s4;
	_ =	strace $0x80000047;
	s1 =	ssub.s32 $0x2, s1  }
0xb: {  	s5 =	sshll.u32 s4, $0x6;
	s6 =	sshll.u32 s4, $0xA;
	s4 =	sshll.u32 s4, $0x5  }
0xc: {  	s7 =	sshrl.u32 s1, $0x1;
	s5 =	sadd.s32 s5, s0;
	s6 =	sadd.s32 s6, s0  }
0xd: {  	s0 =	sadd.s32 s4, s0;
	s1 =	ssub.s32 s1, s7;
	s4 =	sadd.s32 $0x8C00, s5  }
0xe: {  	s5 =	sadd.s32 $0xC00, s6;
	s6 =	sadd.s32 $0x9400, s0;
	s7 =	smax.u32 s1, $0x1  }
0xf: {  	s0 =	simm.s32 $0x0;
	s17 =	sadd.s32 $0x80, s5;
	s19 =	sadd.s32 $0x100, s5  }
0x10: {  	s21 =	sadd.s32 $0x180, s5;
	s23 =	sadd.s32 $0x200, s5;
	s25 =	sadd.s32 $0x280, s5  }
.LBB2_1:
0x11: {  	[tilespmem:s3], [sflag:$0x2] =	stream.linear.gather [hbm4b:s4+s3], $0x200, $0x38;
	[tilespmem:$0x2500] =	vst v63  }
0x12: {  	_ =	swait.ge [sflag:s8], $0x200  }
0x13: {  	[sflag:s8] =	ssyncset.done $0x0  }
0x14: {  	s1 =	simm.s32 $0x200;
	[sflag:s8] =	ssyncadd.s32 $0xFFFFFE00  }
0x15: {  	[tilespmem:s1], [sflag:$0x1] =	stream.indirect.gather [hbm4b:s2+s9], $0x1, s3, s9, $0xb8;
	[tilespmem:$0x2500] =	vst v63  }
0x16: {  	s10 =	simm.s32 $0x280  }
0x17: {  	[tilespmem:s10], [sflag:$0x1] =	stream.indirect.gather [hbm4b:s2+s9], $0x1, s9, s9, $0xb8;
	[tilespmem:$0x2500] =	vst v63  }
0x18: {  	_ = 	snop  }
0x19: {  	[tilespmem:s13], [sflag:$0x1] =	stream.indirect.gather [hbm4b:s2+s9], $0x1, s12, s9, $0xb8;
	[tilespmem:$0x2500] =	vst v63  }
0x1a: {  	_ = 	snop  }
0x1b: {  	[tilespmem:s15], [sflag:$0x1] =	stream.indirect.gather [hbm4b:s2+s9], $0x1, s14, s9, $0xb8;
	[tilespmem:$0x2500] =	vst v63  }
0x1c: {  	_ = 	snop  }
0x1d: {  	[tilespmem:s16], [sflag:$0x2] =	stream.linear.gather [hbm4b:s5+s3], $0x280, $0x38;
	[tilespmem:$0x2500] =	vst v63  }
0x1e: {  	_ = 	snop  }
0x1f: {  	[tilespmem:s18], [sflag:$0x2] =	stream.linear.gather [hbm4b:s17+s3], $0x280, $0x38;
	[tilespmem:$0x2500] =	vst v63  }
0x20: {  	_ = 	snop  }
0x21: {  	[tilespmem:s20], [sflag:$0x2] =	stream.linear.gather [hbm4b:s19+s3], $0x280, $0x38;
	[tilespmem:$0x2500] =	vst v63  }
0x22: {  	_ = 	snop  }
0x23: {  	[tilespmem:s22], [sflag:$0x2] =	stream.linear.gather [hbm4b:s21+s3], $0x280, $0x38;
	[tilespmem:$0x2500] =	vst v63  }
0x24: {  	_ = 	snop  }
0x25: {  	[tilespmem:s24], [sflag:$0x2] =	stream.linear.gather [hbm4b:s23+s3], $0x280, $0x38;
	[tilespmem:$0x2500] =	vst v63  }
0x26: {  	_ = 	snop  }
0x27: {  	[tilespmem:s26], [sflag:$0x2] =	stream.linear.gather [hbm4b:s25+s3], $0x280, $0x38;
	[tilespmem:$0x2500] =	vst v63  }
0x28: {  	s11 =	sadd.s32 $0x300, s5  }
0x29: {  	[tilespmem:s28], [sflag:$0x2] =	stream.linear.gather [hbm4b:s11+s3], $0x280, $0x38;
	[tilespmem:$0x2500] =	vst v63  }
0x2a: {  	s10 =	sadd.s32 $0x380, s5  }
0x2b: {  	[tilespmem:s29], [sflag:$0x2] =	stream.linear.gather [hbm4b:s10+s3], $0x280, $0x38;
	[tilespmem:$0x2500] =	vst v63  }
0x2c: {  	_ =	swait.ge [sflag:s8], $0x1400  }
0x2d: {  	[sflag:s8] =	ssyncset.done $0x0  }
0x2e: {  	[sflag:s8] =	ssyncadd.s32 $0xFFFFEC00  }
0x2f: {  	_ =	swait.ge [sflag:s30], $0x80  }
0x30: {  	[sflag:s30] =	ssyncset.done $0x0  }
0x31: {  	[sflag:s30] =	ssyncadd.s32 $0xFFFFFF80  }
0x32: {  	_ =	swait.ge [sflag:s30], $0x80  }
0x33: {  	[sflag:s30] =	ssyncset.done $0x0  }
0x34: {  	[sflag:s30] =	ssyncadd.s32 $0xFFFFFF80  }
0x35: {  	_ =	swait.ge [sflag:s30], $0x80  }
0x36: {  	[sflag:s30] =	ssyncset.done $0x0  }
0x37: {  	[sflag:s30] =	ssyncadd.s32 $0xFFFFFF80  }
0x38: {  	_ =	swait.ge [sflag:s30], $0x80  }
0x39: {  	[sflag:s30] =	ssyncset.done $0x0  }
0x3a: {  	s11 =	simm.s32 $0x500;
	[sflag:s30] =	ssyncadd.s32 $0xFFFFFF80  }
0x3b: {  	v0 =	vld [tilespmem:s11+$0x0]  }
0x3c: {  	s10 =	sand.u32 $0x1C0, s3;
	v1 =	vld [tilespmem:s11+$0xFFFFFF00]  }
0x3d: {  	v2 =	vld [tilespmem:s10+$0x200]  }
0x3e: {  	v3 =	vld [tilespmem:s10+$0x210]  }
0x3f: {  	v4 =	vld [tilespmem:s10+$0x220]  }
0x40: {  	v5 =	vld [tilespmem:s11+$0xFFFFFF80]  }
0x41: {  	v6 =	vld [tilespmem:s10+$0x230]  }
0x42: {  	v7 =	vld [tilespmem:s11+$0x100]  }
0x43: {  	s1 =	simm.s32 $0x900;
	v8 =	vld [tilespmem:s11+$0x80];
	v2 =	vmul.f32 $4.000000000e+00, v2;
	v3 =	vmul.f32 $4.000000000e+00, v3  }
0x44: {  	s11 =	simm.s32 $0x40;
	v9 =	vld [tilespmem:s1+$0x0];
	v4 =	vmul.f32 $4.000000000e+00, v4  }
0x45: {  	v10 =	vld [tilespmem:s1+$0xFFFFFF00];
	s10 =	sand.u32 $0x1C0, s11;
	v1 =	vsub.f32 v1, v2;
	v2 =	vsub.f32 v5, v3  }
0x46: {  	v3 =	vld [tilespmem:s10+$0x200];
	v0 =	vadd.f32 v4, v0  }
0x47: {  	v4 =	vld [tilespmem:s10+$0x210];
	v5 =	vmul.f32 $4.000000000e+00, v6;
	v1 =	vand.u32 $0x7FFFFFFF, v1;
	v2 =	vand.u32 $0x7FFFFFFF, v2  }
0x48: {  	v6 =	vld [tilespmem:s10+$0x220];
	v1 =	vadd.f32 v2, v1  }
0x49: {  	v11 =	vld [tilespmem:s1+$0xFFFFFF80];
	v5 =	vadd.f32 v5, v8;
	v2 =	vand.u32 $0x7FFFFFFF, v0  }
0x4a: {  	v12 =	vld [tilespmem:s10+$0x230];
	v8 =	vadd.f32 v2, v1  }
0x4b: {  	v5 =	vand.u32 $0x7FFFFFFF, v5;
	v2 =	vld [tilespmem:s1+$0x100]  }
0x4c: {  	v13 =	vmul.f32 $4.000000000e+00, v3;
	v14 =	vmul.f32 $4.000000000e+00, v4;
	v3 =	vld [tilespmem:s1+$0x80];
	s1 =	simm.s32 $0xD00;
	v8 =	vadd.f32 v5, v8  }
0x4d: {  	s11 =	simm.s32 $0x80;
	v0 =	vimm.f32 $0.0e+00;
	v15 =	vmul.f32 $4.000000000e+00, v6;
	v5 =	vld [tilespmem:s1+$0x0]  }
0x4e: {  	s11 =	sand.u32 $0x1C0, s11;
	v4 =	vld [tilespmem:s1+$0xFFFFFF00];
	v10 =	vsub.f32 v10, v13;
	v11 =	vsub.f32 v11, v14;
	v6 =	vmul.f32 v8, v7  }
0x4f: {  	s10 =	simm.s32 $0xC0;
	v1 =	vadd.f32 v7, v0;
	v7 =	vld [tilespmem:s11+$0x200];
	v8 =	vadd.f32 v15, v9;
	v9 =	vmul.f32 $4.000000000e+00, v12  }
.LBB2_2:
0x50: {  	p0 =	sne.s32 s10, $0x1C0;
	v12 =	vld [tilespmem:s11+$0x210];
	v10 =	vand.u32 $0x7FFFFFFF, v10;
	v11 =	vand.u32 $0x7FFFFFFF, v11;
	v0 =	vadd.f32 v6, v0;
	v6 =	vmovc v2  }
0x51: {  	v13 =	vld [tilespmem:s11+$0x220];
	v2 =	vadd.f32 v11, v10;
	v1 =	vadd.f32 v6, v1  }
0x52: {  	v8 =	vand.u32 $0x7FFFFFFF, v8;
	v3 =	vadd.f32 v9, v3;
	v11 =	vld [tilespmem:s1+$0xFFFFFF80];
	v9 =	vmov v5  }
0x53: {  	v14 =	vld [tilespmem:s11+$0x230];
	v5 =	vadd.f32 v8, v2  }
.Ltmp0:
0x54: {  	v8 =	vand.u32 $0x7FFFFFFF, v3;
	v2 =	vld [tilespmem:s1+$0x100];
	(pc) =	sbr.rel @p0 .LBB2_2-.Ltmp0, $4  }
0x55: {  	v7 =	vmul.f32 $4.000000000e+00, v7;
	v12 =	vmul.f32 $4.000000000e+00, v12;
	v3 =	vld [tilespmem:s1+$0x80];
	s1 =	sadd.s32 $0x400, s1;
	v8 =	vadd.f32 v8, v5  }
0x56: {  	v5 =	vld [tilespmem:s1+$0x0];
	v13 =	vmul.f32 $4.000000000e+00, v13  }
0x57: {  	s11 =	sand.u32 $0x1C0, s10;
	v10 =	vsub.f32 v4, v7;
	v4 =	vld [tilespmem:s1+$0xFFFFFF00];
	v11 =	vsub.f32 v11, v12;
	v6 =	vmul.f32 v8, v6  }
0x58: {  	s10 =	sadd.s32 $0x40, s10;
	v7 =	vld [tilespmem:s11+$0x200];
	v8 =	vadd.f32 v13, v9;
	v9 =	vmul.f32 $4.000000000e+00, v14  }
0x59: {  	v12 =	vld [tilespmem:s11+$0x210]  }
0x5a: {  	v13 =	vld [tilespmem:s11+$0x220]  }
0x5b: {  	v14 =	vld [tilespmem:s1+$0xFFFFFF80]  }
0x5c: {  	v15 =	vld [tilespmem:s11+$0x230]  }
0x5d: {  	v10 =	vand.u32 $0x7FFFFFFF, v10  }
0x5e: {  	v11 =	vand.u32 $0x7FFFFFFF, v11;
	v7 =	vmul.f32 $4.000000000e+00, v7;
	v12 =	vmul.f32 $4.000000000e+00, v12  }
0x5f: {  	v58 =	vld [tilespmem:s1+$0x80];
	v10 =	vadd.f32 v11, v10  }
0x60: {  	v13 =	vmul.f32 $4.000000000e+00, v13;
	v4 =	vsub.f32 v4, v7;
	v59 =	vsub.f32 v14, v12  }
0x61: {  	v8 =	vand.u32 $0x7FFFFFFF, v8;
	v3 =	vadd.f32 v9, v3;
	v60 =	vmul.f32 $4.000000000e+00, v15  }
0x62: {  	v5 =	vadd.f32 v13, v5;
	v4 =	vand.u32 $0x7FFFFFFF, v4;
	v7 =	vand.u32 $0x7FFFFFFF, v59  }
0x63: {  	v8 =	vadd.f32 v8, v10;
	v4 =	vadd.f32 v7, v4  }
0x64: {  	v61 =	vld [tilespmem:s1+$0x100];
	v3 =	vand.u32 $0x7FFFFFFF, v3;
	v9 =	vadd.f32 v60, v58;
	v5 =	vand.u32 $0x7FFFFFFF, v5  }
0x65: {  	v3 =	vadd.f32 v3, v8;
	v4 =	vadd.f32 v5, v4  }
0x66: {  	v62 =	vand.u32 $0x7FFFFFFF, v9  }
0x67: {  	v0 =	vadd.f32 v6, v0;
	v3 =	vmul.f32 v3, v2;
	v4 =	vadd.f32 v62, v4  }
0x68: {  	v1 =	vadd.f32 v2, v1  }
0x69: {  	v0 =	vadd.f32 v3, v0;
	v63 =	vmul.f32 v4, v61  }
0x6a: {  	v1 =	vadd.f32 v61, v1  }
0x6b: {  	s0 =	sadd.s32 $0x1, s0;
	v0 =	vadd.f32 v63, v0  }
0x6c: {  	p0 =	sne.s32 s0, s7;
	[tilespmem:$0x2480] =	vst v1  }
.Ltmp1:
0x6d: {  	[tilespmem:$0x2400] =	vst v0;
	(pc) =	sbr.rel @p0 .LBB2_1-.Ltmp1, $4  }
0x6e: {  	[hbm4b:s6+s3] =	stream.linear.scatter [tilespmem:s31], [sflag:$0x2], $0x100, $0x38;
	[tilespmem:$0x2500] =	vst v63  }
0x6f: {  	_ =	swait.ge [sflag:s8], $0x100  }
0x70: {  	[sflag:s8] =	ssyncset.done $0x0  }
0x71: {  	[sflag:s8] =	ssyncadd.s32 $0xFFFFFF00  }
0x72: {  	_ =	sfence.sel $0x180000  }
0x73: {  	[bflag:$0x0] =	sbarrier.arrive $0xFFFF  }
0x74: {  	_ =	strace $0x90000047  }
0x75: {  	s0 =	stileid.u32;
	[bflag:$0x2] =	sbarrier.arrive $0xFFFF  }
0x76: {  	p0 =	sne.s32 s0, $0x0;
	s0 =	rddreg [dreg:$0x2]  }
0x77: {  	s0 =	sadd.s32 @!p0 $0x100000, s0  }
0x78: {  	[sflag:s0] =	ssyncadd.tile.s32 @!p0 $0x1;
	_ =	shalt  }
.Lfunc_end2:
_tile_overlayer_lowered:
.L_overlay_start_2:
0x79: {  	(tag) =	ssettag $0x2  }
0x7a: {  	s0 =	rddreg [dreg:$0x0];
	s2 =	stileid.u32  }
0x7b: {  	s1 =	rddreg [dreg:$0x1];
	p0 =	sne.s32 s2, $0x0  }
0x7c: {  	s3 =	rddreg [dreg:$0x2];
	[bflag:$0x3] =	sbarrier.arrive $0xFFFF;
	s2 =	simm.s32 @!p0 $0x1C02  }
0x7d: {  	[timem:s3], [sflag:s2] =	dma.local @!p0 [hbm:s0], s1  }
0x7e: {  	s0 =	simm.s32 @!p0 $0x2  }
0x7f: {  	_ =	swait.ge @!p0 [sflag:s0], s1  }
0x80: {  	s1 =	ssub.s32 @!p0 $0x0, s1;
	[sflag:s0] =	ssyncset.done @!p0 $0x0  }
0x81: {  	[sflag:s0] =	ssyncadd.s32 @!p0 s1  }
0x82: {  	[bflag:$0x3] =	sbarrier.arrive $0xFFFF  }
0x83: {  	_ =	shalt  }

</sc_bundles>
